<compile_context>
chip_gen: v7x
topology: tpu7x:2x2x1
jax: 0.10.2.dev20260603
libtpu: 0.0.44.dev20260713+nightly
codegen_flags: <defaults>
</compile_context>

<pallas_src>
import functools

import jax
import jax.numpy as jnp
from jax import lax
from jax.experimental import pallas as pl
from jax.experimental.pallas import tpu as pltpu
from jax.experimental.pallas import tpu_sc as plsc

NC = 2
NS = 16
NW = NC * NS
CH = 128
NBUF = 2
NPASS = 4
L = 16


def _sc_embedding_bag(B, G, D, center_ids, ngT, win_p, wsub_p):
    b_per_w = B // NW
    pw = b_per_w // NPASS
    n_chunks = 1 + G
    W2 = 2 * D

    mesh = plsc.VectorSubcoreMesh(core_axis_name="c", subcore_axis_name="s")

    @functools.partial(
        pl.kernel,
        mesh=mesh,
        out_type=jax.ShapeDtypeStruct((B * D,), jnp.float32),
        compiler_params=pltpu.CompilerParams(
            use_tc_tiling_on_sc=True, needs_layout_passes=False),
        scratch_types=dict(
            ctr_v=pltpu.VMEM((b_per_w,), jnp.int32),
            ngT_v=pltpu.VMEM((G, b_per_w), jnp.int32),
            pidx=pltpu.VMEM((NBUF, CH), jnp.int32),
            slot=pltpu.VMEM((NBUF, CH), jnp.int32),
            bufs=pltpu.VMEM((NBUF, CH, W2), jnp.float32),
            vbuf=pltpu.VMEM((pw, W2), jnp.float32),
            obuf=pltpu.VMEM((pw * D,), jnp.float32),
            acc2=pltpu.VMEM_SHARED((NS * pw, W2), jnp.float32),
            gsems=pltpu.SemaphoreType.DMA((NBUF,)),
        ),
    )
    def k(ctr_hbm, ngT_hbm, win, wsub, out,
          ctr_v, ngT_v, pidx, slot, bufs, vbuf, obuf, acc2, gsems):
        cid = lax.axis_index("c")
        sid = lax.axis_index("s")
        wid = sid * NC + cid
        base = wid * b_per_w
        abase = sid * pw
        io16 = lax.iota(jnp.int32, L)
        one = jnp.full(L, 1, jnp.int32)

        pltpu.sync_copy(ctr_hbm.at[pl.ds(base, b_per_w)], ctr_v)
        pltpu.sync_copy(ngT_hbm.at[:, pl.ds(base, b_per_w)], ngT_v)

        def emit(b, m, ids, wbase):
            w16 = io16 + jnp.full(L, m * L, jnp.int32) + wbase
            off = pl.multiple_of(m * L, L)
            pidx[b, pl.ds(off, L)] = ids
            slot[b, pl.ds(off, L)] = w16 + jnp.full(L, abase, jnp.int32)

        def fire(b, tab):
            return pltpu.async_copy(
                tab.at[pidx.at[b]], bufs.at[b], gsems.at[b])

        zero16 = jnp.zeros(L, jnp.int32)

        for p in range(NPASS):
            woff = p * pw

            def zv(kk, carry):
                r = lax.shift_right_logical(kk, 3)
                m = lax.bitwise_and(kk, 7)
                off = pl.multiple_of(m * L, L)
                vbuf[r, pl.ds(off, L)] = jnp.zeros(L, jnp.float32)
                return carry

            lax.fori_loop(0, pw * (W2 // L), zv, 0)
            pltpu.sync_copy(vbuf, acc2.at[pl.ds(abase, pw)])

            for m in range(CH // L):
                emit(0, m, ctr_v[pl.ds(woff + m * L, L)], zero16)
            fire(0, win)
            for m in range(CH // L):
                emit(1, m, ngT_v[0, pl.ds(woff + m * L, L)], zero16)
            fire(1, wsub)

            def step(t, carry):
                bb = lax.rem(t, NBUF)
                for b in range(NBUF):
                    @pl.when(bb == b)
                    def _():
                        pltpu.make_async_copy(
                            wsub.at[pidx.at[b]], bufs.at[b],
                            gsems.at[b]).wait()
                        pltpu.sync_copy(
                            bufs.at[b], acc2.at[slot.at[b]], add=True)

                        @pl.when(t + NBUF < n_chunks)
                        def _():
                            g = t + NBUF - 1
                            for m in range(CH // L):
                                emit(b, m,
                                     ngT_v[g, pl.ds(pl.multiple_of(
                                         woff + m * L, L), L)],
                                     zero16)
                            fire(b, wsub)
                return carry

            lax.fori_loop(0, n_chunks, step, 0)

            pltpu.sync_copy(acc2.at[pl.ds(abase, pw)], vbuf)

            def fin(w, carry):
                for m in range(D // L):
                    off = pl.multiple_of(m * L, L)
                    obuf[pl.ds(w * D + off, L)] = vbuf[w, pl.ds(off, L)]
                return carry

            lax.fori_loop(0, pw, fin, 0)
            pltpu.sync_copy(
                obuf, out.at[pl.ds((base + woff) * D, pw * D)])

    return k(center_ids, ngT, win_p, wsub_p)


def kernel(center_ids, ngram_ids, W_in, W_sub):
    B, G = ngram_ids.shape
    D = W_in.shape[1]
    ngT = jnp.swapaxes(ngram_ids.astype(jnp.int32), 0, 1)
    win_p = jnp.pad(W_in, ((0, 0), (0, D)))
    wsub_p = jnp.pad(W_sub, ((0, 0), (0, D)))
    out = _sc_embedding_bag(
        B, G, D, center_ids.astype(jnp.int32), ngT, win_p, wsub_p)
    return out.reshape(B, D)

# --- scband reference (transcript-rebuilt; emitter-appended) ---
"""Pipeline reference for scband-fast-text-trainer-7215545057602 (READ-ONLY COPY).

The authoritative reference and input builder live on the scoring server;
editing this copy changes nothing except your own understanding.
"""

import jax, jax.numpy as jnp
import numpy as np

VOCAB = 1000000
BUCKET = 2000000
D = 64
B = 16384
G = 20

def setup_inputs(seed: int = 0) -> dict:
    key = jax.random.key(seed)
    k1, k2, k3, k4 = jax.random.split(key, 4)
    bound = 0.5 / D
    center_ids = jax.random.randint(k1, (B,), 0, VOCAB, dtype=jnp.int64) if jax.config.jax_enable_x64 else jax.random.randint(k1, (B,), 0, VOCAB).astype(jnp.int32)
    ngram_ids = jax.random.randint(k2, (B, G), 0, BUCKET).astype(center_ids.dtype)
    W_in = jax.random.uniform(k3, (VOCAB, D), dtype=jnp.float32, minval=-bound, maxval=bound)
    W_sub = jax.random.uniform(k4, (BUCKET, D), dtype=jnp.float32, minval=-bound, maxval=bound)
    return {"center_ids": center_ids, "ngram_ids": ngram_ids, "W_in": W_in, "W_sub": W_sub}

def reference(center_ids, ngram_ids, W_in, W_sub):
    # wv = W_in(center_ids)
    wv = jnp.take(W_in, center_ids, axis=0)
    # sub = W_sub(flat ngram ids); per-word sum of subword vectors
    sub = jnp.take(W_sub, ngram_ids, axis=0)  # (B, G, D)
    out = sub.sum(axis=1)                     # (B, D) == segment-sum over fixed-length lists
    return wv + out

if __name__ == "__main__":
    import jax
    _d = setup_inputs()
    print(jax.jit(kernel)(*tuple(_d.values())))

</pallas_src>

<mosaic_0001>
#map = affine_map<(d0, d1) -> (0)>
#map1 = affine_map<(d0, d1) -> (0, 0)>
module attributes {stable_mosaic.version = 14 : i64} {
  func.func @k(%arg0: i32, %arg1: i32, %arg2: memref<16384xi32, #tpu.memory_space<hbm>>, %arg3: memref<20x16384xi32, #tpu.memory_space<hbm>>, %arg4: memref<1000000x128xf32, #tpu.memory_space<hbm>>, %arg5: memref<2000000x128xf32, #tpu.memory_space<hbm>>, %arg6: memref<1048576xf32, #tpu.memory_space<hbm>>, %arg7: memref<2048x128xf32, #tpu.memory_space<vmem_shared>>, %arg8: memref<2x128x128xf32, #tpu.memory_space<vmem>>, %arg9: memref<512xi32, #tpu.memory_space<vmem>>, %arg10: memref<2x!tpu.dma_semaphore, #tpu.memory_space<semaphore_mem>>, %arg11: memref<20x512xi32, #tpu.memory_space<vmem>>, %arg12: memref<8192xf32, #tpu.memory_space<vmem>>, %arg13: memref<2x128xi32, #tpu.memory_space<vmem>>, %arg14: memref<2x128xi32, #tpu.memory_space<vmem>>, %arg15: memref<128x128xf32, #tpu.memory_space<vmem>>) attributes {dimension_semantics = [#tpu.dimension_semantics<core_parallel>, #tpu.dimension_semantics<subcore_parallel>], iteration_bounds = array<i64: 2, 16>, scalar_prefetch = 0 : i64, scratch_operands = 9 : i64, tpu.core_type = #tpu.core_type<sc_vector_subcore>, window_params = [{transform_indices = #map}, {transform_indices = #map1}, {transform_indices = #map1}, {transform_indices = #map1}, {transform_indices = #map}]} {
    %mul3A = arith.constant 2 : i32
    %mul3A_0 = arith.muli %arg1, %mul3A : i32
    %add3A = arith.addi %mul3A_0, %arg0 : i32
    %mul3A_1 = arith.constant 512 : i32
    %mul3A_2 = arith.muli %add3A, %mul3A_1 : i32
    %mul3A_3 = arith.constant 128 : i32
    %mul3A_4 = arith.muli %arg1, %mul3A_3 : i32
    %iota3A = tpu.iota {dimensions = array<i32: 0>} : vector<16xi32>
    %broadcast_in_dim3A = arith.constant 1 : i32
    %broadcast_in_dim3A_5 = vector.broadcast %broadcast_in_dim3A : i32 to vector<16xi32>
    "tpu.region"() ({
      %run_scoped3A = tpu.sem_alloc : memref<!tpu.dma_semaphore, #tpu.memory_space<semaphore_mem>>
      %dma_start3A_1427 = tpu.memref_slice %arg2[%mul3A_2] : memref<16384xi32, #tpu.memory_space<hbm>> -> memref<512xi32, #tpu.memory_space<hbm>>
      %dma_start3A_1428 = tpu.memref_slice %arg2[%mul3A_2] : memref<16384xi32, #tpu.memory_space<hbm>> -> memref<512xi32, #tpu.memory_space<hbm>>
      tpu.enqueue_dma source(%dma_start3A_1428 : memref<512xi32, #tpu.memory_space<hbm>>) target(%arg9 : memref<512xi32, #tpu.memory_space<vmem>>) target_semaphore(%run_scoped3A : memref<!tpu.dma_semaphore, #tpu.memory_space<semaphore_mem>>)
      %dma_wait3A = tpu.memref_slice %arg2[%mul3A_2] : memref<16384xi32, #tpu.memory_space<hbm>> -> memref<512xi32, #tpu.memory_space<hbm>>
      %dma_wait3A_1429 = tpu.memref_slice %arg2[%mul3A_2] : memref<16384xi32, #tpu.memory_space<hbm>> -> memref<512xi32, #tpu.memory_space<hbm>>
      tpu.wait_dma2 semaphore(%run_scoped3A : memref<!tpu.dma_semaphore, #tpu.memory_space<semaphore_mem>>) src(%dma_wait3A_1429 : memref<512xi32, #tpu.memory_space<hbm>>) dst(%arg9 : memref<512xi32, #tpu.memory_space<vmem>>)
      tpu.yield
    }) : () -> ()
    "tpu.region"() ({
      %run_scoped3A = tpu.sem_alloc : memref<!tpu.dma_semaphore, #tpu.memory_space<semaphore_mem>>
      %dma_start3A_1427 = arith.constant 0 : i32
      %dma_start3A_1428 = tpu.memref_slice %arg3[%dma_start3A_1427, %mul3A_2] : memref<20x16384xi32, #tpu.memory_space<hbm>> -> memref<20x512xi32, #tpu.memory_space<hbm>>
      %dma_start3A_1429 = arith.constant 0 : i32
      %dma_start3A_1430 = tpu.memref_slice %arg3[%dma_start3A_1429, %mul3A_2] : memref<20x16384xi32, #tpu.memory_space<hbm>> -> memref<20x512xi32, #tpu.memory_space<hbm>>
      tpu.enqueue_dma source(%dma_start3A_1430 : memref<20x512xi32, #tpu.memory_space<hbm>>) target(%arg11 : memref<20x512xi32, #tpu.memory_space<vmem>>) target_semaphore(%run_scoped3A : memref<!tpu.dma_semaphore, #tpu.memory_space<semaphore_mem>>)
      %dma_wait3A = arith.constant 0 : i32
      %dma_wait3A_1431 = tpu.memref_slice %arg3[%dma_wait3A, %mul3A_2] : memref<20x16384xi32, #tpu.memory_space<hbm>> -> memref<20x512xi32, #tpu.memory_space<hbm>>
      %dma_wait3A_1432 = arith.constant 0 : i32
      %dma_wait3A_1433 = tpu.memref_slice %arg3[%dma_wait3A_1432, %mul3A_2] : memref<20x16384xi32, #tpu.memory_space<hbm>> -> memref<20x512xi32, #tpu.memory_space<hbm>>
      tpu.wait_dma2 semaphore(%run_scoped3A : memref<!tpu.dma_semaphore, #tpu.memory_space<semaphore_mem>>) src(%dma_wait3A_1433 : memref<20x512xi32, #tpu.memory_space<hbm>>) dst(%arg11 : memref<20x512xi32, #tpu.memory_space<vmem>>)
      tpu.yield
    }) : () -> ()
    %broadcast_in_dim3A_6 = arith.constant 0 : i32
    %broadcast_in_dim3A_7 = vector.broadcast %broadcast_in_dim3A_6 : i32 to vector<16xi32>
    %scan3A = arith.constant 0 : i32
    %scan3A_8 = arith.constant 0 : i32
    %scan3A_9 = arith.constant 1024 : i32
    %scan3A_10 = arith.addi %scan3A_8, %scan3A_9 : i32
    %scan3A_11 = arith.constant 1 : i32
    scf.for %scan3A_1427 = %scan3A_8 to %scan3A_10 step %scan3A_11  : i32 {
      %shift_right_logical3A = arith.constant 3 : i32
      %shift_right_logical3A_1428 = arith.shrui %scan3A_1427, %shift_right_logical3A : i32
      %and3A = arith.constant 7 : i32
      %and3A_1429 = arith.andi %scan3A_1427, %and3A : i32
      %mul3A_1430 = arith.constant 16 : i32
      %mul3A_1431 = arith.muli %and3A_1429, %mul3A_1430 : i32
      %multiple_of3A_1432 = tpu.assume_multiple %mul3A_1431, 16 : i32
      %broadcast_in_dim3A_1433 = arith.constant 0.000000e+00 : f32
      %broadcast_in_dim3A_1434 = vector.broadcast %broadcast_in_dim3A_1433 : f32 to vector<16xf32>
      %swap3A_1435 = arith.index_cast %shift_right_logical3A_1428 : i32 to index
      %swap3A_1436 = arith.index_cast %multiple_of3A_1432 : i32 to index
      %swap3A_1437 = tpu.vector_load %arg15[%swap3A_1435, %swap3A_1436] {strides = array<i32>} : memref<128x128xf32, #tpu.memory_space<vmem>>, vector<16xf32>,
      tpu.vector_store %arg15[%swap3A_1435, %swap3A_1436], %broadcast_in_dim3A_1434 {strides = array<i32>} : memref<128x128xf32, #tpu.memory_space<vmem>>, vector<16xf32>,
    }
    %scan3A_12 = arith.constant 1024 : i32
    "tpu.region"() ({
      %run_scoped3A = tpu.sem_alloc : memref<!tpu.dma_semaphore, #tpu.memory_space<semaphore_mem>>
      %dma_start3A_1427 = arith.constant 0 : i32
      %dma_start3A_1428 = tpu.memref_slice %arg7[%mul3A_4, %dma_start3A_1427] : memref<2048x128xf32, #tpu.memory_space<vmem_shared>> -> memref<128x128xf32, #tpu.memory_space<vmem_shared>>
      %dma_start3A_1429 = arith.constant 0 : i32
      %dma_start3A_1430 = tpu.memref_slice %arg7[%mul3A_4, %dma_start3A_1429] : memref<2048x128xf32, #tpu.memory_space<vmem_shared>> -> memref<128x128xf32, #tpu.memory_space<vmem_shared>>
      tpu.enqueue_dma source(%arg15 : memref<128x128xf32, #tpu.memory_space<vmem>>) target(%dma_start3A_1430 : memref<128x128xf32, #tpu.memory_space<vmem_shared>>) target_semaphore(%run_scoped3A : memref<!tpu.dma_semaphore, #tpu.memory_space<semaphore_mem>>)
      %dma_wait3A = arith.constant 0 : i32
      %dma_wait3A_1431 = tpu.memref_slice %arg7[%mul3A_4, %dma_wait3A] : memref<2048x128xf32, #tpu.memory_space<vmem_shared>> -> memref<128x128xf32, #tpu.memory_space<vmem_shared>>
      %dma_wait3A_1432 = arith.constant 0 : i32
      %dma_wait3A_1433 = tpu.memref_slice %arg7[%mul3A_4, %dma_wait3A_1432] : memref<2048x128xf32, #tpu.memory_space<vmem_shared>> -> memref<128x128xf32, #tpu.memory_space<vmem_shared>>
      tpu.wait_dma2 semaphore(%run_scoped3A : memref<!tpu.dma_semaphore, #tpu.memory_space<semaphore_mem>>) src(%arg15 : memref<128x128xf32, #tpu.memory_space<vmem>>) dst(%dma_wait3A_1433 : memref<128x128xf32, #tpu.memory_space<vmem_shared>>)
      tpu.yield
    }) : () -> ()
    %get3A = arith.constant 0 : index
    %get3A_13 = tpu.vector_load %arg9[%get3A] {strides = array<i32>} : memref<512xi32, #tpu.memory_space<vmem>>, vector<16xi32>,
    %broadcast_in_dim3A_14 = arith.constant 0 : i32
    %broadcast_in_dim3A_15 = vector.broadcast %broadcast_in_dim3A_14 : i32 to vector<16xi32>
    %add3A_16 = arith.addi %iota3A, %broadcast_in_dim3A_15 : vector<16xi32>
    %add3A_17 = arith.addi %add3A_16, %broadcast_in_dim3A_7 : vector<16xi32>
    %multiple_of3A = arith.constant 0 : i32
    %multiple_of3A_18 = tpu.assume_multiple %multiple_of3A, 16 : i32
    %swap3A = arith.constant 0 : i32
    %swap3A_19 = arith.index_cast %swap3A : i32 to index
    %swap3A_20 = arith.index_cast %multiple_of3A_18 : i32 to index
    %swap3A_21 = tpu.vector_load %arg13[%swap3A_19, %swap3A_20] {strides = array<i32>} : memref<2x128xi32, #tpu.memory_space<vmem>>, vector<16xi32>,
    tpu.vector_store %arg13[%swap3A_19, %swap3A_20], %get3A_13 {strides = array<i32>} : memref<2x128xi32, #tpu.memory_space<vmem>>, vector<16xi32>,
    %broadcast_in_dim3A_22 = vector.broadcast %mul3A_4 : i32 to vector<16xi32>
    %add3A_23 = arith.addi %add3A_17, %broadcast_in_dim3A_22 : vector<16xi32>
    %swap3A_24 = arith.constant 0 : i32
    %swap3A_25 = arith.index_cast %swap3A_24 : i32 to index
    %swap3A_26 = arith.index_cast %multiple_of3A_18 : i32 to index
    %swap3A_27 = tpu.vector_load %arg14[%swap3A_25, %swap3A_26] {strides = array<i32>} : memref<2x128xi32, #tpu.memory_space<vmem>>, vector<16xi32>,
    tpu.vector_store %arg14[%swap3A_25, %swap3A_26], %add3A_23 {strides = array<i32>} : memref<2x128xi32, #tpu.memory_space<vmem>>, vector<16xi32>,
    %get3A_28 = arith.constant 16 : index
    %get3A_29 = tpu.vector_load %arg9[%get3A_28] {strides = array<i32>} : memref<512xi32, #tpu.memory_space<vmem>>, vector<16xi32>,
    %broadcast_in_dim3A_30 = arith.constant 16 : i32
    %broadcast_in_dim3A_31 = vector.broadcast %broadcast_in_dim3A_30 : i32 to vector<16xi32>
    %add3A_32 = arith.addi %iota3A, %broadcast_in_dim3A_31 : vector<16xi32>
    %add3A_33 = arith.addi %add3A_32, %broadcast_in_dim3A_7 : vector<16xi32>
    %multiple_of3A_34 = arith.constant 16 : i32
    %multiple_of3A_35 = tpu.assume_multiple %multiple_of3A_34, 16 : i32
    %swap3A_36 = arith.constant 0 : i32
    %swap3A_37 = arith.index_cast %swap3A_36 : i32 to index
    %swap3A_38 = arith.index_cast %multiple_of3A_35 : i32 to index
    %swap3A_39 = tpu.vector_load %arg13[%swap3A_37, %swap3A_38] {strides = array<i32>} : memref<2x128xi32, #tpu.memory_space<vmem>>, vector<16xi32>,
    tpu.vector_store %arg13[%swap3A_37, %swap3A_38], %get3A_29 {strides = array<i32>} : memref<2x128xi32, #tpu.memory_space<vmem>>, vector<16xi32>,
    %broadcast_in_dim3A_40 = vector.broadcast %mul3A_4 : i32 to vector<16xi32>
    %add3A_41 = arith.addi %add3A_33, %broadcast_in_dim3A_40 : vector<16xi32>
    %swap3A_42 = arith.constant 0 : i32
    %swap3A_43 = arith.index_cast %swap3A_42 : i32 to index
    %swap3A_44 = arith.index_cast %multiple_of3A_35 : i32 to index
    %swap3A_45 = tpu.vector_load %arg14[%swap3A_43, %swap3A_44] {strides = array<i32>} : memref<2x128xi32, #tpu.memory_space<vmem>>, vector<16xi32>,
    tpu.vector_store %arg14[%swap3A_43, %swap3A_44], %add3A_41 {strides = array<i32>} : memref<2x128xi32, #tpu.memory_space<vmem>>, vector<16xi32>,
    %get3A_46 = arith.constant 32 : index
    %get3A_47 = tpu.vector_load %arg9[%get3A_46] {strides = array<i32>} : memref<512xi32, #tpu.memory_space<vmem>>, vector<16xi32>,
    %broadcast_in_dim3A_48 = arith.constant 32 : i32
    %broadcast_in_dim3A_49 = vector.broadcast %broadcast_in_dim3A_48 : i32 to vector<16xi32>
    %add3A_50 = arith.addi %iota3A, %broadcast_in_dim3A_49 : vector<16xi32>
    %add3A_51 = arith.addi %add3A_50, %broadcast_in_dim3A_7 : vector<16xi32>
    %multiple_of3A_52 = arith.constant 32 : i32
    %multiple_of3A_53 = tpu.assume_multiple %multiple_of3A_52, 16 : i32
    %swap3A_54 = arith.constant 0 : i32
    %swap3A_55 = arith.index_cast %swap3A_54 : i32 to index
    %swap3A_56 = arith.index_cast %multiple_of3A_53 : i32 to index
    %swap3A_57 = tpu.vector_load %arg13[%swap3A_55, %swap3A_56] {strides = array<i32>} : memref<2x128xi32, #tpu.memory_space<vmem>>, vector<16xi32>,
    tpu.vector_store %arg13[%swap3A_55, %swap3A_56], %get3A_47 {strides = array<i32>} : memref<2x128xi32, #tpu.memory_space<vmem>>, vector<16xi32>,
    %broadcast_in_dim3A_58 = vector.broadcast %mul3A_4 : i32 to vector<16xi32>
    %add3A_59 = arith.addi %add3A_51, %broadcast_in_dim3A_58 : vector<16xi32>
    %swap3A_60 = arith.constant 0 : i32
    %swap3A_61 = arith.index_cast %swap3A_60 : i32 to index
    %swap3A_62 = arith.index_cast %multiple_of3A_53 : i32 to index
    %swap3A_63 = tpu.vector_load %arg14[%swap3A_61, %swap3A_62] {strides = array<i32>} : memref<2x128xi32, #tpu.memory_space<vmem>>, vector<16xi32>,
    tpu.vector_store %arg14[%swap3A_61, %swap3A_62], %add3A_59 {strides = array<i32>} : memref<2x128xi32, #tpu.memory_space<vmem>>, vector<16xi32>,
    %get3A_64 = arith.constant 48 : index
    %get3A_65 = tpu.vector_load %arg9[%get3A_64] {strides = array<i32>} : memref<512xi32, #tpu.memory_space<vmem>>, vector<16xi32>,
    %broadcast_in_dim3A_66 = arith.constant 48 : i32
    %broadcast_in_dim3A_67 = vector.broadcast %broadcast_in_dim3A_66 : i32 to vector<16xi32>
    %add3A_68 = arith.addi %iota3A, %broadcast_in_dim3A_67 : vector<16xi32>
    %add3A_69 = arith.addi %add3A_68, %broadcast_in_dim3A_7 : vector<16xi32>
    %multiple_of3A_70 = arith.constant 48 : i32
    %multiple_of3A_71 = tpu.assume_multiple %multiple_of3A_70, 16 : i32
    %swap3A_72 = arith.constant 0 : i32
    %swap3A_73 = arith.index_cast %swap3A_72 : i32 to index
    %swap3A_74 = arith.index_cast %multiple_of3A_71 : i32 to index
    %swap3A_75 = tpu.vector_load %arg13[%swap3A_73, %swap3A_74] {strides = array<i32>} : memref<2x128xi32, #tpu.memory_space<vmem>>, vector<16xi32>,
    tpu.vector_store %arg13[%swap3A_73, %swap3A_74], %get3A_65 {strides = array<i32>} : memref<2x128xi32, #tpu.memory_space<vmem>>, vector<16xi32>,
    %broadcast_in_dim3A_76 = vector.broadcast %mul3A_4 : i32 to vector<16xi32>
    %add3A_77 = arith.addi %add3A_69, %broadcast_in_dim3A_76 : vector<16xi32>
    %swap3A_78 = arith.constant 0 : i32
    %swap3A_79 = arith.index_cast %swap3A_78 : i32 to index
    %swap3A_80 = arith.index_cast %multiple_of3A_71 : i32 to index
    %swap3A_81 = tpu.vector_load %arg14[%swap3A_79, %swap3A_80] {strides = array<i32>} : memref<2x128xi32, #tpu.memory_space<vmem>>, vector<16xi32>,
    tpu.vector_store %arg14[%swap3A_79, %swap3A_80], %add3A_77 {strides = array<i32>} : memref<2x128xi32, #tpu.memory_space<vmem>>, vector<16xi32>,
    %get3A_82 = arith.constant 64 : index
    %get3A_83 = tpu.vector_load %arg9[%get3A_82] {strides = array<i32>} : memref<512xi32, #tpu.memory_space<vmem>>, vector<16xi32>,
    %broadcast_in_dim3A_84 = arith.constant 64 : i32
    %broadcast_in_dim3A_85 = vector.broadcast %broadcast_in_dim3A_84 : i32 to vector<16xi32>
    %add3A_86 = arith.addi %iota3A, %broadcast_in_dim3A_85 : vector<16xi32>
    %add3A_87 = arith.addi %add3A_86, %broadcast_in_dim3A_7 : vector<16xi32>
    %multiple_of3A_88 = arith.constant 64 : i32
    %multiple_of3A_89 = tpu.assume_multiple %multiple_of3A_88, 16 : i32
    %swap3A_90 = arith.constant 0 : i32
    %swap3A_91 = arith.index_cast %swap3A_90 : i32 to index
    %swap3A_92 = arith.index_cast %multiple_of3A_89 : i32 to index
    %swap3A_93 = tpu.vector_load %arg13[%swap3A_91, %swap3A_92] {strides = array<i32>} : memref<2x128xi32, #tpu.memory_space<vmem>>, vector<16xi32>,
    tpu.vector_store %arg13[%swap3A_91, %swap3A_92], %get3A_83 {strides = array<i32>} : memref<2x128xi32, #tpu.memory_space<vmem>>, vector<16xi32>,
    %broadcast_in_dim3A_94 = vector.broadcast %mul3A_4 : i32 to vector<16xi32>
    %add3A_95 = arith.addi %add3A_87, %broadcast_in_dim3A_94 : vector<16xi32>
    %swap3A_96 = arith.constant 0 : i32
    %swap3A_97 = arith.index_cast %swap3A_96 : i32 to index
    %swap3A_98 = arith.index_cast %multiple_of3A_89 : i32 to index
    %swap3A_99 = tpu.vector_load %arg14[%swap3A_97, %swap3A_98] {strides = array<i32>} : memref<2x128xi32, #tpu.memory_space<vmem>>, vector<16xi32>,
    tpu.vector_store %arg14[%swap3A_97, %swap3A_98], %add3A_95 {strides = array<i32>} : memref<2x128xi32, #tpu.memory_space<vmem>>, vector<16xi32>,
    %get3A_100 = arith.constant 80 : index
    %get3A_101 = tpu.vector_load %arg9[%get3A_100] {strides = array<i32>} : memref<512xi32, #tpu.memory_space<vmem>>, vector<16xi32>,
    %broadcast_in_dim3A_102 = arith.constant 80 : i32
    %broadcast_in_dim3A_103 = vector.broadcast %broadcast_in_dim3A_102 : i32 to vector<16xi32>
    %add3A_104 = arith.addi %iota3A, %broadcast_in_dim3A_103 : vector<16xi32>
    %add3A_105 = arith.addi %add3A_104, %broadcast_in_dim3A_7 : vector<16xi32>
    %multiple_of3A_106 = arith.constant 80 : i32
    %multiple_of3A_107 = tpu.assume_multiple %multiple_of3A_106, 16 : i32
    %swap3A_108 = arith.constant 0 : i32
    %swap3A_109 = arith.index_cast %swap3A_108 : i32 to index
    %swap3A_110 = arith.index_cast %multiple_of3A_107 : i32 to index
    %swap3A_111 = tpu.vector_load %arg13[%swap3A_109, %swap3A_110] {strides = array<i32>} : memref<2x128xi32, #tpu.memory_space<vmem>>, vector<16xi32>,
    tpu.vector_store %arg13[%swap3A_109, %swap3A_110], %get3A_101 {strides = array<i32>} : memref<2x128xi32, #tpu.memory_space<vmem>>, vector<16xi32>,
    %broadcast_in_dim3A_112 = vector.broadcast %mul3A_4 : i32 to vector<16xi32>
    %add3A_113 = arith.addi %add3A_105, %broadcast_in_dim3A_112 : vector<16xi32>
    %swap3A_114 = arith.constant 0 : i32
    %swap3A_115 = arith.index_cast %swap3A_114 : i32 to index
    %swap3A_116 = arith.index_cast %multiple_of3A_107 : i32 to index
    %swap3A_117 = tpu.vector_load %arg14[%swap3A_115, %swap3A_116] {strides = array<i32>} : memref<2x128xi32, #tpu.memory_space<vmem>>, vector<16xi32>,
    tpu.vector_store %arg14[%swap3A_115, %swap3A_116], %add3A_113 {strides = array<i32>} : memref<2x128xi32, #tpu.memory_space<vmem>>, vector<16xi32>,
    %get3A_118 = arith.constant 96 : index
    %get3A_119 = tpu.vector_load %arg9[%get3A_118] {strides = array<i32>} : memref<512xi32, #tpu.memory_space<vmem>>, vector<16xi32>,
    %broadcast_in_dim3A_120 = arith.constant 96 : i32
    %broadcast_in_dim3A_121 = vector.broadcast %broadcast_in_dim3A_120 : i32 to vector<16xi32>
    %add3A_122 = arith.addi %iota3A, %broadcast_in_dim3A_121 : vector<16xi32>
    %add3A_123 = arith.addi %add3A_122, %broadcast_in_dim3A_7 : vector<16xi32>
    %multiple_of3A_124 = arith.constant 96 : i32
    %multiple_of3A_125 = tpu.assume_multiple %multiple_of3A_124, 16 : i32
    %swap3A_126 = arith.constant 0 : i32
    %swap3A_127 = arith.index_cast %swap3A_126 : i32 to index
    %swap3A_128 = arith.index_cast %multiple_of3A_125 : i32 to index
    %swap3A_129 = tpu.vector_load %arg13[%swap3A_127, %swap3A_128] {strides = array<i32>} : memref<2x128xi32, #tpu.memory_space<vmem>>, vector<16xi32>,
    tpu.vector_store %arg13[%swap3A_127, %swap3A_128], %get3A_119 {strides = array<i32>} : memref<2x128xi32, #tpu.memory_space<vmem>>, vector<16xi32>,
    %broadcast_in_dim3A_130 = vector.broadcast %mul3A_4 : i32 to vector<16xi32>
    %add3A_131 = arith.addi %add3A_123, %broadcast_in_dim3A_130 : vector<16xi32>
    %swap3A_132 = arith.constant 0 : i32
    %swap3A_133 = arith.index_cast %swap3A_132 : i32 to index
    %swap3A_134 = arith.index_cast %multiple_of3A_125 : i32 to index
    %swap3A_135 = tpu.vector_load %arg14[%swap3A_133, %swap3A_134] {strides = array<i32>} : memref<2x128xi32, #tpu.memory_space<vmem>>, vector<16xi32>,
    tpu.vector_store %arg14[%swap3A_133, %swap3A_134], %add3A_131 {strides = array<i32>} : memref<2x128xi32, #tpu.memory_space<vmem>>, vector<16xi32>,
    %get3A_136 = arith.constant 112 : index
    %get3A_137 = tpu.vector_load %arg9[%get3A_136] {strides = array<i32>} : memref<512xi32, #tpu.memory_space<vmem>>, vector<16xi32>,
    %broadcast_in_dim3A_138 = arith.constant 112 : i32
    %broadcast_in_dim3A_139 = vector.broadcast %broadcast_in_dim3A_138 : i32 to vector<16xi32>
    %add3A_140 = arith.addi %iota3A, %broadcast_in_dim3A_139 : vector<16xi32>
    %add3A_141 = arith.addi %add3A_140, %broadcast_in_dim3A_7 : vector<16xi32>
    %multiple_of3A_142 = arith.constant 112 : i32
    %multiple_of3A_143 = tpu.assume_multiple %multiple_of3A_142, 16 : i32
    %swap3A_144 = arith.constant 0 : i32
    %swap3A_145 = arith.index_cast %swap3A_144 : i32 to index
    %swap3A_146 = arith.index_cast %multiple_of3A_143 : i32 to index
    %swap3A_147 = tpu.vector_load %arg13[%swap3A_145, %swap3A_146] {strides = array<i32>} : memref<2x128xi32, #tpu.memory_space<vmem>>, vector<16xi32>,
    tpu.vector_store %arg13[%swap3A_145, %swap3A_146], %get3A_137 {strides = array<i32>} : memref<2x128xi32, #tpu.memory_space<vmem>>, vector<16xi32>,
    %broadcast_in_dim3A_148 = vector.broadcast %mul3A_4 : i32 to vector<16xi32>
    %add3A_149 = arith.addi %add3A_141, %broadcast_in_dim3A_148 : vector<16xi32>
    %swap3A_150 = arith.constant 0 : i32
    %swap3A_151 = arith.index_cast %swap3A_150 : i32 to index
    %swap3A_152 = arith.index_cast %multiple_of3A_143 : i32 to index
    %swap3A_153 = tpu.vector_load %arg14[%swap3A_151, %swap3A_152] {strides = array<i32>} : memref<2x128xi32, #tpu.memory_space<vmem>>, vector<16xi32>,
    tpu.vector_store %arg14[%swap3A_151, %swap3A_152], %add3A_149 {strides = array<i32>} : memref<2x128xi32, #tpu.memory_space<vmem>>, vector<16xi32>,
    %dma_start3A = arith.constant 0 : i32
    %dma_start3A_154 = arith.constant 0 : i32
    %dma_start3A_155 = arith.constant 0 : i32
    %dma_start3A_156 = arith.constant 0 : i32
    %dma_start3A_157 = arith.constant 0 : i32
    %dma_start3A_158 = tpu.memref_slice %arg8[%dma_start3A_154, %dma_start3A_156, %dma_start3A_157] : memref<2x128x128xf32, #tpu.memory_space<vmem>> -> memref<1x128x128xf32, #tpu.memory_space<vmem>>
    %dma_start3A_159 = tpu.memref_squeeze %dma_start3A_158 : memref<1x128x128xf32, #tpu.memory_space<vmem>> -> memref<128x128xf32, #tpu.memory_space<vmem>>
    %dma_start3A_160 = arith.constant 0 : i32
    %dma_start3A_161 = tpu.memref_slice %arg13[%dma_start3A, %dma_start3A_160] : memref<2x128xi32, #tpu.memory_space<vmem>> -> memref<1x128xi32, #tpu.memory_space<vmem>>
    %dma_start3A_162 = tpu.memref_squeeze %dma_start3A_161 : memref<1x128xi32, #tpu.memory_space<vmem>> -> memref<128xi32, #tpu.memory_space<vmem>>
    %dma_start3A_163 = arith.constant 0 : i32
    %dma_start3A_164 = arith.constant 0 : i32
    %dma_start3A_165 = tpu.memref_slice %arg4[%dma_start3A_163, %dma_start3A_164] : memref<1000000x128xf32, #tpu.memory_space<hbm>> -> memref<1000000x128xf32, #tpu.memory_space<hbm>>
    %dma_start3A_166 = tpu.memref_slice %arg10[%dma_start3A_155] : memref<2x!tpu.dma_semaphore, #tpu.memory_space<semaphore_mem>> -> memref<1x!tpu.dma_semaphore, #tpu.memory_space<semaphore_mem>>
    %dma_start3A_167 = tpu.memref_squeeze %dma_start3A_166 : memref<1x!tpu.dma_semaphore, #tpu.memory_space<semaphore_mem>> -> memref<!tpu.dma_semaphore, #tpu.memory_space<semaphore_mem>>
    tpu.enqueue_indirect_dma source(%dma_start3A_165 : memref<1000000x128xf32, #tpu.memory_space<hbm>>) target(%dma_start3A_159 : memref<128x128xf32, #tpu.memory_space<vmem>>) offsets(%dma_start3A_162 : memref<128xi32, #tpu.memory_space<vmem>>) semaphore(%dma_start3A_167 : memref<!tpu.dma_semaphore, #tpu.memory_space<semaphore_mem>>)
    %get3A_168 = arith.constant 0 : i32
    %get3A_169 = arith.index_cast %get3A_168 : i32 to index
    %get3A_170 = arith.constant 0 : index
    %get3A_171 = tpu.vector_load %arg11[%get3A_169, %get3A_170] {strides = array<i32>} : memref<20x512xi32, #tpu.memory_space<vmem>>, vector<16xi32>,
    %broadcast_in_dim3A_172 = arith.constant 0 : i32
    %broadcast_in_dim3A_173 = vector.broadcast %broadcast_in_dim3A_172 : i32 to vector<16xi32>
    %add3A_174 = arith.addi %iota3A, %broadcast_in_dim3A_173 : vector<16xi32>
    %add3A_175 = arith.addi %add3A_174, %broadcast_in_dim3A_7 : vector<16xi32>
    %multiple_of3A_176 = arith.constant 0 : i32
    %multiple_of3A_177 = tpu.assume_multiple %multiple_of3A_176, 16 : i32
    %swap3A_178 = arith.constant 1 : i32
    %swap3A_179 = arith.index_cast %swap3A_178 : i32 to index
    %swap3A_180 = arith.index_cast %multiple_of3A_177 : i32 to index
    %swap3A_181 = tpu.vector_load %arg13[%swap3A_179, %swap3A_180] {strides = array<i32>} : memref<2x128xi32, #tpu.memory_space<vmem>>, vector<16xi32>,
    tpu.vector_store %arg13[%swap3A_179, %swap3A_180], %get3A_171 {strides = array<i32>} : memref<2x128xi32, #tpu.memory_space<vmem>>, vector<16xi32>,
    %broadcast_in_dim3A_182 = vector.broadcast %mul3A_4 : i32 to vector<16xi32>
    %add3A_183 = arith.addi %add3A_175, %broadcast_in_dim3A_182 : vector<16xi32>
    %swap3A_184 = arith.constant 1 : i32
    %swap3A_185 = arith.index_cast %swap3A_184 : i32 to index
    %swap3A_186 = arith.index_cast %multiple_of3A_177 : i32 to index
    %swap3A_187 = tpu.vector_load %arg14[%swap3A_185, %swap3A_186] {strides = array<i32>} : memref<2x128xi32, #tpu.memory_space<vmem>>, vector<16xi32>,
    tpu.vector_store %arg14[%swap3A_185, %swap3A_186], %add3A_183 {strides = array<i32>} : memref<2x128xi32, #tpu.memory_space<vmem>>, vector<16xi32>,
    %get3A_188 = arith.constant 0 : i32
    %get3A_189 = arith.index_cast %get3A_188 : i32 to index
    %get3A_190 = arith.constant 16 : index
    %get3A_191 = tpu.vector_load %arg11[%get3A_189, %get3A_190] {strides = array<i32>} : memref<20x512xi32, #tpu.memory_space<vmem>>, vector<16xi32>,
    %broadcast_in_dim3A_192 = arith.constant 16 : i32
    %broadcast_in_dim3A_193 = vector.broadcast %broadcast_in_dim3A_192 : i32 to vector<16xi32>
    %add3A_194 = arith.addi %iota3A, %broadcast_in_dim3A_193 : vector<16xi32>
    %add3A_195 = arith.addi %add3A_194, %broadcast_in_dim3A_7 : vector<16xi32>
    %multiple_of3A_196 = arith.constant 16 : i32
    %multiple_of3A_197 = tpu.assume_multiple %multiple_of3A_196, 16 : i32
    %swap3A_198 = arith.constant 1 : i32
    %swap3A_199 = arith.index_cast %swap3A_198 : i32 to index
    %swap3A_200 = arith.index_cast %multiple_of3A_197 : i32 to index
    %swap3A_201 = tpu.vector_load %arg13[%swap3A_199, %swap3A_200] {strides = array<i32>} : memref<2x128xi32, #tpu.memory_space<vmem>>, vector<16xi32>,
    tpu.vector_store %arg13[%swap3A_199, %swap3A_200], %get3A_191 {strides = array<i32>} : memref<2x128xi32, #tpu.memory_space<vmem>>, vector<16xi32>,
    %broadcast_in_dim3A_202 = vector.broadcast %mul3A_4 : i32 to vector<16xi32>
    %add3A_203 = arith.addi %add3A_195, %broadcast_in_dim3A_202 : vector<16xi32>
    %swap3A_204 = arith.constant 1 : i32
    %swap3A_205 = arith.index_cast %swap3A_204 : i32 to index
    %swap3A_206 = arith.index_cast %multiple_of3A_197 : i32 to index
    %swap3A_207 = tpu.vector_load %arg14[%swap3A_205, %swap3A_206] {strides = array<i32>} : memref<2x128xi32, #tpu.memory_space<vmem>>, vector<16xi32>,
    tpu.vector_store %arg14[%swap3A_205, %swap3A_206], %add3A_203 {strides = array<i32>} : memref<2x128xi32, #tpu.memory_space<vmem>>, vector<16xi32>,
    %get3A_208 = arith.constant 0 : i32
    %get3A_209 = arith.index_cast %get3A_208 : i32 to index
    %get3A_210 = arith.constant 32 : index
    %get3A_211 = tpu.vector_load %arg11[%get3A_209, %get3A_210] {strides = array<i32>} : memref<20x512xi32, #tpu.memory_space<vmem>>, vector<16xi32>,
    %broadcast_in_dim3A_212 = arith.constant 32 : i32
    %broadcast_in_dim3A_213 = vector.broadcast %broadcast_in_dim3A_212 : i32 to vector<16xi32>
    %add3A_214 = arith.addi %iota3A, %broadcast_in_dim3A_213 : vector<16xi32>
    %add3A_215 = arith.addi %add3A_214, %broadcast_in_dim3A_7 : vector<16xi32>
    %multiple_of3A_216 = arith.constant 32 : i32
    %multiple_of3A_217 = tpu.assume_multiple %multiple_of3A_216, 16 : i32
    %swap3A_218 = arith.constant 1 : i32
    %swap3A_219 = arith.index_cast %swap3A_218 : i32 to index
    %swap3A_220 = arith.index_cast %multiple_of3A_217 : i32 to index
    %swap3A_221 = tpu.vector_load %arg13[%swap3A_219, %swap3A_220] {strides = array<i32>} : memref<2x128xi32, #tpu.memory_space<vmem>>, vector<16xi32>,
    tpu.vector_store %arg13[%swap3A_219, %swap3A_220], %get3A_211 {strides = array<i32>} : memref<2x128xi32, #tpu.memory_space<vmem>>, vector<16xi32>,
    %broadcast_in_dim3A_222 = vector.broadcast %mul3A_4 : i32 to vector<16xi32>
    %add3A_223 = arith.addi %add3A_215, %broadcast_in_dim3A_222 : vector<16xi32>
    %swap3A_224 = arith.constant 1 : i32
    %swap3A_225 = arith.index_cast %swap3A_224 : i32 to index
    %swap3A_226 = arith.index_cast %multiple_of3A_217 : i32 to index
    %swap3A_227 = tpu.vector_load %arg14[%swap3A_225, %swap3A_226] {strides = array<i32>} : memref<2x128xi32, #tpu.memory_space<vmem>>, vector<16xi32>,
    tpu.vector_store %arg14[%swap3A_225, %swap3A_226], %add3A_223 {strides = array<i32>} : memref<2x128xi32, #tpu.memory_space<vmem>>, vector<16xi32>,
    %get3A_228 = arith.constant 0 : i32
    %get3A_229 = arith.index_cast %get3A_228 : i32 to index
    %get3A_230 = arith.constant 48 : index
    %get3A_231 = tpu.vector_load %arg11[%get3A_229, %get3A_230] {strides = array<i32>} : memref<20x512xi32, #tpu.memory_space<vmem>>, vector<16xi32>,
    %broadcast_in_dim3A_232 = arith.constant 48 : i32
    %broadcast_in_dim3A_233 = vector.broadcast %broadcast_in_dim3A_232 : i32 to vector<16xi32>
    %add3A_234 = arith.addi %iota3A, %broadcast_in_dim3A_233 : vector<16xi32>
    %add3A_235 = arith.addi %add3A_234, %broadcast_in_dim3A_7 : vector<16xi32>
    %multiple_of3A_236 = arith.constant 48 : i32
    %multiple_of3A_237 = tpu.assume_multiple %multiple_of3A_236, 16 : i32
    %swap3A_238 = arith.constant 1 : i32
    %swap3A_239 = arith.index_cast %swap3A_238 : i32 to index
    %swap3A_240 = arith.index_cast %multiple_of3A_237 : i32 to index
    %swap3A_241 = tpu.vector_load %arg13[%swap3A_239, %swap3A_240] {strides = array<i32>} : memref<2x128xi32, #tpu.memory_space<vmem>>, vector<16xi32>,
    tpu.vector_store %arg13[%swap3A_239, %swap3A_240], %get3A_231 {strides = array<i32>} : memref<2x128xi32, #tpu.memory_space<vmem>>, vector<16xi32>,
    %broadcast_in_dim3A_242 = vector.broadcast %mul3A_4 : i32 to vector<16xi32>
    %add3A_243 = arith.addi %add3A_235, %broadcast_in_dim3A_242 : vector<16xi32>
    %swap3A_244 = arith.constant 1 : i32
    %swap3A_245 = arith.index_cast %swap3A_244 : i32 to index
    %swap3A_246 = arith.index_cast %multiple_of3A_237 : i32 to index
    %swap3A_247 = tpu.vector_load %arg14[%swap3A_245, %swap3A_246] {strides = array<i32>} : memref<2x128xi32, #tpu.memory_space<vmem>>, vector<16xi32>,
    tpu.vector_store %arg14[%swap3A_245, %swap3A_246], %add3A_243 {strides = array<i32>} : memref<2x128xi32, #tpu.memory_space<vmem>>, vector<16xi32>,
    %get3A_248 = arith.constant 0 : i32
    %get3A_249 = arith.index_cast %get3A_248 : i32 to index
    %get3A_250 = arith.constant 64 : index
    %get3A_251 = tpu.vector_load %arg11[%get3A_249, %get3A_250] {strides = array<i32>} : memref<20x512xi32, #tpu.memory_space<vmem>>, vector<16xi32>,
    %broadcast_in_dim3A_252 = arith.constant 64 : i32
    %broadcast_in_dim3A_253 = vector.broadcast %broadcast_in_dim3A_252 : i32 to vector<16xi32>
    %add3A_254 = arith.addi %iota3A, %broadcast_in_dim3A_253 : vector<16xi32>
    %add3A_255 = arith.addi %add3A_254, %broadcast_in_dim3A_7 : vector<16xi32>
    %multiple_of3A_256 = arith.constant 64 : i32
    %multiple_of3A_257 = tpu.assume_multiple %multiple_of3A_256, 16 : i32
    %swap3A_258 = arith.constant 1 : i32
    %swap3A_259 = arith.index_cast %swap3A_258 : i32 to index
    %swap3A_260 = arith.index_cast %multiple_of3A_257 : i32 to index
    %swap3A_261 = tpu.vector_load %arg13[%swap3A_259, %swap3A_260] {strides = array<i32>} : memref<2x128xi32, #tpu.memory_space<vmem>>, vector<16xi32>,
    tpu.vector_store %arg13[%swap3A_259, %swap3A_260], %get3A_251 {strides = array<i32>} : memref<2x128xi32, #tpu.memory_space<vmem>>, vector<16xi32>,
    %broadcast_in_dim3A_262 = vector.broadcast %mul3A_4 : i32 to vector<16xi32>
    %add3A_263 = arith.addi %add3A_255, %broadcast_in_dim3A_262 : vector<16xi32>
    %swap3A_264 = arith.constant 1 : i32
    %swap3A_265 = arith.index_cast %swap3A_264 : i32 to index
    %swap3A_266 = arith.index_cast %multiple_of3A_257 : i32 to index
    %swap3A_267 = tpu.vector_load %arg14[%swap3A_265, %swap3A_266] {strides = array<i32>} : memref<2x128xi32, #tpu.memory_space<vmem>>, vector<16xi32>,
    tpu.vector_store %arg14[%swap3A_265, %swap3A_266], %add3A_263 {strides = array<i32>} : memref<2x128xi32, #tpu.memory_space<vmem>>, vector<16xi32>,
    %get3A_268 = arith.constant 0 : i32
    %get3A_269 = arith.index_cast %get3A_268 : i32 to index
    %get3A_270 = arith.constant 80 : index
    %get3A_271 = tpu.vector_load %arg11[%get3A_269, %get3A_270] {strides = array<i32>} : memref<20x512xi32, #tpu.memory_space<vmem>>, vector<16xi32>,
    %broadcast_in_dim3A_272 = arith.constant 80 : i32
    %broadcast_in_dim3A_273 = vector.broadcast %broadcast_in_dim3A_272 : i32 to vector<16xi32>
    %add3A_274 = arith.addi %iota3A, %broadcast_in_dim3A_273 : vector<16xi32>
    %add3A_275 = arith.addi %add3A_274, %broadcast_in_dim3A_7 : vector<16xi32>
    %multiple_of3A_276 = arith.constant 80 : i32
    %multiple_of3A_277 = tpu.assume_multiple %multiple_of3A_276, 16 : i32
    %swap3A_278 = arith.constant 1 : i32
    %swap3A_279 = arith.index_cast %swap3A_278 : i32 to index
    %swap3A_280 = arith.index_cast %multiple_of3A_277 : i32 to index
    %swap3A_281 = tpu.vector_load %arg13[%swap3A_279, %swap3A_280] {strides = array<i32>} : memref<2x128xi32, #tpu.memory_space<vmem>>, vector<16xi32>,
    tpu.vector_store %arg13[%swap3A_279, %swap3A_280], %get3A_271 {strides = array<i32>} : memref<2x128xi32, #tpu.memory_space<vmem>>, vector<16xi32>,
    %broadcast_in_dim3A_282 = vector.broadcast %mul3A_4 : i32 to vector<16xi32>
    %add3A_283 = arith.addi %add3A_275, %broadcast_in_dim3A_282 : vector<16xi32>
    %swap3A_284 = arith.constant 1 : i32
    %swap3A_285 = arith.index_cast %swap3A_284 : i32 to index
    %swap3A_286 = arith.index_cast %multiple_of3A_277 : i32 to index
    %swap3A_287 = tpu.vector_load %arg14[%swap3A_285, %swap3A_286] {strides = array<i32>} : memref<2x128xi32, #tpu.memory_space<vmem>>, vector<16xi32>,
    tpu.vector_store %arg14[%swap3A_285, %swap3A_286], %add3A_283 {strides = array<i32>} : memref<2x128xi32, #tpu.memory_space<vmem>>, vector<16xi32>,
    %get3A_288 = arith.constant 0 : i32
    %get3A_289 = arith.index_cast %get3A_288 : i32 to index
    %get3A_290 = arith.constant 96 : index
    %get3A_291 = tpu.vector_load %arg11[%get3A_289, %get3A_290] {strides = array<i32>} : memref<20x512xi32, #tpu.memory_space<vmem>>, vector<16xi32>,
    %broadcast_in_dim3A_292 = arith.constant 96 : i32
    %broadcast_in_dim3A_293 = vector.broadcast %broadcast_in_dim3A_292 : i32 to vector<16xi32>
    %add3A_294 = arith.addi %iota3A, %broadcast_in_dim3A_293 : vector<16xi32>
    %add3A_295 = arith.addi %add3A_294, %broadcast_in_dim3A_7 : vector<16xi32>
    %multiple_of3A_296 = arith.constant 96 : i32
    %multiple_of3A_297 = tpu.assume_multiple %multiple_of3A_296, 16 : i32
    %swap3A_298 = arith.constant 1 : i32
    %swap3A_299 = arith.index_cast %swap3A_298 : i32 to index
    %swap3A_300 = arith.index_cast %multiple_of3A_297 : i32 to index
    %swap3A_301 = tpu.vector_load %arg13[%swap3A_299, %swap3A_300] {strides = array<i32>} : memref<2x128xi32, #tpu.memory_space<vmem>>, vector<16xi32>,
    tpu.vector_store %arg13[%swap3A_299, %swap3A_300], %get3A_291 {strides = array<i32>} : memref<2x128xi32, #tpu.memory_space<vmem>>, vector<16xi32>,
    %broadcast_in_dim3A_302 = vector.broadcast %mul3A_4 : i32 to vector<16xi32>
    %add3A_303 = arith.addi %add3A_295, %broadcast_in_dim3A_302 : vector<16xi32>
    %swap3A_304 = arith.constant 1 : i32
    %swap3A_305 = arith.index_cast %swap3A_304 : i32 to index
    %swap3A_306 = arith.index_cast %multiple_of3A_297 : i32 to index
    %swap3A_307 = tpu.vector_load %arg14[%swap3A_305, %swap3A_306] {strides = array<i32>} : memref<2x128xi32, #tpu.memory_space<vmem>>, vector<16xi32>,
    tpu.vector_store %arg14[%swap3A_305, %swap3A_306], %add3A_303 {strides = array<i32>} : memref<2x128xi32, #tpu.memory_space<vmem>>, vector<16xi32>,
    %get3A_308 = arith.constant 0 : i32
    %get3A_309 = arith.index_cast %get3A_308 : i32 to index
    %get3A_310 = arith.constant 112 : index
    %get3A_311 = tpu.vector_load %arg11[%get3A_309, %get3A_310] {strides = array<i32>} : memref<20x512xi32, #tpu.memory_space<vmem>>, vector<16xi32>,
    %broadcast_in_dim3A_312 = arith.constant 112 : i32
    %broadcast_in_dim3A_313 = vector.broadcast %broadcast_in_dim3A_312 : i32 to vector<16xi32>
    %add3A_314 = arith.addi %iota3A, %broadcast_in_dim3A_313 : vector<16xi32>
    %add3A_315 = arith.addi %add3A_314, %broadcast_in_dim3A_7 : vector<16xi32>
    %multiple_of3A_316 = arith.constant 112 : i32
    %multiple_of3A_317 = tpu.assume_multiple %multiple_of3A_316, 16 : i32
    %swap3A_318 = arith.constant 1 : i32
    %swap3A_319 = arith.index_cast %swap3A_318 : i32 to index
    %swap3A_320 = arith.index_cast %multiple_of3A_317 : i32 to index
    %swap3A_321 = tpu.vector_load %arg13[%swap3A_319, %swap3A_320] {strides = array<i32>} : memref<2x128xi32, #tpu.memory_space<vmem>>, vector<16xi32>,
    tpu.vector_store %arg13[%swap3A_319, %swap3A_320], %get3A_311 {strides = array<i32>} : memref<2x128xi32, #tpu.memory_space<vmem>>, vector<16xi32>,
    %broadcast_in_dim3A_322 = vector.broadcast %mul3A_4 : i32 to vector<16xi32>
    %add3A_323 = arith.addi %add3A_315, %broadcast_in_dim3A_322 : vector<16xi32>
    %swap3A_324 = arith.constant 1 : i32
    %swap3A_325 = arith.index_cast %swap3A_324 : i32 to index
    %swap3A_326 = arith.index_cast %multiple_of3A_317 : i32 to index
    %swap3A_327 = tpu.vector_load %arg14[%swap3A_325, %swap3A_326] {strides = array<i32>} : memref<2x128xi32, #tpu.memory_space<vmem>>, vector<16xi32>,
    tpu.vector_store %arg14[%swap3A_325, %swap3A_326], %add3A_323 {strides = array<i32>} : memref<2x128xi32, #tpu.memory_space<vmem>>, vector<16xi32>,
    %dma_start3A_328 = arith.constant 1 : i32
    %dma_start3A_329 = arith.constant 1 : i32
    %dma_start3A_330 = arith.constant 1 : i32
    %dma_start3A_331 = arith.constant 0 : i32
    %dma_start3A_332 = arith.constant 0 : i32
    %dma_start3A_333 = tpu.memref_slice %arg8[%dma_start3A_329, %dma_start3A_331, %dma_start3A_332] : memref<2x128x128xf32, #tpu.memory_space<vmem>> -> memref<1x128x128xf32, #tpu.memory_space<vmem>>
    %dma_start3A_334 = tpu.memref_squeeze %dma_start3A_333 : memref<1x128x128xf32, #tpu.memory_space<vmem>> -> memref<128x128xf32, #tpu.memory_space<vmem>>
    %dma_start3A_335 = arith.constant 0 : i32
    %dma_start3A_336 = tpu.memref_slice %arg13[%dma_start3A_328, %dma_start3A_335] : memref<2x128xi32, #tpu.memory_space<vmem>> -> memref<1x128xi32, #tpu.memory_space<vmem>>
    %dma_start3A_337 = tpu.memref_squeeze %dma_start3A_336 : memref<1x128xi32, #tpu.memory_space<vmem>> -> memref<128xi32, #tpu.memory_space<vmem>>
    %dma_start3A_338 = arith.constant 0 : i32
    %dma_start3A_339 = arith.constant 0 : i32
    %dma_start3A_340 = tpu.memref_slice %arg5[%dma_start3A_338, %dma_start3A_339] : memref<2000000x128xf32, #tpu.memory_space<hbm>> -> memref<2000000x128xf32, #tpu.memory_space<hbm>>
    %dma_start3A_341 = tpu.memref_slice %arg10[%dma_start3A_330] : memref<2x!tpu.dma_semaphore, #tpu.memory_space<semaphore_mem>> -> memref<1x!tpu.dma_semaphore, #tpu.memory_space<semaphore_mem>>
    %dma_start3A_342 = tpu.memref_squeeze %dma_start3A_341 : memref<1x!tpu.dma_semaphore, #tpu.memory_space<semaphore_mem>> -> memref<!tpu.dma_semaphore, #tpu.memory_space<semaphore_mem>>
    tpu.enqueue_indirect_dma source(%dma_start3A_340 : memref<2000000x128xf32, #tpu.memory_space<hbm>>) target(%dma_start3A_334 : memref<128x128xf32, #tpu.memory_space<vmem>>) offsets(%dma_start3A_337 : memref<128xi32, #tpu.memory_space<vmem>>) semaphore(%dma_start3A_342 : memref<!tpu.dma_semaphore, #tpu.memory_space<semaphore_mem>>)
    %scan3A_343 = arith.constant 0 : i32
    %scan3A_344 = arith.constant 0 : i32
    %scan3A_345 = arith.constant 21 : i32
    %scan3A_346 = arith.addi %scan3A_344, %scan3A_345 : i32
    %scan3A_347 = arith.constant 1 : i32
    scf.for %scan3A_1427 = %scan3A_344 to %scan3A_346 step %scan3A_347  : i32 {
      %rem3A = arith.constant 2 : i32
      %rem3A_1428 = arith.remsi %scan3A_1427, %rem3A : i32
      %eq3A = arith.constant 0 : i32
      %eq3A_1429 = arith.cmpi eq, %rem3A_1428, %eq3A : i32
      %convert_element_type3A = arith.extui %eq3A_1429 : i1 to i32
      %cond3A = arith.constant 0 : i32
      %cond3A_1430 = arith.cmpi ne, %convert_element_type3A, %cond3A : i32
      scf.if %cond3A_1430 {
        %dma_wait3A = arith.constant 0 : i32
        %dma_wait3A_1436 = arith.constant 0 : i32
        %dma_wait3A_1437 = arith.constant 0 : i32
        %dma_wait3A_1438 = arith.constant 0 : i32
        %dma_wait3A_1439 = arith.constant 0 : i32
        %dma_wait3A_1440 = tpu.memref_slice %arg8[%dma_wait3A_1436, %dma_wait3A_1438, %dma_wait3A_1439] : memref<2x128x128xf32, #tpu.memory_space<vmem>> -> memref<1x128x128xf32, #tpu.memory_space<vmem>>
        %dma_wait3A_1441 = tpu.memref_squeeze %dma_wait3A_1440 : memref<1x128x128xf32, #tpu.memory_space<vmem>> -> memref<128x128xf32, #tpu.memory_space<vmem>>
        %dma_wait3A_1442 = arith.constant 0 : i32
        %dma_wait3A_1443 = tpu.memref_slice %arg13[%dma_wait3A, %dma_wait3A_1442] : memref<2x128xi32, #tpu.memory_space<vmem>> -> memref<1x128xi32, #tpu.memory_space<vmem>>
        %dma_wait3A_1444 = tpu.memref_squeeze %dma_wait3A_1443 : memref<1x128xi32, #tpu.memory_space<vmem>> -> memref<128xi32, #tpu.memory_space<vmem>>
        %dma_wait3A_1445 = arith.constant 0 : i32
        %dma_wait3A_1446 = arith.constant 0 : i32
        %dma_wait3A_1447 = tpu.memref_slice %arg5[%dma_wait3A_1445, %dma_wait3A_1446] : memref<2000000x128xf32, #tpu.memory_space<hbm>> -> memref<2000000x128xf32, #tpu.memory_space<hbm>>
        %dma_wait3A_1448 = tpu.memref_slice %arg10[%dma_wait3A_1437] : memref<2x!tpu.dma_semaphore, #tpu.memory_space<semaphore_mem>> -> memref<1x!tpu.dma_semaphore, #tpu.memory_space<semaphore_mem>>
        %dma_wait3A_1449 = tpu.memref_squeeze %dma_wait3A_1448 : memref<1x!tpu.dma_semaphore, #tpu.memory_space<semaphore_mem>> -> memref<!tpu.dma_semaphore, #tpu.memory_space<semaphore_mem>>
        tpu.wait_indirect_dma semaphore(%dma_wait3A_1449 : memref<!tpu.dma_semaphore, #tpu.memory_space<semaphore_mem>>) src(%dma_wait3A_1447 : memref<2000000x128xf32, #tpu.memory_space<hbm>>) dst(%dma_wait3A_1441 : memref<128x128xf32, #tpu.memory_space<vmem>>)
        %run_scoped3A = arith.constant 0 : i32
        %run_scoped3A_1450 = arith.constant 0 : i32
        "tpu.region"() ({
          %run_scoped3A_1457 = tpu.sem_alloc : memref<!tpu.dma_semaphore, #tpu.memory_space<semaphore_mem>>
          %dma_start3A_1458 = arith.constant 0 : i32
          %dma_start3A_1459 = arith.constant 0 : i32
          %dma_start3A_1460 = tpu.memref_slice %arg8[%run_scoped3A, %dma_start3A_1458, %dma_start3A_1459] : memref<2x128x128xf32, #tpu.memory_space<vmem>> -> memref<1x128x128xf32, #tpu.memory_space<vmem>>
          %dma_start3A_1461 = tpu.memref_squeeze %dma_start3A_1460 : memref<1x128x128xf32, #tpu.memory_space<vmem>> -> memref<128x128xf32, #tpu.memory_space<vmem>>
          %dma_start3A_1462 = arith.constant 0 : i32
          %dma_start3A_1463 = tpu.memref_slice %arg14[%run_scoped3A_1450, %dma_start3A_1462] : memref<2x128xi32, #tpu.memory_space<vmem>> -> memref<1x128xi32, #tpu.memory_space<vmem>>
          %dma_start3A_1464 = tpu.memref_squeeze %dma_start3A_1463 : memref<1x128xi32, #tpu.memory_space<vmem>> -> memref<128xi32, #tpu.memory_space<vmem>>
          %dma_start3A_1465 = arith.constant 0 : i32
          %dma_start3A_1466 = arith.constant 0 : i32
          %dma_start3A_1467 = tpu.memref_slice %arg7[%dma_start3A_1465, %dma_start3A_1466] : memref<2048x128xf32, #tpu.memory_space<vmem_shared>> -> memref<2048x128xf32, #tpu.memory_space<vmem_shared>>
          tpu.enqueue_indirect_dma source(%dma_start3A_1461 : memref<128x128xf32, #tpu.memory_space<vmem>>) target(%dma_start3A_1467 : memref<2048x128xf32, #tpu.memory_space<vmem_shared>>) offsets(%dma_start3A_1464 : memref<128xi32, #tpu.memory_space<vmem>>) semaphore(%run_scoped3A_1457 : memref<!tpu.dma_semaphore, #tpu.memory_space<semaphore_mem>>) {add = true}
          %dma_wait3A_1468 = arith.constant 0 : i32
          %dma_wait3A_1469 = arith.constant 0 : i32
          %dma_wait3A_1470 = tpu.memref_slice %arg8[%run_scoped3A, %dma_wait3A_1468, %dma_wait3A_1469] : memref<2x128x128xf32, #tpu.memory_space<vmem>> -> memref<1x128x128xf32, #tpu.memory_space<vmem>>
          %dma_wait3A_1471 = tpu.memref_squeeze %dma_wait3A_1470 : memref<1x128x128xf32, #tpu.memory_space<vmem>> -> memref<128x128xf32, #tpu.memory_space<vmem>>
          %dma_wait3A_1472 = arith.constant 0 : i32
          %dma_wait3A_1473 = tpu.memref_slice %arg14[%run_scoped3A_1450, %dma_wait3A_1472] : memref<2x128xi32, #tpu.memory_space<vmem>> -> memref<1x128xi32, #tpu.memory_space<vmem>>
          %dma_wait3A_1474 = tpu.memref_squeeze %dma_wait3A_1473 : memref<1x128xi32, #tpu.memory_space<vmem>> -> memref<128xi32, #tpu.memory_space<vmem>>
          %dma_wait3A_1475 = arith.constant 0 : i32
          %dma_wait3A_1476 = arith.constant 0 : i32
          %dma_wait3A_1477 = tpu.memref_slice %arg7[%dma_wait3A_1475, %dma_wait3A_1476] : memref<2048x128xf32, #tpu.memory_space<vmem_shared>> -> memref<2048x128xf32, #tpu.memory_space<vmem_shared>>
          tpu.wait_indirect_dma semaphore(%run_scoped3A_1457 : memref<!tpu.dma_semaphore, #tpu.memory_space<semaphore_mem>>) src(%dma_wait3A_1471 : memref<128x128xf32, #tpu.memory_space<vmem>>) dst(%dma_wait3A_1477 : memref<2048x128xf32, #tpu.memory_space<vmem_shared>>)
          tpu.yield
        }) : () -> ()
        %add3A_1451 = arith.constant 2 : i32
        %add3A_1452 = arith.addi %scan3A_1427, %add3A_1451 : i32
        %lt3A = arith.constant 21 : i32
        %lt3A_1453 = arith.cmpi slt, %add3A_1452, %lt3A : i32
        %convert_element_type3A_1454 = arith.extui %lt3A_1453 : i1 to i32
        %cond3A_1455 = arith.constant 0 : i32
        %cond3A_1456 = arith.cmpi ne, %convert_element_type3A_1454, %cond3A_1455 : i32
        scf.if %cond3A_1456 {
          %add3A_1457 = arith.constant 2 : i32
          %add3A_1458 = arith.addi %scan3A_1427, %add3A_1457 : i32
          %sub3A = arith.constant 1 : i32
          %sub3A_1459 = arith.subi %add3A_1458, %sub3A : i32
          %multiple_of3A_1460 = arith.constant 0 : i32
          %multiple_of3A_1461 = tpu.assume_multiple %multiple_of3A_1460, 16 : i32
          %get3A_1462 = arith.index_cast %sub3A_1459 : i32 to index
          %get3A_1463 = arith.index_cast %multiple_of3A_1461 : i32 to index
          %get3A_1464 = tpu.vector_load %arg11[%get3A_1462, %get3A_1463] {strides = array<i32>} : memref<20x512xi32, #tpu.memory_space<vmem>>, vector<16xi32>,
          %broadcast_in_dim3A_1465 = arith.constant 0 : i32
          %broadcast_in_dim3A_1466 = vector.broadcast %broadcast_in_dim3A_1465 : i32 to vector<16xi32>
          %add3A_1467 = arith.addi %iota3A, %broadcast_in_dim3A_1466 : vector<16xi32>
          %add3A_1468 = arith.addi %add3A_1467, %broadcast_in_dim3A_7 : vector<16xi32>
          %multiple_of3A_1469 = arith.constant 0 : i32
          %multiple_of3A_1470 = tpu.assume_multiple %multiple_of3A_1469, 16 : i32
          %swap3A_1471 = arith.constant 0 : i32
          %swap3A_1472 = arith.index_cast %swap3A_1471 : i32 to index
          %swap3A_1473 = arith.index_cast %multiple_of3A_1470 : i32 to index
          %swap3A_1474 = tpu.vector_load %arg13[%swap3A_1472, %swap3A_1473] {strides = array<i32>} : memref<2x128xi32, #tpu.memory_space<vmem>>, vector<16xi32>,
          tpu.vector_store %arg13[%swap3A_1472, %swap3A_1473], %get3A_1464 {strides = array<i32>} : memref<2x128xi32, #tpu.memory_space<vmem>>, vector<16xi32>,
          %broadcast_in_dim3A_1475 = vector.broadcast %mul3A_4 : i32 to vector<16xi32>
          %add3A_1476 = arith.addi %add3A_1468, %broadcast_in_dim3A_1475 : vector<16xi32>
          %swap3A_1477 = arith.constant 0 : i32
          %swap3A_1478 = arith.index_cast %swap3A_1477 : i32 to index
          %swap3A_1479 = arith.index_cast %multiple_of3A_1470 : i32 to index
          %swap3A_1480 = tpu.vector_load %arg14[%swap3A_1478, %swap3A_1479] {strides = array<i32>} : memref<2x128xi32, #tpu.memory_space<vmem>>, vector<16xi32>,
          tpu.vector_store %arg14[%swap3A_1478, %swap3A_1479], %add3A_1476 {strides = array<i32>} : memref<2x128xi32, #tpu.memory_space<vmem>>, vector<16xi32>,
          %multiple_of3A_1481 = arith.constant 16 : i32
          %multiple_of3A_1482 = tpu.assume_multiple %multiple_of3A_1481, 16 : i32
          %get3A_1483 = arith.index_cast %sub3A_1459 : i32 to index
          %get3A_1484 = arith.index_cast %multiple_of3A_1482 : i32 to index
          %get3A_1485 = tpu.vector_load %arg11[%get3A_1483, %get3A_1484] {strides = array<i32>} : memref<20x512xi32, #tpu.memory_space<vmem>>, vector<16xi32>,
          %broadcast_in_dim3A_1486 = arith.constant 16 : i32
          %broadcast_in_dim3A_1487 = vector.broadcast %broadcast_in_dim3A_1486 : i32 to vector<16xi32>
          %add3A_1488 = arith.addi %iota3A, %broadcast_in_dim3A_1487 : vector<16xi32>
          %add3A_1489 = arith.addi %add3A_1488, %broadcast_in_dim3A_7 : vector<16xi32>
          %multiple_of3A_1490 = arith.constant 16 : i32
          %multiple_of3A_1491 = tpu.assume_multiple %multiple_of3A_1490, 16 : i32
          %swap3A_1492 = arith.constant 0 : i32
          %swap3A_1493 = arith.index_cast %swap3A_1492 : i32 to index
          %swap3A_1494 = arith.index_cast %multiple_of3A_1491 : i32 to index
          %swap3A_1495 = tpu.vector_load %arg13[%swap3A_1493, %swap3A_1494] {strides = array<i32>} : memref<2x128xi32, #tpu.memory_space<vmem>>, vector<16xi32>,
          tpu.vector_store %arg13[%swap3A_1493, %swap3A_1494], %get3A_1485 {strides = array<i32>} : memref<2x128xi32, #tpu.memory_space<vmem>>, vector<16xi32>,
          %broadcast_in_dim3A_1496 = vector.broadcast %mul3A_4 : i32 to vector<16xi32>
          %add3A_1497 = arith.addi %add3A_1489, %broadcast_in_dim3A_1496 : vector<16xi32>
          %swap3A_1498 = arith.constant 0 : i32
          %swap3A_1499 = arith.index_cast %swap3A_1498 : i32 to index
          %swap3A_1500 = arith.index_cast %multiple_of3A_1491 : i32 to index
          %swap3A_1501 = tpu.vector_load %arg14[%swap3A_1499, %swap3A_1500] {strides = array<i32>} : memref<2x128xi32, #tpu.memory_space<vmem>>, vector<16xi32>,
          tpu.vector_store %arg14[%swap3A_1499, %swap3A_1500], %add3A_1497 {strides = array<i32>} : memref<2x128xi32, #tpu.memory_space<vmem>>, vector<16xi32>,
          %multiple_of3A_1502 = arith.constant 32 : i32
          %multiple_of3A_1503 = tpu.assume_multiple %multiple_of3A_1502, 16 : i32
          %get3A_1504 = arith.index_cast %sub3A_1459 : i32 to index
          %get3A_1505 = arith.index_cast %multiple_of3A_1503 : i32 to index
          %get3A_1506 = tpu.vector_load %arg11[%get3A_1504, %get3A_1505] {strides = array<i32>} : memref<20x512xi32, #tpu.memory_space<vmem>>, vector<16xi32>,
          %broadcast_in_dim3A_1507 = arith.constant 32 : i32
          %broadcast_in_dim3A_1508 = vector.broadcast %broadcast_in_dim3A_1507 : i32 to vector<16xi32>
          %add3A_1509 = arith.addi %iota3A, %broadcast_in_dim3A_1508 : vector<16xi32>
          %add3A_1510 = arith.addi %add3A_1509, %broadcast_in_dim3A_7 : vector<16xi32>
          %multiple_of3A_1511 = arith.constant 32 : i32
          %multiple_of3A_1512 = tpu.assume_multiple %multiple_of3A_1511, 16 : i32
          %swap3A_1513 = arith.constant 0 : i32
          %swap3A_1514 = arith.index_cast %swap3A_1513 : i32 to index
          %swap3A_1515 = arith.index_cast %multiple_of3A_1512 : i32 to index
          %swap3A_1516 = tpu.vector_load %arg13[%swap3A_1514, %swap3A_1515] {strides = array<i32>} : memref<2x128xi32, #tpu.memory_space<vmem>>, vector<16xi32>,
          tpu.vector_store %arg13[%swap3A_1514, %swap3A_1515], %get3A_1506 {strides = array<i32>} : memref<2x128xi32, #tpu.memory_space<vmem>>, vector<16xi32>,
          %broadcast_in_dim3A_1517 = vector.broadcast %mul3A_4 : i32 to vector<16xi32>
          %add3A_1518 = arith.addi %add3A_1510, %broadcast_in_dim3A_1517 : vector<16xi32>
          %swap3A_1519 = arith.constant 0 : i32
          %swap3A_1520 = arith.index_cast %swap3A_1519 : i32 to index
          %swap3A_1521 = arith.index_cast %multiple_of3A_1512 : i32 to index
          %swap3A_1522 = tpu.vector_load %arg14[%swap3A_1520, %swap3A_1521] {strides = array<i32>} : memref<2x128xi32, #tpu.memory_space<vmem>>, vector<16xi32>,
          tpu.vector_store %arg14[%swap3A_1520, %swap3A_1521], %add3A_1518 {strides = array<i32>} : memref<2x128xi32, #tpu.memory_space<vmem>>, vector<16xi32>,
          %multiple_of3A_1523 = arith.constant 48 : i32
          %multiple_of3A_1524 = tpu.assume_multiple %multiple_of3A_1523, 16 : i32
          %get3A_1525 = arith.index_cast %sub3A_1459 : i32 to index
          %get3A_1526 = arith.index_cast %multiple_of3A_1524 : i32 to index
          %get3A_1527 = tpu.vector_load %arg11[%get3A_1525, %get3A_1526] {strides = array<i32>} : memref<20x512xi32, #tpu.memory_space<vmem>>, vector<16xi32>,
          %broadcast_in_dim3A_1528 = arith.constant 48 : i32
          %broadcast_in_dim3A_1529 = vector.broadcast %broadcast_in_dim3A_1528 : i32 to vector<16xi32>
          %add3A_1530 = arith.addi %iota3A, %broadcast_in_dim3A_1529 : vector<16xi32>
          %add3A_1531 = arith.addi %add3A_1530, %broadcast_in_dim3A_7 : vector<16xi32>
          %multiple_of3A_1532 = arith.constant 48 : i32
          %multiple_of3A_1533 = tpu.assume_multiple %multiple_of3A_1532, 16 : i32
          %swap3A_1534 = arith.constant 0 : i32
          %swap3A_1535 = arith.index_cast %swap3A_1534 : i32 to index
          %swap3A_1536 = arith.index_cast %multiple_of3A_1533 : i32 to index
          %swap3A_1537 = tpu.vector_load %arg13[%swap3A_1535, %swap3A_1536] {strides = array<i32>} : memref<2x128xi32, #tpu.memory_space<vmem>>, vector<16xi32>,
          tpu.vector_store %arg13[%swap3A_1535, %swap3A_1536], %get3A_1527 {strides = array<i32>} : memref<2x128xi32, #tpu.memory_space<vmem>>, vector<16xi32>,
          %broadcast_in_dim3A_1538 = vector.broadcast %mul3A_4 : i32 to vector<16xi32>
          %add3A_1539 = arith.addi %add3A_1531, %broadcast_in_dim3A_1538 : vector<16xi32>
          %swap3A_1540 = arith.constant 0 : i32
          %swap3A_1541 = arith.index_cast %swap3A_1540 : i32 to index
          %swap3A_1542 = arith.index_cast %multiple_of3A_1533 : i32 to index
          %swap3A_1543 = tpu.vector_load %arg14[%swap3A_1541, %swap3A_1542] {strides = array<i32>} : memref<2x128xi32, #tpu.memory_space<vmem>>, vector<16xi32>,
          tpu.vector_store %arg14[%swap3A_1541, %swap3A_1542], %add3A_1539 {strides = array<i32>} : memref<2x128xi32, #tpu.memory_space<vmem>>, vector<16xi32>,
          %multiple_of3A_1544 = arith.constant 64 : i32
          %multiple_of3A_1545 = tpu.assume_multiple %multiple_of3A_1544, 16 : i32
          %get3A_1546 = arith.index_cast %sub3A_1459 : i32 to index
          %get3A_1547 = arith.index_cast %multiple_of3A_1545 : i32 to index
          %get3A_1548 = tpu.vector_load %arg11[%get3A_1546, %get3A_1547] {strides = array<i32>} : memref<20x512xi32, #tpu.memory_space<vmem>>, vector<16xi32>,
          %broadcast_in_dim3A_1549 = arith.constant 64 : i32
          %broadcast_in_dim3A_1550 = vector.broadcast %broadcast_in_dim3A_1549 : i32 to vector<16xi32>
          %add3A_1551 = arith.addi %iota3A, %broadcast_in_dim3A_1550 : vector<16xi32>
          %add3A_1552 = arith.addi %add3A_1551, %broadcast_in_dim3A_7 : vector<16xi32>
          %multiple_of3A_1553 = arith.constant 64 : i32
          %multiple_of3A_1554 = tpu.assume_multiple %multiple_of3A_1553, 16 : i32
          %swap3A_1555 = arith.constant 0 : i32
          %swap3A_1556 = arith.index_cast %swap3A_1555 : i32 to index
          %swap3A_1557 = arith.index_cast %multiple_of3A_1554 : i32 to index
          %swap3A_1558 = tpu.vector_load %arg13[%swap3A_1556, %swap3A_1557] {strides = array<i32>} : memref<2x128xi32, #tpu.memory_space<vmem>>, vector<16xi32>,
          tpu.vector_store %arg13[%swap3A_1556, %swap3A_1557], %get3A_1548 {strides = array<i32>} : memref<2x128xi32, #tpu.memory_space<vmem>>, vector<16xi32>,
          %broadcast_in_dim3A_1559 = vector.broadcast %mul3A_4 : i32 to vector<16xi32>
          %add3A_1560 = arith.addi %add3A_1552, %broadcast_in_dim3A_1559 : vector<16xi32>
          %swap3A_1561 = arith.constant 0 : i32
          %swap3A_1562 = arith.index_cast %swap3A_1561 : i32 to index
          %swap3A_1563 = arith.index_cast %multiple_of3A_1554 : i32 to index
          %swap3A_1564 = tpu.vector_load %arg14[%swap3A_1562, %swap3A_1563] {strides = array<i32>} : memref<2x128xi32, #tpu.memory_space<vmem>>, vector<16xi32>,
          tpu.vector_store %arg14[%swap3A_1562, %swap3A_1563], %add3A_1560 {strides = array<i32>} : memref<2x128xi32, #tpu.memory_space<vmem>>, vector<16xi32>,
          %multiple_of3A_1565 = arith.constant 80 : i32
          %multiple_of3A_1566 = tpu.assume_multiple %multiple_of3A_1565, 16 : i32
          %get3A_1567 = arith.index_cast %sub3A_1459 : i32 to index
          %get3A_1568 = arith.index_cast %multiple_of3A_1566 : i32 to index
          %get3A_1569 = tpu.vector_load %arg11[%get3A_1567, %get3A_1568] {strides = array<i32>} : memref<20x512xi32, #tpu.memory_space<vmem>>, vector<16xi32>,
          %broadcast_in_dim3A_1570 = arith.constant 80 : i32
          %broadcast_in_dim3A_1571 = vector.broadcast %broadcast_in_dim3A_1570 : i32 to vector<16xi32>
          %add3A_1572 = arith.addi %iota3A, %broadcast_in_dim3A_1571 : vector<16xi32>
          %add3A_1573 = arith.addi %add3A_1572, %broadcast_in_dim3A_7 : vector<16xi32>
          %multiple_of3A_1574 = arith.constant 80 : i32
          %multiple_of3A_1575 = tpu.assume_multiple %multiple_of3A_1574, 16 : i32
          %swap3A_1576 = arith.constant 0 : i32
          %swap3A_1577 = arith.index_cast %swap3A_1576 : i32 to index
          %swap3A_1578 = arith.index_cast %multiple_of3A_1575 : i32 to index
          %swap3A_1579 = tpu.vector_load %arg13[%swap3A_1577, %swap3A_1578] {strides = array<i32>} : memref<2x128xi32, #tpu.memory_space<vmem>>, vector<16xi32>,
          tpu.vector_store %arg13[%swap3A_1577, %swap3A_1578], %get3A_1569 {strides = array<i32>} : memref<2x128xi32, #tpu.memory_space<vmem>>, vector<16xi32>,
          %broadcast_in_dim3A_1580 = vector.broadcast %mul3A_4 : i32 to vector<16xi32>
          %add3A_1581 = arith.addi %add3A_1573, %broadcast_in_dim3A_1580 : vector<16xi32>
          %swap3A_1582 = arith.constant 0 : i32
          %swap3A_1583 = arith.index_cast %swap3A_1582 : i32 to index
          %swap3A_1584 = arith.index_cast %multiple_of3A_1575 : i32 to index
          %swap3A_1585 = tpu.vector_load %arg14[%swap3A_1583, %swap3A_1584] {strides = array<i32>} : memref<2x128xi32, #tpu.memory_space<vmem>>, vector<16xi32>,
          tpu.vector_store %arg14[%swap3A_1583, %swap3A_1584], %add3A_1581 {strides = array<i32>} : memref<2x128xi32, #tpu.memory_space<vmem>>, vector<16xi32>,
          %multiple_of3A_1586 = arith.constant 96 : i32
          %multiple_of3A_1587 = tpu.assume_multiple %multiple_of3A_1586, 16 : i32
          %get3A_1588 = arith.index_cast %sub3A_1459 : i32 to index
          %get3A_1589 = arith.index_cast %multiple_of3A_1587 : i32 to index
          %get3A_1590 = tpu.vector_load %arg11[%get3A_1588, %get3A_1589] {strides = array<i32>} : memref<20x512xi32, #tpu.memory_space<vmem>>, vector<16xi32>,
          %broadcast_in_dim3A_1591 = arith.constant 96 : i32
          %broadcast_in_dim3A_1592 = vector.broadcast %broadcast_in_dim3A_1591 : i32 to vector<16xi32>
          %add3A_1593 = arith.addi %iota3A, %broadcast_in_dim3A_1592 : vector<16xi32>
          %add3A_1594 = arith.addi %add3A_1593, %broadcast_in_dim3A_7 : vector<16xi32>
          %multiple_of3A_1595 = arith.constant 96 : i32
          %multiple_of3A_1596 = tpu.assume_multiple %multiple_of3A_1595, 16 : i32
          %swap3A_1597 = arith.constant 0 : i32
          %swap3A_1598 = arith.index_cast %swap3A_1597 : i32 to index
          %swap3A_1599 = arith.index_cast %multiple_of3A_1596 : i32 to index
          %swap3A_1600 = tpu.vector_load %arg13[%swap3A_1598, %swap3A_1599] {strides = array<i32>} : memref<2x128xi32, #tpu.memory_space<vmem>>, vector<16xi32>,
          tpu.vector_store %arg13[%swap3A_1598, %swap3A_1599], %get3A_1590 {strides = array<i32>} : memref<2x128xi32, #tpu.memory_space<vmem>>, vector<16xi32>,
          %broadcast_in_dim3A_1601 = vector.broadcast %mul3A_4 : i32 to vector<16xi32>
          %add3A_1602 = arith.addi %add3A_1594, %broadcast_in_dim3A_1601 : vector<16xi32>
          %swap3A_1603 = arith.constant 0 : i32
          %swap3A_1604 = arith.index_cast %swap3A_1603 : i32 to index
          %swap3A_1605 = arith.index_cast %multiple_of3A_1596 : i32 to index
          %swap3A_1606 = tpu.vector_load %arg14[%swap3A_1604, %swap3A_1605] {strides = array<i32>} : memref<2x128xi32, #tpu.memory_space<vmem>>, vector<16xi32>,
          tpu.vector_store %arg14[%swap3A_1604, %swap3A_1605], %add3A_1602 {strides = array<i32>} : memref<2x128xi32, #tpu.memory_space<vmem>>, vector<16xi32>,
          %multiple_of3A_1607 = arith.constant 112 : i32
          %multiple_of3A_1608 = tpu.assume_multiple %multiple_of3A_1607, 16 : i32
          %get3A_1609 = arith.index_cast %sub3A_1459 : i32 to index
          %get3A_1610 = arith.index_cast %multiple_of3A_1608 : i32 to index
          %get3A_1611 = tpu.vector_load %arg11[%get3A_1609, %get3A_1610] {strides = array<i32>} : memref<20x512xi32, #tpu.memory_space<vmem>>, vector<16xi32>,
          %broadcast_in_dim3A_1612 = arith.constant 112 : i32
          %broadcast_in_dim3A_1613 = vector.broadcast %broadcast_in_dim3A_1612 : i32 to vector<16xi32>
          %add3A_1614 = arith.addi %iota3A, %broadcast_in_dim3A_1613 : vector<16xi32>
          %add3A_1615 = arith.addi %add3A_1614, %broadcast_in_dim3A_7 : vector<16xi32>
          %multiple_of3A_1616 = arith.constant 112 : i32
          %multiple_of3A_1617 = tpu.assume_multiple %multiple_of3A_1616, 16 : i32
          %swap3A_1618 = arith.constant 0 : i32
          %swap3A_1619 = arith.index_cast %swap3A_1618 : i32 to index
          %swap3A_1620 = arith.index_cast %multiple_of3A_1617 : i32 to index
          %swap3A_1621 = tpu.vector_load %arg13[%swap3A_1619, %swap3A_1620] {strides = array<i32>} : memref<2x128xi32, #tpu.memory_space<vmem>>, vector<16xi32>,
          tpu.vector_store %arg13[%swap3A_1619, %swap3A_1620], %get3A_1611 {strides = array<i32>} : memref<2x128xi32, #tpu.memory_space<vmem>>, vector<16xi32>,
          %broadcast_in_dim3A_1622 = vector.broadcast %mul3A_4 : i32 to vector<16xi32>
          %add3A_1623 = arith.addi %add3A_1615, %broadcast_in_dim3A_1622 : vector<16xi32>
          %swap3A_1624 = arith.constant 0 : i32
          %swap3A_1625 = arith.index_cast %swap3A_1624 : i32 to index
          %swap3A_1626 = arith.index_cast %multiple_of3A_1617 : i32 to index
          %swap3A_1627 = tpu.vector_load %arg14[%swap3A_1625, %swap3A_1626] {strides = array<i32>} : memref<2x128xi32, #tpu.memory_space<vmem>>, vector<16xi32>,
          tpu.vector_store %arg14[%swap3A_1625, %swap3A_1626], %add3A_1623 {strides = array<i32>} : memref<2x128xi32, #tpu.memory_space<vmem>>, vector<16xi32>,
          %dma_start3A_1628 = arith.constant 0 : i32
          %dma_start3A_1629 = arith.constant 0 : i32
          %dma_start3A_1630 = arith.constant 0 : i32
          %dma_start3A_1631 = arith.constant 0 : i32
          %dma_start3A_1632 = arith.constant 0 : i32
          %dma_start3A_1633 = tpu.memref_slice %arg8[%dma_start3A_1629, %dma_start3A_1631, %dma_start3A_1632] : memref<2x128x128xf32, #tpu.memory_space<vmem>> -> memref<1x128x128xf32, #tpu.memory_space<vmem>>
          %dma_start3A_1634 = tpu.memref_squeeze %dma_start3A_1633 : memref<1x128x128xf32, #tpu.memory_space<vmem>> -> memref<128x128xf32, #tpu.memory_space<vmem>>
          %dma_start3A_1635 = arith.constant 0 : i32
          %dma_start3A_1636 = tpu.memref_slice %arg13[%dma_start3A_1628, %dma_start3A_1635] : memref<2x128xi32, #tpu.memory_space<vmem>> -> memref<1x128xi32, #tpu.memory_space<vmem>>
          %dma_start3A_1637 = tpu.memref_squeeze %dma_start3A_1636 : memref<1x128xi32, #tpu.memory_space<vmem>> -> memref<128xi32, #tpu.memory_space<vmem>>
          %dma_start3A_1638 = arith.constant 0 : i32
          %dma_start3A_1639 = arith.constant 0 : i32
          %dma_start3A_1640 = tpu.memref_slice %arg5[%dma_start3A_1638, %dma_start3A_1639] : memref<2000000x128xf32, #tpu.memory_space<hbm>> -> memref<2000000x128xf32, #tpu.memory_space<hbm>>
          %dma_start3A_1641 = tpu.memref_slice %arg10[%dma_start3A_1630] : memref<2x!tpu.dma_semaphore, #tpu.memory_space<semaphore_mem>> -> memref<1x!tpu.dma_semaphore, #tpu.memory_space<semaphore_mem>>
          %dma_start3A_1642 = tpu.memref_squeeze %dma_start3A_1641 : memref<1x!tpu.dma_semaphore, #tpu.memory_space<semaphore_mem>> -> memref<!tpu.dma_semaphore, #tpu.memory_space<semaphore_mem>>
          tpu.enqueue_indirect_dma source(%dma_start3A_1640 : memref<2000000x128xf32, #tpu.memory_space<hbm>>) target(%dma_start3A_1634 : memref<128x128xf32, #tpu.memory_space<vmem>>) offsets(%dma_start3A_1637 : memref<128xi32, #tpu.memory_space<vmem>>) semaphore(%dma_start3A_1642 : memref<!tpu.dma_semaphore, #tpu.memory_space<semaphore_mem>>)
        } else {
        }
      } else {
      }
      %eq3A_1431 = arith.constant 1 : i32
      %eq3A_1432 = arith.cmpi eq, %rem3A_1428, %eq3A_1431 : i32
      %convert_element_type3A_1433 = arith.extui %eq3A_1432 : i1 to i32
      %cond3A_1434 = arith.constant 0 : i32
      %cond3A_1435 = arith.cmpi ne, %convert_element_type3A_1433, %cond3A_1434 : i32
      scf.if %cond3A_1435 {
        %dma_wait3A = arith.constant 1 : i32
        %dma_wait3A_1436 = arith.constant 1 : i32
        %dma_wait3A_1437 = arith.constant 1 : i32
        %dma_wait3A_1438 = arith.constant 0 : i32
        %dma_wait3A_1439 = arith.constant 0 : i32
        %dma_wait3A_1440 = tpu.memref_slice %arg8[%dma_wait3A_1436, %dma_wait3A_1438, %dma_wait3A_1439] : memref<2x128x128xf32, #tpu.memory_space<vmem>> -> memref<1x128x128xf32, #tpu.memory_space<vmem>>
        %dma_wait3A_1441 = tpu.memref_squeeze %dma_wait3A_1440 : memref<1x128x128xf32, #tpu.memory_space<vmem>> -> memref<128x128xf32, #tpu.memory_space<vmem>>
        %dma_wait3A_1442 = arith.constant 0 : i32
        %dma_wait3A_1443 = tpu.memref_slice %arg13[%dma_wait3A, %dma_wait3A_1442] : memref<2x128xi32, #tpu.memory_space<vmem>> -> memref<1x128xi32, #tpu.memory_space<vmem>>
        %dma_wait3A_1444 = tpu.memref_squeeze %dma_wait3A_1443 : memref<1x128xi32, #tpu.memory_space<vmem>> -> memref<128xi32, #tpu.memory_space<vmem>>
        %dma_wait3A_1445 = arith.constant 0 : i32
        %dma_wait3A_1446 = arith.constant 0 : i32
        %dma_wait3A_1447 = tpu.memref_slice %arg5[%dma_wait3A_1445, %dma_wait3A_1446] : memref<2000000x128xf32, #tpu.memory_space<hbm>> -> memref<2000000x128xf32, #tpu.memory_space<hbm>>
        %dma_wait3A_1448 = tpu.memref_slice %arg10[%dma_wait3A_1437] : memref<2x!tpu.dma_semaphore, #tpu.memory_space<semaphore_mem>> -> memref<1x!tpu.dma_semaphore, #tpu.memory_space<semaphore_mem>>
        %dma_wait3A_1449 = tpu.memref_squeeze %dma_wait3A_1448 : memref<1x!tpu.dma_semaphore, #tpu.memory_space<semaphore_mem>> -> memref<!tpu.dma_semaphore, #tpu.memory_space<semaphore_mem>>
        tpu.wait_indirect_dma semaphore(%dma_wait3A_1449 : memref<!tpu.dma_semaphore, #tpu.memory_space<semaphore_mem>>) src(%dma_wait3A_1447 : memref<2000000x128xf32, #tpu.memory_space<hbm>>) dst(%dma_wait3A_1441 : memref<128x128xf32, #tpu.memory_space<vmem>>)
        %run_scoped3A = arith.constant 1 : i32
        %run_scoped3A_1450 = arith.constant 1 : i32
        "tpu.region"() ({
          %run_scoped3A_1457 = tpu.sem_alloc : memref<!tpu.dma_semaphore, #tpu.memory_space<semaphore_mem>>
          %dma_start3A_1458 = arith.constant 0 : i32
          %dma_start3A_1459 = arith.constant 0 : i32
          %dma_start3A_1460 = tpu.memref_slice %arg8[%run_scoped3A, %dma_start3A_1458, %dma_start3A_1459] : memref<2x128x128xf32, #tpu.memory_space<vmem>> -> memref<1x128x128xf32, #tpu.memory_space<vmem>>
          %dma_start3A_1461 = tpu.memref_squeeze %dma_start3A_1460 : memref<1x128x128xf32, #tpu.memory_space<vmem>> -> memref<128x128xf32, #tpu.memory_space<vmem>>
          %dma_start3A_1462 = arith.constant 0 : i32
          %dma_start3A_1463 = tpu.memref_slice %arg14[%run_scoped3A_1450, %dma_start3A_1462] : memref<2x128xi32, #tpu.memory_space<vmem>> -> memref<1x128xi32, #tpu.memory_space<vmem>>
          %dma_start3A_1464 = tpu.memref_squeeze %dma_start3A_1463 : memref<1x128xi32, #tpu.memory_space<vmem>> -> memref<128xi32, #tpu.memory_space<vmem>>
          %dma_start3A_1465 = arith.constant 0 : i32
          %dma_start3A_1466 = arith.constant 0 : i32
          %dma_start3A_1467 = tpu.memref_slice %arg7[%dma_start3A_1465, %dma_start3A_1466] : memref<2048x128xf32, #tpu.memory_space<vmem_shared>> -> memref<2048x128xf32, #tpu.memory_space<vmem_shared>>
          tpu.enqueue_indirect_dma source(%dma_start3A_1461 : memref<128x128xf32, #tpu.memory_space<vmem>>) target(%dma_start3A_1467 : memref<2048x128xf32, #tpu.memory_space<vmem_shared>>) offsets(%dma_start3A_1464 : memref<128xi32, #tpu.memory_space<vmem>>) semaphore(%run_scoped3A_1457 : memref<!tpu.dma_semaphore, #tpu.memory_space<semaphore_mem>>) {add = true}
          %dma_wait3A_1468 = arith.constant 0 : i32
          %dma_wait3A_1469 = arith.constant 0 : i32
          %dma_wait3A_1470 = tpu.memref_slice %arg8[%run_scoped3A, %dma_wait3A_1468, %dma_wait3A_1469] : memref<2x128x128xf32, #tpu.memory_space<vmem>> -> memref<1x128x128xf32, #tpu.memory_space<vmem>>
          %dma_wait3A_1471 = tpu.memref_squeeze %dma_wait3A_1470 : memref<1x128x128xf32, #tpu.memory_space<vmem>> -> memref<128x128xf32, #tpu.memory_space<vmem>>
          %dma_wait3A_1472 = arith.constant 0 : i32
          %dma_wait3A_1473 = tpu.memref_slice %arg14[%run_scoped3A_1450, %dma_wait3A_1472] : memref<2x128xi32, #tpu.memory_space<vmem>> -> memref<1x128xi32, #tpu.memory_space<vmem>>
          %dma_wait3A_1474 = tpu.memref_squeeze %dma_wait3A_1473 : memref<1x128xi32, #tpu.memory_space<vmem>> -> memref<128xi32, #tpu.memory_space<vmem>>
          %dma_wait3A_1475 = arith.constant 0 : i32
          %dma_wait3A_1476 = arith.constant 0 : i32
          %dma_wait3A_1477 = tpu.memref_slice %arg7[%dma_wait3A_1475, %dma_wait3A_1476] : memref<2048x128xf32, #tpu.memory_space<vmem_shared>> -> memref<2048x128xf32, #tpu.memory_space<vmem_shared>>
          tpu.wait_indirect_dma semaphore(%run_scoped3A_1457 : memref<!tpu.dma_semaphore, #tpu.memory_space<semaphore_mem>>) src(%dma_wait3A_1471 : memref<128x128xf32, #tpu.memory_space<vmem>>) dst(%dma_wait3A_1477 : memref<2048x128xf32, #tpu.memory_space<vmem_shared>>)
          tpu.yield
        }) : () -> ()
        %add3A_1451 = arith.constant 2 : i32
        %add3A_1452 = arith.addi %scan3A_1427, %add3A_1451 : i32
        %lt3A = arith.constant 21 : i32
        %lt3A_1453 = arith.cmpi slt, %add3A_1452, %lt3A : i32
        %convert_element_type3A_1454 = arith.extui %lt3A_1453 : i1 to i32
        %cond3A_1455 = arith.constant 0 : i32
        %cond3A_1456 = arith.cmpi ne, %convert_element_type3A_1454, %cond3A_1455 : i32
        scf.if %cond3A_1456 {
          %add3A_1457 = arith.constant 2 : i32
          %add3A_1458 = arith.addi %scan3A_1427, %add3A_1457 : i32
          %sub3A = arith.constant 1 : i32
          %sub3A_1459 = arith.subi %add3A_1458, %sub3A : i32
          %multiple_of3A_1460 = arith.constant 0 : i32
          %multiple_of3A_1461 = tpu.assume_multiple %multiple_of3A_1460, 16 : i32
          %get3A_1462 = arith.index_cast %sub3A_1459 : i32 to index
          %get3A_1463 = arith.index_cast %multiple_of3A_1461 : i32 to index
          %get3A_1464 = tpu.vector_load %arg11[%get3A_1462, %get3A_1463] {strides = array<i32>} : memref<20x512xi32, #tpu.memory_space<vmem>>, vector<16xi32>,
          %broadcast_in_dim3A_1465 = arith.constant 0 : i32
          %broadcast_in_dim3A_1466 = vector.broadcast %broadcast_in_dim3A_1465 : i32 to vector<16xi32>
          %add3A_1467 = arith.addi %iota3A, %broadcast_in_dim3A_1466 : vector<16xi32>
          %add3A_1468 = arith.addi %add3A_1467, %broadcast_in_dim3A_7 : vector<16xi32>
          %multiple_of3A_1469 = arith.constant 0 : i32
          %multiple_of3A_1470 = tpu.assume_multiple %multiple_of3A_1469, 16 : i32
          %swap3A_1471 = arith.constant 1 : i32
          %swap3A_1472 = arith.index_cast %swap3A_1471 : i32 to index
          %swap3A_1473 = arith.index_cast %multiple_of3A_1470 : i32 to index
          %swap3A_1474 = tpu.vector_load %arg13[%swap3A_1472, %swap3A_1473] {strides = array<i32>} : memref<2x128xi32, #tpu.memory_space<vmem>>, vector<16xi32>,
          tpu.vector_store %arg13[%swap3A_1472, %swap3A_1473], %get3A_1464 {strides = array<i32>} : memref<2x128xi32, #tpu.memory_space<vmem>>, vector<16xi32>,
          %broadcast_in_dim3A_1475 = vector.broadcast %mul3A_4 : i32 to vector<16xi32>
          %add3A_1476 = arith.addi %add3A_1468, %broadcast_in_dim3A_1475 : vector<16xi32>
          %swap3A_1477 = arith.constant 1 : i32
          %swap3A_1478 = arith.index_cast %swap3A_1477 : i32 to index
          %swap3A_1479 = arith.index_cast %multiple_of3A_1470 : i32 to index
          %swap3A_1480 = tpu.vector_load %arg14[%swap3A_1478, %swap3A_1479] {strides = array<i32>} : memref<2x128xi32, #tpu.memory_space<vmem>>, vector<16xi32>,
          tpu.vector_store %arg14[%swap3A_1478, %swap3A_1479], %add3A_1476 {strides = array<i32>} : memref<2x128xi32, #tpu.memory_space<vmem>>, vector<16xi32>,
          %multiple_of3A_1481 = arith.constant 16 : i32
          %multiple_of3A_1482 = tpu.assume_multiple %multiple_of3A_1481, 16 : i32
          %get3A_1483 = arith.index_cast %sub3A_1459 : i32 to index
          %get3A_1484 = arith.index_cast %multiple_of3A_1482 : i32 to index
          %get3A_1485 = tpu.vector_load %arg11[%get3A_1483, %get3A_1484] {strides = array<i32>} : memref<20x512xi32, #tpu.memory_space<vmem>>, vector<16xi32>,
          %broadcast_in_dim3A_1486 = arith.constant 16 : i32
          %broadcast_in_dim3A_1487 = vector.broadcast %broadcast_in_dim3A_1486 : i32 to vector<16xi32>
          %add3A_1488 = arith.addi %iota3A, %broadcast_in_dim3A_1487 : vector<16xi32>
          %add3A_1489 = arith.addi %add3A_1488, %broadcast_in_dim3A_7 : vector<16xi32>
          %multiple_of3A_1490 = arith.constant 16 : i32
          %multiple_of3A_1491 = tpu.assume_multiple %multiple_of3A_1490, 16 : i32
          %swap3A_1492 = arith.constant 1 : i32
          %swap3A_1493 = arith.index_cast %swap3A_1492 : i32 to index
          %swap3A_1494 = arith.index_cast %multiple_of3A_1491 : i32 to index
          %swap3A_1495 = tpu.vector_load %arg13[%swap3A_1493, %swap3A_1494] {strides = array<i32>} : memref<2x128xi32, #tpu.memory_space<vmem>>, vector<16xi32>,
          tpu.vector_store %arg13[%swap3A_1493, %swap3A_1494], %get3A_1485 {strides = array<i32>} : memref<2x128xi32, #tpu.memory_space<vmem>>, vector<16xi32>,
          %broadcast_in_dim3A_1496 = vector.broadcast %mul3A_4 : i32 to vector<16xi32>
          %add3A_1497 = arith.addi %add3A_1489, %broadcast_in_dim3A_1496 : vector<16xi32>
          %swap3A_1498 = arith.constant 1 : i32
          %swap3A_1499 = arith.index_cast %swap3A_1498 : i32 to index
          %swap3A_1500 = arith.index_cast %multiple_of3A_1491 : i32 to index
          %swap3A_1501 = tpu.vector_load %arg14[%swap3A_1499, %swap3A_1500] {strides = array<i32>} : memref<2x128xi32, #tpu.memory_space<vmem>>, vector<16xi32>,
          tpu.vector_store %arg14[%swap3A_1499, %swap3A_1500], %add3A_1497 {strides = array<i32>} : memref<2x128xi32, #tpu.memory_space<vmem>>, vector<16xi32>,
          %multiple_of3A_1502 = arith.constant 32 : i32
          %multiple_of3A_1503 = tpu.assume_multiple %multiple_of3A_1502, 16 : i32
          %get3A_1504 = arith.index_cast %sub3A_1459 : i32 to index
          %get3A_1505 = arith.index_cast %multiple_of3A_1503 : i32 to index
          %get3A_1506 = tpu.vector_load %arg11[%get3A_1504, %get3A_1505] {strides = array<i32>} : memref<20x512xi32, #tpu.memory_space<vmem>>, vector<16xi32>,
          %broadcast_in_dim3A_1507 = arith.constant 32 : i32
          %broadcast_in_dim3A_1508 = vector.broadcast %broadcast_in_dim3A_1507 : i32 to vector<16xi32>
          %add3A_1509 = arith.addi %iota3A, %broadcast_in_dim3A_1508 : vector<16xi32>
          %add3A_1510 = arith.addi %add3A_1509, %broadcast_in_dim3A_7 : vector<16xi32>
          %multiple_of3A_1511 = arith.constant 32 : i32
          %multiple_of3A_1512 = tpu.assume_multiple %multiple_of3A_1511, 16 : i32
          %swap3A_1513 = arith.constant 1 : i32
          %swap3A_1514 = arith.index_cast %swap3A_1513 : i32 to index
          %swap3A_1515 = arith.index_cast %multiple_of3A_1512 : i32 to index
          %swap3A_1516 = tpu.vector_load %arg13[%swap3A_1514, %swap3A_1515] {strides = array<i32>} : memref<2x128xi32, #tpu.memory_space<vmem>>, vector<16xi32>,
          tpu.vector_store %arg13[%swap3A_1514, %swap3A_1515], %get3A_1506 {strides = array<i32>} : memref<2x128xi32, #tpu.memory_space<vmem>>, vector<16xi32>,
          %broadcast_in_dim3A_1517 = vector.broadcast %mul3A_4 : i32 to vector<16xi32>
          %add3A_1518 = arith.addi %add3A_1510, %broadcast_in_dim3A_1517 : vector<16xi32>
          %swap3A_1519 = arith.constant 1 : i32
          %swap3A_1520 = arith.index_cast %swap3A_1519 : i32 to index
          %swap3A_1521 = arith.index_cast %multiple_of3A_1512 : i32 to index
          %swap3A_1522 = tpu.vector_load %arg14[%swap3A_1520, %swap3A_1521] {strides = array<i32>} : memref<2x128xi32, #tpu.memory_space<vmem>>, vector<16xi32>,
          tpu.vector_store %arg14[%swap3A_1520, %swap3A_1521], %add3A_1518 {strides = array<i32>} : memref<2x128xi32, #tpu.memory_space<vmem>>, vector<16xi32>,
          %multiple_of3A_1523 = arith.constant 48 : i32
          %multiple_of3A_1524 = tpu.assume_multiple %multiple_of3A_1523, 16 : i32
          %get3A_1525 = arith.index_cast %sub3A_1459 : i32 to index
          %get3A_1526 = arith.index_cast %multiple_of3A_1524 : i32 to index
          %get3A_1527 = tpu.vector_load %arg11[%get3A_1525, %get3A_1526] {strides = array<i32>} : memref<20x512xi32, #tpu.memory_space<vmem>>, vector<16xi32>,
          %broadcast_in_dim3A_1528 = arith.constant 48 : i32
          %broadcast_in_dim3A_1529 = vector.broadcast %broadcast_in_dim3A_1528 : i32 to vector<16xi32>
          %add3A_1530 = arith.addi %iota3A, %broadcast_in_dim3A_1529 : vector<16xi32>
          %add3A_1531 = arith.addi %add3A_1530, %broadcast_in_dim3A_7 : vector<16xi32>
          %multiple_of3A_1532 = arith.constant 48 : i32
          %multiple_of3A_1533 = tpu.assume_multiple %multiple_of3A_1532, 16 : i32
          %swap3A_1534 = arith.constant 1 : i32
          %swap3A_1535 = arith.index_cast %swap3A_1534 : i32 to index
          %swap3A_1536 = arith.index_cast %multiple_of3A_1533 : i32 to index
          %swap3A_1537 = tpu.vector_load %arg13[%swap3A_1535, %swap3A_1536] {strides = array<i32>} : memref<2x128xi32, #tpu.memory_space<vmem>>, vector<16xi32>,
          tpu.vector_store %arg13[%swap3A_1535, %swap3A_1536], %get3A_1527 {strides = array<i32>} : memref<2x128xi32, #tpu.memory_space<vmem>>, vector<16xi32>,
          %broadcast_in_dim3A_1538 = vector.broadcast %mul3A_4 : i32 to vector<16xi32>
          %add3A_1539 = arith.addi %add3A_1531, %broadcast_in_dim3A_1538 : vector<16xi32>
          %swap3A_1540 = arith.constant 1 : i32
          %swap3A_1541 = arith.index_cast %swap3A_1540 : i32 to index
          %swap3A_1542 = arith.index_cast %multiple_of3A_1533 : i32 to index
          %swap3A_1543 = tpu.vector_load %arg14[%swap3A_1541, %swap3A_1542] {strides = array<i32>} : memref<2x128xi32, #tpu.memory_space<vmem>>, vector<16xi32>,
          tpu.vector_store %arg14[%swap3A_1541, %swap3A_1542], %add3A_1539 {strides = array<i32>} : memref<2x128xi32, #tpu.memory_space<vmem>>, vector<16xi32>,
          %multiple_of3A_1544 = arith.constant 64 : i32
          %multiple_of3A_1545 = tpu.assume_multiple %multiple_of3A_1544, 16 : i32
          %get3A_1546 = arith.index_cast %sub3A_1459 : i32 to index
          %get3A_1547 = arith.index_cast %multiple_of3A_1545 : i32 to index
          %get3A_1548 = tpu.vector_load %arg11[%get3A_1546, %get3A_1547] {strides = array<i32>} : memref<20x512xi32, #tpu.memory_space<vmem>>, vector<16xi32>,
          %broadcast_in_dim3A_1549 = arith.constant 64 : i32
          %broadcast_in_dim3A_1550 = vector.broadcast %broadcast_in_dim3A_1549 : i32 to vector<16xi32>
          %add3A_1551 = arith.addi %iota3A, %broadcast_in_dim3A_1550 : vector<16xi32>
          %add3A_1552 = arith.addi %add3A_1551, %broadcast_in_dim3A_7 : vector<16xi32>
          %multiple_of3A_1553 = arith.constant 64 : i32
          %multiple_of3A_1554 = tpu.assume_multiple %multiple_of3A_1553, 16 : i32
          %swap3A_1555 = arith.constant 1 : i32
          %swap3A_1556 = arith.index_cast %swap3A_1555 : i32 to index
          %swap3A_1557 = arith.index_cast %multiple_of3A_1554 : i32 to index
          %swap3A_1558 = tpu.vector_load %arg13[%swap3A_1556, %swap3A_1557] {strides = array<i32>} : memref<2x128xi32, #tpu.memory_space<vmem>>, vector<16xi32>,
          tpu.vector_store %arg13[%swap3A_1556, %swap3A_1557], %get3A_1548 {strides = array<i32>} : memref<2x128xi32, #tpu.memory_space<vmem>>, vector<16xi32>,
          %broadcast_in_dim3A_1559 = vector.broadcast %mul3A_4 : i32 to vector<16xi32>
          %add3A_1560 = arith.addi %add3A_1552, %broadcast_in_dim3A_1559 : vector<16xi32>
          %swap3A_1561 = arith.constant 1 : i32
          %swap3A_1562 = arith.index_cast %swap3A_1561 : i32 to index
          %swap3A_1563 = arith.index_cast %multiple_of3A_1554 : i32 to index
          %swap3A_1564 = tpu.vector_load %arg14[%swap3A_1562, %swap3A_1563] {strides = array<i32>} : memref<2x128xi32, #tpu.memory_space<vmem>>, vector<16xi32>,
          tpu.vector_store %arg14[%swap3A_1562, %swap3A_1563], %add3A_1560 {strides = array<i32>} : memref<2x128xi32, #tpu.memory_space<vmem>>, vector<16xi32>,
          %multiple_of3A_1565 = arith.constant 80 : i32
          %multiple_of3A_1566 = tpu.assume_multiple %multiple_of3A_1565, 16 : i32
          %get3A_1567 = arith.index_cast %sub3A_1459 : i32 to index
          %get3A_1568 = arith.index_cast %multiple_of3A_1566 : i32 to index
          %get3A_1569 = tpu.vector_load %arg11[%get3A_1567, %get3A_1568] {strides = array<i32>} : memref<20x512xi32, #tpu.memory_space<vmem>>, vector<16xi32>,
          %broadcast_in_dim3A_1570 = arith.constant 80 : i32
          %broadcast_in_dim3A_1571 = vector.broadcast %broadcast_in_dim3A_1570 : i32 to vector<16xi32>
          %add3A_1572 = arith.addi %iota3A, %broadcast_in_dim3A_1571 : vector<16xi32>
          %add3A_1573 = arith.addi %add3A_1572, %broadcast_in_dim3A_7 : vector<16xi32>
          %multiple_of3A_1574 = arith.constant 80 : i32
          %multiple_of3A_1575 = tpu.assume_multiple %multiple_of3A_1574, 16 : i32
          %swap3A_1576 = arith.constant 1 : i32
          %swap3A_1577 = arith.index_cast %swap3A_1576 : i32 to index
          %swap3A_1578 = arith.index_cast %multiple_of3A_1575 : i32 to index
          %swap3A_1579 = tpu.vector_load %arg13[%swap3A_1577, %swap3A_1578] {strides = array<i32>} : memref<2x128xi32, #tpu.memory_space<vmem>>, vector<16xi32>,
          tpu.vector_store %arg13[%swap3A_1577, %swap3A_1578], %get3A_1569 {strides = array<i32>} : memref<2x128xi32, #tpu.memory_space<vmem>>, vector<16xi32>,
          %broadcast_in_dim3A_1580 = vector.broadcast %mul3A_4 : i32 to vector<16xi32>
          %add3A_1581 = arith.addi %add3A_1573, %broadcast_in_dim3A_1580 : vector<16xi32>
          %swap3A_1582 = arith.constant 1 : i32
          %swap3A_1583 = arith.index_cast %swap3A_1582 : i32 to index
          %swap3A_1584 = arith.index_cast %multiple_of3A_1575 : i32 to index
          %swap3A_1585 = tpu.vector_load %arg14[%swap3A_1583, %swap3A_1584] {strides = array<i32>} : memref<2x128xi32, #tpu.memory_space<vmem>>, vector<16xi32>,
          tpu.vector_store %arg14[%swap3A_1583, %swap3A_1584], %add3A_1581 {strides = array<i32>} : memref<2x128xi32, #tpu.memory_space<vmem>>, vector<16xi32>,
          %multiple_of3A_1586 = arith.constant 96 : i32
          %multiple_of3A_1587 = tpu.assume_multiple %multiple_of3A_1586, 16 : i32
          %get3A_1588 = arith.index_cast %sub3A_1459 : i32 to index
          %get3A_1589 = arith.index_cast %multiple_of3A_1587 : i32 to index
          %get3A_1590 = tpu.vector_load %arg11[%get3A_1588, %get3A_1589] {strides = array<i32>} : memref<20x512xi32, #tpu.memory_space<vmem>>, vector<16xi32>,
          %broadcast_in_dim3A_1591 = arith.constant 96 : i32
          %broadcast_in_dim3A_1592 = vector.broadcast %broadcast_in_dim3A_1591 : i32 to vector<16xi32>
          %add3A_1593 = arith.addi %iota3A, %broadcast_in_dim3A_1592 : vector<16xi32>
          %add3A_1594 = arith.addi %add3A_1593, %broadcast_in_dim3A_7 : vector<16xi32>
          %multiple_of3A_1595 = arith.constant 96 : i32
          %multiple_of3A_1596 = tpu.assume_multiple %multiple_of3A_1595, 16 : i32
          %swap3A_1597 = arith.constant 1 : i32
          %swap3A_1598 = arith.index_cast %swap3A_1597 : i32 to index
          %swap3A_1599 = arith.index_cast %multiple_of3A_1596 : i32 to index
          %swap3A_1600 = tpu.vector_load %arg13[%swap3A_1598, %swap3A_1599] {strides = array<i32>} : memref<2x128xi32, #tpu.memory_space<vmem>>, vector<16xi32>,
          tpu.vector_store %arg13[%swap3A_1598, %swap3A_1599], %get3A_1590 {strides = array<i32>} : memref<2x128xi32, #tpu.memory_space<vmem>>, vector<16xi32>,
          %broadcast_in_dim3A_1601 = vector.broadcast %mul3A_4 : i32 to vector<16xi32>
          %add3A_1602 = arith.addi %add3A_1594, %broadcast_in_dim3A_1601 : vector<16xi32>
          %swap3A_1603 = arith.constant 1 : i32
          %swap3A_1604 = arith.index_cast %swap3A_1603 : i32 to index
          %swap3A_1605 = arith.index_cast %multiple_of3A_1596 : i32 to index
          %swap3A_1606 = tpu.vector_load %arg14[%swap3A_1604, %swap3A_1605] {strides = array<i32>} : memref<2x128xi32, #tpu.memory_space<vmem>>, vector<16xi32>,
          tpu.vector_store %arg14[%swap3A_1604, %swap3A_1605], %add3A_1602 {strides = array<i32>} : memref<2x128xi32, #tpu.memory_space<vmem>>, vector<16xi32>,
          %multiple_of3A_1607 = arith.constant 112 : i32
          %multiple_of3A_1608 = tpu.assume_multiple %multiple_of3A_1607, 16 : i32
          %get3A_1609 = arith.index_cast %sub3A_1459 : i32 to index
          %get3A_1610 = arith.index_cast %multiple_of3A_1608 : i32 to index
          %get3A_1611 = tpu.vector_load %arg11[%get3A_1609, %get3A_1610] {strides = array<i32>} : memref<20x512xi32, #tpu.memory_space<vmem>>, vector<16xi32>,
          %broadcast_in_dim3A_1612 = arith.constant 112 : i32
          %broadcast_in_dim3A_1613 = vector.broadcast %broadcast_in_dim3A_1612 : i32 to vector<16xi32>
          %add3A_1614 = arith.addi %iota3A, %broadcast_in_dim3A_1613 : vector<16xi32>
          %add3A_1615 = arith.addi %add3A_1614, %broadcast_in_dim3A_7 : vector<16xi32>
          %multiple_of3A_1616 = arith.constant 112 : i32
          %multiple_of3A_1617 = tpu.assume_multiple %multiple_of3A_1616, 16 : i32
          %swap3A_1618 = arith.constant 1 : i32
          %swap3A_1619 = arith.index_cast %swap3A_1618 : i32 to index
          %swap3A_1620 = arith.index_cast %multiple_of3A_1617 : i32 to index
          %swap3A_1621 = tpu.vector_load %arg13[%swap3A_1619, %swap3A_1620] {strides = array<i32>} : memref<2x128xi32, #tpu.memory_space<vmem>>, vector<16xi32>,
          tpu.vector_store %arg13[%swap3A_1619, %swap3A_1620], %get3A_1611 {strides = array<i32>} : memref<2x128xi32, #tpu.memory_space<vmem>>, vector<16xi32>,
          %broadcast_in_dim3A_1622 = vector.broadcast %mul3A_4 : i32 to vector<16xi32>
          %add3A_1623 = arith.addi %add3A_1615, %broadcast_in_dim3A_1622 : vector<16xi32>
          %swap3A_1624 = arith.constant 1 : i32
          %swap3A_1625 = arith.index_cast %swap3A_1624 : i32 to index
          %swap3A_1626 = arith.index_cast %multiple_of3A_1617 : i32 to index
          %swap3A_1627 = tpu.vector_load %arg14[%swap3A_1625, %swap3A_1626] {strides = array<i32>} : memref<2x128xi32, #tpu.memory_space<vmem>>, vector<16xi32>,
          tpu.vector_store %arg14[%swap3A_1625, %swap3A_1626], %add3A_1623 {strides = array<i32>} : memref<2x128xi32, #tpu.memory_space<vmem>>, vector<16xi32>,
          %dma_start3A_1628 = arith.constant 1 : i32
          %dma_start3A_1629 = arith.constant 1 : i32
          %dma_start3A_1630 = arith.constant 1 : i32
          %dma_start3A_1631 = arith.constant 0 : i32
          %dma_start3A_1632 = arith.constant 0 : i32
          %dma_start3A_1633 = tpu.memref_slice %arg8[%dma_start3A_1629, %dma_start3A_1631, %dma_start3A_1632] : memref<2x128x128xf32, #tpu.memory_space<vmem>> -> memref<1x128x128xf32, #tpu.memory_space<vmem>>
          %dma_start3A_1634 = tpu.memref_squeeze %dma_start3A_1633 : memref<1x128x128xf32, #tpu.memory_space<vmem>> -> memref<128x128xf32, #tpu.memory_space<vmem>>
          %dma_start3A_1635 = arith.constant 0 : i32
          %dma_start3A_1636 = tpu.memref_slice %arg13[%dma_start3A_1628, %dma_start3A_1635] : memref<2x128xi32, #tpu.memory_space<vmem>> -> memref<1x128xi32, #tpu.memory_space<vmem>>
          %dma_start3A_1637 = tpu.memref_squeeze %dma_start3A_1636 : memref<1x128xi32, #tpu.memory_space<vmem>> -> memref<128xi32, #tpu.memory_space<vmem>>
          %dma_start3A_1638 = arith.constant 0 : i32
          %dma_start3A_1639 = arith.constant 0 : i32
          %dma_start3A_1640 = tpu.memref_slice %arg5[%dma_start3A_1638, %dma_start3A_1639] : memref<2000000x128xf32, #tpu.memory_space<hbm>> -> memref<2000000x128xf32, #tpu.memory_space<hbm>>
          %dma_start3A_1641 = tpu.memref_slice %arg10[%dma_start3A_1630] : memref<2x!tpu.dma_semaphore, #tpu.memory_space<semaphore_mem>> -> memref<1x!tpu.dma_semaphore, #tpu.memory_space<semaphore_mem>>
          %dma_start3A_1642 = tpu.memref_squeeze %dma_start3A_1641 : memref<1x!tpu.dma_semaphore, #tpu.memory_space<semaphore_mem>> -> memref<!tpu.dma_semaphore, #tpu.memory_space<semaphore_mem>>
          tpu.enqueue_indirect_dma source(%dma_start3A_1640 : memref<2000000x128xf32, #tpu.memory_space<hbm>>) target(%dma_start3A_1634 : memref<128x128xf32, #tpu.memory_space<vmem>>) offsets(%dma_start3A_1637 : memref<128xi32, #tpu.memory_space<vmem>>) semaphore(%dma_start3A_1642 : memref<!tpu.dma_semaphore, #tpu.memory_space<semaphore_mem>>)
        } else {
        }
      } else {
      }
    }
    %scan3A_348 = arith.constant 21 : i32
    "tpu.region"() ({
      %run_scoped3A = tpu.sem_alloc : memref<!tpu.dma_semaphore, #tpu.memory_space<semaphore_mem>>
      %dma_start3A_1427 = arith.constant 0 : i32
      %dma_start3A_1428 = tpu.memref_slice %arg7[%mul3A_4, %dma_start3A_1427] : memref<2048x128xf32, #tpu.memory_space<vmem_shared>> -> memref<128x128xf32, #tpu.memory_space<vmem_shared>>
      %dma_start3A_1429 = arith.constant 0 : i32
      %dma_start3A_1430 = tpu.memref_slice %arg7[%mul3A_4, %dma_start3A_1429] : memref<2048x128xf32, #tpu.memory_space<vmem_shared>> -> memref<128x128xf32, #tpu.memory_space<vmem_shared>>
      tpu.enqueue_dma source(%dma_start3A_1430 : memref<128x128xf32, #tpu.memory_space<vmem_shared>>) target(%arg15 : memref<128x128xf32, #tpu.memory_space<vmem>>) target_semaphore(%run_scoped3A : memref<!tpu.dma_semaphore, #tpu.memory_space<semaphore_mem>>)
      %dma_wait3A = arith.constant 0 : i32
      %dma_wait3A_1431 = tpu.memref_slice %arg7[%mul3A_4, %dma_wait3A] : memref<2048x128xf32, #tpu.memory_space<vmem_shared>> -> memref<128x128xf32, #tpu.memory_space<vmem_shared>>
      %dma_wait3A_1432 = arith.constant 0 : i32
      %dma_wait3A_1433 = tpu.memref_slice %arg7[%mul3A_4, %dma_wait3A_1432] : memref<2048x128xf32, #tpu.memory_space<vmem_shared>> -> memref<128x128xf32, #tpu.memory_space<vmem_shared>>
      tpu.wait_dma2 semaphore(%run_scoped3A : memref<!tpu.dma_semaphore, #tpu.memory_space<semaphore_mem>>) src(%dma_wait3A_1433 : memref<128x128xf32, #tpu.memory_space<vmem_shared>>) dst(%arg15 : memref<128x128xf32, #tpu.memory_space<vmem>>)
      tpu.yield
    }) : () -> ()
    %scan3A_349 = arith.constant 0 : i32
    %scan3A_350 = arith.constant 0 : i32
    %scan3A_351 = arith.constant 128 : i32
    %scan3A_352 = arith.addi %scan3A_350, %scan3A_351 : i32
    %scan3A_353 = arith.constant 1 : i32
    scf.for %scan3A_1427 = %scan3A_350 to %scan3A_352 step %scan3A_353  : i32 {
      %multiple_of3A_1428 = arith.constant 0 : i32
      %multiple_of3A_1429 = tpu.assume_multiple %multiple_of3A_1428, 16 : i32
      %get3A_1430 = arith.index_cast %scan3A_1427 : i32 to index
      %get3A_1431 = arith.index_cast %multiple_of3A_1429 : i32 to index
      %get3A_1432 = tpu.vector_load %arg15[%get3A_1430, %get3A_1431] {strides = array<i32>} : memref<128x128xf32, #tpu.memory_space<vmem>>, vector<16xf32>,
      %mul3A_1433 = arith.constant 64 : i32
      %mul3A_1434 = arith.muli %scan3A_1427, %mul3A_1433 : i32
      %add3A_1435 = arith.addi %mul3A_1434, %multiple_of3A_1429 : i32
      %swap3A_1436 = arith.index_cast %add3A_1435 : i32 to index
      %swap3A_1437 = tpu.vector_load %arg12[%swap3A_1436] {strides = array<i32>} : memref<8192xf32, #tpu.memory_space<vmem>>, vector<16xf32>,
      tpu.vector_store %arg12[%swap3A_1436], %get3A_1432 {strides = array<i32>} : memref<8192xf32, #tpu.memory_space<vmem>>, vector<16xf32>,
      %multiple_of3A_1438 = arith.constant 16 : i32
      %multiple_of3A_1439 = tpu.assume_multiple %multiple_of3A_1438, 16 : i32
      %get3A_1440 = arith.index_cast %scan3A_1427 : i32 to index
      %get3A_1441 = arith.index_cast %multiple_of3A_1439 : i32 to index
      %get3A_1442 = tpu.vector_load %arg15[%get3A_1440, %get3A_1441] {strides = array<i32>} : memref<128x128xf32, #tpu.memory_space<vmem>>, vector<16xf32>,
      %mul3A_1443 = arith.constant 64 : i32
      %mul3A_1444 = arith.muli %scan3A_1427, %mul3A_1443 : i32
      %add3A_1445 = arith.addi %mul3A_1444, %multiple_of3A_1439 : i32
      %swap3A_1446 = arith.index_cast %add3A_1445 : i32 to index
      %swap3A_1447 = tpu.vector_load %arg12[%swap3A_1446] {strides = array<i32>} : memref<8192xf32, #tpu.memory_space<vmem>>, vector<16xf32>,
      tpu.vector_store %arg12[%swap3A_1446], %get3A_1442 {strides = array<i32>} : memref<8192xf32, #tpu.memory_space<vmem>>, vector<16xf32>,
      %multiple_of3A_1448 = arith.constant 32 : i32
      %multiple_of3A_1449 = tpu.assume_multiple %multiple_of3A_1448, 16 : i32
      %get3A_1450 = arith.index_cast %scan3A_1427 : i32 to index
      %get3A_1451 = arith.index_cast %multiple_of3A_1449 : i32 to index
      %get3A_1452 = tpu.vector_load %arg15[%get3A_1450, %get3A_1451] {strides = array<i32>} : memref<128x128xf32, #tpu.memory_space<vmem>>, vector<16xf32>,
      %mul3A_1453 = arith.constant 64 : i32
      %mul3A_1454 = arith.muli %scan3A_1427, %mul3A_1453 : i32
      %add3A_1455 = arith.addi %mul3A_1454, %multiple_of3A_1449 : i32
      %swap3A_1456 = arith.index_cast %add3A_1455 : i32 to index
      %swap3A_1457 = tpu.vector_load %arg12[%swap3A_1456] {strides = array<i32>} : memref<8192xf32, #tpu.memory_space<vmem>>, vector<16xf32>,
      tpu.vector_store %arg12[%swap3A_1456], %get3A_1452 {strides = array<i32>} : memref<8192xf32, #tpu.memory_space<vmem>>, vector<16xf32>,
      %multiple_of3A_1458 = arith.constant 48 : i32
      %multiple_of3A_1459 = tpu.assume_multiple %multiple_of3A_1458, 16 : i32
      %get3A_1460 = arith.index_cast %scan3A_1427 : i32 to index
      %get3A_1461 = arith.index_cast %multiple_of3A_1459 : i32 to index
      %get3A_1462 = tpu.vector_load %arg15[%get3A_1460, %get3A_1461] {strides = array<i32>} : memref<128x128xf32, #tpu.memory_space<vmem>>, vector<16xf32>,
      %mul3A_1463 = arith.constant 64 : i32
      %mul3A_1464 = arith.muli %scan3A_1427, %mul3A_1463 : i32
      %add3A_1465 = arith.addi %mul3A_1464, %multiple_of3A_1459 : i32
      %swap3A_1466 = arith.index_cast %add3A_1465 : i32 to index
      %swap3A_1467 = tpu.vector_load %arg12[%swap3A_1466] {strides = array<i32>} : memref<8192xf32, #tpu.memory_space<vmem>>, vector<16xf32>,
      tpu.vector_store %arg12[%swap3A_1466], %get3A_1462 {strides = array<i32>} : memref<8192xf32, #tpu.memory_space<vmem>>, vector<16xf32>,
    }
    %scan3A_354 = arith.constant 128 : i32
    %add3A_355 = arith.constant 0 : i32
    %add3A_356 = arith.addi %mul3A_2, %add3A_355 : i32
    %mul3A_357 = arith.constant 64 : i32
    %mul3A_358 = arith.muli %add3A_356, %mul3A_357 : i32
    "tpu.region"() ({
      %run_scoped3A = tpu.sem_alloc : memref<!tpu.dma_semaphore, #tpu.memory_space<semaphore_mem>>
      %dma_start3A_1427 = tpu.memref_slice %arg6[%mul3A_358] : memref<1048576xf32, #tpu.memory_space<hbm>> -> memref<8192xf32, #tpu.memory_space<hbm>>
      %dma_start3A_1428 = tpu.memref_slice %arg6[%mul3A_358] : memref<1048576xf32, #tpu.memory_space<hbm>> -> memref<8192xf32, #tpu.memory_space<hbm>>
      tpu.enqueue_dma source(%arg12 : memref<8192xf32, #tpu.memory_space<vmem>>) target(%dma_start3A_1428 : memref<8192xf32, #tpu.memory_space<hbm>>) target_semaphore(%run_scoped3A : memref<!tpu.dma_semaphore, #tpu.memory_space<semaphore_mem>>)
      %dma_wait3A = tpu.memref_slice %arg6[%mul3A_358] : memref<1048576xf32, #tpu.memory_space<hbm>> -> memref<8192xf32, #tpu.memory_space<hbm>>
      %dma_wait3A_1429 = tpu.memref_slice %arg6[%mul3A_358] : memref<1048576xf32, #tpu.memory_space<hbm>> -> memref<8192xf32, #tpu.memory_space<hbm>>
      tpu.wait_dma2 semaphore(%run_scoped3A : memref<!tpu.dma_semaphore, #tpu.memory_space<semaphore_mem>>) src(%arg12 : memref<8192xf32, #tpu.memory_space<vmem>>) dst(%dma_wait3A_1429 : memref<8192xf32, #tpu.memory_space<hbm>>)
      tpu.yield
    }) : () -> ()
    %scan3A_359 = arith.constant 0 : i32
    %scan3A_360 = arith.constant 0 : i32
    %scan3A_361 = arith.constant 1024 : i32
    %scan3A_362 = arith.addi %scan3A_360, %scan3A_361 : i32
    %scan3A_363 = arith.constant 1 : i32
    scf.for %scan3A_1427 = %scan3A_360 to %scan3A_362 step %scan3A_363  : i32 {
      %shift_right_logical3A = arith.constant 3 : i32
      %shift_right_logical3A_1428 = arith.shrui %scan3A_1427, %shift_right_logical3A : i32
      %and3A = arith.constant 7 : i32
      %and3A_1429 = arith.andi %scan3A_1427, %and3A : i32
      %mul3A_1430 = arith.constant 16 : i32
      %mul3A_1431 = arith.muli %and3A_1429, %mul3A_1430 : i32
      %multiple_of3A_1432 = tpu.assume_multiple %mul3A_1431, 16 : i32
      %broadcast_in_dim3A_1433 = arith.constant 0.000000e+00 : f32
      %broadcast_in_dim3A_1434 = vector.broadcast %broadcast_in_dim3A_1433 : f32 to vector<16xf32>
      %swap3A_1435 = arith.index_cast %shift_right_logical3A_1428 : i32 to index
      %swap3A_1436 = arith.index_cast %multiple_of3A_1432 : i32 to index
      %swap3A_1437 = tpu.vector_load %arg15[%swap3A_1435, %swap3A_1436] {strides = array<i32>} : memref<128x128xf32, #tpu.memory_space<vmem>>, vector<16xf32>,
      tpu.vector_store %arg15[%swap3A_1435, %swap3A_1436], %broadcast_in_dim3A_1434 {strides = array<i32>} : memref<128x128xf32, #tpu.memory_space<vmem>>, vector<16xf32>,
    }
    %scan3A_364 = arith.constant 1024 : i32
    "tpu.region"() ({
      %run_scoped3A = tpu.sem_alloc : memref<!tpu.dma_semaphore, #tpu.memory_space<semaphore_mem>>
      %dma_start3A_1427 = arith.constant 0 : i32
      %dma_start3A_1428 = tpu.memref_slice %arg7[%mul3A_4, %dma_start3A_1427] : memref<2048x128xf32, #tpu.memory_space<vmem_shared>> -> memref<128x128xf32, #tpu.memory_space<vmem_shared>>
      %dma_start3A_1429 = arith.constant 0 : i32
      %dma_start3A_1430 = tpu.memref_slice %arg7[%mul3A_4, %dma_start3A_1429] : memref<2048x128xf32, #tpu.memory_space<vmem_shared>> -> memref<128x128xf32, #tpu.memory_space<vmem_shared>>
      tpu.enqueue_dma source(%arg15 : memref<128x128xf32, #tpu.memory_space<vmem>>) target(%dma_start3A_1430 : memref<128x128xf32, #tpu.memory_space<vmem_shared>>) target_semaphore(%run_scoped3A : memref<!tpu.dma_semaphore, #tpu.memory_space<semaphore_mem>>)
      %dma_wait3A = arith.constant 0 : i32
      %dma_wait3A_1431 = tpu.memref_slice %arg7[%mul3A_4, %dma_wait3A] : memref<2048x128xf32, #tpu.memory_space<vmem_shared>> -> memref<128x128xf32, #tpu.memory_space<vmem_shared>>
      %dma_wait3A_1432 = arith.constant 0 : i32
      %dma_wait3A_1433 = tpu.memref_slice %arg7[%mul3A_4, %dma_wait3A_1432] : memref<2048x128xf32, #tpu.memory_space<vmem_shared>> -> memref<128x128xf32, #tpu.memory_space<vmem_shared>>
      tpu.wait_dma2 semaphore(%run_scoped3A : memref<!tpu.dma_semaphore, #tpu.memory_space<semaphore_mem>>) src(%arg15 : memref<128x128xf32, #tpu.memory_space<vmem>>) dst(%dma_wait3A_1433 : memref<128x128xf32, #tpu.memory_space<vmem_shared>>)
      tpu.yield
    }) : () -> ()
    %get3A_365 = arith.constant 128 : index
    %get3A_366 = tpu.vector_load %arg9[%get3A_365] {strides = array<i32>} : memref<512xi32, #tpu.memory_space<vmem>>, vector<16xi32>,
    %broadcast_in_dim3A_367 = arith.constant 0 : i32
    %broadcast_in_dim3A_368 = vector.broadcast %broadcast_in_dim3A_367 : i32 to vector<16xi32>
    %add3A_369 = arith.addi %iota3A, %broadcast_in_dim3A_368 : vector<16xi32>
    %add3A_370 = arith.addi %add3A_369, %broadcast_in_dim3A_7 : vector<16xi32>
    %multiple_of3A_371 = arith.constant 0 : i32
    %multiple_of3A_372 = tpu.assume_multiple %multiple_of3A_371, 16 : i32
    %swap3A_373 = arith.constant 0 : i32
    %swap3A_374 = arith.index_cast %swap3A_373 : i32 to index
    %swap3A_375 = arith.index_cast %multiple_of3A_372 : i32 to index
    %swap3A_376 = tpu.vector_load %arg13[%swap3A_374, %swap3A_375] {strides = array<i32>} : memref<2x128xi32, #tpu.memory_space<vmem>>, vector<16xi32>,
    tpu.vector_store %arg13[%swap3A_374, %swap3A_375], %get3A_366 {strides = array<i32>} : memref<2x128xi32, #tpu.memory_space<vmem>>, vector<16xi32>,
    %broadcast_in_dim3A_377 = vector.broadcast %mul3A_4 : i32 to vector<16xi32>
    %add3A_378 = arith.addi %add3A_370, %broadcast_in_dim3A_377 : vector<16xi32>
    %swap3A_379 = arith.constant 0 : i32
    %swap3A_380 = arith.index_cast %swap3A_379 : i32 to index
    %swap3A_381 = arith.index_cast %multiple_of3A_372 : i32 to index
    %swap3A_382 = tpu.vector_load %arg14[%swap3A_380, %swap3A_381] {strides = array<i32>} : memref<2x128xi32, #tpu.memory_space<vmem>>, vector<16xi32>,
    tpu.vector_store %arg14[%swap3A_380, %swap3A_381], %add3A_378 {strides = array<i32>} : memref<2x128xi32, #tpu.memory_space<vmem>>, vector<16xi32>,
    %get3A_383 = arith.constant 144 : index
    %get3A_384 = tpu.vector_load %arg9[%get3A_383] {strides = array<i32>} : memref<512xi32, #tpu.memory_space<vmem>>, vector<16xi32>,
    %broadcast_in_dim3A_385 = arith.constant 16 : i32
    %broadcast_in_dim3A_386 = vector.broadcast %broadcast_in_dim3A_385 : i32 to vector<16xi32>
    %add3A_387 = arith.addi %iota3A, %broadcast_in_dim3A_386 : vector<16xi32>
    %add3A_388 = arith.addi %add3A_387, %broadcast_in_dim3A_7 : vector<16xi32>
    %multiple_of3A_389 = arith.constant 16 : i32
    %multiple_of3A_390 = tpu.assume_multiple %multiple_of3A_389, 16 : i32
    %swap3A_391 = arith.constant 0 : i32
    %swap3A_392 = arith.index_cast %swap3A_391 : i32 to index
    %swap3A_393 = arith.index_cast %multiple_of3A_390 : i32 to index
    %swap3A_394 = tpu.vector_load %arg13[%swap3A_392, %swap3A_393] {strides = array<i32>} : memref<2x128xi32, #tpu.memory_space<vmem>>, vector<16xi32>,
    tpu.vector_store %arg13[%swap3A_392, %swap3A_393], %get3A_384 {strides = array<i32>} : memref<2x128xi32, #tpu.memory_space<vmem>>, vector<16xi32>,
    %broadcast_in_dim3A_395 = vector.broadcast %mul3A_4 : i32 to vector<16xi32>
    %add3A_396 = arith.addi %add3A_388, %broadcast_in_dim3A_395 : vector<16xi32>
    %swap3A_397 = arith.constant 0 : i32
    %swap3A_398 = arith.index_cast %swap3A_397 : i32 to index
    %swap3A_399 = arith.index_cast %multiple_of3A_390 : i32 to index
    %swap3A_400 = tpu.vector_load %arg14[%swap3A_398, %swap3A_399] {strides = array<i32>} : memref<2x128xi32, #tpu.memory_space<vmem>>, vector<16xi32>,
    tpu.vector_store %arg14[%swap3A_398, %swap3A_399], %add3A_396 {strides = array<i32>} : memref<2x128xi32, #tpu.memory_space<vmem>>, vector<16xi32>,
    %get3A_401 = arith.constant 160 : index
    %get3A_402 = tpu.vector_load %arg9[%get3A_401] {strides = array<i32>} : memref<512xi32, #tpu.memory_space<vmem>>, vector<16xi32>,
    %broadcast_in_dim3A_403 = arith.constant 32 : i32
    %broadcast_in_dim3A_404 = vector.broadcast %broadcast_in_dim3A_403 : i32 to vector<16xi32>
    %add3A_405 = arith.addi %iota3A, %broadcast_in_dim3A_404 : vector<16xi32>
    %add3A_406 = arith.addi %add3A_405, %broadcast_in_dim3A_7 : vector<16xi32>
    %multiple_of3A_407 = arith.constant 32 : i32
    %multiple_of3A_408 = tpu.assume_multiple %multiple_of3A_407, 16 : i32
    %swap3A_409 = arith.constant 0 : i32
    %swap3A_410 = arith.index_cast %swap3A_409 : i32 to index
    %swap3A_411 = arith.index_cast %multiple_of3A_408 : i32 to index
    %swap3A_412 = tpu.vector_load %arg13[%swap3A_410, %swap3A_411] {strides = array<i32>} : memref<2x128xi32, #tpu.memory_space<vmem>>, vector<16xi32>,
    tpu.vector_store %arg13[%swap3A_410, %swap3A_411], %get3A_402 {strides = array<i32>} : memref<2x128xi32, #tpu.memory_space<vmem>>, vector<16xi32>,
    %broadcast_in_dim3A_413 = vector.broadcast %mul3A_4 : i32 to vector<16xi32>
    %add3A_414 = arith.addi %add3A_406, %broadcast_in_dim3A_413 : vector<16xi32>
    %swap3A_415 = arith.constant 0 : i32
    %swap3A_416 = arith.index_cast %swap3A_415 : i32 to index
    %swap3A_417 = arith.index_cast %multiple_of3A_408 : i32 to index
    %swap3A_418 = tpu.vector_load %arg14[%swap3A_416, %swap3A_417] {strides = array<i32>} : memref<2x128xi32, #tpu.memory_space<vmem>>, vector<16xi32>,
    tpu.vector_store %arg14[%swap3A_416, %swap3A_417], %add3A_414 {strides = array<i32>} : memref<2x128xi32, #tpu.memory_space<vmem>>, vector<16xi32>,
    %get3A_419 = arith.constant 176 : index
    %get3A_420 = tpu.vector_load %arg9[%get3A_419] {strides = array<i32>} : memref<512xi32, #tpu.memory_space<vmem>>, vector<16xi32>,
    %broadcast_in_dim3A_421 = arith.constant 48 : i32
    %broadcast_in_dim3A_422 = vector.broadcast %broadcast_in_dim3A_421 : i32 to vector<16xi32>
    %add3A_423 = arith.addi %iota3A, %broadcast_in_dim3A_422 : vector<16xi32>
    %add3A_424 = arith.addi %add3A_423, %broadcast_in_dim3A_7 : vector<16xi32>
    %multiple_of3A_425 = arith.constant 48 : i32
    %multiple_of3A_426 = tpu.assume_multiple %multiple_of3A_425, 16 : i32
    %swap3A_427 = arith.constant 0 : i32
    %swap3A_428 = arith.index_cast %swap3A_427 : i32 to index
    %swap3A_429 = arith.index_cast %multiple_of3A_426 : i32 to index
    %swap3A_430 = tpu.vector_load %arg13[%swap3A_428, %swap3A_429] {strides = array<i32>} : memref<2x128xi32, #tpu.memory_space<vmem>>, vector<16xi32>,
    tpu.vector_store %arg13[%swap3A_428, %swap3A_429], %get3A_420 {strides = array<i32>} : memref<2x128xi32, #tpu.memory_space<vmem>>, vector<16xi32>,
    %broadcast_in_dim3A_431 = vector.broadcast %mul3A_4 : i32 to vector<16xi32>
    %add3A_432 = arith.addi %add3A_424, %broadcast_in_dim3A_431 : vector<16xi32>
    %swap3A_433 = arith.constant 0 : i32
    %swap3A_434 = arith.index_cast %swap3A_433 : i32 to index
    %swap3A_435 = arith.index_cast %multiple_of3A_426 : i32 to index
    %swap3A_436 = tpu.vector_load %arg14[%swap3A_434, %swap3A_435] {strides = array<i32>} : memref<2x128xi32, #tpu.memory_space<vmem>>, vector<16xi32>,
    tpu.vector_store %arg14[%swap3A_434, %swap3A_435], %add3A_432 {strides = array<i32>} : memref<2x128xi32, #tpu.memory_space<vmem>>, vector<16xi32>,
    %get3A_437 = arith.constant 192 : index
    %get3A_438 = tpu.vector_load %arg9[%get3A_437] {strides = array<i32>} : memref<512xi32, #tpu.memory_space<vmem>>, vector<16xi32>,
    %broadcast_in_dim3A_439 = arith.constant 64 : i32
    %broadcast_in_dim3A_440 = vector.broadcast %broadcast_in_dim3A_439 : i32 to vector<16xi32>
    %add3A_441 = arith.addi %iota3A, %broadcast_in_dim3A_440 : vector<16xi32>
    %add3A_442 = arith.addi %add3A_441, %broadcast_in_dim3A_7 : vector<16xi32>
    %multiple_of3A_443 = arith.constant 64 : i32
    %multiple_of3A_444 = tpu.assume_multiple %multiple_of3A_443, 16 : i32
    %swap3A_445 = arith.constant 0 : i32
    %swap3A_446 = arith.index_cast %swap3A_445 : i32 to index
    %swap3A_447 = arith.index_cast %multiple_of3A_444 : i32 to index
    %swap3A_448 = tpu.vector_load %arg13[%swap3A_446, %swap3A_447] {strides = array<i32>} : memref<2x128xi32, #tpu.memory_space<vmem>>, vector<16xi32>,
    tpu.vector_store %arg13[%swap3A_446, %swap3A_447], %get3A_438 {strides = array<i32>} : memref<2x128xi32, #tpu.memory_space<vmem>>, vector<16xi32>,
    %broadcast_in_dim3A_449 = vector.broadcast %mul3A_4 : i32 to vector<16xi32>
    %add3A_450 = arith.addi %add3A_442, %broadcast_in_dim3A_449 : vector<16xi32>
    %swap3A_451 = arith.constant 0 : i32
    %swap3A_452 = arith.index_cast %swap3A_451 : i32 to index
    %swap3A_453 = arith.index_cast %multiple_of3A_444 : i32 to index
    %swap3A_454 = tpu.vector_load %arg14[%swap3A_452, %swap3A_453] {strides = array<i32>} : memref<2x128xi32, #tpu.memory_space<vmem>>, vector<16xi32>,
    tpu.vector_store %arg14[%swap3A_452, %swap3A_453], %add3A_450 {strides = array<i32>} : memref<2x128xi32, #tpu.memory_space<vmem>>, vector<16xi32>,
    %get3A_455 = arith.constant 208 : index
    %get3A_456 = tpu.vector_load %arg9[%get3A_455] {strides = array<i32>} : memref<512xi32, #tpu.memory_space<vmem>>, vector<16xi32>,
    %broadcast_in_dim3A_457 = arith.constant 80 : i32
    %broadcast_in_dim3A_458 = vector.broadcast %broadcast_in_dim3A_457 : i32 to vector<16xi32>
    %add3A_459 = arith.addi %iota3A, %broadcast_in_dim3A_458 : vector<16xi32>
    %add3A_460 = arith.addi %add3A_459, %broadcast_in_dim3A_7 : vector<16xi32>
    %multiple_of3A_461 = arith.constant 80 : i32
    %multiple_of3A_462 = tpu.assume_multiple %multiple_of3A_461, 16 : i32
    %swap3A_463 = arith.constant 0 : i32
    %swap3A_464 = arith.index_cast %swap3A_463 : i32 to index
    %swap3A_465 = arith.index_cast %multiple_of3A_462 : i32 to index
    %swap3A_466 = tpu.vector_load %arg13[%swap3A_464, %swap3A_465] {strides = array<i32>} : memref<2x128xi32, #tpu.memory_space<vmem>>, vector<16xi32>,
    tpu.vector_store %arg13[%swap3A_464, %swap3A_465], %get3A_456 {strides = array<i32>} : memref<2x128xi32, #tpu.memory_space<vmem>>, vector<16xi32>,
    %broadcast_in_dim3A_467 = vector.broadcast %mul3A_4 : i32 to vector<16xi32>
    %add3A_468 = arith.addi %add3A_460, %broadcast_in_dim3A_467 : vector<16xi32>
    %swap3A_469 = arith.constant 0 : i32
    %swap3A_470 = arith.index_cast %swap3A_469 : i32 to index
    %swap3A_471 = arith.index_cast %multiple_of3A_462 : i32 to index
    %swap3A_472 = tpu.vector_load %arg14[%swap3A_470, %swap3A_471] {strides = array<i32>} : memref<2x128xi32, #tpu.memory_space<vmem>>, vector<16xi32>,
    tpu.vector_store %arg14[%swap3A_470, %swap3A_471], %add3A_468 {strides = array<i32>} : memref<2x128xi32, #tpu.memory_space<vmem>>, vector<16xi32>,
    %get3A_473 = arith.constant 224 : index
    %get3A_474 = tpu.vector_load %arg9[%get3A_473] {strides = array<i32>} : memref<512xi32, #tpu.memory_space<vmem>>, vector<16xi32>,
    %broadcast_in_dim3A_475 = arith.constant 96 : i32
    %broadcast_in_dim3A_476 = vector.broadcast %broadcast_in_dim3A_475 : i32 to vector<16xi32>
    %add3A_477 = arith.addi %iota3A, %broadcast_in_dim3A_476 : vector<16xi32>
    %add3A_478 = arith.addi %add3A_477, %broadcast_in_dim3A_7 : vector<16xi32>
    %multiple_of3A_479 = arith.constant 96 : i32
    %multiple_of3A_480 = tpu.assume_multiple %multiple_of3A_479, 16 : i32
    %swap3A_481 = arith.constant 0 : i32
    %swap3A_482 = arith.index_cast %swap3A_481 : i32 to index
    %swap3A_483 = arith.index_cast %multiple_of3A_480 : i32 to index
    %swap3A_484 = tpu.vector_load %arg13[%swap3A_482, %swap3A_483] {strides = array<i32>} : memref<2x128xi32, #tpu.memory_space<vmem>>, vector<16xi32>,
    tpu.vector_store %arg13[%swap3A_482, %swap3A_483], %get3A_474 {strides = array<i32>} : memref<2x128xi32, #tpu.memory_space<vmem>>, vector<16xi32>,
    %broadcast_in_dim3A_485 = vector.broadcast %mul3A_4 : i32 to vector<16xi32>
    %add3A_486 = arith.addi %add3A_478, %broadcast_in_dim3A_485 : vector<16xi32>
    %swap3A_487 = arith.constant 0 : i32
    %swap3A_488 = arith.index_cast %swap3A_487 : i32 to index
    %swap3A_489 = arith.index_cast %multiple_of3A_480 : i32 to index
    %swap3A_490 = tpu.vector_load %arg14[%swap3A_488, %swap3A_489] {strides = array<i32>} : memref<2x128xi32, #tpu.memory_space<vmem>>, vector<16xi32>,
    tpu.vector_store %arg14[%swap3A_488, %swap3A_489], %add3A_486 {strides = array<i32>} : memref<2x128xi32, #tpu.memory_space<vmem>>, vector<16xi32>,
    %get3A_491 = arith.constant 240 : index
    %get3A_492 = tpu.vector_load %arg9[%get3A_491] {strides = array<i32>} : memref<512xi32, #tpu.memory_space<vmem>>, vector<16xi32>,
    %broadcast_in_dim3A_493 = arith.constant 112 : i32
    %broadcast_in_dim3A_494 = vector.broadcast %broadcast_in_dim3A_493 : i32 to vector<16xi32>
    %add3A_495 = arith.addi %iota3A, %broadcast_in_dim3A_494 : vector<16xi32>
    %add3A_496 = arith.addi %add3A_495, %broadcast_in_dim3A_7 : vector<16xi32>
    %multiple_of3A_497 = arith.constant 112 : i32
    %multiple_of3A_498 = tpu.assume_multiple %multiple_of3A_497, 16 : i32
    %swap3A_499 = arith.constant 0 : i32
    %swap3A_500 = arith.index_cast %swap3A_499 : i32 to index
    %swap3A_501 = arith.index_cast %multiple_of3A_498 : i32 to index
    %swap3A_502 = tpu.vector_load %arg13[%swap3A_500, %swap3A_501] {strides = array<i32>} : memref<2x128xi32, #tpu.memory_space<vmem>>, vector<16xi32>,
    tpu.vector_store %arg13[%swap3A_500, %swap3A_501], %get3A_492 {strides = array<i32>} : memref<2x128xi32, #tpu.memory_space<vmem>>, vector<16xi32>,
    %broadcast_in_dim3A_503 = vector.broadcast %mul3A_4 : i32 to vector<16xi32>
    %add3A_504 = arith.addi %add3A_496, %broadcast_in_dim3A_503 : vector<16xi32>
    %swap3A_505 = arith.constant 0 : i32
    %swap3A_506 = arith.index_cast %swap3A_505 : i32 to index
    %swap3A_507 = arith.index_cast %multiple_of3A_498 : i32 to index
    %swap3A_508 = tpu.vector_load %arg14[%swap3A_506, %swap3A_507] {strides = array<i32>} : memref<2x128xi32, #tpu.memory_space<vmem>>, vector<16xi32>,
    tpu.vector_store %arg14[%swap3A_506, %swap3A_507], %add3A_504 {strides = array<i32>} : memref<2x128xi32, #tpu.memory_space<vmem>>, vector<16xi32>,
    %dma_start3A_509 = arith.constant 0 : i32
    %dma_start3A_510 = arith.constant 0 : i32
    %dma_start3A_511 = arith.constant 0 : i32
    %dma_start3A_512 = arith.constant 0 : i32
    %dma_start3A_513 = arith.constant 0 : i32
    %dma_start3A_514 = tpu.memref_slice %arg8[%dma_start3A_510, %dma_start3A_512, %dma_start3A_513] : memref<2x128x128xf32, #tpu.memory_space<vmem>> -> memref<1x128x128xf32, #tpu.memory_space<vmem>>
    %dma_start3A_515 = tpu.memref_squeeze %dma_start3A_514 : memref<1x128x128xf32, #tpu.memory_space<vmem>> -> memref<128x128xf32, #tpu.memory_space<vmem>>
    %dma_start3A_516 = arith.constant 0 : i32
    %dma_start3A_517 = tpu.memref_slice %arg13[%dma_start3A_509, %dma_start3A_516] : memref<2x128xi32, #tpu.memory_space<vmem>> -> memref<1x128xi32, #tpu.memory_space<vmem>>
    %dma_start3A_518 = tpu.memref_squeeze %dma_start3A_517 : memref<1x128xi32, #tpu.memory_space<vmem>> -> memref<128xi32, #tpu.memory_space<vmem>>
    %dma_start3A_519 = arith.constant 0 : i32
    %dma_start3A_520 = arith.constant 0 : i32
    %dma_start3A_521 = tpu.memref_slice %arg4[%dma_start3A_519, %dma_start3A_520] : memref<1000000x128xf32, #tpu.memory_space<hbm>> -> memref<1000000x128xf32, #tpu.memory_space<hbm>>
    %dma_start3A_522 = tpu.memref_slice %arg10[%dma_start3A_511] : memref<2x!tpu.dma_semaphore, #tpu.memory_space<semaphore_mem>> -> memref<1x!tpu.dma_semaphore, #tpu.memory_space<semaphore_mem>>
    %dma_start3A_523 = tpu.memref_squeeze %dma_start3A_522 : memref<1x!tpu.dma_semaphore, #tpu.memory_space<semaphore_mem>> -> memref<!tpu.dma_semaphore, #tpu.memory_space<semaphore_mem>>
    tpu.enqueue_indirect_dma source(%dma_start3A_521 : memref<1000000x128xf32, #tpu.memory_space<hbm>>) target(%dma_start3A_515 : memref<128x128xf32, #tpu.memory_space<vmem>>) offsets(%dma_start3A_518 : memref<128xi32, #tpu.memory_space<vmem>>) semaphore(%dma_start3A_523 : memref<!tpu.dma_semaphore, #tpu.memory_space<semaphore_mem>>)
    %get3A_524 = arith.constant 0 : i32
    %get3A_525 = arith.index_cast %get3A_524 : i32 to index
    %get3A_526 = arith.constant 128 : index
    %get3A_527 = tpu.vector_load %arg11[%get3A_525, %get3A_526] {strides = array<i32>} : memref<20x512xi32, #tpu.memory_space<vmem>>, vector<16xi32>,
    %broadcast_in_dim3A_528 = arith.constant 0 : i32
    %broadcast_in_dim3A_529 = vector.broadcast %broadcast_in_dim3A_528 : i32 to vector<16xi32>
    %add3A_530 = arith.addi %iota3A, %broadcast_in_dim3A_529 : vector<16xi32>
    %add3A_531 = arith.addi %add3A_530, %broadcast_in_dim3A_7 : vector<16xi32>
    %multiple_of3A_532 = arith.constant 0 : i32
    %multiple_of3A_533 = tpu.assume_multiple %multiple_of3A_532, 16 : i32
    %swap3A_534 = arith.constant 1 : i32
    %swap3A_535 = arith.index_cast %swap3A_534 : i32 to index
    %swap3A_536 = arith.index_cast %multiple_of3A_533 : i32 to index
    %swap3A_537 = tpu.vector_load %arg13[%swap3A_535, %swap3A_536] {strides = array<i32>} : memref<2x128xi32, #tpu.memory_space<vmem>>, vector<16xi32>,
    tpu.vector_store %arg13[%swap3A_535, %swap3A_536], %get3A_527 {strides = array<i32>} : memref<2x128xi32, #tpu.memory_space<vmem>>, vector<16xi32>,
    %broadcast_in_dim3A_538 = vector.broadcast %mul3A_4 : i32 to vector<16xi32>
    %add3A_539 = arith.addi %add3A_531, %broadcast_in_dim3A_538 : vector<16xi32>
    %swap3A_540 = arith.constant 1 : i32
    %swap3A_541 = arith.index_cast %swap3A_540 : i32 to index
    %swap3A_542 = arith.index_cast %multiple_of3A_533 : i32 to index
    %swap3A_543 = tpu.vector_load %arg14[%swap3A_541, %swap3A_542] {strides = array<i32>} : memref<2x128xi32, #tpu.memory_space<vmem>>, vector<16xi32>,
    tpu.vector_store %arg14[%swap3A_541, %swap3A_542], %add3A_539 {strides = array<i32>} : memref<2x128xi32, #tpu.memory_space<vmem>>, vector<16xi32>,
    %get3A_544 = arith.constant 0 : i32
    %get3A_545 = arith.index_cast %get3A_544 : i32 to index
    %get3A_546 = arith.constant 144 : index
    %get3A_547 = tpu.vector_load %arg11[%get3A_545, %get3A_546] {strides = array<i32>} : memref<20x512xi32, #tpu.memory_space<vmem>>, vector<16xi32>,
    %broadcast_in_dim3A_548 = arith.constant 16 : i32
    %broadcast_in_dim3A_549 = vector.broadcast %broadcast_in_dim3A_548 : i32 to vector<16xi32>
    %add3A_550 = arith.addi %iota3A, %broadcast_in_dim3A_549 : vector<16xi32>
    %add3A_551 = arith.addi %add3A_550, %broadcast_in_dim3A_7 : vector<16xi32>
    %multiple_of3A_552 = arith.constant 16 : i32
    %multiple_of3A_553 = tpu.assume_multiple %multiple_of3A_552, 16 : i32
    %swap3A_554 = arith.constant 1 : i32
    %swap3A_555 = arith.index_cast %swap3A_554 : i32 to index
    %swap3A_556 = arith.index_cast %multiple_of3A_553 : i32 to index
    %swap3A_557 = tpu.vector_load %arg13[%swap3A_555, %swap3A_556] {strides = array<i32>} : memref<2x128xi32, #tpu.memory_space<vmem>>, vector<16xi32>,
    tpu.vector_store %arg13[%swap3A_555, %swap3A_556], %get3A_547 {strides = array<i32>} : memref<2x128xi32, #tpu.memory_space<vmem>>, vector<16xi32>,
    %broadcast_in_dim3A_558 = vector.broadcast %mul3A_4 : i32 to vector<16xi32>
    %add3A_559 = arith.addi %add3A_551, %broadcast_in_dim3A_558 : vector<16xi32>
    %swap3A_560 = arith.constant 1 : i32
    %swap3A_561 = arith.index_cast %swap3A_560 : i32 to index
    %swap3A_562 = arith.index_cast %multiple_of3A_553 : i32 to index
    %swap3A_563 = tpu.vector_load %arg14[%swap3A_561, %swap3A_562] {strides = array<i32>} : memref<2x128xi32, #tpu.memory_space<vmem>>, vector<16xi32>,
    tpu.vector_store %arg14[%swap3A_561, %swap3A_562], %add3A_559 {strides = array<i32>} : memref<2x128xi32, #tpu.memory_space<vmem>>, vector<16xi32>,
    %get3A_564 = arith.constant 0 : i32
    %get3A_565 = arith.index_cast %get3A_564 : i32 to index
    %get3A_566 = arith.constant 160 : index
    %get3A_567 = tpu.vector_load %arg11[%get3A_565, %get3A_566] {strides = array<i32>} : memref<20x512xi32, #tpu.memory_space<vmem>>, vector<16xi32>,
    %broadcast_in_dim3A_568 = arith.constant 32 : i32
    %broadcast_in_dim3A_569 = vector.broadcast %broadcast_in_dim3A_568 : i32 to vector<16xi32>
    %add3A_570 = arith.addi %iota3A, %broadcast_in_dim3A_569 : vector<16xi32>
    %add3A_571 = arith.addi %add3A_570, %broadcast_in_dim3A_7 : vector<16xi32>
    %multiple_of3A_572 = arith.constant 32 : i32
    %multiple_of3A_573 = tpu.assume_multiple %multiple_of3A_572, 16 : i32
    %swap3A_574 = arith.constant 1 : i32
    %swap3A_575 = arith.index_cast %swap3A_574 : i32 to index
    %swap3A_576 = arith.index_cast %multiple_of3A_573 : i32 to index
    %swap3A_577 = tpu.vector_load %arg13[%swap3A_575, %swap3A_576] {strides = array<i32>} : memref<2x128xi32, #tpu.memory_space<vmem>>, vector<16xi32>,
    tpu.vector_store %arg13[%swap3A_575, %swap3A_576], %get3A_567 {strides = array<i32>} : memref<2x128xi32, #tpu.memory_space<vmem>>, vector<16xi32>,
    %broadcast_in_dim3A_578 = vector.broadcast %mul3A_4 : i32 to vector<16xi32>
    %add3A_579 = arith.addi %add3A_571, %broadcast_in_dim3A_578 : vector<16xi32>
    %swap3A_580 = arith.constant 1 : i32
    %swap3A_581 = arith.index_cast %swap3A_580 : i32 to index
    %swap3A_582 = arith.index_cast %multiple_of3A_573 : i32 to index
    %swap3A_583 = tpu.vector_load %arg14[%swap3A_581, %swap3A_582] {strides = array<i32>} : memref<2x128xi32, #tpu.memory_space<vmem>>, vector<16xi32>,
    tpu.vector_store %arg14[%swap3A_581, %swap3A_582], %add3A_579 {strides = array<i32>} : memref<2x128xi32, #tpu.memory_space<vmem>>, vector<16xi32>,
    %get3A_584 = arith.constant 0 : i32
    %get3A_585 = arith.index_cast %get3A_584 : i32 to index
    %get3A_586 = arith.constant 176 : index
    %get3A_587 = tpu.vector_load %arg11[%get3A_585, %get3A_586] {strides = array<i32>} : memref<20x512xi32, #tpu.memory_space<vmem>>, vector<16xi32>,
    %broadcast_in_dim3A_588 = arith.constant 48 : i32
    %broadcast_in_dim3A_589 = vector.broadcast %broadcast_in_dim3A_588 : i32 to vector<16xi32>
    %add3A_590 = arith.addi %iota3A, %broadcast_in_dim3A_589 : vector<16xi32>
    %add3A_591 = arith.addi %add3A_590, %broadcast_in_dim3A_7 : vector<16xi32>
    %multiple_of3A_592 = arith.constant 48 : i32
    %multiple_of3A_593 = tpu.assume_multiple %multiple_of3A_592, 16 : i32
    %swap3A_594 = arith.constant 1 : i32
    %swap3A_595 = arith.index_cast %swap3A_594 : i32 to index
    %swap3A_596 = arith.index_cast %multiple_of3A_593 : i32 to index
    %swap3A_597 = tpu.vector_load %arg13[%swap3A_595, %swap3A_596] {strides = array<i32>} : memref<2x128xi32, #tpu.memory_space<vmem>>, vector<16xi32>,
    tpu.vector_store %arg13[%swap3A_595, %swap3A_596], %get3A_587 {strides = array<i32>} : memref<2x128xi32, #tpu.memory_space<vmem>>, vector<16xi32>,
    %broadcast_in_dim3A_598 = vector.broadcast %mul3A_4 : i32 to vector<16xi32>
    %add3A_599 = arith.addi %add3A_591, %broadcast_in_dim3A_598 : vector<16xi32>
    %swap3A_600 = arith.constant 1 : i32
    %swap3A_601 = arith.index_cast %swap3A_600 : i32 to index
    %swap3A_602 = arith.index_cast %multiple_of3A_593 : i32 to index
    %swap3A_603 = tpu.vector_load %arg14[%swap3A_601, %swap3A_602] {strides = array<i32>} : memref<2x128xi32, #tpu.memory_space<vmem>>, vector<16xi32>,
    tpu.vector_store %arg14[%swap3A_601, %swap3A_602], %add3A_599 {strides = array<i32>} : memref<2x128xi32, #tpu.memory_space<vmem>>, vector<16xi32>,
    %get3A_604 = arith.constant 0 : i32
    %get3A_605 = arith.index_cast %get3A_604 : i32 to index
    %get3A_606 = arith.constant 192 : index
    %get3A_607 = tpu.vector_load %arg11[%get3A_605, %get3A_606] {strides = array<i32>} : memref<20x512xi32, #tpu.memory_space<vmem>>, vector<16xi32>,
    %broadcast_in_dim3A_608 = arith.constant 64 : i32
    %broadcast_in_dim3A_609 = vector.broadcast %broadcast_in_dim3A_608 : i32 to vector<16xi32>
    %add3A_610 = arith.addi %iota3A, %broadcast_in_dim3A_609 : vector<16xi32>
    %add3A_611 = arith.addi %add3A_610, %broadcast_in_dim3A_7 : vector<16xi32>
    %multiple_of3A_612 = arith.constant 64 : i32
    %multiple_of3A_613 = tpu.assume_multiple %multiple_of3A_612, 16 : i32
    %swap3A_614 = arith.constant 1 : i32
    %swap3A_615 = arith.index_cast %swap3A_614 : i32 to index
    %swap3A_616 = arith.index_cast %multiple_of3A_613 : i32 to index
    %swap3A_617 = tpu.vector_load %arg13[%swap3A_615, %swap3A_616] {strides = array<i32>} : memref<2x128xi32, #tpu.memory_space<vmem>>, vector<16xi32>,
    tpu.vector_store %arg13[%swap3A_615, %swap3A_616], %get3A_607 {strides = array<i32>} : memref<2x128xi32, #tpu.memory_space<vmem>>, vector<16xi32>,
    %broadcast_in_dim3A_618 = vector.broadcast %mul3A_4 : i32 to vector<16xi32>
    %add3A_619 = arith.addi %add3A_611, %broadcast_in_dim3A_618 : vector<16xi32>
    %swap3A_620 = arith.constant 1 : i32
    %swap3A_621 = arith.index_cast %swap3A_620 : i32 to index
    %swap3A_622 = arith.index_cast %multiple_of3A_613 : i32 to index
    %swap3A_623 = tpu.vector_load %arg14[%swap3A_621, %swap3A_622] {strides = array<i32>} : memref<2x128xi32, #tpu.memory_space<vmem>>, vector<16xi32>,
    tpu.vector_store %arg14[%swap3A_621, %swap3A_622], %add3A_619 {strides = array<i32>} : memref<2x128xi32, #tpu.memory_space<vmem>>, vector<16xi32>,
    %get3A_624 = arith.constant 0 : i32
    %get3A_625 = arith.index_cast %get3A_624 : i32 to index
    %get3A_626 = arith.constant 208 : index
    %get3A_627 = tpu.vector_load %arg11[%get3A_625, %get3A_626] {strides = array<i32>} : memref<20x512xi32, #tpu.memory_space<vmem>>, vector<16xi32>,
    %broadcast_in_dim3A_628 = arith.constant 80 : i32
    %broadcast_in_dim3A_629 = vector.broadcast %broadcast_in_dim3A_628 : i32 to vector<16xi32>
    %add3A_630 = arith.addi %iota3A, %broadcast_in_dim3A_629 : vector<16xi32>
    %add3A_631 = arith.addi %add3A_630, %broadcast_in_dim3A_7 : vector<16xi32>
    %multiple_of3A_632 = arith.constant 80 : i32
    %multiple_of3A_633 = tpu.assume_multiple %multiple_of3A_632, 16 : i32
    %swap3A_634 = arith.constant 1 : i32
    %swap3A_635 = arith.index_cast %swap3A_634 : i32 to index
    %swap3A_636 = arith.index_cast %multiple_of3A_633 : i32 to index
    %swap3A_637 = tpu.vector_load %arg13[%swap3A_635, %swap3A_636] {strides = array<i32>} : memref<2x128xi32, #tpu.memory_space<vmem>>, vector<16xi32>,
    tpu.vector_store %arg13[%swap3A_635, %swap3A_636], %get3A_627 {strides = array<i32>} : memref<2x128xi32, #tpu.memory_space<vmem>>, vector<16xi32>,
    %broadcast_in_dim3A_638 = vector.broadcast %mul3A_4 : i32 to vector<16xi32>
    %add3A_639 = arith.addi %add3A_631, %broadcast_in_dim3A_638 : vector<16xi32>
    %swap3A_640 = arith.constant 1 : i32
    %swap3A_641 = arith.index_cast %swap3A_640 : i32 to index
    %swap3A_642 = arith.index_cast %multiple_of3A_633 : i32 to index
    %swap3A_643 = tpu.vector_load %arg14[%swap3A_641, %swap3A_642] {strides = array<i32>} : memref<2x128xi32, #tpu.memory_space<vmem>>, vector<16xi32>,
    tpu.vector_store %arg14[%swap3A_641, %swap3A_642], %add3A_639 {strides = array<i32>} : memref<2x128xi32, #tpu.memory_space<vmem>>, vector<16xi32>,
    %get3A_644 = arith.constant 0 : i32
    %get3A_645 = arith.index_cast %get3A_644 : i32 to index
    %get3A_646 = arith.constant 224 : index
    %get3A_647 = tpu.vector_load %arg11[%get3A_645, %get3A_646] {strides = array<i32>} : memref<20x512xi32, #tpu.memory_space<vmem>>, vector<16xi32>,
    %broadcast_in_dim3A_648 = arith.constant 96 : i32
    %broadcast_in_dim3A_649 = vector.broadcast %broadcast_in_dim3A_648 : i32 to vector<16xi32>
    %add3A_650 = arith.addi %iota3A, %broadcast_in_dim3A_649 : vector<16xi32>
    %add3A_651 = arith.addi %add3A_650, %broadcast_in_dim3A_7 : vector<16xi32>
    %multiple_of3A_652 = arith.constant 96 : i32
    %multiple_of3A_653 = tpu.assume_multiple %multiple_of3A_652, 16 : i32
    %swap3A_654 = arith.constant 1 : i32
    %swap3A_655 = arith.index_cast %swap3A_654 : i32 to index
    %swap3A_656 = arith.index_cast %multiple_of3A_653 : i32 to index
    %swap3A_657 = tpu.vector_load %arg13[%swap3A_655, %swap3A_656] {strides = array<i32>} : memref<2x128xi32, #tpu.memory_space<vmem>>, vector<16xi32>,
    tpu.vector_store %arg13[%swap3A_655, %swap3A_656], %get3A_647 {strides = array<i32>} : memref<2x128xi32, #tpu.memory_space<vmem>>, vector<16xi32>,
    %broadcast_in_dim3A_658 = vector.broadcast %mul3A_4 : i32 to vector<16xi32>
    %add3A_659 = arith.addi %add3A_651, %broadcast_in_dim3A_658 : vector<16xi32>
    %swap3A_660 = arith.constant 1 : i32
    %swap3A_661 = arith.index_cast %swap3A_660 : i32 to index
    %swap3A_662 = arith.index_cast %multiple_of3A_653 : i32 to index
    %swap3A_663 = tpu.vector_load %arg14[%swap3A_661, %swap3A_662] {strides = array<i32>} : memref<2x128xi32, #tpu.memory_space<vmem>>, vector<16xi32>,
    tpu.vector_store %arg14[%swap3A_661, %swap3A_662], %add3A_659 {strides = array<i32>} : memref<2x128xi32, #tpu.memory_space<vmem>>, vector<16xi32>,
    %get3A_664 = arith.constant 0 : i32
    %get3A_665 = arith.index_cast %get3A_664 : i32 to index
    %get3A_666 = arith.constant 240 : index
    %get3A_667 = tpu.vector_load %arg11[%get3A_665, %get3A_666] {strides = array<i32>} : memref<20x512xi32, #tpu.memory_space<vmem>>, vector<16xi32>,
    %broadcast_in_dim3A_668 = arith.constant 112 : i32
    %broadcast_in_dim3A_669 = vector.broadcast %broadcast_in_dim3A_668 : i32 to vector<16xi32>
    %add3A_670 = arith.addi %iota3A, %broadcast_in_dim3A_669 : vector<16xi32>
    %add3A_671 = arith.addi %add3A_670, %broadcast_in_dim3A_7 : vector<16xi32>
    %multiple_of3A_672 = arith.constant 112 : i32
    %multiple_of3A_673 = tpu.assume_multiple %multiple_of3A_672, 16 : i32
    %swap3A_674 = arith.constant 1 : i32
    %swap3A_675 = arith.index_cast %swap3A_674 : i32 to index
    %swap3A_676 = arith.index_cast %multiple_of3A_673 : i32 to index
    %swap3A_677 = tpu.vector_load %arg13[%swap3A_675, %swap3A_676] {strides = array<i32>} : memref<2x128xi32, #tpu.memory_space<vmem>>, vector<16xi32>,
    tpu.vector_store %arg13[%swap3A_675, %swap3A_676], %get3A_667 {strides = array<i32>} : memref<2x128xi32, #tpu.memory_space<vmem>>, vector<16xi32>,
    %broadcast_in_dim3A_678 = vector.broadcast %mul3A_4 : i32 to vector<16xi32>
    %add3A_679 = arith.addi %add3A_671, %broadcast_in_dim3A_678 : vector<16xi32>
    %swap3A_680 = arith.constant 1 : i32
    %swap3A_681 = arith.index_cast %swap3A_680 : i32 to index
    %swap3A_682 = arith.index_cast %multiple_of3A_673 : i32 to index
    %swap3A_683 = tpu.vector_load %arg14[%swap3A_681, %swap3A_682] {strides = array<i32>} : memref<2x128xi32, #tpu.memory_space<vmem>>, vector<16xi32>,
    tpu.vector_store %arg14[%swap3A_681, %swap3A_682], %add3A_679 {strides = array<i32>} : memref<2x128xi32, #tpu.memory_space<vmem>>, vector<16xi32>,
    %dma_start3A_684 = arith.constant 1 : i32
    %dma_start3A_685 = arith.constant 1 : i32
    %dma_start3A_686 = arith.constant 1 : i32
    %dma_start3A_687 = arith.constant 0 : i32
    %dma_start3A_688 = arith.constant 0 : i32
    %dma_start3A_689 = tpu.memref_slice %arg8[%dma_start3A_685, %dma_start3A_687, %dma_start3A_688] : memref<2x128x128xf32, #tpu.memory_space<vmem>> -> memref<1x128x128xf32, #tpu.memory_space<vmem>>
    %dma_start3A_690 = tpu.memref_squeeze %dma_start3A_689 : memref<1x128x128xf32, #tpu.memory_space<vmem>> -> memref<128x128xf32, #tpu.memory_space<vmem>>
    %dma_start3A_691 = arith.constant 0 : i32
    %dma_start3A_692 = tpu.memref_slice %arg13[%dma_start3A_684, %dma_start3A_691] : memref<2x128xi32, #tpu.memory_space<vmem>> -> memref<1x128xi32, #tpu.memory_space<vmem>>
    %dma_start3A_693 = tpu.memref_squeeze %dma_start3A_692 : memref<1x128xi32, #tpu.memory_space<vmem>> -> memref<128xi32, #tpu.memory_space<vmem>>
    %dma_start3A_694 = arith.constant 0 : i32
    %dma_start3A_695 = arith.constant 0 : i32
    %dma_start3A_696 = tpu.memref_slice %arg5[%dma_start3A_694, %dma_start3A_695] : memref<2000000x128xf32, #tpu.memory_space<hbm>> -> memref<2000000x128xf32, #tpu.memory_space<hbm>>
    %dma_start3A_697 = tpu.memref_slice %arg10[%dma_start3A_686] : memref<2x!tpu.dma_semaphore, #tpu.memory_space<semaphore_mem>> -> memref<1x!tpu.dma_semaphore, #tpu.memory_space<semaphore_mem>>
    %dma_start3A_698 = tpu.memref_squeeze %dma_start3A_697 : memref<1x!tpu.dma_semaphore, #tpu.memory_space<semaphore_mem>> -> memref<!tpu.dma_semaphore, #tpu.memory_space<semaphore_mem>>
    tpu.enqueue_indirect_dma source(%dma_start3A_696 : memref<2000000x128xf32, #tpu.memory_space<hbm>>) target(%dma_start3A_690 : memref<128x128xf32, #tpu.memory_space<vmem>>) offsets(%dma_start3A_693 : memref<128xi32, #tpu.memory_space<vmem>>) semaphore(%dma_start3A_698 : memref<!tpu.dma_semaphore, #tpu.memory_space<semaphore_mem>>)
    %scan3A_699 = arith.constant 0 : i32
    %scan3A_700 = arith.constant 0 : i32
    %scan3A_701 = arith.constant 21 : i32
    %scan3A_702 = arith.addi %scan3A_700, %scan3A_701 : i32
    %scan3A_703 = arith.constant 1 : i32
    scf.for %scan3A_1427 = %scan3A_700 to %scan3A_702 step %scan3A_703  : i32 {
      %rem3A = arith.constant 2 : i32
      %rem3A_1428 = arith.remsi %scan3A_1427, %rem3A : i32
      %eq3A = arith.constant 0 : i32
      %eq3A_1429 = arith.cmpi eq, %rem3A_1428, %eq3A : i32
      %convert_element_type3A = arith.extui %eq3A_1429 : i1 to i32
      %cond3A = arith.constant 0 : i32
      %cond3A_1430 = arith.cmpi ne, %convert_element_type3A, %cond3A : i32
      scf.if %cond3A_1430 {
        %dma_wait3A = arith.constant 0 : i32
        %dma_wait3A_1436 = arith.constant 0 : i32
        %dma_wait3A_1437 = arith.constant 0 : i32
        %dma_wait3A_1438 = arith.constant 0 : i32
        %dma_wait3A_1439 = arith.constant 0 : i32
        %dma_wait3A_1440 = tpu.memref_slice %arg8[%dma_wait3A_1436, %dma_wait3A_1438, %dma_wait3A_1439] : memref<2x128x128xf32, #tpu.memory_space<vmem>> -> memref<1x128x128xf32, #tpu.memory_space<vmem>>
        %dma_wait3A_1441 = tpu.memref_squeeze %dma_wait3A_1440 : memref<1x128x128xf32, #tpu.memory_space<vmem>> -> memref<128x128xf32, #tpu.memory_space<vmem>>
        %dma_wait3A_1442 = arith.constant 0 : i32
        %dma_wait3A_1443 = tpu.memref_slice %arg13[%dma_wait3A, %dma_wait3A_1442] : memref<2x128xi32, #tpu.memory_space<vmem>> -> memref<1x128xi32, #tpu.memory_space<vmem>>
        %dma_wait3A_1444 = tpu.memref_squeeze %dma_wait3A_1443 : memref<1x128xi32, #tpu.memory_space<vmem>> -> memref<128xi32, #tpu.memory_space<vmem>>
        %dma_wait3A_1445 = arith.constant 0 : i32
        %dma_wait3A_1446 = arith.constant 0 : i32
        %dma_wait3A_1447 = tpu.memref_slice %arg5[%dma_wait3A_1445, %dma_wait3A_1446] : memref<2000000x128xf32, #tpu.memory_space<hbm>> -> memref<2000000x128xf32, #tpu.memory_space<hbm>>
        %dma_wait3A_1448 = tpu.memref_slice %arg10[%dma_wait3A_1437] : memref<2x!tpu.dma_semaphore, #tpu.memory_space<semaphore_mem>> -> memref<1x!tpu.dma_semaphore, #tpu.memory_space<semaphore_mem>>
        %dma_wait3A_1449 = tpu.memref_squeeze %dma_wait3A_1448 : memref<1x!tpu.dma_semaphore, #tpu.memory_space<semaphore_mem>> -> memref<!tpu.dma_semaphore, #tpu.memory_space<semaphore_mem>>
        tpu.wait_indirect_dma semaphore(%dma_wait3A_1449 : memref<!tpu.dma_semaphore, #tpu.memory_space<semaphore_mem>>) src(%dma_wait3A_1447 : memref<2000000x128xf32, #tpu.memory_space<hbm>>) dst(%dma_wait3A_1441 : memref<128x128xf32, #tpu.memory_space<vmem>>)
        %run_scoped3A = arith.constant 0 : i32
        %run_scoped3A_1450 = arith.constant 0 : i32
        "tpu.region"() ({
          %run_scoped3A_1457 = tpu.sem_alloc : memref<!tpu.dma_semaphore, #tpu.memory_space<semaphore_mem>>
          %dma_start3A_1458 = arith.constant 0 : i32
          %dma_start3A_1459 = arith.constant 0 : i32
          %dma_start3A_1460 = tpu.memref_slice %arg8[%run_scoped3A, %dma_start3A_1458, %dma_start3A_1459] : memref<2x128x128xf32, #tpu.memory_space<vmem>> -> memref<1x128x128xf32, #tpu.memory_space<vmem>>
          %dma_start3A_1461 = tpu.memref_squeeze %dma_start3A_1460 : memref<1x128x128xf32, #tpu.memory_space<vmem>> -> memref<128x128xf32, #tpu.memory_space<vmem>>
          %dma_start3A_1462 = arith.constant 0 : i32
          %dma_start3A_1463 = tpu.memref_slice %arg14[%run_scoped3A_1450, %dma_start3A_1462] : memref<2x128xi32, #tpu.memory_space<vmem>> -> memref<1x128xi32, #tpu.memory_space<vmem>>
          %dma_start3A_1464 = tpu.memref_squeeze %dma_start3A_1463 : memref<1x128xi32, #tpu.memory_space<vmem>> -> memref<128xi32, #tpu.memory_space<vmem>>
          %dma_start3A_1465 = arith.constant 0 : i32
          %dma_start3A_1466 = arith.constant 0 : i32
          %dma_start3A_1467 = tpu.memref_slice %arg7[%dma_start3A_1465, %dma_start3A_1466] : memref<2048x128xf32, #tpu.memory_space<vmem_shared>> -> memref<2048x128xf32, #tpu.memory_space<vmem_shared>>
          tpu.enqueue_indirect_dma source(%dma_start3A_1461 : memref<128x128xf32, #tpu.memory_space<vmem>>) target(%dma_start3A_1467 : memref<2048x128xf32, #tpu.memory_space<vmem_shared>>) offsets(%dma_start3A_1464 : memref<128xi32, #tpu.memory_space<vmem>>) semaphore(%run_scoped3A_1457 : memref<!tpu.dma_semaphore, #tpu.memory_space<semaphore_mem>>) {add = true}
          %dma_wait3A_1468 = arith.constant 0 : i32
          %dma_wait3A_1469 = arith.constant 0 : i32
          %dma_wait3A_1470 = tpu.memref_slice %arg8[%run_scoped3A, %dma_wait3A_1468, %dma_wait3A_1469] : memref<2x128x128xf32, #tpu.memory_space<vmem>> -> memref<1x128x128xf32, #tpu.memory_space<vmem>>
          %dma_wait3A_1471 = tpu.memref_squeeze %dma_wait3A_1470 : memref<1x128x128xf32, #tpu.memory_space<vmem>> -> memref<128x128xf32, #tpu.memory_space<vmem>>
          %dma_wait3A_1472 = arith.constant 0 : i32
          %dma_wait3A_1473 = tpu.memref_slice %arg14[%run_scoped3A_1450, %dma_wait3A_1472] : memref<2x128xi32, #tpu.memory_space<vmem>> -> memref<1x128xi32, #tpu.memory_space<vmem>>
          %dma_wait3A_1474 = tpu.memref_squeeze %dma_wait3A_1473 : memref<1x128xi32, #tpu.memory_space<vmem>> -> memref<128xi32, #tpu.memory_space<vmem>>
          %dma_wait3A_1475 = arith.constant 0 : i32
          %dma_wait3A_1476 = arith.constant 0 : i32
          %dma_wait3A_1477 = tpu.memref_slice %arg7[%dma_wait3A_1475, %dma_wait3A_1476] : memref<2048x128xf32, #tpu.memory_space<vmem_shared>> -> memref<2048x128xf32, #tpu.memory_space<vmem_shared>>
          tpu.wait_indirect_dma semaphore(%run_scoped3A_1457 : memref<!tpu.dma_semaphore, #tpu.memory_space<semaphore_mem>>) src(%dma_wait3A_1471 : memref<128x128xf32, #tpu.memory_space<vmem>>) dst(%dma_wait3A_1477 : memref<2048x128xf32, #tpu.memory_space<vmem_shared>>)
          tpu.yield
        }) : () -> ()
        %add3A_1451 = arith.constant 2 : i32
        %add3A_1452 = arith.addi %scan3A_1427, %add3A_1451 : i32
        %lt3A = arith.constant 21 : i32
        %lt3A_1453 = arith.cmpi slt, %add3A_1452, %lt3A : i32
        %convert_element_type3A_1454 = arith.extui %lt3A_1453 : i1 to i32
        %cond3A_1455 = arith.constant 0 : i32
        %cond3A_1456 = arith.cmpi ne, %convert_element_type3A_1454, %cond3A_1455 : i32
        scf.if %cond3A_1456 {
          %add3A_1457 = arith.constant 2 : i32
          %add3A_1458 = arith.addi %scan3A_1427, %add3A_1457 : i32
          %sub3A = arith.constant 1 : i32
          %sub3A_1459 = arith.subi %add3A_1458, %sub3A : i32
          %multiple_of3A_1460 = arith.constant 128 : i32
          %multiple_of3A_1461 = tpu.assume_multiple %multiple_of3A_1460, 16 : i32
          %get3A_1462 = arith.index_cast %sub3A_1459 : i32 to index
          %get3A_1463 = arith.index_cast %multiple_of3A_1461 : i32 to index
          %get3A_1464 = tpu.vector_load %arg11[%get3A_1462, %get3A_1463] {strides = array<i32>} : memref<20x512xi32, #tpu.memory_space<vmem>>, vector<16xi32>,
          %broadcast_in_dim3A_1465 = arith.constant 0 : i32
          %broadcast_in_dim3A_1466 = vector.broadcast %broadcast_in_dim3A_1465 : i32 to vector<16xi32>
          %add3A_1467 = arith.addi %iota3A, %broadcast_in_dim3A_1466 : vector<16xi32>
          %add3A_1468 = arith.addi %add3A_1467, %broadcast_in_dim3A_7 : vector<16xi32>
          %multiple_of3A_1469 = arith.constant 0 : i32
          %multiple_of3A_1470 = tpu.assume_multiple %multiple_of3A_1469, 16 : i32
          %swap3A_1471 = arith.constant 0 : i32
          %swap3A_1472 = arith.index_cast %swap3A_1471 : i32 to index
          %swap3A_1473 = arith.index_cast %multiple_of3A_1470 : i32 to index
          %swap3A_1474 = tpu.vector_load %arg13[%swap3A_1472, %swap3A_1473] {strides = array<i32>} : memref<2x128xi32, #tpu.memory_space<vmem>>, vector<16xi32>,
          tpu.vector_store %arg13[%swap3A_1472, %swap3A_1473], %get3A_1464 {strides = array<i32>} : memref<2x128xi32, #tpu.memory_space<vmem>>, vector<16xi32>,
          %broadcast_in_dim3A_1475 = vector.broadcast %mul3A_4 : i32 to vector<16xi32>
          %add3A_1476 = arith.addi %add3A_1468, %broadcast_in_dim3A_1475 : vector<16xi32>
          %swap3A_1477 = arith.constant 0 : i32
          %swap3A_1478 = arith.index_cast %swap3A_1477 : i32 to index
          %swap3A_1479 = arith.index_cast %multiple_of3A_1470 : i32 to index
          %swap3A_1480 = tpu.vector_load %arg14[%swap3A_1478, %swap3A_1479] {strides = array<i32>} : memref<2x128xi32, #tpu.memory_space<vmem>>, vector<16xi32>,
          tpu.vector_store %arg14[%swap3A_1478, %swap3A_1479], %add3A_1476 {strides = array<i32>} : memref<2x128xi32, #tpu.memory_space<vmem>>, vector<16xi32>,
          %multiple_of3A_1481 = arith.constant 144 : i32
          %multiple_of3A_1482 = tpu.assume_multiple %multiple_of3A_1481, 16 : i32
          %get3A_1483 = arith.index_cast %sub3A_1459 : i32 to index
          %get3A_1484 = arith.index_cast %multiple_of3A_1482 : i32 to index
          %get3A_1485 = tpu.vector_load %arg11[%get3A_1483, %get3A_1484] {strides = array<i32>} : memref<20x512xi32, #tpu.memory_space<vmem>>, vector<16xi32>,
          %broadcast_in_dim3A_1486 = arith.constant 16 : i32
          %broadcast_in_dim3A_1487 = vector.broadcast %broadcast_in_dim3A_1486 : i32 to vector<16xi32>
          %add3A_1488 = arith.addi %iota3A, %broadcast_in_dim3A_1487 : vector<16xi32>
          %add3A_1489 = arith.addi %add3A_1488, %broadcast_in_dim3A_7 : vector<16xi32>
          %multiple_of3A_1490 = arith.constant 16 : i32
          %multiple_of3A_1491 = tpu.assume_multiple %multiple_of3A_1490, 16 : i32
          %swap3A_1492 = arith.constant 0 : i32
          %swap3A_1493 = arith.index_cast %swap3A_1492 : i32 to index
          %swap3A_1494 = arith.index_cast %multiple_of3A_1491 : i32 to index
          %swap3A_1495 = tpu.vector_load %arg13[%swap3A_1493, %swap3A_1494] {strides = array<i32>} : memref<2x128xi32, #tpu.memory_space<vmem>>, vector<16xi32>,
          tpu.vector_store %arg13[%swap3A_1493, %swap3A_1494], %get3A_1485 {strides = array<i32>} : memref<2x128xi32, #tpu.memory_space<vmem>>, vector<16xi32>,
          %broadcast_in_dim3A_1496 = vector.broadcast %mul3A_4 : i32 to vector<16xi32>
          %add3A_1497 = arith.addi %add3A_1489, %broadcast_in_dim3A_1496 : vector<16xi32>
          %swap3A_1498 = arith.constant 0 : i32
          %swap3A_1499 = arith.index_cast %swap3A_1498 : i32 to index
          %swap3A_1500 = arith.index_cast %multiple_of3A_1491 : i32 to index
          %swap3A_1501 = tpu.vector_load %arg14[%swap3A_1499, %swap3A_1500] {strides = array<i32>} : memref<2x128xi32, #tpu.memory_space<vmem>>, vector<16xi32>,
          tpu.vector_store %arg14[%swap3A_1499, %swap3A_1500], %add3A_1497 {strides = array<i32>} : memref<2x128xi32, #tpu.memory_space<vmem>>, vector<16xi32>,
          %multiple_of3A_1502 = arith.constant 160 : i32
          %multiple_of3A_1503 = tpu.assume_multiple %multiple_of3A_1502, 16 : i32
          %get3A_1504 = arith.index_cast %sub3A_1459 : i32 to index
          %get3A_1505 = arith.index_cast %multiple_of3A_1503 : i32 to index
          %get3A_1506 = tpu.vector_load %arg11[%get3A_1504, %get3A_1505] {strides = array<i32>} : memref<20x512xi32, #tpu.memory_space<vmem>>, vector<16xi32>,
          %broadcast_in_dim3A_1507 = arith.constant 32 : i32
          %broadcast_in_dim3A_1508 = vector.broadcast %broadcast_in_dim3A_1507 : i32 to vector<16xi32>
          %add3A_1509 = arith.addi %iota3A, %broadcast_in_dim3A_1508 : vector<16xi32>
          %add3A_1510 = arith.addi %add3A_1509, %broadcast_in_dim3A_7 : vector<16xi32>
          %multiple_of3A_1511 = arith.constant 32 : i32
          %multiple_of3A_1512 = tpu.assume_multiple %multiple_of3A_1511, 16 : i32
          %swap3A_1513 = arith.constant 0 : i32
          %swap3A_1514 = arith.index_cast %swap3A_1513 : i32 to index
          %swap3A_1515 = arith.index_cast %multiple_of3A_1512 : i32 to index
          %swap3A_1516 = tpu.vector_load %arg13[%swap3A_1514, %swap3A_1515] {strides = array<i32>} : memref<2x128xi32, #tpu.memory_space<vmem>>, vector<16xi32>,
          tpu.vector_store %arg13[%swap3A_1514, %swap3A_1515], %get3A_1506 {strides = array<i32>} : memref<2x128xi32, #tpu.memory_space<vmem>>, vector<16xi32>,
          %broadcast_in_dim3A_1517 = vector.broadcast %mul3A_4 : i32 to vector<16xi32>
          %add3A_1518 = arith.addi %add3A_1510, %broadcast_in_dim3A_1517 : vector<16xi32>
          %swap3A_1519 = arith.constant 0 : i32
          %swap3A_1520 = arith.index_cast %swap3A_1519 : i32 to index
          %swap3A_1521 = arith.index_cast %multiple_of3A_1512 : i32 to index
          %swap3A_1522 = tpu.vector_load %arg14[%swap3A_1520, %swap3A_1521] {strides = array<i32>} : memref<2x128xi32, #tpu.memory_space<vmem>>, vector<16xi32>,
          tpu.vector_store %arg14[%swap3A_1520, %swap3A_1521], %add3A_1518 {strides = array<i32>} : memref<2x128xi32, #tpu.memory_space<vmem>>, vector<16xi32>,
          %multiple_of3A_1523 = arith.constant 176 : i32
          %multiple_of3A_1524 = tpu.assume_multiple %multiple_of3A_1523, 16 : i32
          %get3A_1525 = arith.index_cast %sub3A_1459 : i32 to index
          %get3A_1526 = arith.index_cast %multiple_of3A_1524 : i32 to index
          %get3A_1527 = tpu.vector_load %arg11[%get3A_1525, %get3A_1526] {strides = array<i32>} : memref<20x512xi32, #tpu.memory_space<vmem>>, vector<16xi32>,
          %broadcast_in_dim3A_1528 = arith.constant 48 : i32
          %broadcast_in_dim3A_1529 = vector.broadcast %broadcast_in_dim3A_1528 : i32 to vector<16xi32>
          %add3A_1530 = arith.addi %iota3A, %broadcast_in_dim3A_1529 : vector<16xi32>
          %add3A_1531 = arith.addi %add3A_1530, %broadcast_in_dim3A_7 : vector<16xi32>
          %multiple_of3A_1532 = arith.constant 48 : i32
          %multiple_of3A_1533 = tpu.assume_multiple %multiple_of3A_1532, 16 : i32
          %swap3A_1534 = arith.constant 0 : i32
          %swap3A_1535 = arith.index_cast %swap3A_1534 : i32 to index
          %swap3A_1536 = arith.index_cast %multiple_of3A_1533 : i32 to index
          %swap3A_1537 = tpu.vector_load %arg13[%swap3A_1535, %swap3A_1536] {strides = array<i32>} : memref<2x128xi32, #tpu.memory_space<vmem>>, vector<16xi32>,
          tpu.vector_store %arg13[%swap3A_1535, %swap3A_1536], %get3A_1527 {strides = array<i32>} : memref<2x128xi32, #tpu.memory_space<vmem>>, vector<16xi32>,
          %broadcast_in_dim3A_1538 = vector.broadcast %mul3A_4 : i32 to vector<16xi32>
          %add3A_1539 = arith.addi %add3A_1531, %broadcast_in_dim3A_1538 : vector<16xi32>
          %swap3A_1540 = arith.constant 0 : i32
          %swap3A_1541 = arith.index_cast %swap3A_1540 : i32 to index
          %swap3A_1542 = arith.index_cast %multiple_of3A_1533 : i32 to index
          %swap3A_1543 = tpu.vector_load %arg14[%swap3A_1541, %swap3A_1542] {strides = array<i32>} : memref<2x128xi32, #tpu.memory_space<vmem>>, vector<16xi32>,
          tpu.vector_store %arg14[%swap3A_1541, %swap3A_1542], %add3A_1539 {strides = array<i32>} : memref<2x128xi32, #tpu.memory_space<vmem>>, vector<16xi32>,
          %multiple_of3A_1544 = arith.constant 192 : i32
          %multiple_of3A_1545 = tpu.assume_multiple %multiple_of3A_1544, 16 : i32
          %get3A_1546 = arith.index_cast %sub3A_1459 : i32 to index
          %get3A_1547 = arith.index_cast %multiple_of3A_1545 : i32 to index
          %get3A_1548 = tpu.vector_load %arg11[%get3A_1546, %get3A_1547] {strides = array<i32>} : memref<20x512xi32, #tpu.memory_space<vmem>>, vector<16xi32>,
          %broadcast_in_dim3A_1549 = arith.constant 64 : i32
          %broadcast_in_dim3A_1550 = vector.broadcast %broadcast_in_dim3A_1549 : i32 to vector<16xi32>
          %add3A_1551 = arith.addi %iota3A, %broadcast_in_dim3A_1550 : vector<16xi32>
          %add3A_1552 = arith.addi %add3A_1551, %broadcast_in_dim3A_7 : vector<16xi32>
          %multiple_of3A_1553 = arith.constant 64 : i32
          %multiple_of3A_1554 = tpu.assume_multiple %multiple_of3A_1553, 16 : i32
          %swap3A_1555 = arith.constant 0 : i32
          %swap3A_1556 = arith.index_cast %swap3A_1555 : i32 to index
          %swap3A_1557 = arith.index_cast %multiple_of3A_1554 : i32 to index
          %swap3A_1558 = tpu.vector_load %arg13[%swap3A_1556, %swap3A_1557] {strides = array<i32>} : memref<2x128xi32, #tpu.memory_space<vmem>>, vector<16xi32>,
          tpu.vector_store %arg13[%swap3A_1556, %swap3A_1557], %get3A_1548 {strides = array<i32>} : memref<2x128xi32, #tpu.memory_space<vmem>>, vector<16xi32>,
          %broadcast_in_dim3A_1559 = vector.broadcast %mul3A_4 : i32 to vector<16xi32>
          %add3A_1560 = arith.addi %add3A_1552, %broadcast_in_dim3A_1559 : vector<16xi32>
          %swap3A_1561 = arith.constant 0 : i32
          %swap3A_1562 = arith.index_cast %swap3A_1561 : i32 to index
          %swap3A_1563 = arith.index_cast %multiple_of3A_1554 : i32 to index
          %swap3A_1564 = tpu.vector_load %arg14[%swap3A_1562, %swap3A_1563] {strides = array<i32>} : memref<2x128xi32, #tpu.memory_space<vmem>>, vector<16xi32>,
          tpu.vector_store %arg14[%swap3A_1562, %swap3A_1563], %add3A_1560 {strides = array<i32>} : memref<2x128xi32, #tpu.memory_space<vmem>>, vector<16xi32>,
          %multiple_of3A_1565 = arith.constant 208 : i32
          %multiple_of3A_1566 = tpu.assume_multiple %multiple_of3A_1565, 16 : i32
          %get3A_1567 = arith.index_cast %sub3A_1459 : i32 to index
          %get3A_1568 = arith.index_cast %multiple_of3A_1566 : i32 to index
          %get3A_1569 = tpu.vector_load %arg11[%get3A_1567, %get3A_1568] {strides = array<i32>} : memref<20x512xi32, #tpu.memory_space<vmem>>, vector<16xi32>,
          %broadcast_in_dim3A_1570 = arith.constant 80 : i32
          %broadcast_in_dim3A_1571 = vector.broadcast %broadcast_in_dim3A_1570 : i32 to vector<16xi32>
          %add3A_1572 = arith.addi %iota3A, %broadcast_in_dim3A_1571 : vector<16xi32>
          %add3A_1573 = arith.addi %add3A_1572, %broadcast_in_dim3A_7 : vector<16xi32>
          %multiple_of3A_1574 = arith.constant 80 : i32
          %multiple_of3A_1575 = tpu.assume_multiple %multiple_of3A_1574, 16 : i32
          %swap3A_1576 = arith.constant 0 : i32
          %swap3A_1577 = arith.index_cast %swap3A_1576 : i32 to index
          %swap3A_1578 = arith.index_cast %multiple_of3A_1575 : i32 to index
          %swap3A_1579 = tpu.vector_load %arg13[%swap3A_1577, %swap3A_1578] {strides = array<i32>} : memref<2x128xi32, #tpu.memory_space<vmem>>, vector<16xi32>,
          tpu.vector_store %arg13[%swap3A_1577, %swap3A_1578], %get3A_1569 {strides = array<i32>} : memref<2x128xi32, #tpu.memory_space<vmem>>, vector<16xi32>,
          %broadcast_in_dim3A_1580 = vector.broadcast %mul3A_4 : i32 to vector<16xi32>
          %add3A_1581 = arith.addi %add3A_1573, %broadcast_in_dim3A_1580 : vector<16xi32>
          %swap3A_1582 = arith.constant 0 : i32
          %swap3A_1583 = arith.index_cast %swap3A_1582 : i32 to index
          %swap3A_1584 = arith.index_cast %multiple_of3A_1575 : i32 to index
          %swap3A_1585 = tpu.vector_load %arg14[%swap3A_1583, %swap3A_1584] {strides = array<i32>} : memref<2x128xi32, #tpu.memory_space<vmem>>, vector<16xi32>,
          tpu.vector_store %arg14[%swap3A_1583, %swap3A_1584], %add3A_1581 {strides = array<i32>} : memref<2x128xi32, #tpu.memory_space<vmem>>, vector<16xi32>,
          %multiple_of3A_1586 = arith.constant 224 : i32
          %multiple_of3A_1587 = tpu.assume_multiple %multiple_of3A_1586, 16 : i32
          %get3A_1588 = arith.index_cast %sub3A_1459 : i32 to index
          %get3A_1589 = arith.index_cast %multiple_of3A_1587 : i32 to index
          %get3A_1590 = tpu.vector_load %arg11[%get3A_1588, %get3A_1589] {strides = array<i32>} : memref<20x512xi32, #tpu.memory_space<vmem>>, vector<16xi32>,
          %broadcast_in_dim3A_1591 = arith.constant 96 : i32
          %broadcast_in_dim3A_1592 = vector.broadcast %broadcast_in_dim3A_1591 : i32 to vector<16xi32>
          %add3A_1593 = arith.addi %iota3A, %broadcast_in_dim3A_1592 : vector<16xi32>
          %add3A_1594 = arith.addi %add3A_1593, %broadcast_in_dim3A_7 : vector<16xi32>
          %multiple_of3A_1595 = arith.constant 96 : i32
          %multiple_of3A_1596 = tpu.assume_multiple %multiple_of3A_1595, 16 : i32
          %swap3A_1597 = arith.constant 0 : i32
          %swap3A_1598 = arith.index_cast %swap3A_1597 : i32 to index
          %swap3A_1599 = arith.index_cast %multiple_of3A_1596 : i32 to index
          %swap3A_1600 = tpu.vector_load %arg13[%swap3A_1598, %swap3A_1599] {strides = array<i32>} : memref<2x128xi32, #tpu.memory_space<vmem>>, vector<16xi32>,
          tpu.vector_store %arg13[%swap3A_1598, %swap3A_1599], %get3A_1590 {strides = array<i32>} : memref<2x128xi32, #tpu.memory_space<vmem>>, vector<16xi32>,
          %broadcast_in_dim3A_1601 = vector.broadcast %mul3A_4 : i32 to vector<16xi32>
          %add3A_1602 = arith.addi %add3A_1594, %broadcast_in_dim3A_1601 : vector<16xi32>
          %swap3A_1603 = arith.constant 0 : i32
          %swap3A_1604 = arith.index_cast %swap3A_1603 : i32 to index
          %swap3A_1605 = arith.index_cast %multiple_of3A_1596 : i32 to index
          %swap3A_1606 = tpu.vector_load %arg14[%swap3A_1604, %swap3A_1605] {strides = array<i32>} : memref<2x128xi32, #tpu.memory_space<vmem>>, vector<16xi32>,
          tpu.vector_store %arg14[%swap3A_1604, %swap3A_1605], %add3A_1602 {strides = array<i32>} : memref<2x128xi32, #tpu.memory_space<vmem>>, vector<16xi32>,
          %multiple_of3A_1607 = arith.constant 240 : i32
          %multiple_of3A_1608 = tpu.assume_multiple %multiple_of3A_1607, 16 : i32
          %get3A_1609 = arith.index_cast %sub3A_1459 : i32 to index
          %get3A_1610 = arith.index_cast %multiple_of3A_1608 : i32 to index
          %get3A_1611 = tpu.vector_load %arg11[%get3A_1609, %get3A_1610] {strides = array<i32>} : memref<20x512xi32, #tpu.memory_space<vmem>>, vector<16xi32>,
          %broadcast_in_dim3A_1612 = arith.constant 112 : i32
          %broadcast_in_dim3A_1613 = vector.broadcast %broadcast_in_dim3A_1612 : i32 to vector<16xi32>
          %add3A_1614 = arith.addi %iota3A, %broadcast_in_dim3A_1613 : vector<16xi32>
          %add3A_1615 = arith.addi %add3A_1614, %broadcast_in_dim3A_7 : vector<16xi32>
          %multiple_of3A_1616 = arith.constant 112 : i32
          %multiple_of3A_1617 = tpu.assume_multiple %multiple_of3A_1616, 16 : i32
          %swap3A_1618 = arith.constant 0 : i32
          %swap3A_1619 = arith.index_cast %swap3A_1618 : i32 to index
          %swap3A_1620 = arith.index_cast %multiple_of3A_1617 : i32 to index
          %swap3A_1621 = tpu.vector_load %arg13[%swap3A_1619, %swap3A_1620] {strides = array<i32>} : memref<2x128xi32, #tpu.memory_space<vmem>>, vector<16xi32>,
          tpu.vector_store %arg13[%swap3A_1619, %swap3A_1620], %get3A_1611 {strides = array<i32>} : memref<2x128xi32, #tpu.memory_space<vmem>>, vector<16xi32>,
          %broadcast_in_dim3A_1622 = vector.broadcast %mul3A_4 : i32 to vector<16xi32>
          %add3A_1623 = arith.addi %add3A_1615, %broadcast_in_dim3A_1622 : vector<16xi32>
          %swap3A_1624 = arith.constant 0 : i32
          %swap3A_1625 = arith.index_cast %swap3A_1624 : i32 to index
          %swap3A_1626 = arith.index_cast %multiple_of3A_1617 : i32 to index
          %swap3A_1627 = tpu.vector_load %arg14[%swap3A_1625, %swap3A_1626] {strides = array<i32>} : memref<2x128xi32, #tpu.memory_space<vmem>>, vector<16xi32>,
          tpu.vector_store %arg14[%swap3A_1625, %swap3A_1626], %add3A_1623 {strides = array<i32>} : memref<2x128xi32, #tpu.memory_space<vmem>>, vector<16xi32>,
          %dma_start3A_1628 = arith.constant 0 : i32
          %dma_start3A_1629 = arith.constant 0 : i32
          %dma_start3A_1630 = arith.constant 0 : i32
          %dma_start3A_1631 = arith.constant 0 : i32
          %dma_start3A_1632 = arith.constant 0 : i32
          %dma_start3A_1633 = tpu.memref_slice %arg8[%dma_start3A_1629, %dma_start3A_1631, %dma_start3A_1632] : memref<2x128x128xf32, #tpu.memory_space<vmem>> -> memref<1x128x128xf32, #tpu.memory_space<vmem>>
          %dma_start3A_1634 = tpu.memref_squeeze %dma_start3A_1633 : memref<1x128x128xf32, #tpu.memory_space<vmem>> -> memref<128x128xf32, #tpu.memory_space<vmem>>
          %dma_start3A_1635 = arith.constant 0 : i32
          %dma_start3A_1636 = tpu.memref_slice %arg13[%dma_start3A_1628, %dma_start3A_1635] : memref<2x128xi32, #tpu.memory_space<vmem>> -> memref<1x128xi32, #tpu.memory_space<vmem>>
          %dma_start3A_1637 = tpu.memref_squeeze %dma_start3A_1636 : memref<1x128xi32, #tpu.memory_space<vmem>> -> memref<128xi32, #tpu.memory_space<vmem>>
          %dma_start3A_1638 = arith.constant 0 : i32
          %dma_start3A_1639 = arith.constant 0 : i32
          %dma_start3A_1640 = tpu.memref_slice %arg5[%dma_start3A_1638, %dma_start3A_1639] : memref<2000000x128xf32, #tpu.memory_space<hbm>> -> memref<2000000x128xf32, #tpu.memory_space<hbm>>
          %dma_start3A_1641 = tpu.memref_slice %arg10[%dma_start3A_1630] : memref<2x!tpu.dma_semaphore, #tpu.memory_space<semaphore_mem>> -> memref<1x!tpu.dma_semaphore, #tpu.memory_space<semaphore_mem>>
          %dma_start3A_1642 = tpu.memref_squeeze %dma_start3A_1641 : memref<1x!tpu.dma_semaphore, #tpu.memory_space<semaphore_mem>> -> memref<!tpu.dma_semaphore, #tpu.memory_space<semaphore_mem>>
          tpu.enqueue_indirect_dma source(%dma_start3A_1640 : memref<2000000x128xf32, #tpu.memory_space<hbm>>) target(%dma_start3A_1634 : memref<128x128xf32, #tpu.memory_space<vmem>>) offsets(%dma_start3A_1637 : memref<128xi32, #tpu.memory_space<vmem>>) semaphore(%dma_start3A_1642 : memref<!tpu.dma_semaphore, #tpu.memory_space<semaphore_mem>>)
        } else {
        }
      } else {
      }
      %eq3A_1431 = arith.constant 1 : i32
      %eq3A_1432 = arith.cmpi eq, %rem3A_1428, %eq3A_1431 : i32
      %convert_element_type3A_1433 = arith.extui %eq3A_1432 : i1 to i32
      %cond3A_1434 = arith.constant 0 : i32
      %cond3A_1435 = arith.cmpi ne, %convert_element_type3A_1433, %cond3A_1434 : i32
      scf.if %cond3A_1435 {
        %dma_wait3A = arith.constant 1 : i32
        %dma_wait3A_1436 = arith.constant 1 : i32
        %dma_wait3A_1437 = arith.constant 1 : i32
        %dma_wait3A_1438 = arith.constant 0 : i32
        %dma_wait3A_1439 = arith.constant 0 : i32
        %dma_wait3A_1440 = tpu.memref_slice %arg8[%dma_wait3A_1436, %dma_wait3A_1438, %dma_wait3A_1439] : memref<2x128x128xf32, #tpu.memory_space<vmem>> -> memref<1x128x128xf32, #tpu.memory_space<vmem>>
        %dma_wait3A_1441 = tpu.memref_squeeze %dma_wait3A_1440 : memref<1x128x128xf32, #tpu.memory_space<vmem>> -> memref<128x128xf32, #tpu.memory_space<vmem>>
        %dma_wait3A_1442 = arith.constant 0 : i32
        %dma_wait3A_1443 = tpu.memref_slice %arg13[%dma_wait3A, %dma_wait3A_1442] : memref<2x128xi32, #tpu.memory_space<vmem>> -> memref<1x128xi32, #tpu.memory_space<vmem>>
        %dma_wait3A_1444 = tpu.memref_squeeze %dma_wait3A_1443 : memref<1x128xi32, #tpu.memory_space<vmem>> -> memref<128xi32, #tpu.memory_space<vmem>>
        %dma_wait3A_1445 = arith.constant 0 : i32
        %dma_wait3A_1446 = arith.constant 0 : i32
        %dma_wait3A_1447 = tpu.memref_slice %arg5[%dma_wait3A_1445, %dma_wait3A_1446] : memref<2000000x128xf32, #tpu.memory_space<hbm>> -> memref<2000000x128xf32, #tpu.memory_space<hbm>>
        %dma_wait3A_1448 = tpu.memref_slice %arg10[%dma_wait3A_1437] : memref<2x!tpu.dma_semaphore, #tpu.memory_space<semaphore_mem>> -> memref<1x!tpu.dma_semaphore, #tpu.memory_space<semaphore_mem>>
        %dma_wait3A_1449 = tpu.memref_squeeze %dma_wait3A_1448 : memref<1x!tpu.dma_semaphore, #tpu.memory_space<semaphore_mem>> -> memref<!tpu.dma_semaphore, #tpu.memory_space<semaphore_mem>>
        tpu.wait_indirect_dma semaphore(%dma_wait3A_1449 : memref<!tpu.dma_semaphore, #tpu.memory_space<semaphore_mem>>) src(%dma_wait3A_1447 : memref<2000000x128xf32, #tpu.memory_space<hbm>>) dst(%dma_wait3A_1441 : memref<128x128xf32, #tpu.memory_space<vmem>>)
        %run_scoped3A = arith.constant 1 : i32
        %run_scoped3A_1450 = arith.constant 1 : i32
        "tpu.region"() ({
          %run_scoped3A_1457 = tpu.sem_alloc : memref<!tpu.dma_semaphore, #tpu.memory_space<semaphore_mem>>
          %dma_start3A_1458 = arith.constant 0 : i32
          %dma_start3A_1459 = arith.constant 0 : i32
          %dma_start3A_1460 = tpu.memref_slice %arg8[%run_scoped3A, %dma_start3A_1458, %dma_start3A_1459] : memref<2x128x128xf32, #tpu.memory_space<vmem>> -> memref<1x128x128xf32, #tpu.memory_space<vmem>>
          %dma_start3A_1461 = tpu.memref_squeeze %dma_start3A_1460 : memref<1x128x128xf32, #tpu.memory_space<vmem>> -> memref<128x128xf32, #tpu.memory_space<vmem>>
          %dma_start3A_1462 = arith.constant 0 : i32
          %dma_start3A_1463 = tpu.memref_slice %arg14[%run_scoped3A_1450, %dma_start3A_1462] : memref<2x128xi32, #tpu.memory_space<vmem>> -> memref<1x128xi32, #tpu.memory_space<vmem>>
          %dma_start3A_1464 = tpu.memref_squeeze %dma_start3A_1463 : memref<1x128xi32, #tpu.memory_space<vmem>> -> memref<128xi32, #tpu.memory_space<vmem>>
          %dma_start3A_1465 = arith.constant 0 : i32
          %dma_start3A_1466 = arith.constant 0 : i32
          %dma_start3A_1467 = tpu.memref_slice %arg7[%dma_start3A_1465, %dma_start3A_1466] : memref<2048x128xf32, #tpu.memory_space<vmem_shared>> -> memref<2048x128xf32, #tpu.memory_space<vmem_shared>>
          tpu.enqueue_indirect_dma source(%dma_start3A_1461 : memref<128x128xf32, #tpu.memory_space<vmem>>) target(%dma_start3A_1467 : memref<2048x128xf32, #tpu.memory_space<vmem_shared>>) offsets(%dma_start3A_1464 : memref<128xi32, #tpu.memory_space<vmem>>) semaphore(%run_scoped3A_1457 : memref<!tpu.dma_semaphore, #tpu.memory_space<semaphore_mem>>) {add = true}
          %dma_wait3A_1468 = arith.constant 0 : i32
          %dma_wait3A_1469 = arith.constant 0 : i32
          %dma_wait3A_1470 = tpu.memref_slice %arg8[%run_scoped3A, %dma_wait3A_1468, %dma_wait3A_1469] : memref<2x128x128xf32, #tpu.memory_space<vmem>> -> memref<1x128x128xf32, #tpu.memory_space<vmem>>
          %dma_wait3A_1471 = tpu.memref_squeeze %dma_wait3A_1470 : memref<1x128x128xf32, #tpu.memory_space<vmem>> -> memref<128x128xf32, #tpu.memory_space<vmem>>
          %dma_wait3A_1472 = arith.constant 0 : i32
          %dma_wait3A_1473 = tpu.memref_slice %arg14[%run_scoped3A_1450, %dma_wait3A_1472] : memref<2x128xi32, #tpu.memory_space<vmem>> -> memref<1x128xi32, #tpu.memory_space<vmem>>
          %dma_wait3A_1474 = tpu.memref_squeeze %dma_wait3A_1473 : memref<1x128xi32, #tpu.memory_space<vmem>> -> memref<128xi32, #tpu.memory_space<vmem>>
          %dma_wait3A_1475 = arith.constant 0 : i32
          %dma_wait3A_1476 = arith.constant 0 : i32
          %dma_wait3A_1477 = tpu.memref_slice %arg7[%dma_wait3A_1475, %dma_wait3A_1476] : memref<2048x128xf32, #tpu.memory_space<vmem_shared>> -> memref<2048x128xf32, #tpu.memory_space<vmem_shared>>
          tpu.wait_indirect_dma semaphore(%run_scoped3A_1457 : memref<!tpu.dma_semaphore, #tpu.memory_space<semaphore_mem>>) src(%dma_wait3A_1471 : memref<128x128xf32, #tpu.memory_space<vmem>>) dst(%dma_wait3A_1477 : memref<2048x128xf32, #tpu.memory_space<vmem_shared>>)
          tpu.yield
        }) : () -> ()
        %add3A_1451 = arith.constant 2 : i32
        %add3A_1452 = arith.addi %scan3A_1427, %add3A_1451 : i32
        %lt3A = arith.constant 21 : i32
        %lt3A_1453 = arith.cmpi slt, %add3A_1452, %lt3A : i32
        %convert_element_type3A_1454 = arith.extui %lt3A_1453 : i1 to i32
        %cond3A_1455 = arith.constant 0 : i32
        %cond3A_1456 = arith.cmpi ne, %convert_element_type3A_1454, %cond3A_1455 : i32
        scf.if %cond3A_1456 {
          %add3A_1457 = arith.constant 2 : i32
          %add3A_1458 = arith.addi %scan3A_1427, %add3A_1457 : i32
          %sub3A = arith.constant 1 : i32
          %sub3A_1459 = arith.subi %add3A_1458, %sub3A : i32
          %multiple_of3A_1460 = arith.constant 128 : i32
          %multiple_of3A_1461 = tpu.assume_multiple %multiple_of3A_1460, 16 : i32
          %get3A_1462 = arith.index_cast %sub3A_1459 : i32 to index
          %get3A_1463 = arith.index_cast %multiple_of3A_1461 : i32 to index
          %get3A_1464 = tpu.vector_load %arg11[%get3A_1462, %get3A_1463] {strides = array<i32>} : memref<20x512xi32, #tpu.memory_space<vmem>>, vector<16xi32>,
          %broadcast_in_dim3A_1465 = arith.constant 0 : i32
          %broadcast_in_dim3A_1466 = vector.broadcast %broadcast_in_dim3A_1465 : i32 to vector<16xi32>
          %add3A_1467 = arith.addi %iota3A, %broadcast_in_dim3A_1466 : vector<16xi32>
          %add3A_1468 = arith.addi %add3A_1467, %broadcast_in_dim3A_7 : vector<16xi32>
          %multiple_of3A_1469 = arith.constant 0 : i32
          %multiple_of3A_1470 = tpu.assume_multiple %multiple_of3A_1469, 16 : i32
          %swap3A_1471 = arith.constant 1 : i32
          %swap3A_1472 = arith.index_cast %swap3A_1471 : i32 to index
          %swap3A_1473 = arith.index_cast %multiple_of3A_1470 : i32 to index
          %swap3A_1474 = tpu.vector_load %arg13[%swap3A_1472, %swap3A_1473] {strides = array<i32>} : memref<2x128xi32, #tpu.memory_space<vmem>>, vector<16xi32>,
          tpu.vector_store %arg13[%swap3A_1472, %swap3A_1473], %get3A_1464 {strides = array<i32>} : memref<2x128xi32, #tpu.memory_space<vmem>>, vector<16xi32>,
          %broadcast_in_dim3A_1475 = vector.broadcast %mul3A_4 : i32 to vector<16xi32>
          %add3A_1476 = arith.addi %add3A_1468, %broadcast_in_dim3A_1475 : vector<16xi32>
          %swap3A_1477 = arith.constant 1 : i32
          %swap3A_1478 = arith.index_cast %swap3A_1477 : i32 to index
          %swap3A_1479 = arith.index_cast %multiple_of3A_1470 : i32 to index
          %swap3A_1480 = tpu.vector_load %arg14[%swap3A_1478, %swap3A_1479] {strides = array<i32>} : memref<2x128xi32, #tpu.memory_space<vmem>>, vector<16xi32>,
          tpu.vector_store %arg14[%swap3A_1478, %swap3A_1479], %add3A_1476 {strides = array<i32>} : memref<2x128xi32, #tpu.memory_space<vmem>>, vector<16xi32>,
          %multiple_of3A_1481 = arith.constant 144 : i32
          %multiple_of3A_1482 = tpu.assume_multiple %multiple_of3A_1481, 16 : i32
          %get3A_1483 = arith.index_cast %sub3A_1459 : i32 to index
          %get3A_1484 = arith.index_cast %multiple_of3A_1482 : i32 to index
          %get3A_1485 = tpu.vector_load %arg11[%get3A_1483, %get3A_1484] {strides = array<i32>} : memref<20x512xi32, #tpu.memory_space<vmem>>, vector<16xi32>,
          %broadcast_in_dim3A_1486 = arith.constant 16 : i32
          %broadcast_in_dim3A_1487 = vector.broadcast %broadcast_in_dim3A_1486 : i32 to vector<16xi32>
          %add3A_1488 = arith.addi %iota3A, %broadcast_in_dim3A_1487 : vector<16xi32>
          %add3A_1489 = arith.addi %add3A_1488, %broadcast_in_dim3A_7 : vector<16xi32>
          %multiple_of3A_1490 = arith.constant 16 : i32
          %multiple_of3A_1491 = tpu.assume_multiple %multiple_of3A_1490, 16 : i32
          %swap3A_1492 = arith.constant 1 : i32
          %swap3A_1493 = arith.index_cast %swap3A_1492 : i32 to index
          %swap3A_1494 = arith.index_cast %multiple_of3A_1491 : i32 to index
          %swap3A_1495 = tpu.vector_load %arg13[%swap3A_1493, %swap3A_1494] {strides = array<i32>} : memref<2x128xi32, #tpu.memory_space<vmem>>, vector<16xi32>,
          tpu.vector_store %arg13[%swap3A_1493, %swap3A_1494], %get3A_1485 {strides = array<i32>} : memref<2x128xi32, #tpu.memory_space<vmem>>, vector<16xi32>,
          %broadcast_in_dim3A_1496 = vector.broadcast %mul3A_4 : i32 to vector<16xi32>
          %add3A_1497 = arith.addi %add3A_1489, %broadcast_in_dim3A_1496 : vector<16xi32>
          %swap3A_1498 = arith.constant 1 : i32
          %swap3A_1499 = arith.index_cast %swap3A_1498 : i32 to index
          %swap3A_1500 = arith.index_cast %multiple_of3A_1491 : i32 to index
          %swap3A_1501 = tpu.vector_load %arg14[%swap3A_1499, %swap3A_1500] {strides = array<i32>} : memref<2x128xi32, #tpu.memory_space<vmem>>, vector<16xi32>,
          tpu.vector_store %arg14[%swap3A_1499, %swap3A_1500], %add3A_1497 {strides = array<i32>} : memref<2x128xi32, #tpu.memory_space<vmem>>, vector<16xi32>,
          %multiple_of3A_1502 = arith.constant 160 : i32
          %multiple_of3A_1503 = tpu.assume_multiple %multiple_of3A_1502, 16 : i32
          %get3A_1504 = arith.index_cast %sub3A_1459 : i32 to index
          %get3A_1505 = arith.index_cast %multiple_of3A_1503 : i32 to index
          %get3A_1506 = tpu.vector_load %arg11[%get3A_1504, %get3A_1505] {strides = array<i32>} : memref<20x512xi32, #tpu.memory_space<vmem>>, vector<16xi32>,
          %broadcast_in_dim3A_1507 = arith.constant 32 : i32
          %broadcast_in_dim3A_1508 = vector.broadcast %broadcast_in_dim3A_1507 : i32 to vector<16xi32>
          %add3A_1509 = arith.addi %iota3A, %broadcast_in_dim3A_1508 : vector<16xi32>
          %add3A_1510 = arith.addi %add3A_1509, %broadcast_in_dim3A_7 : vector<16xi32>
          %multiple_of3A_1511 = arith.constant 32 : i32
          %multiple_of3A_1512 = tpu.assume_multiple %multiple_of3A_1511, 16 : i32
          %swap3A_1513 = arith.constant 1 : i32
          %swap3A_1514 = arith.index_cast %swap3A_1513 : i32 to index
          %swap3A_1515 = arith.index_cast %multiple_of3A_1512 : i32 to index
          %swap3A_1516 = tpu.vector_load %arg13[%swap3A_1514, %swap3A_1515] {strides = array<i32>} : memref<2x128xi32, #tpu.memory_space<vmem>>, vector<16xi32>,
          tpu.vector_store %arg13[%swap3A_1514, %swap3A_1515], %get3A_1506 {strides = array<i32>} : memref<2x128xi32, #tpu.memory_space<vmem>>, vector<16xi32>,
          %broadcast_in_dim3A_1517 = vector.broadcast %mul3A_4 : i32 to vector<16xi32>
          %add3A_1518 = arith.addi %add3A_1510, %broadcast_in_dim3A_1517 : vector<16xi32>
          %swap3A_1519 = arith.constant 1 : i32
          %swap3A_1520 = arith.index_cast %swap3A_1519 : i32 to index
          %swap3A_1521 = arith.index_cast %multiple_of3A_1512 : i32 to index
          %swap3A_1522 = tpu.vector_load %arg14[%swap3A_1520, %swap3A_1521] {strides = array<i32>} : memref<2x128xi32, #tpu.memory_space<vmem>>, vector<16xi32>,
          tpu.vector_store %arg14[%swap3A_1520, %swap3A_1521], %add3A_1518 {strides = array<i32>} : memref<2x128xi32, #tpu.memory_space<vmem>>, vector<16xi32>,
          %multiple_of3A_1523 = arith.constant 176 : i32
          %multiple_of3A_1524 = tpu.assume_multiple %multiple_of3A_1523, 16 : i32
          %get3A_1525 = arith.index_cast %sub3A_1459 : i32 to index
          %get3A_1526 = arith.index_cast %multiple_of3A_1524 : i32 to index
          %get3A_1527 = tpu.vector_load %arg11[%get3A_1525, %get3A_1526] {strides = array<i32>} : memref<20x512xi32, #tpu.memory_space<vmem>>, vector<16xi32>,
          %broadcast_in_dim3A_1528 = arith.constant 48 : i32
          %broadcast_in_dim3A_1529 = vector.broadcast %broadcast_in_dim3A_1528 : i32 to vector<16xi32>
          %add3A_1530 = arith.addi %iota3A, %broadcast_in_dim3A_1529 : vector<16xi32>
          %add3A_1531 = arith.addi %add3A_1530, %broadcast_in_dim3A_7 : vector<16xi32>
          %multiple_of3A_1532 = arith.constant 48 : i32
          %multiple_of3A_1533 = tpu.assume_multiple %multiple_of3A_1532, 16 : i32
          %swap3A_1534 = arith.constant 1 : i32
          %swap3A_1535 = arith.index_cast %swap3A_1534 : i32 to index
          %swap3A_1536 = arith.index_cast %multiple_of3A_1533 : i32 to index
          %swap3A_1537 = tpu.vector_load %arg13[%swap3A_1535, %swap3A_1536] {strides = array<i32>} : memref<2x128xi32, #tpu.memory_space<vmem>>, vector<16xi32>,
          tpu.vector_store %arg13[%swap3A_1535, %swap3A_1536], %get3A_1527 {strides = array<i32>} : memref<2x128xi32, #tpu.memory_space<vmem>>, vector<16xi32>,
          %broadcast_in_dim3A_1538 = vector.broadcast %mul3A_4 : i32 to vector<16xi32>
          %add3A_1539 = arith.addi %add3A_1531, %broadcast_in_dim3A_1538 : vector<16xi32>
          %swap3A_1540 = arith.constant 1 : i32
          %swap3A_1541 = arith.index_cast %swap3A_1540 : i32 to index
          %swap3A_1542 = arith.index_cast %multiple_of3A_1533 : i32 to index
          %swap3A_1543 = tpu.vector_load %arg14[%swap3A_1541, %swap3A_1542] {strides = array<i32>} : memref<2x128xi32, #tpu.memory_space<vmem>>, vector<16xi32>,
          tpu.vector_store %arg14[%swap3A_1541, %swap3A_1542], %add3A_1539 {strides = array<i32>} : memref<2x128xi32, #tpu.memory_space<vmem>>, vector<16xi32>,
          %multiple_of3A_1544 = arith.constant 192 : i32
          %multiple_of3A_1545 = tpu.assume_multiple %multiple_of3A_1544, 16 : i32
          %get3A_1546 = arith.index_cast %sub3A_1459 : i32 to index
          %get3A_1547 = arith.index_cast %multiple_of3A_1545 : i32 to index
          %get3A_1548 = tpu.vector_load %arg11[%get3A_1546, %get3A_1547] {strides = array<i32>} : memref<20x512xi32, #tpu.memory_space<vmem>>, vector<16xi32>,
          %broadcast_in_dim3A_1549 = arith.constant 64 : i32
          %broadcast_in_dim3A_1550 = vector.broadcast %broadcast_in_dim3A_1549 : i32 to vector<16xi32>
          %add3A_1551 = arith.addi %iota3A, %broadcast_in_dim3A_1550 : vector<16xi32>
          %add3A_1552 = arith.addi %add3A_1551, %broadcast_in_dim3A_7 : vector<16xi32>
          %multiple_of3A_1553 = arith.constant 64 : i32
          %multiple_of3A_1554 = tpu.assume_multiple %multiple_of3A_1553, 16 : i32
          %swap3A_1555 = arith.constant 1 : i32
          %swap3A_1556 = arith.index_cast %swap3A_1555 : i32 to index
          %swap3A_1557 = arith.index_cast %multiple_of3A_1554 : i32 to index
          %swap3A_1558 = tpu.vector_load %arg13[%swap3A_1556, %swap3A_1557] {strides = array<i32>} : memref<2x128xi32, #tpu.memory_space<vmem>>, vector<16xi32>,
          tpu.vector_store %arg13[%swap3A_1556, %swap3A_1557], %get3A_1548 {strides = array<i32>} : memref<2x128xi32, #tpu.memory_space<vmem>>, vector<16xi32>,
          %broadcast_in_dim3A_1559 = vector.broadcast %mul3A_4 : i32 to vector<16xi32>
          %add3A_1560 = arith.addi %add3A_1552, %broadcast_in_dim3A_1559 : vector<16xi32>
          %swap3A_1561 = arith.constant 1 : i32
          %swap3A_1562 = arith.index_cast %swap3A_1561 : i32 to index
          %swap3A_1563 = arith.index_cast %multiple_of3A_1554 : i32 to index
          %swap3A_1564 = tpu.vector_load %arg14[%swap3A_1562, %swap3A_1563] {strides = array<i32>} : memref<2x128xi32, #tpu.memory_space<vmem>>, vector<16xi32>,
          tpu.vector_store %arg14[%swap3A_1562, %swap3A_1563], %add3A_1560 {strides = array<i32>} : memref<2x128xi32, #tpu.memory_space<vmem>>, vector<16xi32>,
          %multiple_of3A_1565 = arith.constant 208 : i32
          %multiple_of3A_1566 = tpu.assume_multiple %multiple_of3A_1565, 16 : i32
          %get3A_1567 = arith.index_cast %sub3A_1459 : i32 to index
          %get3A_1568 = arith.index_cast %multiple_of3A_1566 : i32 to index
          %get3A_1569 = tpu.vector_load %arg11[%get3A_1567, %get3A_1568] {strides = array<i32>} : memref<20x512xi32, #tpu.memory_space<vmem>>, vector<16xi32>,
          %broadcast_in_dim3A_1570 = arith.constant 80 : i32
          %broadcast_in_dim3A_1571 = vector.broadcast %broadcast_in_dim3A_1570 : i32 to vector<16xi32>
          %add3A_1572 = arith.addi %iota3A, %broadcast_in_dim3A_1571 : vector<16xi32>
          %add3A_1573 = arith.addi %add3A_1572, %broadcast_in_dim3A_7 : vector<16xi32>
          %multiple_of3A_1574 = arith.constant 80 : i32
          %multiple_of3A_1575 = tpu.assume_multiple %multiple_of3A_1574, 16 : i32
          %swap3A_1576 = arith.constant 1 : i32
          %swap3A_1577 = arith.index_cast %swap3A_1576 : i32 to index
          %swap3A_1578 = arith.index_cast %multiple_of3A_1575 : i32 to index
          %swap3A_1579 = tpu.vector_load %arg13[%swap3A_1577, %swap3A_1578] {strides = array<i32>} : memref<2x128xi32, #tpu.memory_space<vmem>>, vector<16xi32>,
          tpu.vector_store %arg13[%swap3A_1577, %swap3A_1578], %get3A_1569 {strides = array<i32>} : memref<2x128xi32, #tpu.memory_space<vmem>>, vector<16xi32>,
          %broadcast_in_dim3A_1580 = vector.broadcast %mul3A_4 : i32 to vector<16xi32>
          %add3A_1581 = arith.addi %add3A_1573, %broadcast_in_dim3A_1580 : vector<16xi32>
          %swap3A_1582 = arith.constant 1 : i32
          %swap3A_1583 = arith.index_cast %swap3A_1582 : i32 to index
          %swap3A_1584 = arith.index_cast %multiple_of3A_1575 : i32 to index
          %swap3A_1585 = tpu.vector_load %arg14[%swap3A_1583, %swap3A_1584] {strides = array<i32>} : memref<2x128xi32, #tpu.memory_space<vmem>>, vector<16xi32>,
          tpu.vector_store %arg14[%swap3A_1583, %swap3A_1584], %add3A_1581 {strides = array<i32>} : memref<2x128xi32, #tpu.memory_space<vmem>>, vector<16xi32>,
          %multiple_of3A_1586 = arith.constant 224 : i32
          %multiple_of3A_1587 = tpu.assume_multiple %multiple_of3A_1586, 16 : i32
          %get3A_1588 = arith.index_cast %sub3A_1459 : i32 to index
          %get3A_1589 = arith.index_cast %multiple_of3A_1587 : i32 to index
          %get3A_1590 = tpu.vector_load %arg11[%get3A_1588, %get3A_1589] {strides = array<i32>} : memref<20x512xi32, #tpu.memory_space<vmem>>, vector<16xi32>,
          %broadcast_in_dim3A_1591 = arith.constant 96 : i32
          %broadcast_in_dim3A_1592 = vector.broadcast %broadcast_in_dim3A_1591 : i32 to vector<16xi32>
          %add3A_1593 = arith.addi %iota3A, %broadcast_in_dim3A_1592 : vector<16xi32>
          %add3A_1594 = arith.addi %add3A_1593, %broadcast_in_dim3A_7 : vector<16xi32>
          %multiple_of3A_1595 = arith.constant 96 : i32
          %multiple_of3A_1596 = tpu.assume_multiple %multiple_of3A_1595, 16 : i32
          %swap3A_1597 = arith.constant 1 : i32
          %swap3A_1598 = arith.index_cast %swap3A_1597 : i32 to index
          %swap3A_1599 = arith.index_cast %multiple_of3A_1596 : i32 to index
          %swap3A_1600 = tpu.vector_load %arg13[%swap3A_1598, %swap3A_1599] {strides = array<i32>} : memref<2x128xi32, #tpu.memory_space<vmem>>, vector<16xi32>,
          tpu.vector_store %arg13[%swap3A_1598, %swap3A_1599], %get3A_1590 {strides = array<i32>} : memref<2x128xi32, #tpu.memory_space<vmem>>, vector<16xi32>,
          %broadcast_in_dim3A_1601 = vector.broadcast %mul3A_4 : i32 to vector<16xi32>
          %add3A_1602 = arith.addi %add3A_1594, %broadcast_in_dim3A_1601 : vector<16xi32>
          %swap3A_1603 = arith.constant 1 : i32
          %swap3A_1604 = arith.index_cast %swap3A_1603 : i32 to index
          %swap3A_1605 = arith.index_cast %multiple_of3A_1596 : i32 to index
          %swap3A_1606 = tpu.vector_load %arg14[%swap3A_1604, %swap3A_1605] {strides = array<i32>} : memref<2x128xi32, #tpu.memory_space<vmem>>, vector<16xi32>,
          tpu.vector_store %arg14[%swap3A_1604, %swap3A_1605], %add3A_1602 {strides = array<i32>} : memref<2x128xi32, #tpu.memory_space<vmem>>, vector<16xi32>,
          %multiple_of3A_1607 = arith.constant 240 : i32
          %multiple_of3A_1608 = tpu.assume_multiple %multiple_of3A_1607, 16 : i32
          %get3A_1609 = arith.index_cast %sub3A_1459 : i32 to index
          %get3A_1610 = arith.index_cast %multiple_of3A_1608 : i32 to index
          %get3A_1611 = tpu.vector_load %arg11[%get3A_1609, %get3A_1610] {strides = array<i32>} : memref<20x512xi32, #tpu.memory_space<vmem>>, vector<16xi32>,
          %broadcast_in_dim3A_1612 = arith.constant 112 : i32
          %broadcast_in_dim3A_1613 = vector.broadcast %broadcast_in_dim3A_1612 : i32 to vector<16xi32>
          %add3A_1614 = arith.addi %iota3A, %broadcast_in_dim3A_1613 : vector<16xi32>
          %add3A_1615 = arith.addi %add3A_1614, %broadcast_in_dim3A_7 : vector<16xi32>
          %multiple_of3A_1616 = arith.constant 112 : i32
          %multiple_of3A_1617 = tpu.assume_multiple %multiple_of3A_1616, 16 : i32
          %swap3A_1618 = arith.constant 1 : i32
          %swap3A_1619 = arith.index_cast %swap3A_1618 : i32 to index
          %swap3A_1620 = arith.index_cast %multiple_of3A_1617 : i32 to index
          %swap3A_1621 = tpu.vector_load %arg13[%swap3A_1619, %swap3A_1620] {strides = array<i32>} : memref<2x128xi32, #tpu.memory_space<vmem>>, vector<16xi32>,
          tpu.vector_store %arg13[%swap3A_1619, %swap3A_1620], %get3A_1611 {strides = array<i32>} : memref<2x128xi32, #tpu.memory_space<vmem>>, vector<16xi32>,
          %broadcast_in_dim3A_1622 = vector.broadcast %mul3A_4 : i32 to vector<16xi32>
          %add3A_1623 = arith.addi %add3A_1615, %broadcast_in_dim3A_1622 : vector<16xi32>
          %swap3A_1624 = arith.constant 1 : i32
          %swap3A_1625 = arith.index_cast %swap3A_1624 : i32 to index
          %swap3A_1626 = arith.index_cast %multiple_of3A_1617 : i32 to index
          %swap3A_1627 = tpu.vector_load %arg14[%swap3A_1625, %swap3A_1626] {strides = array<i32>} : memref<2x128xi32, #tpu.memory_space<vmem>>, vector<16xi32>,
          tpu.vector_store %arg14[%swap3A_1625, %swap3A_1626], %add3A_1623 {strides = array<i32>} : memref<2x128xi32, #tpu.memory_space<vmem>>, vector<16xi32>,
          %dma_start3A_1628 = arith.constant 1 : i32
          %dma_start3A_1629 = arith.constant 1 : i32
          %dma_start3A_1630 = arith.constant 1 : i32
          %dma_start3A_1631 = arith.constant 0 : i32
          %dma_start3A_1632 = arith.constant 0 : i32
          %dma_start3A_1633 = tpu.memref_slice %arg8[%dma_start3A_1629, %dma_start3A_1631, %dma_start3A_1632] : memref<2x128x128xf32, #tpu.memory_space<vmem>> -> memref<1x128x128xf32, #tpu.memory_space<vmem>>
          %dma_start3A_1634 = tpu.memref_squeeze %dma_start3A_1633 : memref<1x128x128xf32, #tpu.memory_space<vmem>> -> memref<128x128xf32, #tpu.memory_space<vmem>>
          %dma_start3A_1635 = arith.constant 0 : i32
          %dma_start3A_1636 = tpu.memref_slice %arg13[%dma_start3A_1628, %dma_start3A_1635] : memref<2x128xi32, #tpu.memory_space<vmem>> -> memref<1x128xi32, #tpu.memory_space<vmem>>
          %dma_start3A_1637 = tpu.memref_squeeze %dma_start3A_1636 : memref<1x128xi32, #tpu.memory_space<vmem>> -> memref<128xi32, #tpu.memory_space<vmem>>
          %dma_start3A_1638 = arith.constant 0 : i32
          %dma_start3A_1639 = arith.constant 0 : i32
          %dma_start3A_1640 = tpu.memref_slice %arg5[%dma_start3A_1638, %dma_start3A_1639] : memref<2000000x128xf32, #tpu.memory_space<hbm>> -> memref<2000000x128xf32, #tpu.memory_space<hbm>>
          %dma_start3A_1641 = tpu.memref_slice %arg10[%dma_start3A_1630] : memref<2x!tpu.dma_semaphore, #tpu.memory_space<semaphore_mem>> -> memref<1x!tpu.dma_semaphore, #tpu.memory_space<semaphore_mem>>
          %dma_start3A_1642 = tpu.memref_squeeze %dma_start3A_1641 : memref<1x!tpu.dma_semaphore, #tpu.memory_space<semaphore_mem>> -> memref<!tpu.dma_semaphore, #tpu.memory_space<semaphore_mem>>
          tpu.enqueue_indirect_dma source(%dma_start3A_1640 : memref<2000000x128xf32, #tpu.memory_space<hbm>>) target(%dma_start3A_1634 : memref<128x128xf32, #tpu.memory_space<vmem>>) offsets(%dma_start3A_1637 : memref<128xi32, #tpu.memory_space<vmem>>) semaphore(%dma_start3A_1642 : memref<!tpu.dma_semaphore, #tpu.memory_space<semaphore_mem>>)
        } else {
        }
      } else {
      }
    }
    %scan3A_704 = arith.constant 21 : i32
    "tpu.region"() ({
      %run_scoped3A = tpu.sem_alloc : memref<!tpu.dma_semaphore, #tpu.memory_space<semaphore_mem>>
      %dma_start3A_1427 = arith.constant 0 : i32
      %dma_start3A_1428 = tpu.memref_slice %arg7[%mul3A_4, %dma_start3A_1427] : memref<2048x128xf32, #tpu.memory_space<vmem_shared>> -> memref<128x128xf32, #tpu.memory_space<vmem_shared>>
      %dma_start3A_1429 = arith.constant 0 : i32
      %dma_start3A_1430 = tpu.memref_slice %arg7[%mul3A_4, %dma_start3A_1429] : memref<2048x128xf32, #tpu.memory_space<vmem_shared>> -> memref<128x128xf32, #tpu.memory_space<vmem_shared>>
      tpu.enqueue_dma source(%dma_start3A_1430 : memref<128x128xf32, #tpu.memory_space<vmem_shared>>) target(%arg15 : memref<128x128xf32, #tpu.memory_space<vmem>>) target_semaphore(%run_scoped3A : memref<!tpu.dma_semaphore, #tpu.memory_space<semaphore_mem>>)
      %dma_wait3A = arith.constant 0 : i32
      %dma_wait3A_1431 = tpu.memref_slice %arg7[%mul3A_4, %dma_wait3A] : memref<2048x128xf32, #tpu.memory_space<vmem_shared>> -> memref<128x128xf32, #tpu.memory_space<vmem_shared>>
      %dma_wait3A_1432 = arith.constant 0 : i32
      %dma_wait3A_1433 = tpu.memref_slice %arg7[%mul3A_4, %dma_wait3A_1432] : memref<2048x128xf32, #tpu.memory_space<vmem_shared>> -> memref<128x128xf32, #tpu.memory_space<vmem_shared>>
      tpu.wait_dma2 semaphore(%run_scoped3A : memref<!tpu.dma_semaphore, #tpu.memory_space<semaphore_mem>>) src(%dma_wait3A_1433 : memref<128x128xf32, #tpu.memory_space<vmem_shared>>) dst(%arg15 : memref<128x128xf32, #tpu.memory_space<vmem>>)
      tpu.yield
    }) : () -> ()
    %scan3A_705 = arith.constant 0 : i32
    %scan3A_706 = arith.constant 0 : i32
    %scan3A_707 = arith.constant 128 : i32
    %scan3A_708 = arith.addi %scan3A_706, %scan3A_707 : i32
    %scan3A_709 = arith.constant 1 : i32
    scf.for %scan3A_1427 = %scan3A_706 to %scan3A_708 step %scan3A_709  : i32 {
      %multiple_of3A_1428 = arith.constant 0 : i32
      %multiple_of3A_1429 = tpu.assume_multiple %multiple_of3A_1428, 16 : i32
      %get3A_1430 = arith.index_cast %scan3A_1427 : i32 to index
      %get3A_1431 = arith.index_cast %multiple_of3A_1429 : i32 to index
      %get3A_1432 = tpu.vector_load %arg15[%get3A_1430, %get3A_1431] {strides = array<i32>} : memref<128x128xf32, #tpu.memory_space<vmem>>, vector<16xf32>,
      %mul3A_1433 = arith.constant 64 : i32
      %mul3A_1434 = arith.muli %scan3A_1427, %mul3A_1433 : i32
      %add3A_1435 = arith.addi %mul3A_1434, %multiple_of3A_1429 : i32
      %swap3A_1436 = arith.index_cast %add3A_1435 : i32 to index
      %swap3A_1437 = tpu.vector_load %arg12[%swap3A_1436] {strides = array<i32>} : memref<8192xf32, #tpu.memory_space<vmem>>, vector<16xf32>,
      tpu.vector_store %arg12[%swap3A_1436], %get3A_1432 {strides = array<i32>} : memref<8192xf32, #tpu.memory_space<vmem>>, vector<16xf32>,
      %multiple_of3A_1438 = arith.constant 16 : i32
      %multiple_of3A_1439 = tpu.assume_multiple %multiple_of3A_1438, 16 : i32
      %get3A_1440 = arith.index_cast %scan3A_1427 : i32 to index
      %get3A_1441 = arith.index_cast %multiple_of3A_1439 : i32 to index
      %get3A_1442 = tpu.vector_load %arg15[%get3A_1440, %get3A_1441] {strides = array<i32>} : memref<128x128xf32, #tpu.memory_space<vmem>>, vector<16xf32>,
      %mul3A_1443 = arith.constant 64 : i32
      %mul3A_1444 = arith.muli %scan3A_1427, %mul3A_1443 : i32
      %add3A_1445 = arith.addi %mul3A_1444, %multiple_of3A_1439 : i32
      %swap3A_1446 = arith.index_cast %add3A_1445 : i32 to index
      %swap3A_1447 = tpu.vector_load %arg12[%swap3A_1446] {strides = array<i32>} : memref<8192xf32, #tpu.memory_space<vmem>>, vector<16xf32>,
      tpu.vector_store %arg12[%swap3A_1446], %get3A_1442 {strides = array<i32>} : memref<8192xf32, #tpu.memory_space<vmem>>, vector<16xf32>,
      %multiple_of3A_1448 = arith.constant 32 : i32
      %multiple_of3A_1449 = tpu.assume_multiple %multiple_of3A_1448, 16 : i32
      %get3A_1450 = arith.index_cast %scan3A_1427 : i32 to index
      %get3A_1451 = arith.index_cast %multiple_of3A_1449 : i32 to index
      %get3A_1452 = tpu.vector_load %arg15[%get3A_1450, %get3A_1451] {strides = array<i32>} : memref<128x128xf32, #tpu.memory_space<vmem>>, vector<16xf32>,
      %mul3A_1453 = arith.constant 64 : i32
      %mul3A_1454 = arith.muli %scan3A_1427, %mul3A_1453 : i32
      %add3A_1455 = arith.addi %mul3A_1454, %multiple_of3A_1449 : i32
      %swap3A_1456 = arith.index_cast %add3A_1455 : i32 to index
      %swap3A_1457 = tpu.vector_load %arg12[%swap3A_1456] {strides = array<i32>} : memref<8192xf32, #tpu.memory_space<vmem>>, vector<16xf32>,
      tpu.vector_store %arg12[%swap3A_1456], %get3A_1452 {strides = array<i32>} : memref<8192xf32, #tpu.memory_space<vmem>>, vector<16xf32>,
      %multiple_of3A_1458 = arith.constant 48 : i32
      %multiple_of3A_1459 = tpu.assume_multiple %multiple_of3A_1458, 16 : i32
      %get3A_1460 = arith.index_cast %scan3A_1427 : i32 to index
      %get3A_1461 = arith.index_cast %multiple_of3A_1459 : i32 to index
      %get3A_1462 = tpu.vector_load %arg15[%get3A_1460, %get3A_1461] {strides = array<i32>} : memref<128x128xf32, #tpu.memory_space<vmem>>, vector<16xf32>,
      %mul3A_1463 = arith.constant 64 : i32
      %mul3A_1464 = arith.muli %scan3A_1427, %mul3A_1463 : i32
      %add3A_1465 = arith.addi %mul3A_1464, %multiple_of3A_1459 : i32
      %swap3A_1466 = arith.index_cast %add3A_1465 : i32 to index
      %swap3A_1467 = tpu.vector_load %arg12[%swap3A_1466] {strides = array<i32>} : memref<8192xf32, #tpu.memory_space<vmem>>, vector<16xf32>,
      tpu.vector_store %arg12[%swap3A_1466], %get3A_1462 {strides = array<i32>} : memref<8192xf32, #tpu.memory_space<vmem>>, vector<16xf32>,
    }
    %scan3A_710 = arith.constant 128 : i32
    %add3A_711 = arith.constant 128 : i32
    %add3A_712 = arith.addi %mul3A_2, %add3A_711 : i32
    %mul3A_713 = arith.constant 64 : i32
    %mul3A_714 = arith.muli %add3A_712, %mul3A_713 : i32
    "tpu.region"() ({
      %run_scoped3A = tpu.sem_alloc : memref<!tpu.dma_semaphore, #tpu.memory_space<semaphore_mem>>
      %dma_start3A_1427 = tpu.memref_slice %arg6[%mul3A_714] : memref<1048576xf32, #tpu.memory_space<hbm>> -> memref<8192xf32, #tpu.memory_space<hbm>>
      %dma_start3A_1428 = tpu.memref_slice %arg6[%mul3A_714] : memref<1048576xf32, #tpu.memory_space<hbm>> -> memref<8192xf32, #tpu.memory_space<hbm>>
      tpu.enqueue_dma source(%arg12 : memref<8192xf32, #tpu.memory_space<vmem>>) target(%dma_start3A_1428 : memref<8192xf32, #tpu.memory_space<hbm>>) target_semaphore(%run_scoped3A : memref<!tpu.dma_semaphore, #tpu.memory_space<semaphore_mem>>)
      %dma_wait3A = tpu.memref_slice %arg6[%mul3A_714] : memref<1048576xf32, #tpu.memory_space<hbm>> -> memref<8192xf32, #tpu.memory_space<hbm>>
      %dma_wait3A_1429 = tpu.memref_slice %arg6[%mul3A_714] : memref<1048576xf32, #tpu.memory_space<hbm>> -> memref<8192xf32, #tpu.memory_space<hbm>>
      tpu.wait_dma2 semaphore(%run_scoped3A : memref<!tpu.dma_semaphore, #tpu.memory_space<semaphore_mem>>) src(%arg12 : memref<8192xf32, #tpu.memory_space<vmem>>) dst(%dma_wait3A_1429 : memref<8192xf32, #tpu.memory_space<hbm>>)
      tpu.yield
    }) : () -> ()
    %scan3A_715 = arith.constant 0 : i32
    %scan3A_716 = arith.constant 0 : i32
    %scan3A_717 = arith.constant 1024 : i32
    %scan3A_718 = arith.addi %scan3A_716, %scan3A_717 : i32
    %scan3A_719 = arith.constant 1 : i32
    scf.for %scan3A_1427 = %scan3A_716 to %scan3A_718 step %scan3A_719  : i32 {
      %shift_right_logical3A = arith.constant 3 : i32
      %shift_right_logical3A_1428 = arith.shrui %scan3A_1427, %shift_right_logical3A : i32
      %and3A = arith.constant 7 : i32
      %and3A_1429 = arith.andi %scan3A_1427, %and3A : i32
      %mul3A_1430 = arith.constant 16 : i32
      %mul3A_1431 = arith.muli %and3A_1429, %mul3A_1430 : i32
      %multiple_of3A_1432 = tpu.assume_multiple %mul3A_1431, 16 : i32
      %broadcast_in_dim3A_1433 = arith.constant 0.000000e+00 : f32
      %broadcast_in_dim3A_1434 = vector.broadcast %broadcast_in_dim3A_1433 : f32 to vector<16xf32>
      %swap3A_1435 = arith.index_cast %shift_right_logical3A_1428 : i32 to index
      %swap3A_1436 = arith.index_cast %multiple_of3A_1432 : i32 to index
      %swap3A_1437 = tpu.vector_load %arg15[%swap3A_1435, %swap3A_1436] {strides = array<i32>} : memref<128x128xf32, #tpu.memory_space<vmem>>, vector<16xf32>,
      tpu.vector_store %arg15[%swap3A_1435, %swap3A_1436], %broadcast_in_dim3A_1434 {strides = array<i32>} : memref<128x128xf32, #tpu.memory_space<vmem>>, vector<16xf32>,
    }
    %scan3A_720 = arith.constant 1024 : i32
    "tpu.region"() ({
      %run_scoped3A = tpu.sem_alloc : memref<!tpu.dma_semaphore, #tpu.memory_space<semaphore_mem>>
      %dma_start3A_1427 = arith.constant 0 : i32
      %dma_start3A_1428 = tpu.memref_slice %arg7[%mul3A_4, %dma_start3A_1427] : memref<2048x128xf32, #tpu.memory_space<vmem_shared>> -> memref<128x128xf32, #tpu.memory_space<vmem_shared>>
      %dma_start3A_1429 = arith.constant 0 : i32
      %dma_start3A_1430 = tpu.memref_slice %arg7[%mul3A_4, %dma_start3A_1429] : memref<2048x128xf32, #tpu.memory_space<vmem_shared>> -> memref<128x128xf32, #tpu.memory_space<vmem_shared>>
      tpu.enqueue_dma source(%arg15 : memref<128x128xf32, #tpu.memory_space<vmem>>) target(%dma_start3A_1430 : memref<128x128xf32, #tpu.memory_space<vmem_shared>>) target_semaphore(%run_scoped3A : memref<!tpu.dma_semaphore, #tpu.memory_space<semaphore_mem>>)
      %dma_wait3A = arith.constant 0 : i32
      %dma_wait3A_1431 = tpu.memref_slice %arg7[%mul3A_4, %dma_wait3A] : memref<2048x128xf32, #tpu.memory_space<vmem_shared>> -> memref<128x128xf32, #tpu.memory_space<vmem_shared>>
      %dma_wait3A_1432 = arith.constant 0 : i32
      %dma_wait3A_1433 = tpu.memref_slice %arg7[%mul3A_4, %dma_wait3A_1432] : memref<2048x128xf32, #tpu.memory_space<vmem_shared>> -> memref<128x128xf32, #tpu.memory_space<vmem_shared>>
      tpu.wait_dma2 semaphore(%run_scoped3A : memref<!tpu.dma_semaphore, #tpu.memory_space<semaphore_mem>>) src(%arg15 : memref<128x128xf32, #tpu.memory_space<vmem>>) dst(%dma_wait3A_1433 : memref<128x128xf32, #tpu.memory_space<vmem_shared>>)
      tpu.yield
    }) : () -> ()
    %get3A_721 = arith.constant 256 : index
    %get3A_722 = tpu.vector_load %arg9[%get3A_721] {strides = array<i32>} : memref<512xi32, #tpu.memory_space<vmem>>, vector<16xi32>,
    %broadcast_in_dim3A_723 = arith.constant 0 : i32
    %broadcast_in_dim3A_724 = vector.broadcast %broadcast_in_dim3A_723 : i32 to vector<16xi32>
    %add3A_725 = arith.addi %iota3A, %broadcast_in_dim3A_724 : vector<16xi32>
    %add3A_726 = arith.addi %add3A_725, %broadcast_in_dim3A_7 : vector<16xi32>
    %multiple_of3A_727 = arith.constant 0 : i32
    %multiple_of3A_728 = tpu.assume_multiple %multiple_of3A_727, 16 : i32
    %swap3A_729 = arith.constant 0 : i32
    %swap3A_730 = arith.index_cast %swap3A_729 : i32 to index
    %swap3A_731 = arith.index_cast %multiple_of3A_728 : i32 to index
    %swap3A_732 = tpu.vector_load %arg13[%swap3A_730, %swap3A_731] {strides = array<i32>} : memref<2x128xi32, #tpu.memory_space<vmem>>, vector<16xi32>,
    tpu.vector_store %arg13[%swap3A_730, %swap3A_731], %get3A_722 {strides = array<i32>} : memref<2x128xi32, #tpu.memory_space<vmem>>, vector<16xi32>,
    %broadcast_in_dim3A_733 = vector.broadcast %mul3A_4 : i32 to vector<16xi32>
    %add3A_734 = arith.addi %add3A_726, %broadcast_in_dim3A_733 : vector<16xi32>
    %swap3A_735 = arith.constant 0 : i32
    %swap3A_736 = arith.index_cast %swap3A_735 : i32 to index
    %swap3A_737 = arith.index_cast %multiple_of3A_728 : i32 to index
    %swap3A_738 = tpu.vector_load %arg14[%swap3A_736, %swap3A_737] {strides = array<i32>} : memref<2x128xi32, #tpu.memory_space<vmem>>, vector<16xi32>,
    tpu.vector_store %arg14[%swap3A_736, %swap3A_737], %add3A_734 {strides = array<i32>} : memref<2x128xi32, #tpu.memory_space<vmem>>, vector<16xi32>,
    %get3A_739 = arith.constant 272 : index
    %get3A_740 = tpu.vector_load %arg9[%get3A_739] {strides = array<i32>} : memref<512xi32, #tpu.memory_space<vmem>>, vector<16xi32>,
    %broadcast_in_dim3A_741 = arith.constant 16 : i32
    %broadcast_in_dim3A_742 = vector.broadcast %broadcast_in_dim3A_741 : i32 to vector<16xi32>
    %add3A_743 = arith.addi %iota3A, %broadcast_in_dim3A_742 : vector<16xi32>
    %add3A_744 = arith.addi %add3A_743, %broadcast_in_dim3A_7 : vector<16xi32>
    %multiple_of3A_745 = arith.constant 16 : i32
    %multiple_of3A_746 = tpu.assume_multiple %multiple_of3A_745, 16 : i32
    %swap3A_747 = arith.constant 0 : i32
    %swap3A_748 = arith.index_cast %swap3A_747 : i32 to index
    %swap3A_749 = arith.index_cast %multiple_of3A_746 : i32 to index
    %swap3A_750 = tpu.vector_load %arg13[%swap3A_748, %swap3A_749] {strides = array<i32>} : memref<2x128xi32, #tpu.memory_space<vmem>>, vector<16xi32>,
    tpu.vector_store %arg13[%swap3A_748, %swap3A_749], %get3A_740 {strides = array<i32>} : memref<2x128xi32, #tpu.memory_space<vmem>>, vector<16xi32>,
    %broadcast_in_dim3A_751 = vector.broadcast %mul3A_4 : i32 to vector<16xi32>
    %add3A_752 = arith.addi %add3A_744, %broadcast_in_dim3A_751 : vector<16xi32>
    %swap3A_753 = arith.constant 0 : i32
    %swap3A_754 = arith.index_cast %swap3A_753 : i32 to index
    %swap3A_755 = arith.index_cast %multiple_of3A_746 : i32 to index
    %swap3A_756 = tpu.vector_load %arg14[%swap3A_754, %swap3A_755] {strides = array<i32>} : memref<2x128xi32, #tpu.memory_space<vmem>>, vector<16xi32>,
    tpu.vector_store %arg14[%swap3A_754, %swap3A_755], %add3A_752 {strides = array<i32>} : memref<2x128xi32, #tpu.memory_space<vmem>>, vector<16xi32>,
    %get3A_757 = arith.constant 288 : index
    %get3A_758 = tpu.vector_load %arg9[%get3A_757] {strides = array<i32>} : memref<512xi32, #tpu.memory_space<vmem>>, vector<16xi32>,
    %broadcast_in_dim3A_759 = arith.constant 32 : i32
    %broadcast_in_dim3A_760 = vector.broadcast %broadcast_in_dim3A_759 : i32 to vector<16xi32>
    %add3A_761 = arith.addi %iota3A, %broadcast_in_dim3A_760 : vector<16xi32>
    %add3A_762 = arith.addi %add3A_761, %broadcast_in_dim3A_7 : vector<16xi32>
    %multiple_of3A_763 = arith.constant 32 : i32
    %multiple_of3A_764 = tpu.assume_multiple %multiple_of3A_763, 16 : i32
    %swap3A_765 = arith.constant 0 : i32
    %swap3A_766 = arith.index_cast %swap3A_765 : i32 to index
    %swap3A_767 = arith.index_cast %multiple_of3A_764 : i32 to index
    %swap3A_768 = tpu.vector_load %arg13[%swap3A_766, %swap3A_767] {strides = array<i32>} : memref<2x128xi32, #tpu.memory_space<vmem>>, vector<16xi32>,
    tpu.vector_store %arg13[%swap3A_766, %swap3A_767], %get3A_758 {strides = array<i32>} : memref<2x128xi32, #tpu.memory_space<vmem>>, vector<16xi32>,
    %broadcast_in_dim3A_769 = vector.broadcast %mul3A_4 : i32 to vector<16xi32>
    %add3A_770 = arith.addi %add3A_762, %broadcast_in_dim3A_769 : vector<16xi32>
    %swap3A_771 = arith.constant 0 : i32
    %swap3A_772 = arith.index_cast %swap3A_771 : i32 to index
    %swap3A_773 = arith.index_cast %multiple_of3A_764 : i32 to index
    %swap3A_774 = tpu.vector_load %arg14[%swap3A_772, %swap3A_773] {strides = array<i32>} : memref<2x128xi32, #tpu.memory_space<vmem>>, vector<16xi32>,
    tpu.vector_store %arg14[%swap3A_772, %swap3A_773], %add3A_770 {strides = array<i32>} : memref<2x128xi32, #tpu.memory_space<vmem>>, vector<16xi32>,
    %get3A_775 = arith.constant 304 : index
    %get3A_776 = tpu.vector_load %arg9[%get3A_775] {strides = array<i32>} : memref<512xi32, #tpu.memory_space<vmem>>, vector<16xi32>,
    %broadcast_in_dim3A_777 = arith.constant 48 : i32
    %broadcast_in_dim3A_778 = vector.broadcast %broadcast_in_dim3A_777 : i32 to vector<16xi32>
    %add3A_779 = arith.addi %iota3A, %broadcast_in_dim3A_778 : vector<16xi32>
    %add3A_780 = arith.addi %add3A_779, %broadcast_in_dim3A_7 : vector<16xi32>
    %multiple_of3A_781 = arith.constant 48 : i32
    %multiple_of3A_782 = tpu.assume_multiple %multiple_of3A_781, 16 : i32
    %swap3A_783 = arith.constant 0 : i32
    %swap3A_784 = arith.index_cast %swap3A_783 : i32 to index
    %swap3A_785 = arith.index_cast %multiple_of3A_782 : i32 to index
    %swap3A_786 = tpu.vector_load %arg13[%swap3A_784, %swap3A_785] {strides = array<i32>} : memref<2x128xi32, #tpu.memory_space<vmem>>, vector<16xi32>,
    tpu.vector_store %arg13[%swap3A_784, %swap3A_785], %get3A_776 {strides = array<i32>} : memref<2x128xi32, #tpu.memory_space<vmem>>, vector<16xi32>,
    %broadcast_in_dim3A_787 = vector.broadcast %mul3A_4 : i32 to vector<16xi32>
    %add3A_788 = arith.addi %add3A_780, %broadcast_in_dim3A_787 : vector<16xi32>
    %swap3A_789 = arith.constant 0 : i32
    %swap3A_790 = arith.index_cast %swap3A_789 : i32 to index
    %swap3A_791 = arith.index_cast %multiple_of3A_782 : i32 to index
    %swap3A_792 = tpu.vector_load %arg14[%swap3A_790, %swap3A_791] {strides = array<i32>} : memref<2x128xi32, #tpu.memory_space<vmem>>, vector<16xi32>,
    tpu.vector_store %arg14[%swap3A_790, %swap3A_791], %add3A_788 {strides = array<i32>} : memref<2x128xi32, #tpu.memory_space<vmem>>, vector<16xi32>,
    %get3A_793 = arith.constant 320 : index
    %get3A_794 = tpu.vector_load %arg9[%get3A_793] {strides = array<i32>} : memref<512xi32, #tpu.memory_space<vmem>>, vector<16xi32>,
    %broadcast_in_dim3A_795 = arith.constant 64 : i32
    %broadcast_in_dim3A_796 = vector.broadcast %broadcast_in_dim3A_795 : i32 to vector<16xi32>
    %add3A_797 = arith.addi %iota3A, %broadcast_in_dim3A_796 : vector<16xi32>
    %add3A_798 = arith.addi %add3A_797, %broadcast_in_dim3A_7 : vector<16xi32>
    %multiple_of3A_799 = arith.constant 64 : i32
    %multiple_of3A_800 = tpu.assume_multiple %multiple_of3A_799, 16 : i32
    %swap3A_801 = arith.constant 0 : i32
    %swap3A_802 = arith.index_cast %swap3A_801 : i32 to index
    %swap3A_803 = arith.index_cast %multiple_of3A_800 : i32 to index
    %swap3A_804 = tpu.vector_load %arg13[%swap3A_802, %swap3A_803] {strides = array<i32>} : memref<2x128xi32, #tpu.memory_space<vmem>>, vector<16xi32>,
    tpu.vector_store %arg13[%swap3A_802, %swap3A_803], %get3A_794 {strides = array<i32>} : memref<2x128xi32, #tpu.memory_space<vmem>>, vector<16xi32>,
    %broadcast_in_dim3A_805 = vector.broadcast %mul3A_4 : i32 to vector<16xi32>
    %add3A_806 = arith.addi %add3A_798, %broadcast_in_dim3A_805 : vector<16xi32>
    %swap3A_807 = arith.constant 0 : i32
    %swap3A_808 = arith.index_cast %swap3A_807 : i32 to index
    %swap3A_809 = arith.index_cast %multiple_of3A_800 : i32 to index
    %swap3A_810 = tpu.vector_load %arg14[%swap3A_808, %swap3A_809] {strides = array<i32>} : memref<2x128xi32, #tpu.memory_space<vmem>>, vector<16xi32>,
    tpu.vector_store %arg14[%swap3A_808, %swap3A_809], %add3A_806 {strides = array<i32>} : memref<2x128xi32, #tpu.memory_space<vmem>>, vector<16xi32>,
    %get3A_811 = arith.constant 336 : index
    %get3A_812 = tpu.vector_load %arg9[%get3A_811] {strides = array<i32>} : memref<512xi32, #tpu.memory_space<vmem>>, vector<16xi32>,
    %broadcast_in_dim3A_813 = arith.constant 80 : i32
    %broadcast_in_dim3A_814 = vector.broadcast %broadcast_in_dim3A_813 : i32 to vector<16xi32>
    %add3A_815 = arith.addi %iota3A, %broadcast_in_dim3A_814 : vector<16xi32>
    %add3A_816 = arith.addi %add3A_815, %broadcast_in_dim3A_7 : vector<16xi32>
    %multiple_of3A_817 = arith.constant 80 : i32
    %multiple_of3A_818 = tpu.assume_multiple %multiple_of3A_817, 16 : i32
    %swap3A_819 = arith.constant 0 : i32
    %swap3A_820 = arith.index_cast %swap3A_819 : i32 to index
    %swap3A_821 = arith.index_cast %multiple_of3A_818 : i32 to index
    %swap3A_822 = tpu.vector_load %arg13[%swap3A_820, %swap3A_821] {strides = array<i32>} : memref<2x128xi32, #tpu.memory_space<vmem>>, vector<16xi32>,
    tpu.vector_store %arg13[%swap3A_820, %swap3A_821], %get3A_812 {strides = array<i32>} : memref<2x128xi32, #tpu.memory_space<vmem>>, vector<16xi32>,
    %broadcast_in_dim3A_823 = vector.broadcast %mul3A_4 : i32 to vector<16xi32>
    %add3A_824 = arith.addi %add3A_816, %broadcast_in_dim3A_823 : vector<16xi32>
    %swap3A_825 = arith.constant 0 : i32
    %swap3A_826 = arith.index_cast %swap3A_825 : i32 to index
    %swap3A_827 = arith.index_cast %multiple_of3A_818 : i32 to index
    %swap3A_828 = tpu.vector_load %arg14[%swap3A_826, %swap3A_827] {strides = array<i32>} : memref<2x128xi32, #tpu.memory_space<vmem>>, vector<16xi32>,
    tpu.vector_store %arg14[%swap3A_826, %swap3A_827], %add3A_824 {strides = array<i32>} : memref<2x128xi32, #tpu.memory_space<vmem>>, vector<16xi32>,
    %get3A_829 = arith.constant 352 : index
    %get3A_830 = tpu.vector_load %arg9[%get3A_829] {strides = array<i32>} : memref<512xi32, #tpu.memory_space<vmem>>, vector<16xi32>,
    %broadcast_in_dim3A_831 = arith.constant 96 : i32
    %broadcast_in_dim3A_832 = vector.broadcast %broadcast_in_dim3A_831 : i32 to vector<16xi32>
    %add3A_833 = arith.addi %iota3A, %broadcast_in_dim3A_832 : vector<16xi32>
    %add3A_834 = arith.addi %add3A_833, %broadcast_in_dim3A_7 : vector<16xi32>
    %multiple_of3A_835 = arith.constant 96 : i32
    %multiple_of3A_836 = tpu.assume_multiple %multiple_of3A_835, 16 : i32
    %swap3A_837 = arith.constant 0 : i32
    %swap3A_838 = arith.index_cast %swap3A_837 : i32 to index
    %swap3A_839 = arith.index_cast %multiple_of3A_836 : i32 to index
    %swap3A_840 = tpu.vector_load %arg13[%swap3A_838, %swap3A_839] {strides = array<i32>} : memref<2x128xi32, #tpu.memory_space<vmem>>, vector<16xi32>,
    tpu.vector_store %arg13[%swap3A_838, %swap3A_839], %get3A_830 {strides = array<i32>} : memref<2x128xi32, #tpu.memory_space<vmem>>, vector<16xi32>,
    %broadcast_in_dim3A_841 = vector.broadcast %mul3A_4 : i32 to vector<16xi32>
    %add3A_842 = arith.addi %add3A_834, %broadcast_in_dim3A_841 : vector<16xi32>
    %swap3A_843 = arith.constant 0 : i32
    %swap3A_844 = arith.index_cast %swap3A_843 : i32 to index
    %swap3A_845 = arith.index_cast %multiple_of3A_836 : i32 to index
    %swap3A_846 = tpu.vector_load %arg14[%swap3A_844, %swap3A_845] {strides = array<i32>} : memref<2x128xi32, #tpu.memory_space<vmem>>, vector<16xi32>,
    tpu.vector_store %arg14[%swap3A_844, %swap3A_845], %add3A_842 {strides = array<i32>} : memref<2x128xi32, #tpu.memory_space<vmem>>, vector<16xi32>,
    %get3A_847 = arith.constant 368 : index
    %get3A_848 = tpu.vector_load %arg9[%get3A_847] {strides = array<i32>} : memref<512xi32, #tpu.memory_space<vmem>>, vector<16xi32>,
    %broadcast_in_dim3A_849 = arith.constant 112 : i32
    %broadcast_in_dim3A_850 = vector.broadcast %broadcast_in_dim3A_849 : i32 to vector<16xi32>
    %add3A_851 = arith.addi %iota3A, %broadcast_in_dim3A_850 : vector<16xi32>
    %add3A_852 = arith.addi %add3A_851, %broadcast_in_dim3A_7 : vector<16xi32>
    %multiple_of3A_853 = arith.constant 112 : i32
    %multiple_of3A_854 = tpu.assume_multiple %multiple_of3A_853, 16 : i32
    %swap3A_855 = arith.constant 0 : i32
    %swap3A_856 = arith.index_cast %swap3A_855 : i32 to index
    %swap3A_857 = arith.index_cast %multiple_of3A_854 : i32 to index
    %swap3A_858 = tpu.vector_load %arg13[%swap3A_856, %swap3A_857] {strides = array<i32>} : memref<2x128xi32, #tpu.memory_space<vmem>>, vector<16xi32>,
    tpu.vector_store %arg13[%swap3A_856, %swap3A_857], %get3A_848 {strides = array<i32>} : memref<2x128xi32, #tpu.memory_space<vmem>>, vector<16xi32>,
    %broadcast_in_dim3A_859 = vector.broadcast %mul3A_4 : i32 to vector<16xi32>
    %add3A_860 = arith.addi %add3A_852, %broadcast_in_dim3A_859 : vector<16xi32>
    %swap3A_861 = arith.constant 0 : i32
    %swap3A_862 = arith.index_cast %swap3A_861 : i32 to index
    %swap3A_863 = arith.index_cast %multiple_of3A_854 : i32 to index
    %swap3A_864 = tpu.vector_load %arg14[%swap3A_862, %swap3A_863] {strides = array<i32>} : memref<2x128xi32, #tpu.memory_space<vmem>>, vector<16xi32>,
    tpu.vector_store %arg14[%swap3A_862, %swap3A_863], %add3A_860 {strides = array<i32>} : memref<2x128xi32, #tpu.memory_space<vmem>>, vector<16xi32>,
    %dma_start3A_865 = arith.constant 0 : i32
    %dma_start3A_866 = arith.constant 0 : i32
    %dma_start3A_867 = arith.constant 0 : i32
    %dma_start3A_868 = arith.constant 0 : i32
    %dma_start3A_869 = arith.constant 0 : i32
    %dma_start3A_870 = tpu.memref_slice %arg8[%dma_start3A_866, %dma_start3A_868, %dma_start3A_869] : memref<2x128x128xf32, #tpu.memory_space<vmem>> -> memref<1x128x128xf32, #tpu.memory_space<vmem>>
    %dma_start3A_871 = tpu.memref_squeeze %dma_start3A_870 : memref<1x128x128xf32, #tpu.memory_space<vmem>> -> memref<128x128xf32, #tpu.memory_space<vmem>>
    %dma_start3A_872 = arith.constant 0 : i32
    %dma_start3A_873 = tpu.memref_slice %arg13[%dma_start3A_865, %dma_start3A_872] : memref<2x128xi32, #tpu.memory_space<vmem>> -> memref<1x128xi32, #tpu.memory_space<vmem>>
    %dma_start3A_874 = tpu.memref_squeeze %dma_start3A_873 : memref<1x128xi32, #tpu.memory_space<vmem>> -> memref<128xi32, #tpu.memory_space<vmem>>
    %dma_start3A_875 = arith.constant 0 : i32
    %dma_start3A_876 = arith.constant 0 : i32
    %dma_start3A_877 = tpu.memref_slice %arg4[%dma_start3A_875, %dma_start3A_876] : memref<1000000x128xf32, #tpu.memory_space<hbm>> -> memref<1000000x128xf32, #tpu.memory_space<hbm>>
    %dma_start3A_878 = tpu.memref_slice %arg10[%dma_start3A_867] : memref<2x!tpu.dma_semaphore, #tpu.memory_space<semaphore_mem>> -> memref<1x!tpu.dma_semaphore, #tpu.memory_space<semaphore_mem>>
    %dma_start3A_879 = tpu.memref_squeeze %dma_start3A_878 : memref<1x!tpu.dma_semaphore, #tpu.memory_space<semaphore_mem>> -> memref<!tpu.dma_semaphore, #tpu.memory_space<semaphore_mem>>
    tpu.enqueue_indirect_dma source(%dma_start3A_877 : memref<1000000x128xf32, #tpu.memory_space<hbm>>) target(%dma_start3A_871 : memref<128x128xf32, #tpu.memory_space<vmem>>) offsets(%dma_start3A_874 : memref<128xi32, #tpu.memory_space<vmem>>) semaphore(%dma_start3A_879 : memref<!tpu.dma_semaphore, #tpu.memory_space<semaphore_mem>>)
    %get3A_880 = arith.constant 0 : i32
    %get3A_881 = arith.index_cast %get3A_880 : i32 to index
    %get3A_882 = arith.constant 256 : index
    %get3A_883 = tpu.vector_load %arg11[%get3A_881, %get3A_882] {strides = array<i32>} : memref<20x512xi32, #tpu.memory_space<vmem>>, vector<16xi32>,
    %broadcast_in_dim3A_884 = arith.constant 0 : i32
    %broadcast_in_dim3A_885 = vector.broadcast %broadcast_in_dim3A_884 : i32 to vector<16xi32>
    %add3A_886 = arith.addi %iota3A, %broadcast_in_dim3A_885 : vector<16xi32>
    %add3A_887 = arith.addi %add3A_886, %broadcast_in_dim3A_7 : vector<16xi32>
    %multiple_of3A_888 = arith.constant 0 : i32
    %multiple_of3A_889 = tpu.assume_multiple %multiple_of3A_888, 16 : i32
    %swap3A_890 = arith.constant 1 : i32
    %swap3A_891 = arith.index_cast %swap3A_890 : i32 to index
    %swap3A_892 = arith.index_cast %multiple_of3A_889 : i32 to index
    %swap3A_893 = tpu.vector_load %arg13[%swap3A_891, %swap3A_892] {strides = array<i32>} : memref<2x128xi32, #tpu.memory_space<vmem>>, vector<16xi32>,
    tpu.vector_store %arg13[%swap3A_891, %swap3A_892], %get3A_883 {strides = array<i32>} : memref<2x128xi32, #tpu.memory_space<vmem>>, vector<16xi32>,
    %broadcast_in_dim3A_894 = vector.broadcast %mul3A_4 : i32 to vector<16xi32>
    %add3A_895 = arith.addi %add3A_887, %broadcast_in_dim3A_894 : vector<16xi32>
    %swap3A_896 = arith.constant 1 : i32
    %swap3A_897 = arith.index_cast %swap3A_896 : i32 to index
    %swap3A_898 = arith.index_cast %multiple_of3A_889 : i32 to index
    %swap3A_899 = tpu.vector_load %arg14[%swap3A_897, %swap3A_898] {strides = array<i32>} : memref<2x128xi32, #tpu.memory_space<vmem>>, vector<16xi32>,
    tpu.vector_store %arg14[%swap3A_897, %swap3A_898], %add3A_895 {strides = array<i32>} : memref<2x128xi32, #tpu.memory_space<vmem>>, vector<16xi32>,
    %get3A_900 = arith.constant 0 : i32
    %get3A_901 = arith.index_cast %get3A_900 : i32 to index
    %get3A_902 = arith.constant 272 : index
    %get3A_903 = tpu.vector_load %arg11[%get3A_901, %get3A_902] {strides = array<i32>} : memref<20x512xi32, #tpu.memory_space<vmem>>, vector<16xi32>,
    %broadcast_in_dim3A_904 = arith.constant 16 : i32
    %broadcast_in_dim3A_905 = vector.broadcast %broadcast_in_dim3A_904 : i32 to vector<16xi32>
    %add3A_906 = arith.addi %iota3A, %broadcast_in_dim3A_905 : vector<16xi32>
    %add3A_907 = arith.addi %add3A_906, %broadcast_in_dim3A_7 : vector<16xi32>
    %multiple_of3A_908 = arith.constant 16 : i32
    %multiple_of3A_909 = tpu.assume_multiple %multiple_of3A_908, 16 : i32
    %swap3A_910 = arith.constant 1 : i32
    %swap3A_911 = arith.index_cast %swap3A_910 : i32 to index
    %swap3A_912 = arith.index_cast %multiple_of3A_909 : i32 to index
    %swap3A_913 = tpu.vector_load %arg13[%swap3A_911, %swap3A_912] {strides = array<i32>} : memref<2x128xi32, #tpu.memory_space<vmem>>, vector<16xi32>,
    tpu.vector_store %arg13[%swap3A_911, %swap3A_912], %get3A_903 {strides = array<i32>} : memref<2x128xi32, #tpu.memory_space<vmem>>, vector<16xi32>,
    %broadcast_in_dim3A_914 = vector.broadcast %mul3A_4 : i32 to vector<16xi32>
    %add3A_915 = arith.addi %add3A_907, %broadcast_in_dim3A_914 : vector<16xi32>
    %swap3A_916 = arith.constant 1 : i32
    %swap3A_917 = arith.index_cast %swap3A_916 : i32 to index
    %swap3A_918 = arith.index_cast %multiple_of3A_909 : i32 to index
    %swap3A_919 = tpu.vector_load %arg14[%swap3A_917, %swap3A_918] {strides = array<i32>} : memref<2x128xi32, #tpu.memory_space<vmem>>, vector<16xi32>,
    tpu.vector_store %arg14[%swap3A_917, %swap3A_918], %add3A_915 {strides = array<i32>} : memref<2x128xi32, #tpu.memory_space<vmem>>, vector<16xi32>,
    %get3A_920 = arith.constant 0 : i32
    %get3A_921 = arith.index_cast %get3A_920 : i32 to index
    %get3A_922 = arith.constant 288 : index
    %get3A_923 = tpu.vector_load %arg11[%get3A_921, %get3A_922] {strides = array<i32>} : memref<20x512xi32, #tpu.memory_space<vmem>>, vector<16xi32>,
    %broadcast_in_dim3A_924 = arith.constant 32 : i32
    %broadcast_in_dim3A_925 = vector.broadcast %broadcast_in_dim3A_924 : i32 to vector<16xi32>
    %add3A_926 = arith.addi %iota3A, %broadcast_in_dim3A_925 : vector<16xi32>
    %add3A_927 = arith.addi %add3A_926, %broadcast_in_dim3A_7 : vector<16xi32>
    %multiple_of3A_928 = arith.constant 32 : i32
    %multiple_of3A_929 = tpu.assume_multiple %multiple_of3A_928, 16 : i32
    %swap3A_930 = arith.constant 1 : i32
    %swap3A_931 = arith.index_cast %swap3A_930 : i32 to index
    %swap3A_932 = arith.index_cast %multiple_of3A_929 : i32 to index
    %swap3A_933 = tpu.vector_load %arg13[%swap3A_931, %swap3A_932] {strides = array<i32>} : memref<2x128xi32, #tpu.memory_space<vmem>>, vector<16xi32>,
    tpu.vector_store %arg13[%swap3A_931, %swap3A_932], %get3A_923 {strides = array<i32>} : memref<2x128xi32, #tpu.memory_space<vmem>>, vector<16xi32>,
    %broadcast_in_dim3A_934 = vector.broadcast %mul3A_4 : i32 to vector<16xi32>
    %add3A_935 = arith.addi %add3A_927, %broadcast_in_dim3A_934 : vector<16xi32>
    %swap3A_936 = arith.constant 1 : i32
    %swap3A_937 = arith.index_cast %swap3A_936 : i32 to index
    %swap3A_938 = arith.index_cast %multiple_of3A_929 : i32 to index
    %swap3A_939 = tpu.vector_load %arg14[%swap3A_937, %swap3A_938] {strides = array<i32>} : memref<2x128xi32, #tpu.memory_space<vmem>>, vector<16xi32>,
    tpu.vector_store %arg14[%swap3A_937, %swap3A_938], %add3A_935 {strides = array<i32>} : memref<2x128xi32, #tpu.memory_space<vmem>>, vector<16xi32>,
    %get3A_940 = arith.constant 0 : i32
    %get3A_941 = arith.index_cast %get3A_940 : i32 to index
    %get3A_942 = arith.constant 304 : index
    %get3A_943 = tpu.vector_load %arg11[%get3A_941, %get3A_942] {strides = array<i32>} : memref<20x512xi32, #tpu.memory_space<vmem>>, vector<16xi32>,
    %broadcast_in_dim3A_944 = arith.constant 48 : i32
    %broadcast_in_dim3A_945 = vector.broadcast %broadcast_in_dim3A_944 : i32 to vector<16xi32>
    %add3A_946 = arith.addi %iota3A, %broadcast_in_dim3A_945 : vector<16xi32>
    %add3A_947 = arith.addi %add3A_946, %broadcast_in_dim3A_7 : vector<16xi32>
    %multiple_of3A_948 = arith.constant 48 : i32
    %multiple_of3A_949 = tpu.assume_multiple %multiple_of3A_948, 16 : i32
    %swap3A_950 = arith.constant 1 : i32
    %swap3A_951 = arith.index_cast %swap3A_950 : i32 to index
    %swap3A_952 = arith.index_cast %multiple_of3A_949 : i32 to index
    %swap3A_953 = tpu.vector_load %arg13[%swap3A_951, %swap3A_952] {strides = array<i32>} : memref<2x128xi32, #tpu.memory_space<vmem>>, vector<16xi32>,
    tpu.vector_store %arg13[%swap3A_951, %swap3A_952], %get3A_943 {strides = array<i32>} : memref<2x128xi32, #tpu.memory_space<vmem>>, vector<16xi32>,
    %broadcast_in_dim3A_954 = vector.broadcast %mul3A_4 : i32 to vector<16xi32>
    %add3A_955 = arith.addi %add3A_947, %broadcast_in_dim3A_954 : vector<16xi32>
    %swap3A_956 = arith.constant 1 : i32
    %swap3A_957 = arith.index_cast %swap3A_956 : i32 to index
    %swap3A_958 = arith.index_cast %multiple_of3A_949 : i32 to index
    %swap3A_959 = tpu.vector_load %arg14[%swap3A_957, %swap3A_958] {strides = array<i32>} : memref<2x128xi32, #tpu.memory_space<vmem>>, vector<16xi32>,
    tpu.vector_store %arg14[%swap3A_957, %swap3A_958], %add3A_955 {strides = array<i32>} : memref<2x128xi32, #tpu.memory_space<vmem>>, vector<16xi32>,
    %get3A_960 = arith.constant 0 : i32
    %get3A_961 = arith.index_cast %get3A_960 : i32 to index
    %get3A_962 = arith.constant 320 : index
    %get3A_963 = tpu.vector_load %arg11[%get3A_961, %get3A_962] {strides = array<i32>} : memref<20x512xi32, #tpu.memory_space<vmem>>, vector<16xi32>,
    %broadcast_in_dim3A_964 = arith.constant 64 : i32
    %broadcast_in_dim3A_965 = vector.broadcast %broadcast_in_dim3A_964 : i32 to vector<16xi32>
    %add3A_966 = arith.addi %iota3A, %broadcast_in_dim3A_965 : vector<16xi32>
    %add3A_967 = arith.addi %add3A_966, %broadcast_in_dim3A_7 : vector<16xi32>
    %multiple_of3A_968 = arith.constant 64 : i32
    %multiple_of3A_969 = tpu.assume_multiple %multiple_of3A_968, 16 : i32
    %swap3A_970 = arith.constant 1 : i32
    %swap3A_971 = arith.index_cast %swap3A_970 : i32 to index
    %swap3A_972 = arith.index_cast %multiple_of3A_969 : i32 to index
    %swap3A_973 = tpu.vector_load %arg13[%swap3A_971, %swap3A_972] {strides = array<i32>} : memref<2x128xi32, #tpu.memory_space<vmem>>, vector<16xi32>,
    tpu.vector_store %arg13[%swap3A_971, %swap3A_972], %get3A_963 {strides = array<i32>} : memref<2x128xi32, #tpu.memory_space<vmem>>, vector<16xi32>,
    %broadcast_in_dim3A_974 = vector.broadcast %mul3A_4 : i32 to vector<16xi32>
    %add3A_975 = arith.addi %add3A_967, %broadcast_in_dim3A_974 : vector<16xi32>
    %swap3A_976 = arith.constant 1 : i32
    %swap3A_977 = arith.index_cast %swap3A_976 : i32 to index
    %swap3A_978 = arith.index_cast %multiple_of3A_969 : i32 to index
    %swap3A_979 = tpu.vector_load %arg14[%swap3A_977, %swap3A_978] {strides = array<i32>} : memref<2x128xi32, #tpu.memory_space<vmem>>, vector<16xi32>,
    tpu.vector_store %arg14[%swap3A_977, %swap3A_978], %add3A_975 {strides = array<i32>} : memref<2x128xi32, #tpu.memory_space<vmem>>, vector<16xi32>,
    %get3A_980 = arith.constant 0 : i32
    %get3A_981 = arith.index_cast %get3A_980 : i32 to index
    %get3A_982 = arith.constant 336 : index
    %get3A_983 = tpu.vector_load %arg11[%get3A_981, %get3A_982] {strides = array<i32>} : memref<20x512xi32, #tpu.memory_space<vmem>>, vector<16xi32>,
    %broadcast_in_dim3A_984 = arith.constant 80 : i32
    %broadcast_in_dim3A_985 = vector.broadcast %broadcast_in_dim3A_984 : i32 to vector<16xi32>
    %add3A_986 = arith.addi %iota3A, %broadcast_in_dim3A_985 : vector<16xi32>
    %add3A_987 = arith.addi %add3A_986, %broadcast_in_dim3A_7 : vector<16xi32>
    %multiple_of3A_988 = arith.constant 80 : i32
    %multiple_of3A_989 = tpu.assume_multiple %multiple_of3A_988, 16 : i32
    %swap3A_990 = arith.constant 1 : i32
    %swap3A_991 = arith.index_cast %swap3A_990 : i32 to index
    %swap3A_992 = arith.index_cast %multiple_of3A_989 : i32 to index
    %swap3A_993 = tpu.vector_load %arg13[%swap3A_991, %swap3A_992] {strides = array<i32>} : memref<2x128xi32, #tpu.memory_space<vmem>>, vector<16xi32>,
    tpu.vector_store %arg13[%swap3A_991, %swap3A_992], %get3A_983 {strides = array<i32>} : memref<2x128xi32, #tpu.memory_space<vmem>>, vector<16xi32>,
    %broadcast_in_dim3A_994 = vector.broadcast %mul3A_4 : i32 to vector<16xi32>
    %add3A_995 = arith.addi %add3A_987, %broadcast_in_dim3A_994 : vector<16xi32>
    %swap3A_996 = arith.constant 1 : i32
    %swap3A_997 = arith.index_cast %swap3A_996 : i32 to index
    %swap3A_998 = arith.index_cast %multiple_of3A_989 : i32 to index
    %swap3A_999 = tpu.vector_load %arg14[%swap3A_997, %swap3A_998] {strides = array<i32>} : memref<2x128xi32, #tpu.memory_space<vmem>>, vector<16xi32>,
    tpu.vector_store %arg14[%swap3A_997, %swap3A_998], %add3A_995 {strides = array<i32>} : memref<2x128xi32, #tpu.memory_space<vmem>>, vector<16xi32>,
    %get3A_1000 = arith.constant 0 : i32
    %get3A_1001 = arith.index_cast %get3A_1000 : i32 to index
    %get3A_1002 = arith.constant 352 : index
    %get3A_1003 = tpu.vector_load %arg11[%get3A_1001, %get3A_1002] {strides = array<i32>} : memref<20x512xi32, #tpu.memory_space<vmem>>, vector<16xi32>,
    %broadcast_in_dim3A_1004 = arith.constant 96 : i32
    %broadcast_in_dim3A_1005 = vector.broadcast %broadcast_in_dim3A_1004 : i32 to vector<16xi32>
    %add3A_1006 = arith.addi %iota3A, %broadcast_in_dim3A_1005 : vector<16xi32>
    %add3A_1007 = arith.addi %add3A_1006, %broadcast_in_dim3A_7 : vector<16xi32>
    %multiple_of3A_1008 = arith.constant 96 : i32
    %multiple_of3A_1009 = tpu.assume_multiple %multiple_of3A_1008, 16 : i32
    %swap3A_1010 = arith.constant 1 : i32
    %swap3A_1011 = arith.index_cast %swap3A_1010 : i32 to index
    %swap3A_1012 = arith.index_cast %multiple_of3A_1009 : i32 to index
    %swap3A_1013 = tpu.vector_load %arg13[%swap3A_1011, %swap3A_1012] {strides = array<i32>} : memref<2x128xi32, #tpu.memory_space<vmem>>, vector<16xi32>,
    tpu.vector_store %arg13[%swap3A_1011, %swap3A_1012], %get3A_1003 {strides = array<i32>} : memref<2x128xi32, #tpu.memory_space<vmem>>, vector<16xi32>,
    %broadcast_in_dim3A_1014 = vector.broadcast %mul3A_4 : i32 to vector<16xi32>
    %add3A_1015 = arith.addi %add3A_1007, %broadcast_in_dim3A_1014 : vector<16xi32>
    %swap3A_1016 = arith.constant 1 : i32
    %swap3A_1017 = arith.index_cast %swap3A_1016 : i32 to index
    %swap3A_1018 = arith.index_cast %multiple_of3A_1009 : i32 to index
    %swap3A_1019 = tpu.vector_load %arg14[%swap3A_1017, %swap3A_1018] {strides = array<i32>} : memref<2x128xi32, #tpu.memory_space<vmem>>, vector<16xi32>,
    tpu.vector_store %arg14[%swap3A_1017, %swap3A_1018], %add3A_1015 {strides = array<i32>} : memref<2x128xi32, #tpu.memory_space<vmem>>, vector<16xi32>,
    %get3A_1020 = arith.constant 0 : i32
    %get3A_1021 = arith.index_cast %get3A_1020 : i32 to index
    %get3A_1022 = arith.constant 368 : index
    %get3A_1023 = tpu.vector_load %arg11[%get3A_1021, %get3A_1022] {strides = array<i32>} : memref<20x512xi32, #tpu.memory_space<vmem>>, vector<16xi32>,
    %broadcast_in_dim3A_1024 = arith.constant 112 : i32
    %broadcast_in_dim3A_1025 = vector.broadcast %broadcast_in_dim3A_1024 : i32 to vector<16xi32>
    %add3A_1026 = arith.addi %iota3A, %broadcast_in_dim3A_1025 : vector<16xi32>
    %add3A_1027 = arith.addi %add3A_1026, %broadcast_in_dim3A_7 : vector<16xi32>
    %multiple_of3A_1028 = arith.constant 112 : i32
    %multiple_of3A_1029 = tpu.assume_multiple %multiple_of3A_1028, 16 : i32
    %swap3A_1030 = arith.constant 1 : i32
    %swap3A_1031 = arith.index_cast %swap3A_1030 : i32 to index
    %swap3A_1032 = arith.index_cast %multiple_of3A_1029 : i32 to index
    %swap3A_1033 = tpu.vector_load %arg13[%swap3A_1031, %swap3A_1032] {strides = array<i32>} : memref<2x128xi32, #tpu.memory_space<vmem>>, vector<16xi32>,
    tpu.vector_store %arg13[%swap3A_1031, %swap3A_1032], %get3A_1023 {strides = array<i32>} : memref<2x128xi32, #tpu.memory_space<vmem>>, vector<16xi32>,
    %broadcast_in_dim3A_1034 = vector.broadcast %mul3A_4 : i32 to vector<16xi32>
    %add3A_1035 = arith.addi %add3A_1027, %broadcast_in_dim3A_1034 : vector<16xi32>
    %swap3A_1036 = arith.constant 1 : i32
    %swap3A_1037 = arith.index_cast %swap3A_1036 : i32 to index
    %swap3A_1038 = arith.index_cast %multiple_of3A_1029 : i32 to index
    %swap3A_1039 = tpu.vector_load %arg14[%swap3A_1037, %swap3A_1038] {strides = array<i32>} : memref<2x128xi32, #tpu.memory_space<vmem>>, vector<16xi32>,
    tpu.vector_store %arg14[%swap3A_1037, %swap3A_1038], %add3A_1035 {strides = array<i32>} : memref<2x128xi32, #tpu.memory_space<vmem>>, vector<16xi32>,
    %dma_start3A_1040 = arith.constant 1 : i32
    %dma_start3A_1041 = arith.constant 1 : i32
    %dma_start3A_1042 = arith.constant 1 : i32
    %dma_start3A_1043 = arith.constant 0 : i32
    %dma_start3A_1044 = arith.constant 0 : i32
    %dma_start3A_1045 = tpu.memref_slice %arg8[%dma_start3A_1041, %dma_start3A_1043, %dma_start3A_1044] : memref<2x128x128xf32, #tpu.memory_space<vmem>> -> memref<1x128x128xf32, #tpu.memory_space<vmem>>
    %dma_start3A_1046 = tpu.memref_squeeze %dma_start3A_1045 : memref<1x128x128xf32, #tpu.memory_space<vmem>> -> memref<128x128xf32, #tpu.memory_space<vmem>>
    %dma_start3A_1047 = arith.constant 0 : i32
    %dma_start3A_1048 = tpu.memref_slice %arg13[%dma_start3A_1040, %dma_start3A_1047] : memref<2x128xi32, #tpu.memory_space<vmem>> -> memref<1x128xi32, #tpu.memory_space<vmem>>
    %dma_start3A_1049 = tpu.memref_squeeze %dma_start3A_1048 : memref<1x128xi32, #tpu.memory_space<vmem>> -> memref<128xi32, #tpu.memory_space<vmem>>
    %dma_start3A_1050 = arith.constant 0 : i32
    %dma_start3A_1051 = arith.constant 0 : i32
    %dma_start3A_1052 = tpu.memref_slice %arg5[%dma_start3A_1050, %dma_start3A_1051] : memref<2000000x128xf32, #tpu.memory_space<hbm>> -> memref<2000000x128xf32, #tpu.memory_space<hbm>>
    %dma_start3A_1053 = tpu.memref_slice %arg10[%dma_start3A_1042] : memref<2x!tpu.dma_semaphore, #tpu.memory_space<semaphore_mem>> -> memref<1x!tpu.dma_semaphore, #tpu.memory_space<semaphore_mem>>
    %dma_start3A_1054 = tpu.memref_squeeze %dma_start3A_1053 : memref<1x!tpu.dma_semaphore, #tpu.memory_space<semaphore_mem>> -> memref<!tpu.dma_semaphore, #tpu.memory_space<semaphore_mem>>
    tpu.enqueue_indirect_dma source(%dma_start3A_1052 : memref<2000000x128xf32, #tpu.memory_space<hbm>>) target(%dma_start3A_1046 : memref<128x128xf32, #tpu.memory_space<vmem>>) offsets(%dma_start3A_1049 : memref<128xi32, #tpu.memory_space<vmem>>) semaphore(%dma_start3A_1054 : memref<!tpu.dma_semaphore, #tpu.memory_space<semaphore_mem>>)
    %scan3A_1055 = arith.constant 0 : i32
    %scan3A_1056 = arith.constant 0 : i32
    %scan3A_1057 = arith.constant 21 : i32
    %scan3A_1058 = arith.addi %scan3A_1056, %scan3A_1057 : i32
    %scan3A_1059 = arith.constant 1 : i32
    scf.for %scan3A_1427 = %scan3A_1056 to %scan3A_1058 step %scan3A_1059  : i32 {
      %rem3A = arith.constant 2 : i32
      %rem3A_1428 = arith.remsi %scan3A_1427, %rem3A : i32
      %eq3A = arith.constant 0 : i32
      %eq3A_1429 = arith.cmpi eq, %rem3A_1428, %eq3A : i32
      %convert_element_type3A = arith.extui %eq3A_1429 : i1 to i32
      %cond3A = arith.constant 0 : i32
      %cond3A_1430 = arith.cmpi ne, %convert_element_type3A, %cond3A : i32
      scf.if %cond3A_1430 {
        %dma_wait3A = arith.constant 0 : i32
        %dma_wait3A_1436 = arith.constant 0 : i32
        %dma_wait3A_1437 = arith.constant 0 : i32
        %dma_wait3A_1438 = arith.constant 0 : i32
        %dma_wait3A_1439 = arith.constant 0 : i32
        %dma_wait3A_1440 = tpu.memref_slice %arg8[%dma_wait3A_1436, %dma_wait3A_1438, %dma_wait3A_1439] : memref<2x128x128xf32, #tpu.memory_space<vmem>> -> memref<1x128x128xf32, #tpu.memory_space<vmem>>
        %dma_wait3A_1441 = tpu.memref_squeeze %dma_wait3A_1440 : memref<1x128x128xf32, #tpu.memory_space<vmem>> -> memref<128x128xf32, #tpu.memory_space<vmem>>
        %dma_wait3A_1442 = arith.constant 0 : i32
        %dma_wait3A_1443 = tpu.memref_slice %arg13[%dma_wait3A, %dma_wait3A_1442] : memref<2x128xi32, #tpu.memory_space<vmem>> -> memref<1x128xi32, #tpu.memory_space<vmem>>
        %dma_wait3A_1444 = tpu.memref_squeeze %dma_wait3A_1443 : memref<1x128xi32, #tpu.memory_space<vmem>> -> memref<128xi32, #tpu.memory_space<vmem>>
        %dma_wait3A_1445 = arith.constant 0 : i32
        %dma_wait3A_1446 = arith.constant 0 : i32
        %dma_wait3A_1447 = tpu.memref_slice %arg5[%dma_wait3A_1445, %dma_wait3A_1446] : memref<2000000x128xf32, #tpu.memory_space<hbm>> -> memref<2000000x128xf32, #tpu.memory_space<hbm>>
        %dma_wait3A_1448 = tpu.memref_slice %arg10[%dma_wait3A_1437] : memref<2x!tpu.dma_semaphore, #tpu.memory_space<semaphore_mem>> -> memref<1x!tpu.dma_semaphore, #tpu.memory_space<semaphore_mem>>
        %dma_wait3A_1449 = tpu.memref_squeeze %dma_wait3A_1448 : memref<1x!tpu.dma_semaphore, #tpu.memory_space<semaphore_mem>> -> memref<!tpu.dma_semaphore, #tpu.memory_space<semaphore_mem>>
        tpu.wait_indirect_dma semaphore(%dma_wait3A_1449 : memref<!tpu.dma_semaphore, #tpu.memory_space<semaphore_mem>>) src(%dma_wait3A_1447 : memref<2000000x128xf32, #tpu.memory_space<hbm>>) dst(%dma_wait3A_1441 : memref<128x128xf32, #tpu.memory_space<vmem>>)
        %run_scoped3A = arith.constant 0 : i32
        %run_scoped3A_1450 = arith.constant 0 : i32
        "tpu.region"() ({
          %run_scoped3A_1457 = tpu.sem_alloc : memref<!tpu.dma_semaphore, #tpu.memory_space<semaphore_mem>>
          %dma_start3A_1458 = arith.constant 0 : i32
          %dma_start3A_1459 = arith.constant 0 : i32
          %dma_start3A_1460 = tpu.memref_slice %arg8[%run_scoped3A, %dma_start3A_1458, %dma_start3A_1459] : memref<2x128x128xf32, #tpu.memory_space<vmem>> -> memref<1x128x128xf32, #tpu.memory_space<vmem>>
          %dma_start3A_1461 = tpu.memref_squeeze %dma_start3A_1460 : memref<1x128x128xf32, #tpu.memory_space<vmem>> -> memref<128x128xf32, #tpu.memory_space<vmem>>
          %dma_start3A_1462 = arith.constant 0 : i32
          %dma_start3A_1463 = tpu.memref_slice %arg14[%run_scoped3A_1450, %dma_start3A_1462] : memref<2x128xi32, #tpu.memory_space<vmem>> -> memref<1x128xi32, #tpu.memory_space<vmem>>
          %dma_start3A_1464 = tpu.memref_squeeze %dma_start3A_1463 : memref<1x128xi32, #tpu.memory_space<vmem>> -> memref<128xi32, #tpu.memory_space<vmem>>
          %dma_start3A_1465 = arith.constant 0 : i32
          %dma_start3A_1466 = arith.constant 0 : i32
          %dma_start3A_1467 = tpu.memref_slice %arg7[%dma_start3A_1465, %dma_start3A_1466] : memref<2048x128xf32, #tpu.memory_space<vmem_shared>> -> memref<2048x128xf32, #tpu.memory_space<vmem_shared>>
          tpu.enqueue_indirect_dma source(%dma_start3A_1461 : memref<128x128xf32, #tpu.memory_space<vmem>>) target(%dma_start3A_1467 : memref<2048x128xf32, #tpu.memory_space<vmem_shared>>) offsets(%dma_start3A_1464 : memref<128xi32, #tpu.memory_space<vmem>>) semaphore(%run_scoped3A_1457 : memref<!tpu.dma_semaphore, #tpu.memory_space<semaphore_mem>>) {add = true}
          %dma_wait3A_1468 = arith.constant 0 : i32
          %dma_wait3A_1469 = arith.constant 0 : i32
          %dma_wait3A_1470 = tpu.memref_slice %arg8[%run_scoped3A, %dma_wait3A_1468, %dma_wait3A_1469] : memref<2x128x128xf32, #tpu.memory_space<vmem>> -> memref<1x128x128xf32, #tpu.memory_space<vmem>>
          %dma_wait3A_1471 = tpu.memref_squeeze %dma_wait3A_1470 : memref<1x128x128xf32, #tpu.memory_space<vmem>> -> memref<128x128xf32, #tpu.memory_space<vmem>>
          %dma_wait3A_1472 = arith.constant 0 : i32
          %dma_wait3A_1473 = tpu.memref_slice %arg14[%run_scoped3A_1450, %dma_wait3A_1472] : memref<2x128xi32, #tpu.memory_space<vmem>> -> memref<1x128xi32, #tpu.memory_space<vmem>>
          %dma_wait3A_1474 = tpu.memref_squeeze %dma_wait3A_1473 : memref<1x128xi32, #tpu.memory_space<vmem>> -> memref<128xi32, #tpu.memory_space<vmem>>
          %dma_wait3A_1475 = arith.constant 0 : i32
          %dma_wait3A_1476 = arith.constant 0 : i32
          %dma_wait3A_1477 = tpu.memref_slice %arg7[%dma_wait3A_1475, %dma_wait3A_1476] : memref<2048x128xf32, #tpu.memory_space<vmem_shared>> -> memref<2048x128xf32, #tpu.memory_space<vmem_shared>>
          tpu.wait_indirect_dma semaphore(%run_scoped3A_1457 : memref<!tpu.dma_semaphore, #tpu.memory_space<semaphore_mem>>) src(%dma_wait3A_1471 : memref<128x128xf32, #tpu.memory_space<vmem>>) dst(%dma_wait3A_1477 : memref<2048x128xf32, #tpu.memory_space<vmem_shared>>)
          tpu.yield
        }) : () -> ()
        %add3A_1451 = arith.constant 2 : i32
        %add3A_1452 = arith.addi %scan3A_1427, %add3A_1451 : i32
        %lt3A = arith.constant 21 : i32
        %lt3A_1453 = arith.cmpi slt, %add3A_1452, %lt3A : i32
        %convert_element_type3A_1454 = arith.extui %lt3A_1453 : i1 to i32
        %cond3A_1455 = arith.constant 0 : i32
        %cond3A_1456 = arith.cmpi ne, %convert_element_type3A_1454, %cond3A_1455 : i32
        scf.if %cond3A_1456 {
          %add3A_1457 = arith.constant 2 : i32
          %add3A_1458 = arith.addi %scan3A_1427, %add3A_1457 : i32
          %sub3A = arith.constant 1 : i32
          %sub3A_1459 = arith.subi %add3A_1458, %sub3A : i32
          %multiple_of3A_1460 = arith.constant 256 : i32
          %multiple_of3A_1461 = tpu.assume_multiple %multiple_of3A_1460, 16 : i32
          %get3A_1462 = arith.index_cast %sub3A_1459 : i32 to index
          %get3A_1463 = arith.index_cast %multiple_of3A_1461 : i32 to index
          %get3A_1464 = tpu.vector_load %arg11[%get3A_1462, %get3A_1463] {strides = array<i32>} : memref<20x512xi32, #tpu.memory_space<vmem>>, vector<16xi32>,
          %broadcast_in_dim3A_1465 = arith.constant 0 : i32
          %broadcast_in_dim3A_1466 = vector.broadcast %broadcast_in_dim3A_1465 : i32 to vector<16xi32>
          %add3A_1467 = arith.addi %iota3A, %broadcast_in_dim3A_1466 : vector<16xi32>
          %add3A_1468 = arith.addi %add3A_1467, %broadcast_in_dim3A_7 : vector<16xi32>
          %multiple_of3A_1469 = arith.constant 0 : i32
          %multiple_of3A_1470 = tpu.assume_multiple %multiple_of3A_1469, 16 : i32
          %swap3A_1471 = arith.constant 0 : i32
          %swap3A_1472 = arith.index_cast %swap3A_1471 : i32 to index
          %swap3A_1473 = arith.index_cast %multiple_of3A_1470 : i32 to index
          %swap3A_1474 = tpu.vector_load %arg13[%swap3A_1472, %swap3A_1473] {strides = array<i32>} : memref<2x128xi32, #tpu.memory_space<vmem>>, vector<16xi32>,
          tpu.vector_store %arg13[%swap3A_1472, %swap3A_1473], %get3A_1464 {strides = array<i32>} : memref<2x128xi32, #tpu.memory_space<vmem>>, vector<16xi32>,
          %broadcast_in_dim3A_1475 = vector.broadcast %mul3A_4 : i32 to vector<16xi32>
          %add3A_1476 = arith.addi %add3A_1468, %broadcast_in_dim3A_1475 : vector<16xi32>
          %swap3A_1477 = arith.constant 0 : i32
          %swap3A_1478 = arith.index_cast %swap3A_1477 : i32 to index
          %swap3A_1479 = arith.index_cast %multiple_of3A_1470 : i32 to index
          %swap3A_1480 = tpu.vector_load %arg14[%swap3A_1478, %swap3A_1479] {strides = array<i32>} : memref<2x128xi32, #tpu.memory_space<vmem>>, vector<16xi32>,
          tpu.vector_store %arg14[%swap3A_1478, %swap3A_1479], %add3A_1476 {strides = array<i32>} : memref<2x128xi32, #tpu.memory_space<vmem>>, vector<16xi32>,
          %multiple_of3A_1481 = arith.constant 272 : i32
          %multiple_of3A_1482 = tpu.assume_multiple %multiple_of3A_1481, 16 : i32
          %get3A_1483 = arith.index_cast %sub3A_1459 : i32 to index
          %get3A_1484 = arith.index_cast %multiple_of3A_1482 : i32 to index
          %get3A_1485 = tpu.vector_load %arg11[%get3A_1483, %get3A_1484] {strides = array<i32>} : memref<20x512xi32, #tpu.memory_space<vmem>>, vector<16xi32>,
          %broadcast_in_dim3A_1486 = arith.constant 16 : i32
          %broadcast_in_dim3A_1487 = vector.broadcast %broadcast_in_dim3A_1486 : i32 to vector<16xi32>
          %add3A_1488 = arith.addi %iota3A, %broadcast_in_dim3A_1487 : vector<16xi32>
          %add3A_1489 = arith.addi %add3A_1488, %broadcast_in_dim3A_7 : vector<16xi32>
          %multiple_of3A_1490 = arith.constant 16 : i32
          %multiple_of3A_1491 = tpu.assume_multiple %multiple_of3A_1490, 16 : i32
          %swap3A_1492 = arith.constant 0 : i32
          %swap3A_1493 = arith.index_cast %swap3A_1492 : i32 to index
          %swap3A_1494 = arith.index_cast %multiple_of3A_1491 : i32 to index
          %swap3A_1495 = tpu.vector_load %arg13[%swap3A_1493, %swap3A_1494] {strides = array<i32>} : memref<2x128xi32, #tpu.memory_space<vmem>>, vector<16xi32>,
          tpu.vector_store %arg13[%swap3A_1493, %swap3A_1494], %get3A_1485 {strides = array<i32>} : memref<2x128xi32, #tpu.memory_space<vmem>>, vector<16xi32>,
          %broadcast_in_dim3A_1496 = vector.broadcast %mul3A_4 : i32 to vector<16xi32>
          %add3A_1497 = arith.addi %add3A_1489, %broadcast_in_dim3A_1496 : vector<16xi32>
          %swap3A_1498 = arith.constant 0 : i32
          %swap3A_1499 = arith.index_cast %swap3A_1498 : i32 to index
          %swap3A_1500 = arith.index_cast %multiple_of3A_1491 : i32 to index
          %swap3A_1501 = tpu.vector_load %arg14[%swap3A_1499, %swap3A_1500] {strides = array<i32>} : memref<2x128xi32, #tpu.memory_space<vmem>>, vector<16xi32>,
          tpu.vector_store %arg14[%swap3A_1499, %swap3A_1500], %add3A_1497 {strides = array<i32>} : memref<2x128xi32, #tpu.memory_space<vmem>>, vector<16xi32>,
          %multiple_of3A_1502 = arith.constant 288 : i32
          %multiple_of3A_1503 = tpu.assume_multiple %multiple_of3A_1502, 16 : i32
          %get3A_1504 = arith.index_cast %sub3A_1459 : i32 to index
          %get3A_1505 = arith.index_cast %multiple_of3A_1503 : i32 to index
          %get3A_1506 = tpu.vector_load %arg11[%get3A_1504, %get3A_1505] {strides = array<i32>} : memref<20x512xi32, #tpu.memory_space<vmem>>, vector<16xi32>,
          %broadcast_in_dim3A_1507 = arith.constant 32 : i32
          %broadcast_in_dim3A_1508 = vector.broadcast %broadcast_in_dim3A_1507 : i32 to vector<16xi32>
          %add3A_1509 = arith.addi %iota3A, %broadcast_in_dim3A_1508 : vector<16xi32>
          %add3A_1510 = arith.addi %add3A_1509, %broadcast_in_dim3A_7 : vector<16xi32>
          %multiple_of3A_1511 = arith.constant 32 : i32
          %multiple_of3A_1512 = tpu.assume_multiple %multiple_of3A_1511, 16 : i32
          %swap3A_1513 = arith.constant 0 : i32
          %swap3A_1514 = arith.index_cast %swap3A_1513 : i32 to index
          %swap3A_1515 = arith.index_cast %multiple_of3A_1512 : i32 to index
          %swap3A_1516 = tpu.vector_load %arg13[%swap3A_1514, %swap3A_1515] {strides = array<i32>} : memref<2x128xi32, #tpu.memory_space<vmem>>, vector<16xi32>,
          tpu.vector_store %arg13[%swap3A_1514, %swap3A_1515], %get3A_1506 {strides = array<i32>} : memref<2x128xi32, #tpu.memory_space<vmem>>, vector<16xi32>,
          %broadcast_in_dim3A_1517 = vector.broadcast %mul3A_4 : i32 to vector<16xi32>
          %add3A_1518 = arith.addi %add3A_1510, %broadcast_in_dim3A_1517 : vector<16xi32>
          %swap3A_1519 = arith.constant 0 : i32
          %swap3A_1520 = arith.index_cast %swap3A_1519 : i32 to index
          %swap3A_1521 = arith.index_cast %multiple_of3A_1512 : i32 to index
          %swap3A_1522 = tpu.vector_load %arg14[%swap3A_1520, %swap3A_1521] {strides = array<i32>} : memref<2x128xi32, #tpu.memory_space<vmem>>, vector<16xi32>,
          tpu.vector_store %arg14[%swap3A_1520, %swap3A_1521], %add3A_1518 {strides = array<i32>} : memref<2x128xi32, #tpu.memory_space<vmem>>, vector<16xi32>,
          %multiple_of3A_1523 = arith.constant 304 : i32
          %multiple_of3A_1524 = tpu.assume_multiple %multiple_of3A_1523, 16 : i32
          %get3A_1525 = arith.index_cast %sub3A_1459 : i32 to index
          %get3A_1526 = arith.index_cast %multiple_of3A_1524 : i32 to index
          %get3A_1527 = tpu.vector_load %arg11[%get3A_1525, %get3A_1526] {strides = array<i32>} : memref<20x512xi32, #tpu.memory_space<vmem>>, vector<16xi32>,
          %broadcast_in_dim3A_1528 = arith.constant 48 : i32
          %broadcast_in_dim3A_1529 = vector.broadcast %broadcast_in_dim3A_1528 : i32 to vector<16xi32>
          %add3A_1530 = arith.addi %iota3A, %broadcast_in_dim3A_1529 : vector<16xi32>
          %add3A_1531 = arith.addi %add3A_1530, %broadcast_in_dim3A_7 : vector<16xi32>
          %multiple_of3A_1532 = arith.constant 48 : i32
          %multiple_of3A_1533 = tpu.assume_multiple %multiple_of3A_1532, 16 : i32
          %swap3A_1534 = arith.constant 0 : i32
          %swap3A_1535 = arith.index_cast %swap3A_1534 : i32 to index
          %swap3A_1536 = arith.index_cast %multiple_of3A_1533 : i32 to index
          %swap3A_1537 = tpu.vector_load %arg13[%swap3A_1535, %swap3A_1536] {strides = array<i32>} : memref<2x128xi32, #tpu.memory_space<vmem>>, vector<16xi32>,
          tpu.vector_store %arg13[%swap3A_1535, %swap3A_1536], %get3A_1527 {strides = array<i32>} : memref<2x128xi32, #tpu.memory_space<vmem>>, vector<16xi32>,
          %broadcast_in_dim3A_1538 = vector.broadcast %mul3A_4 : i32 to vector<16xi32>
          %add3A_1539 = arith.addi %add3A_1531, %broadcast_in_dim3A_1538 : vector<16xi32>
          %swap3A_1540 = arith.constant 0 : i32
          %swap3A_1541 = arith.index_cast %swap3A_1540 : i32 to index
          %swap3A_1542 = arith.index_cast %multiple_of3A_1533 : i32 to index
          %swap3A_1543 = tpu.vector_load %arg14[%swap3A_1541, %swap3A_1542] {strides = array<i32>} : memref<2x128xi32, #tpu.memory_space<vmem>>, vector<16xi32>,
          tpu.vector_store %arg14[%swap3A_1541, %swap3A_1542], %add3A_1539 {strides = array<i32>} : memref<2x128xi32, #tpu.memory_space<vmem>>, vector<16xi32>,
          %multiple_of3A_1544 = arith.constant 320 : i32
          %multiple_of3A_1545 = tpu.assume_multiple %multiple_of3A_1544, 16 : i32
          %get3A_1546 = arith.index_cast %sub3A_1459 : i32 to index
          %get3A_1547 = arith.index_cast %multiple_of3A_1545 : i32 to index
          %get3A_1548 = tpu.vector_load %arg11[%get3A_1546, %get3A_1547] {strides = array<i32>} : memref<20x512xi32, #tpu.memory_space<vmem>>, vector<16xi32>,
          %broadcast_in_dim3A_1549 = arith.constant 64 : i32
          %broadcast_in_dim3A_1550 = vector.broadcast %broadcast_in_dim3A_1549 : i32 to vector<16xi32>
          %add3A_1551 = arith.addi %iota3A, %broadcast_in_dim3A_1550 : vector<16xi32>
          %add3A_1552 = arith.addi %add3A_1551, %broadcast_in_dim3A_7 : vector<16xi32>
          %multiple_of3A_1553 = arith.constant 64 : i32
          %multiple_of3A_1554 = tpu.assume_multiple %multiple_of3A_1553, 16 : i32
          %swap3A_1555 = arith.constant 0 : i32
          %swap3A_1556 = arith.index_cast %swap3A_1555 : i32 to index
          %swap3A_1557 = arith.index_cast %multiple_of3A_1554 : i32 to index
          %swap3A_1558 = tpu.vector_load %arg13[%swap3A_1556, %swap3A_1557] {strides = array<i32>} : memref<2x128xi32, #tpu.memory_space<vmem>>, vector<16xi32>,
          tpu.vector_store %arg13[%swap3A_1556, %swap3A_1557], %get3A_1548 {strides = array<i32>} : memref<2x128xi32, #tpu.memory_space<vmem>>, vector<16xi32>,
          %broadcast_in_dim3A_1559 = vector.broadcast %mul3A_4 : i32 to vector<16xi32>
          %add3A_1560 = arith.addi %add3A_1552, %broadcast_in_dim3A_1559 : vector<16xi32>
          %swap3A_1561 = arith.constant 0 : i32
          %swap3A_1562 = arith.index_cast %swap3A_1561 : i32 to index
          %swap3A_1563 = arith.index_cast %multiple_of3A_1554 : i32 to index
          %swap3A_1564 = tpu.vector_load %arg14[%swap3A_1562, %swap3A_1563] {strides = array<i32>} : memref<2x128xi32, #tpu.memory_space<vmem>>, vector<16xi32>,
          tpu.vector_store %arg14[%swap3A_1562, %swap3A_1563], %add3A_1560 {strides = array<i32>} : memref<2x128xi32, #tpu.memory_space<vmem>>, vector<16xi32>,
          %multiple_of3A_1565 = arith.constant 336 : i32
          %multiple_of3A_1566 = tpu.assume_multiple %multiple_of3A_1565, 16 : i32
          %get3A_1567 = arith.index_cast %sub3A_1459 : i32 to index
          %get3A_1568 = arith.index_cast %multiple_of3A_1566 : i32 to index
          %get3A_1569 = tpu.vector_load %arg11[%get3A_1567, %get3A_1568] {strides = array<i32>} : memref<20x512xi32, #tpu.memory_space<vmem>>, vector<16xi32>,
          %broadcast_in_dim3A_1570 = arith.constant 80 : i32
          %broadcast_in_dim3A_1571 = vector.broadcast %broadcast_in_dim3A_1570 : i32 to vector<16xi32>
          %add3A_1572 = arith.addi %iota3A, %broadcast_in_dim3A_1571 : vector<16xi32>
          %add3A_1573 = arith.addi %add3A_1572, %broadcast_in_dim3A_7 : vector<16xi32>
          %multiple_of3A_1574 = arith.constant 80 : i32
          %multiple_of3A_1575 = tpu.assume_multiple %multiple_of3A_1574, 16 : i32
          %swap3A_1576 = arith.constant 0 : i32
          %swap3A_1577 = arith.index_cast %swap3A_1576 : i32 to index
          %swap3A_1578 = arith.index_cast %multiple_of3A_1575 : i32 to index
          %swap3A_1579 = tpu.vector_load %arg13[%swap3A_1577, %swap3A_1578] {strides = array<i32>} : memref<2x128xi32, #tpu.memory_space<vmem>>, vector<16xi32>,
          tpu.vector_store %arg13[%swap3A_1577, %swap3A_1578], %get3A_1569 {strides = array<i32>} : memref<2x128xi32, #tpu.memory_space<vmem>>, vector<16xi32>,
          %broadcast_in_dim3A_1580 = vector.broadcast %mul3A_4 : i32 to vector<16xi32>
          %add3A_1581 = arith.addi %add3A_1573, %broadcast_in_dim3A_1580 : vector<16xi32>
          %swap3A_1582 = arith.constant 0 : i32
          %swap3A_1583 = arith.index_cast %swap3A_1582 : i32 to index
          %swap3A_1584 = arith.index_cast %multiple_of3A_1575 : i32 to index
          %swap3A_1585 = tpu.vector_load %arg14[%swap3A_1583, %swap3A_1584] {strides = array<i32>} : memref<2x128xi32, #tpu.memory_space<vmem>>, vector<16xi32>,
          tpu.vector_store %arg14[%swap3A_1583, %swap3A_1584], %add3A_1581 {strides = array<i32>} : memref<2x128xi32, #tpu.memory_space<vmem>>, vector<16xi32>,
          %multiple_of3A_1586 = arith.constant 352 : i32
          %multiple_of3A_1587 = tpu.assume_multiple %multiple_of3A_1586, 16 : i32
          %get3A_1588 = arith.index_cast %sub3A_1459 : i32 to index
          %get3A_1589 = arith.index_cast %multiple_of3A_1587 : i32 to index
          %get3A_1590 = tpu.vector_load %arg11[%get3A_1588, %get3A_1589] {strides = array<i32>} : memref<20x512xi32, #tpu.memory_space<vmem>>, vector<16xi32>,
          %broadcast_in_dim3A_1591 = arith.constant 96 : i32
          %broadcast_in_dim3A_1592 = vector.broadcast %broadcast_in_dim3A_1591 : i32 to vector<16xi32>
          %add3A_1593 = arith.addi %iota3A, %broadcast_in_dim3A_1592 : vector<16xi32>
          %add3A_1594 = arith.addi %add3A_1593, %broadcast_in_dim3A_7 : vector<16xi32>
          %multiple_of3A_1595 = arith.constant 96 : i32
          %multiple_of3A_1596 = tpu.assume_multiple %multiple_of3A_1595, 16 : i32
          %swap3A_1597 = arith.constant 0 : i32
          %swap3A_1598 = arith.index_cast %swap3A_1597 : i32 to index
          %swap3A_1599 = arith.index_cast %multiple_of3A_1596 : i32 to index
          %swap3A_1600 = tpu.vector_load %arg13[%swap3A_1598, %swap3A_1599] {strides = array<i32>} : memref<2x128xi32, #tpu.memory_space<vmem>>, vector<16xi32>,
          tpu.vector_store %arg13[%swap3A_1598, %swap3A_1599], %get3A_1590 {strides = array<i32>} : memref<2x128xi32, #tpu.memory_space<vmem>>, vector<16xi32>,
          %broadcast_in_dim3A_1601 = vector.broadcast %mul3A_4 : i32 to vector<16xi32>
          %add3A_1602 = arith.addi %add3A_1594, %broadcast_in_dim3A_1601 : vector<16xi32>
          %swap3A_1603 = arith.constant 0 : i32
          %swap3A_1604 = arith.index_cast %swap3A_1603 : i32 to index
          %swap3A_1605 = arith.index_cast %multiple_of3A_1596 : i32 to index
          %swap3A_1606 = tpu.vector_load %arg14[%swap3A_1604, %swap3A_1605] {strides = array<i32>} : memref<2x128xi32, #tpu.memory_space<vmem>>, vector<16xi32>,
          tpu.vector_store %arg14[%swap3A_1604, %swap3A_1605], %add3A_1602 {strides = array<i32>} : memref<2x128xi32, #tpu.memory_space<vmem>>, vector<16xi32>,
          %multiple_of3A_1607 = arith.constant 368 : i32
          %multiple_of3A_1608 = tpu.assume_multiple %multiple_of3A_1607, 16 : i32
          %get3A_1609 = arith.index_cast %sub3A_1459 : i32 to index
          %get3A_1610 = arith.index_cast %multiple_of3A_1608 : i32 to index
          %get3A_1611 = tpu.vector_load %arg11[%get3A_1609, %get3A_1610] {strides = array<i32>} : memref<20x512xi32, #tpu.memory_space<vmem>>, vector<16xi32>,
          %broadcast_in_dim3A_1612 = arith.constant 112 : i32
          %broadcast_in_dim3A_1613 = vector.broadcast %broadcast_in_dim3A_1612 : i32 to vector<16xi32>
          %add3A_1614 = arith.addi %iota3A, %broadcast_in_dim3A_1613 : vector<16xi32>
          %add3A_1615 = arith.addi %add3A_1614, %broadcast_in_dim3A_7 : vector<16xi32>
          %multiple_of3A_1616 = arith.constant 112 : i32
          %multiple_of3A_1617 = tpu.assume_multiple %multiple_of3A_1616, 16 : i32
          %swap3A_1618 = arith.constant 0 : i32
          %swap3A_1619 = arith.index_cast %swap3A_1618 : i32 to index
          %swap3A_1620 = arith.index_cast %multiple_of3A_1617 : i32 to index
          %swap3A_1621 = tpu.vector_load %arg13[%swap3A_1619, %swap3A_1620] {strides = array<i32>} : memref<2x128xi32, #tpu.memory_space<vmem>>, vector<16xi32>,
          tpu.vector_store %arg13[%swap3A_1619, %swap3A_1620], %get3A_1611 {strides = array<i32>} : memref<2x128xi32, #tpu.memory_space<vmem>>, vector<16xi32>,
          %broadcast_in_dim3A_1622 = vector.broadcast %mul3A_4 : i32 to vector<16xi32>
          %add3A_1623 = arith.addi %add3A_1615, %broadcast_in_dim3A_1622 : vector<16xi32>
          %swap3A_1624 = arith.constant 0 : i32
          %swap3A_1625 = arith.index_cast %swap3A_1624 : i32 to index
          %swap3A_1626 = arith.index_cast %multiple_of3A_1617 : i32 to index
          %swap3A_1627 = tpu.vector_load %arg14[%swap3A_1625, %swap3A_1626] {strides = array<i32>} : memref<2x128xi32, #tpu.memory_space<vmem>>, vector<16xi32>,
          tpu.vector_store %arg14[%swap3A_1625, %swap3A_1626], %add3A_1623 {strides = array<i32>} : memref<2x128xi32, #tpu.memory_space<vmem>>, vector<16xi32>,
          %dma_start3A_1628 = arith.constant 0 : i32
          %dma_start3A_1629 = arith.constant 0 : i32
          %dma_start3A_1630 = arith.constant 0 : i32
          %dma_start3A_1631 = arith.constant 0 : i32
          %dma_start3A_1632 = arith.constant 0 : i32
          %dma_start3A_1633 = tpu.memref_slice %arg8[%dma_start3A_1629, %dma_start3A_1631, %dma_start3A_1632] : memref<2x128x128xf32, #tpu.memory_space<vmem>> -> memref<1x128x128xf32, #tpu.memory_space<vmem>>
          %dma_start3A_1634 = tpu.memref_squeeze %dma_start3A_1633 : memref<1x128x128xf32, #tpu.memory_space<vmem>> -> memref<128x128xf32, #tpu.memory_space<vmem>>
          %dma_start3A_1635 = arith.constant 0 : i32
          %dma_start3A_1636 = tpu.memref_slice %arg13[%dma_start3A_1628, %dma_start3A_1635] : memref<2x128xi32, #tpu.memory_space<vmem>> -> memref<1x128xi32, #tpu.memory_space<vmem>>
          %dma_start3A_1637 = tpu.memref_squeeze %dma_start3A_1636 : memref<1x128xi32, #tpu.memory_space<vmem>> -> memref<128xi32, #tpu.memory_space<vmem>>
          %dma_start3A_1638 = arith.constant 0 : i32
          %dma_start3A_1639 = arith.constant 0 : i32
          %dma_start3A_1640 = tpu.memref_slice %arg5[%dma_start3A_1638, %dma_start3A_1639] : memref<2000000x128xf32, #tpu.memory_space<hbm>> -> memref<2000000x128xf32, #tpu.memory_space<hbm>>
          %dma_start3A_1641 = tpu.memref_slice %arg10[%dma_start3A_1630] : memref<2x!tpu.dma_semaphore, #tpu.memory_space<semaphore_mem>> -> memref<1x!tpu.dma_semaphore, #tpu.memory_space<semaphore_mem>>
          %dma_start3A_1642 = tpu.memref_squeeze %dma_start3A_1641 : memref<1x!tpu.dma_semaphore, #tpu.memory_space<semaphore_mem>> -> memref<!tpu.dma_semaphore, #tpu.memory_space<semaphore_mem>>
          tpu.enqueue_indirect_dma source(%dma_start3A_1640 : memref<2000000x128xf32, #tpu.memory_space<hbm>>) target(%dma_start3A_1634 : memref<128x128xf32, #tpu.memory_space<vmem>>) offsets(%dma_start3A_1637 : memref<128xi32, #tpu.memory_space<vmem>>) semaphore(%dma_start3A_1642 : memref<!tpu.dma_semaphore, #tpu.memory_space<semaphore_mem>>)
        } else {
        }
      } else {
      }
      %eq3A_1431 = arith.constant 1 : i32
      %eq3A_1432 = arith.cmpi eq, %rem3A_1428, %eq3A_1431 : i32
      %convert_element_type3A_1433 = arith.extui %eq3A_1432 : i1 to i32
      %cond3A_1434 = arith.constant 0 : i32
      %cond3A_1435 = arith.cmpi ne, %convert_element_type3A_1433, %cond3A_1434 : i32
      scf.if %cond3A_1435 {
        %dma_wait3A = arith.constant 1 : i32
        %dma_wait3A_1436 = arith.constant 1 : i32
        %dma_wait3A_1437 = arith.constant 1 : i32
        %dma_wait3A_1438 = arith.constant 0 : i32
        %dma_wait3A_1439 = arith.constant 0 : i32
        %dma_wait3A_1440 = tpu.memref_slice %arg8[%dma_wait3A_1436, %dma_wait3A_1438, %dma_wait3A_1439] : memref<2x128x128xf32, #tpu.memory_space<vmem>> -> memref<1x128x128xf32, #tpu.memory_space<vmem>>
        %dma_wait3A_1441 = tpu.memref_squeeze %dma_wait3A_1440 : memref<1x128x128xf32, #tpu.memory_space<vmem>> -> memref<128x128xf32, #tpu.memory_space<vmem>>
        %dma_wait3A_1442 = arith.constant 0 : i32
        %dma_wait3A_1443 = tpu.memref_slice %arg13[%dma_wait3A, %dma_wait3A_1442] : memref<2x128xi32, #tpu.memory_space<vmem>> -> memref<1x128xi32, #tpu.memory_space<vmem>>
        %dma_wait3A_1444 = tpu.memref_squeeze %dma_wait3A_1443 : memref<1x128xi32, #tpu.memory_space<vmem>> -> memref<128xi32, #tpu.memory_space<vmem>>
        %dma_wait3A_1445 = arith.constant 0 : i32
        %dma_wait3A_1446 = arith.constant 0 : i32
        %dma_wait3A_1447 = tpu.memref_slice %arg5[%dma_wait3A_1445, %dma_wait3A_1446] : memref<2000000x128xf32, #tpu.memory_space<hbm>> -> memref<2000000x128xf32, #tpu.memory_space<hbm>>
        %dma_wait3A_1448 = tpu.memref_slice %arg10[%dma_wait3A_1437] : memref<2x!tpu.dma_semaphore, #tpu.memory_space<semaphore_mem>> -> memref<1x!tpu.dma_semaphore, #tpu.memory_space<semaphore_mem>>
        %dma_wait3A_1449 = tpu.memref_squeeze %dma_wait3A_1448 : memref<1x!tpu.dma_semaphore, #tpu.memory_space<semaphore_mem>> -> memref<!tpu.dma_semaphore, #tpu.memory_space<semaphore_mem>>
        tpu.wait_indirect_dma semaphore(%dma_wait3A_1449 : memref<!tpu.dma_semaphore, #tpu.memory_space<semaphore_mem>>) src(%dma_wait3A_1447 : memref<2000000x128xf32, #tpu.memory_space<hbm>>) dst(%dma_wait3A_1441 : memref<128x128xf32, #tpu.memory_space<vmem>>)
        %run_scoped3A = arith.constant 1 : i32
        %run_scoped3A_1450 = arith.constant 1 : i32
        "tpu.region"() ({
          %run_scoped3A_1457 = tpu.sem_alloc : memref<!tpu.dma_semaphore, #tpu.memory_space<semaphore_mem>>
          %dma_start3A_1458 = arith.constant 0 : i32
          %dma_start3A_1459 = arith.constant 0 : i32
          %dma_start3A_1460 = tpu.memref_slice %arg8[%run_scoped3A, %dma_start3A_1458, %dma_start3A_1459] : memref<2x128x128xf32, #tpu.memory_space<vmem>> -> memref<1x128x128xf32, #tpu.memory_space<vmem>>
          %dma_start3A_1461 = tpu.memref_squeeze %dma_start3A_1460 : memref<1x128x128xf32, #tpu.memory_space<vmem>> -> memref<128x128xf32, #tpu.memory_space<vmem>>
          %dma_start3A_1462 = arith.constant 0 : i32
          %dma_start3A_1463 = tpu.memref_slice %arg14[%run_scoped3A_1450, %dma_start3A_1462] : memref<2x128xi32, #tpu.memory_space<vmem>> -> memref<1x128xi32, #tpu.memory_space<vmem>>
          %dma_start3A_1464 = tpu.memref_squeeze %dma_start3A_1463 : memref<1x128xi32, #tpu.memory_space<vmem>> -> memref<128xi32, #tpu.memory_space<vmem>>
          %dma_start3A_1465 = arith.constant 0 : i32
          %dma_start3A_1466 = arith.constant 0 : i32
          %dma_start3A_1467 = tpu.memref_slice %arg7[%dma_start3A_1465, %dma_start3A_1466] : memref<2048x128xf32, #tpu.memory_space<vmem_shared>> -> memref<2048x128xf32, #tpu.memory_space<vmem_shared>>
          tpu.enqueue_indirect_dma source(%dma_start3A_1461 : memref<128x128xf32, #tpu.memory_space<vmem>>) target(%dma_start3A_1467 : memref<2048x128xf32, #tpu.memory_space<vmem_shared>>) offsets(%dma_start3A_1464 : memref<128xi32, #tpu.memory_space<vmem>>) semaphore(%run_scoped3A_1457 : memref<!tpu.dma_semaphore, #tpu.memory_space<semaphore_mem>>) {add = true}
          %dma_wait3A_1468 = arith.constant 0 : i32
          %dma_wait3A_1469 = arith.constant 0 : i32
          %dma_wait3A_1470 = tpu.memref_slice %arg8[%run_scoped3A, %dma_wait3A_1468, %dma_wait3A_1469] : memref<2x128x128xf32, #tpu.memory_space<vmem>> -> memref<1x128x128xf32, #tpu.memory_space<vmem>>
          %dma_wait3A_1471 = tpu.memref_squeeze %dma_wait3A_1470 : memref<1x128x128xf32, #tpu.memory_space<vmem>> -> memref<128x128xf32, #tpu.memory_space<vmem>>
          %dma_wait3A_1472 = arith.constant 0 : i32
          %dma_wait3A_1473 = tpu.memref_slice %arg14[%run_scoped3A_1450, %dma_wait3A_1472] : memref<2x128xi32, #tpu.memory_space<vmem>> -> memref<1x128xi32, #tpu.memory_space<vmem>>
          %dma_wait3A_1474 = tpu.memref_squeeze %dma_wait3A_1473 : memref<1x128xi32, #tpu.memory_space<vmem>> -> memref<128xi32, #tpu.memory_space<vmem>>
          %dma_wait3A_1475 = arith.constant 0 : i32
          %dma_wait3A_1476 = arith.constant 0 : i32
          %dma_wait3A_1477 = tpu.memref_slice %arg7[%dma_wait3A_1475, %dma_wait3A_1476] : memref<2048x128xf32, #tpu.memory_space<vmem_shared>> -> memref<2048x128xf32, #tpu.memory_space<vmem_shared>>
          tpu.wait_indirect_dma semaphore(%run_scoped3A_1457 : memref<!tpu.dma_semaphore, #tpu.memory_space<semaphore_mem>>) src(%dma_wait3A_1471 : memref<128x128xf32, #tpu.memory_space<vmem>>) dst(%dma_wait3A_1477 : memref<2048x128xf32, #tpu.memory_space<vmem_shared>>)
          tpu.yield
        }) : () -> ()
        %add3A_1451 = arith.constant 2 : i32
        %add3A_1452 = arith.addi %scan3A_1427, %add3A_1451 : i32
        %lt3A = arith.constant 21 : i32
        %lt3A_1453 = arith.cmpi slt, %add3A_1452, %lt3A : i32
        %convert_element_type3A_1454 = arith.extui %lt3A_1453 : i1 to i32
        %cond3A_1455 = arith.constant 0 : i32
        %cond3A_1456 = arith.cmpi ne, %convert_element_type3A_1454, %cond3A_1455 : i32
        scf.if %cond3A_1456 {
          %add3A_1457 = arith.constant 2 : i32
          %add3A_1458 = arith.addi %scan3A_1427, %add3A_1457 : i32
          %sub3A = arith.constant 1 : i32
          %sub3A_1459 = arith.subi %add3A_1458, %sub3A : i32
          %multiple_of3A_1460 = arith.constant 256 : i32
          %multiple_of3A_1461 = tpu.assume_multiple %multiple_of3A_1460, 16 : i32
          %get3A_1462 = arith.index_cast %sub3A_1459 : i32 to index
          %get3A_1463 = arith.index_cast %multiple_of3A_1461 : i32 to index
          %get3A_1464 = tpu.vector_load %arg11[%get3A_1462, %get3A_1463] {strides = array<i32>} : memref<20x512xi32, #tpu.memory_space<vmem>>, vector<16xi32>,
          %broadcast_in_dim3A_1465 = arith.constant 0 : i32
          %broadcast_in_dim3A_1466 = vector.broadcast %broadcast_in_dim3A_1465 : i32 to vector<16xi32>
          %add3A_1467 = arith.addi %iota3A, %broadcast_in_dim3A_1466 : vector<16xi32>
          %add3A_1468 = arith.addi %add3A_1467, %broadcast_in_dim3A_7 : vector<16xi32>
          %multiple_of3A_1469 = arith.constant 0 : i32
          %multiple_of3A_1470 = tpu.assume_multiple %multiple_of3A_1469, 16 : i32
          %swap3A_1471 = arith.constant 1 : i32
          %swap3A_1472 = arith.index_cast %swap3A_1471 : i32 to index
          %swap3A_1473 = arith.index_cast %multiple_of3A_1470 : i32 to index
          %swap3A_1474 = tpu.vector_load %arg13[%swap3A_1472, %swap3A_1473] {strides = array<i32>} : memref<2x128xi32, #tpu.memory_space<vmem>>, vector<16xi32>,
          tpu.vector_store %arg13[%swap3A_1472, %swap3A_1473], %get3A_1464 {strides = array<i32>} : memref<2x128xi32, #tpu.memory_space<vmem>>, vector<16xi32>,
          %broadcast_in_dim3A_1475 = vector.broadcast %mul3A_4 : i32 to vector<16xi32>
          %add3A_1476 = arith.addi %add3A_1468, %broadcast_in_dim3A_1475 : vector<16xi32>
          %swap3A_1477 = arith.constant 1 : i32
          %swap3A_1478 = arith.index_cast %swap3A_1477 : i32 to index
          %swap3A_1479 = arith.index_cast %multiple_of3A_1470 : i32 to index
          %swap3A_1480 = tpu.vector_load %arg14[%swap3A_1478, %swap3A_1479] {strides = array<i32>} : memref<2x128xi32, #tpu.memory_space<vmem>>, vector<16xi32>,
          tpu.vector_store %arg14[%swap3A_1478, %swap3A_1479], %add3A_1476 {strides = array<i32>} : memref<2x128xi32, #tpu.memory_space<vmem>>, vector<16xi32>,
          %multiple_of3A_1481 = arith.constant 272 : i32
          %multiple_of3A_1482 = tpu.assume_multiple %multiple_of3A_1481, 16 : i32
          %get3A_1483 = arith.index_cast %sub3A_1459 : i32 to index
          %get3A_1484 = arith.index_cast %multiple_of3A_1482 : i32 to index
          %get3A_1485 = tpu.vector_load %arg11[%get3A_1483, %get3A_1484] {strides = array<i32>} : memref<20x512xi32, #tpu.memory_space<vmem>>, vector<16xi32>,
          %broadcast_in_dim3A_1486 = arith.constant 16 : i32
          %broadcast_in_dim3A_1487 = vector.broadcast %broadcast_in_dim3A_1486 : i32 to vector<16xi32>
          %add3A_1488 = arith.addi %iota3A, %broadcast_in_dim3A_1487 : vector<16xi32>
          %add3A_1489 = arith.addi %add3A_1488, %broadcast_in_dim3A_7 : vector<16xi32>
          %multiple_of3A_1490 = arith.constant 16 : i32
          %multiple_of3A_1491 = tpu.assume_multiple %multiple_of3A_1490, 16 : i32
          %swap3A_1492 = arith.constant 1 : i32
          %swap3A_1493 = arith.index_cast %swap3A_1492 : i32 to index
          %swap3A_1494 = arith.index_cast %multiple_of3A_1491 : i32 to index
          %swap3A_1495 = tpu.vector_load %arg13[%swap3A_1493, %swap3A_1494] {strides = array<i32>} : memref<2x128xi32, #tpu.memory_space<vmem>>, vector<16xi32>,
          tpu.vector_store %arg13[%swap3A_1493, %swap3A_1494], %get3A_1485 {strides = array<i32>} : memref<2x128xi32, #tpu.memory_space<vmem>>, vector<16xi32>,
          %broadcast_in_dim3A_1496 = vector.broadcast %mul3A_4 : i32 to vector<16xi32>
          %add3A_1497 = arith.addi %add3A_1489, %broadcast_in_dim3A_1496 : vector<16xi32>
          %swap3A_1498 = arith.constant 1 : i32
          %swap3A_1499 = arith.index_cast %swap3A_1498 : i32 to index
          %swap3A_1500 = arith.index_cast %multiple_of3A_1491 : i32 to index
          %swap3A_1501 = tpu.vector_load %arg14[%swap3A_1499, %swap3A_1500] {strides = array<i32>} : memref<2x128xi32, #tpu.memory_space<vmem>>, vector<16xi32>,
          tpu.vector_store %arg14[%swap3A_1499, %swap3A_1500], %add3A_1497 {strides = array<i32>} : memref<2x128xi32, #tpu.memory_space<vmem>>, vector<16xi32>,
          %multiple_of3A_1502 = arith.constant 288 : i32
          %multiple_of3A_1503 = tpu.assume_multiple %multiple_of3A_1502, 16 : i32
          %get3A_1504 = arith.index_cast %sub3A_1459 : i32 to index
          %get3A_1505 = arith.index_cast %multiple_of3A_1503 : i32 to index
          %get3A_1506 = tpu.vector_load %arg11[%get3A_1504, %get3A_1505] {strides = array<i32>} : memref<20x512xi32, #tpu.memory_space<vmem>>, vector<16xi32>,
          %broadcast_in_dim3A_1507 = arith.constant 32 : i32
          %broadcast_in_dim3A_1508 = vector.broadcast %broadcast_in_dim3A_1507 : i32 to vector<16xi32>
          %add3A_1509 = arith.addi %iota3A, %broadcast_in_dim3A_1508 : vector<16xi32>
          %add3A_1510 = arith.addi %add3A_1509, %broadcast_in_dim3A_7 : vector<16xi32>
          %multiple_of3A_1511 = arith.constant 32 : i32
          %multiple_of3A_1512 = tpu.assume_multiple %multiple_of3A_1511, 16 : i32
          %swap3A_1513 = arith.constant 1 : i32
          %swap3A_1514 = arith.index_cast %swap3A_1513 : i32 to index
          %swap3A_1515 = arith.index_cast %multiple_of3A_1512 : i32 to index
          %swap3A_1516 = tpu.vector_load %arg13[%swap3A_1514, %swap3A_1515] {strides = array<i32>} : memref<2x128xi32, #tpu.memory_space<vmem>>, vector<16xi32>,
          tpu.vector_store %arg13[%swap3A_1514, %swap3A_1515], %get3A_1506 {strides = array<i32>} : memref<2x128xi32, #tpu.memory_space<vmem>>, vector<16xi32>,
          %broadcast_in_dim3A_1517 = vector.broadcast %mul3A_4 : i32 to vector<16xi32>
          %add3A_1518 = arith.addi %add3A_1510, %broadcast_in_dim3A_1517 : vector<16xi32>
          %swap3A_1519 = arith.constant 1 : i32
          %swap3A_1520 = arith.index_cast %swap3A_1519 : i32 to index
          %swap3A_1521 = arith.index_cast %multiple_of3A_1512 : i32 to index
          %swap3A_1522 = tpu.vector_load %arg14[%swap3A_1520, %swap3A_1521] {strides = array<i32>} : memref<2x128xi32, #tpu.memory_space<vmem>>, vector<16xi32>,
          tpu.vector_store %arg14[%swap3A_1520, %swap3A_1521], %add3A_1518 {strides = array<i32>} : memref<2x128xi32, #tpu.memory_space<vmem>>, vector<16xi32>,
          %multiple_of3A_1523 = arith.constant 304 : i32
          %multiple_of3A_1524 = tpu.assume_multiple %multiple_of3A_1523, 16 : i32
          %get3A_1525 = arith.index_cast %sub3A_1459 : i32 to index
          %get3A_1526 = arith.index_cast %multiple_of3A_1524 : i32 to index
          %get3A_1527 = tpu.vector_load %arg11[%get3A_1525, %get3A_1526] {strides = array<i32>} : memref<20x512xi32, #tpu.memory_space<vmem>>, vector<16xi32>,
          %broadcast_in_dim3A_1528 = arith.constant 48 : i32
          %broadcast_in_dim3A_1529 = vector.broadcast %broadcast_in_dim3A_1528 : i32 to vector<16xi32>
          %add3A_1530 = arith.addi %iota3A, %broadcast_in_dim3A_1529 : vector<16xi32>
          %add3A_1531 = arith.addi %add3A_1530, %broadcast_in_dim3A_7 : vector<16xi32>
          %multiple_of3A_1532 = arith.constant 48 : i32
          %multiple_of3A_1533 = tpu.assume_multiple %multiple_of3A_1532, 16 : i32
          %swap3A_1534 = arith.constant 1 : i32
          %swap3A_1535 = arith.index_cast %swap3A_1534 : i32 to index
          %swap3A_1536 = arith.index_cast %multiple_of3A_1533 : i32 to index
          %swap3A_1537 = tpu.vector_load %arg13[%swap3A_1535, %swap3A_1536] {strides = array<i32>} : memref<2x128xi32, #tpu.memory_space<vmem>>, vector<16xi32>,
          tpu.vector_store %arg13[%swap3A_1535, %swap3A_1536], %get3A_1527 {strides = array<i32>} : memref<2x128xi32, #tpu.memory_space<vmem>>, vector<16xi32>,
          %broadcast_in_dim3A_1538 = vector.broadcast %mul3A_4 : i32 to vector<16xi32>
          %add3A_1539 = arith.addi %add3A_1531, %broadcast_in_dim3A_1538 : vector<16xi32>
          %swap3A_1540 = arith.constant 1 : i32
          %swap3A_1541 = arith.index_cast %swap3A_1540 : i32 to index
          %swap3A_1542 = arith.index_cast %multiple_of3A_1533 : i32 to index
          %swap3A_1543 = tpu.vector_load %arg14[%swap3A_1541, %swap3A_1542] {strides = array<i32>} : memref<2x128xi32, #tpu.memory_space<vmem>>, vector<16xi32>,
          tpu.vector_store %arg14[%swap3A_1541, %swap3A_1542], %add3A_1539 {strides = array<i32>} : memref<2x128xi32, #tpu.memory_space<vmem>>, vector<16xi32>,
          %multiple_of3A_1544 = arith.constant 320 : i32
          %multiple_of3A_1545 = tpu.assume_multiple %multiple_of3A_1544, 16 : i32
          %get3A_1546 = arith.index_cast %sub3A_1459 : i32 to index
          %get3A_1547 = arith.index_cast %multiple_of3A_1545 : i32 to index
          %get3A_1548 = tpu.vector_load %arg11[%get3A_1546, %get3A_1547] {strides = array<i32>} : memref<20x512xi32, #tpu.memory_space<vmem>>, vector<16xi32>,
          %broadcast_in_dim3A_1549 = arith.constant 64 : i32
          %broadcast_in_dim3A_1550 = vector.broadcast %broadcast_in_dim3A_1549 : i32 to vector<16xi32>
          %add3A_1551 = arith.addi %iota3A, %broadcast_in_dim3A_1550 : vector<16xi32>
          %add3A_1552 = arith.addi %add3A_1551, %broadcast_in_dim3A_7 : vector<16xi32>
          %multiple_of3A_1553 = arith.constant 64 : i32
          %multiple_of3A_1554 = tpu.assume_multiple %multiple_of3A_1553, 16 : i32
          %swap3A_1555 = arith.constant 1 : i32
          %swap3A_1556 = arith.index_cast %swap3A_1555 : i32 to index
          %swap3A_1557 = arith.index_cast %multiple_of3A_1554 : i32 to index
          %swap3A_1558 = tpu.vector_load %arg13[%swap3A_1556, %swap3A_1557] {strides = array<i32>} : memref<2x128xi32, #tpu.memory_space<vmem>>, vector<16xi32>,
          tpu.vector_store %arg13[%swap3A_1556, %swap3A_1557], %get3A_1548 {strides = array<i32>} : memref<2x128xi32, #tpu.memory_space<vmem>>, vector<16xi32>,
          %broadcast_in_dim3A_1559 = vector.broadcast %mul3A_4 : i32 to vector<16xi32>
          %add3A_1560 = arith.addi %add3A_1552, %broadcast_in_dim3A_1559 : vector<16xi32>
          %swap3A_1561 = arith.constant 1 : i32
          %swap3A_1562 = arith.index_cast %swap3A_1561 : i32 to index
          %swap3A_1563 = arith.index_cast %multiple_of3A_1554 : i32 to index
          %swap3A_1564 = tpu.vector_load %arg14[%swap3A_1562, %swap3A_1563] {strides = array<i32>} : memref<2x128xi32, #tpu.memory_space<vmem>>, vector<16xi32>,
          tpu.vector_store %arg14[%swap3A_1562, %swap3A_1563], %add3A_1560 {strides = array<i32>} : memref<2x128xi32, #tpu.memory_space<vmem>>, vector<16xi32>,
          %multiple_of3A_1565 = arith.constant 336 : i32
          %multiple_of3A_1566 = tpu.assume_multiple %multiple_of3A_1565, 16 : i32
          %get3A_1567 = arith.index_cast %sub3A_1459 : i32 to index
          %get3A_1568 = arith.index_cast %multiple_of3A_1566 : i32 to index
          %get3A_1569 = tpu.vector_load %arg11[%get3A_1567, %get3A_1568] {strides = array<i32>} : memref<20x512xi32, #tpu.memory_space<vmem>>, vector<16xi32>,
          %broadcast_in_dim3A_1570 = arith.constant 80 : i32
          %broadcast_in_dim3A_1571 = vector.broadcast %broadcast_in_dim3A_1570 : i32 to vector<16xi32>
          %add3A_1572 = arith.addi %iota3A, %broadcast_in_dim3A_1571 : vector<16xi32>
          %add3A_1573 = arith.addi %add3A_1572, %broadcast_in_dim3A_7 : vector<16xi32>
          %multiple_of3A_1574 = arith.constant 80 : i32
          %multiple_of3A_1575 = tpu.assume_multiple %multiple_of3A_1574, 16 : i32
          %swap3A_1576 = arith.constant 1 : i32
          %swap3A_1577 = arith.index_cast %swap3A_1576 : i32 to index
          %swap3A_1578 = arith.index_cast %multiple_of3A_1575 : i32 to index
          %swap3A_1579 = tpu.vector_load %arg13[%swap3A_1577, %swap3A_1578] {strides = array<i32>} : memref<2x128xi32, #tpu.memory_space<vmem>>, vector<16xi32>,
          tpu.vector_store %arg13[%swap3A_1577, %swap3A_1578], %get3A_1569 {strides = array<i32>} : memref<2x128xi32, #tpu.memory_space<vmem>>, vector<16xi32>,
          %broadcast_in_dim3A_1580 = vector.broadcast %mul3A_4 : i32 to vector<16xi32>
          %add3A_1581 = arith.addi %add3A_1573, %broadcast_in_dim3A_1580 : vector<16xi32>
          %swap3A_1582 = arith.constant 1 : i32
          %swap3A_1583 = arith.index_cast %swap3A_1582 : i32 to index
          %swap3A_1584 = arith.index_cast %multiple_of3A_1575 : i32 to index
          %swap3A_1585 = tpu.vector_load %arg14[%swap3A_1583, %swap3A_1584] {strides = array<i32>} : memref<2x128xi32, #tpu.memory_space<vmem>>, vector<16xi32>,
          tpu.vector_store %arg14[%swap3A_1583, %swap3A_1584], %add3A_1581 {strides = array<i32>} : memref<2x128xi32, #tpu.memory_space<vmem>>, vector<16xi32>,
          %multiple_of3A_1586 = arith.constant 352 : i32
          %multiple_of3A_1587 = tpu.assume_multiple %multiple_of3A_1586, 16 : i32
          %get3A_1588 = arith.index_cast %sub3A_1459 : i32 to index
          %get3A_1589 = arith.index_cast %multiple_of3A_1587 : i32 to index
          %get3A_1590 = tpu.vector_load %arg11[%get3A_1588, %get3A_1589] {strides = array<i32>} : memref<20x512xi32, #tpu.memory_space<vmem>>, vector<16xi32>,
          %broadcast_in_dim3A_1591 = arith.constant 96 : i32
          %broadcast_in_dim3A_1592 = vector.broadcast %broadcast_in_dim3A_1591 : i32 to vector<16xi32>
          %add3A_1593 = arith.addi %iota3A, %broadcast_in_dim3A_1592 : vector<16xi32>
          %add3A_1594 = arith.addi %add3A_1593, %broadcast_in_dim3A_7 : vector<16xi32>
          %multiple_of3A_1595 = arith.constant 96 : i32
          %multiple_of3A_1596 = tpu.assume_multiple %multiple_of3A_1595, 16 : i32
          %swap3A_1597 = arith.constant 1 : i32
          %swap3A_1598 = arith.index_cast %swap3A_1597 : i32 to index
          %swap3A_1599 = arith.index_cast %multiple_of3A_1596 : i32 to index
          %swap3A_1600 = tpu.vector_load %arg13[%swap3A_1598, %swap3A_1599] {strides = array<i32>} : memref<2x128xi32, #tpu.memory_space<vmem>>, vector<16xi32>,
          tpu.vector_store %arg13[%swap3A_1598, %swap3A_1599], %get3A_1590 {strides = array<i32>} : memref<2x128xi32, #tpu.memory_space<vmem>>, vector<16xi32>,
          %broadcast_in_dim3A_1601 = vector.broadcast %mul3A_4 : i32 to vector<16xi32>
          %add3A_1602 = arith.addi %add3A_1594, %broadcast_in_dim3A_1601 : vector<16xi32>
          %swap3A_1603 = arith.constant 1 : i32
          %swap3A_1604 = arith.index_cast %swap3A_1603 : i32 to index
          %swap3A_1605 = arith.index_cast %multiple_of3A_1596 : i32 to index
          %swap3A_1606 = tpu.vector_load %arg14[%swap3A_1604, %swap3A_1605] {strides = array<i32>} : memref<2x128xi32, #tpu.memory_space<vmem>>, vector<16xi32>,
          tpu.vector_store %arg14[%swap3A_1604, %swap3A_1605], %add3A_1602 {strides = array<i32>} : memref<2x128xi32, #tpu.memory_space<vmem>>, vector<16xi32>,
          %multiple_of3A_1607 = arith.constant 368 : i32
          %multiple_of3A_1608 = tpu.assume_multiple %multiple_of3A_1607, 16 : i32
          %get3A_1609 = arith.index_cast %sub3A_1459 : i32 to index
          %get3A_1610 = arith.index_cast %multiple_of3A_1608 : i32 to index
          %get3A_1611 = tpu.vector_load %arg11[%get3A_1609, %get3A_1610] {strides = array<i32>} : memref<20x512xi32, #tpu.memory_space<vmem>>, vector<16xi32>,
          %broadcast_in_dim3A_1612 = arith.constant 112 : i32
          %broadcast_in_dim3A_1613 = vector.broadcast %broadcast_in_dim3A_1612 : i32 to vector<16xi32>
          %add3A_1614 = arith.addi %iota3A, %broadcast_in_dim3A_1613 : vector<16xi32>
          %add3A_1615 = arith.addi %add3A_1614, %broadcast_in_dim3A_7 : vector<16xi32>
          %multiple_of3A_1616 = arith.constant 112 : i32
          %multiple_of3A_1617 = tpu.assume_multiple %multiple_of3A_1616, 16 : i32
          %swap3A_1618 = arith.constant 1 : i32
          %swap3A_1619 = arith.index_cast %swap3A_1618 : i32 to index
          %swap3A_1620 = arith.index_cast %multiple_of3A_1617 : i32 to index
          %swap3A_1621 = tpu.vector_load %arg13[%swap3A_1619, %swap3A_1620] {strides = array<i32>} : memref<2x128xi32, #tpu.memory_space<vmem>>, vector<16xi32>,
          tpu.vector_store %arg13[%swap3A_1619, %swap3A_1620], %get3A_1611 {strides = array<i32>} : memref<2x128xi32, #tpu.memory_space<vmem>>, vector<16xi32>,
          %broadcast_in_dim3A_1622 = vector.broadcast %mul3A_4 : i32 to vector<16xi32>
          %add3A_1623 = arith.addi %add3A_1615, %broadcast_in_dim3A_1622 : vector<16xi32>
          %swap3A_1624 = arith.constant 1 : i32
          %swap3A_1625 = arith.index_cast %swap3A_1624 : i32 to index
          %swap3A_1626 = arith.index_cast %multiple_of3A_1617 : i32 to index
          %swap3A_1627 = tpu.vector_load %arg14[%swap3A_1625, %swap3A_1626] {strides = array<i32>} : memref<2x128xi32, #tpu.memory_space<vmem>>, vector<16xi32>,
          tpu.vector_store %arg14[%swap3A_1625, %swap3A_1626], %add3A_1623 {strides = array<i32>} : memref<2x128xi32, #tpu.memory_space<vmem>>, vector<16xi32>,
          %dma_start3A_1628 = arith.constant 1 : i32
          %dma_start3A_1629 = arith.constant 1 : i32
          %dma_start3A_1630 = arith.constant 1 : i32
          %dma_start3A_1631 = arith.constant 0 : i32
          %dma_start3A_1632 = arith.constant 0 : i32
          %dma_start3A_1633 = tpu.memref_slice %arg8[%dma_start3A_1629, %dma_start3A_1631, %dma_start3A_1632] : memref<2x128x128xf32, #tpu.memory_space<vmem>> -> memref<1x128x128xf32, #tpu.memory_space<vmem>>
          %dma_start3A_1634 = tpu.memref_squeeze %dma_start3A_1633 : memref<1x128x128xf32, #tpu.memory_space<vmem>> -> memref<128x128xf32, #tpu.memory_space<vmem>>
          %dma_start3A_1635 = arith.constant 0 : i32
          %dma_start3A_1636 = tpu.memref_slice %arg13[%dma_start3A_1628, %dma_start3A_1635] : memref<2x128xi32, #tpu.memory_space<vmem>> -> memref<1x128xi32, #tpu.memory_space<vmem>>
          %dma_start3A_1637 = tpu.memref_squeeze %dma_start3A_1636 : memref<1x128xi32, #tpu.memory_space<vmem>> -> memref<128xi32, #tpu.memory_space<vmem>>
          %dma_start3A_1638 = arith.constant 0 : i32
          %dma_start3A_1639 = arith.constant 0 : i32
          %dma_start3A_1640 = tpu.memref_slice %arg5[%dma_start3A_1638, %dma_start3A_1639] : memref<2000000x128xf32, #tpu.memory_space<hbm>> -> memref<2000000x128xf32, #tpu.memory_space<hbm>>
          %dma_start3A_1641 = tpu.memref_slice %arg10[%dma_start3A_1630] : memref<2x!tpu.dma_semaphore, #tpu.memory_space<semaphore_mem>> -> memref<1x!tpu.dma_semaphore, #tpu.memory_space<semaphore_mem>>
          %dma_start3A_1642 = tpu.memref_squeeze %dma_start3A_1641 : memref<1x!tpu.dma_semaphore, #tpu.memory_space<semaphore_mem>> -> memref<!tpu.dma_semaphore, #tpu.memory_space<semaphore_mem>>
          tpu.enqueue_indirect_dma source(%dma_start3A_1640 : memref<2000000x128xf32, #tpu.memory_space<hbm>>) target(%dma_start3A_1634 : memref<128x128xf32, #tpu.memory_space<vmem>>) offsets(%dma_start3A_1637 : memref<128xi32, #tpu.memory_space<vmem>>) semaphore(%dma_start3A_1642 : memref<!tpu.dma_semaphore, #tpu.memory_space<semaphore_mem>>)
        } else {
        }
      } else {
      }
    }
    %scan3A_1060 = arith.constant 21 : i32
    "tpu.region"() ({
      %run_scoped3A = tpu.sem_alloc : memref<!tpu.dma_semaphore, #tpu.memory_space<semaphore_mem>>
      %dma_start3A_1427 = arith.constant 0 : i32
      %dma_start3A_1428 = tpu.memref_slice %arg7[%mul3A_4, %dma_start3A_1427] : memref<2048x128xf32, #tpu.memory_space<vmem_shared>> -> memref<128x128xf32, #tpu.memory_space<vmem_shared>>
      %dma_start3A_1429 = arith.constant 0 : i32
      %dma_start3A_1430 = tpu.memref_slice %arg7[%mul3A_4, %dma_start3A_1429] : memref<2048x128xf32, #tpu.memory_space<vmem_shared>> -> memref<128x128xf32, #tpu.memory_space<vmem_shared>>
      tpu.enqueue_dma source(%dma_start3A_1430 : memref<128x128xf32, #tpu.memory_space<vmem_shared>>) target(%arg15 : memref<128x128xf32, #tpu.memory_space<vmem>>) target_semaphore(%run_scoped3A : memref<!tpu.dma_semaphore, #tpu.memory_space<semaphore_mem>>)
      %dma_wait3A = arith.constant 0 : i32
      %dma_wait3A_1431 = tpu.memref_slice %arg7[%mul3A_4, %dma_wait3A] : memref<2048x128xf32, #tpu.memory_space<vmem_shared>> -> memref<128x128xf32, #tpu.memory_space<vmem_shared>>
      %dma_wait3A_1432 = arith.constant 0 : i32
      %dma_wait3A_1433 = tpu.memref_slice %arg7[%mul3A_4, %dma_wait3A_1432] : memref<2048x128xf32, #tpu.memory_space<vmem_shared>> -> memref<128x128xf32, #tpu.memory_space<vmem_shared>>
      tpu.wait_dma2 semaphore(%run_scoped3A : memref<!tpu.dma_semaphore, #tpu.memory_space<semaphore_mem>>) src(%dma_wait3A_1433 : memref<128x128xf32, #tpu.memory_space<vmem_shared>>) dst(%arg15 : memref<128x128xf32, #tpu.memory_space<vmem>>)
      tpu.yield
    }) : () -> ()
    %scan3A_1061 = arith.constant 0 : i32
    %scan3A_1062 = arith.constant 0 : i32
    %scan3A_1063 = arith.constant 128 : i32
    %scan3A_1064 = arith.addi %scan3A_1062, %scan3A_1063 : i32
    %scan3A_1065 = arith.constant 1 : i32
    scf.for %scan3A_1427 = %scan3A_1062 to %scan3A_1064 step %scan3A_1065  : i32 {
      %multiple_of3A_1428 = arith.constant 0 : i32
      %multiple_of3A_1429 = tpu.assume_multiple %multiple_of3A_1428, 16 : i32
      %get3A_1430 = arith.index_cast %scan3A_1427 : i32 to index
      %get3A_1431 = arith.index_cast %multiple_of3A_1429 : i32 to index
      %get3A_1432 = tpu.vector_load %arg15[%get3A_1430, %get3A_1431] {strides = array<i32>} : memref<128x128xf32, #tpu.memory_space<vmem>>, vector<16xf32>,
      %mul3A_1433 = arith.constant 64 : i32
      %mul3A_1434 = arith.muli %scan3A_1427, %mul3A_1433 : i32
      %add3A_1435 = arith.addi %mul3A_1434, %multiple_of3A_1429 : i32
      %swap3A_1436 = arith.index_cast %add3A_1435 : i32 to index
      %swap3A_1437 = tpu.vector_load %arg12[%swap3A_1436] {strides = array<i32>} : memref<8192xf32, #tpu.memory_space<vmem>>, vector<16xf32>,
      tpu.vector_store %arg12[%swap3A_1436], %get3A_1432 {strides = array<i32>} : memref<8192xf32, #tpu.memory_space<vmem>>, vector<16xf32>,
      %multiple_of3A_1438 = arith.constant 16 : i32
      %multiple_of3A_1439 = tpu.assume_multiple %multiple_of3A_1438, 16 : i32
      %get3A_1440 = arith.index_cast %scan3A_1427 : i32 to index
      %get3A_1441 = arith.index_cast %multiple_of3A_1439 : i32 to index
      %get3A_1442 = tpu.vector_load %arg15[%get3A_1440, %get3A_1441] {strides = array<i32>} : memref<128x128xf32, #tpu.memory_space<vmem>>, vector<16xf32>,
      %mul3A_1443 = arith.constant 64 : i32
      %mul3A_1444 = arith.muli %scan3A_1427, %mul3A_1443 : i32
      %add3A_1445 = arith.addi %mul3A_1444, %multiple_of3A_1439 : i32
      %swap3A_1446 = arith.index_cast %add3A_1445 : i32 to index
      %swap3A_1447 = tpu.vector_load %arg12[%swap3A_1446] {strides = array<i32>} : memref<8192xf32, #tpu.memory_space<vmem>>, vector<16xf32>,
      tpu.vector_store %arg12[%swap3A_1446], %get3A_1442 {strides = array<i32>} : memref<8192xf32, #tpu.memory_space<vmem>>, vector<16xf32>,
      %multiple_of3A_1448 = arith.constant 32 : i32
      %multiple_of3A_1449 = tpu.assume_multiple %multiple_of3A_1448, 16 : i32
      %get3A_1450 = arith.index_cast %scan3A_1427 : i32 to index
      %get3A_1451 = arith.index_cast %multiple_of3A_1449 : i32 to index
      %get3A_1452 = tpu.vector_load %arg15[%get3A_1450, %get3A_1451] {strides = array<i32>} : memref<128x128xf32, #tpu.memory_space<vmem>>, vector<16xf32>,
      %mul3A_1453 = arith.constant 64 : i32
      %mul3A_1454 = arith.muli %scan3A_1427, %mul3A_1453 : i32
      %add3A_1455 = arith.addi %mul3A_1454, %multiple_of3A_1449 : i32
      %swap3A_1456 = arith.index_cast %add3A_1455 : i32 to index
      %swap3A_1457 = tpu.vector_load %arg12[%swap3A_1456] {strides = array<i32>} : memref<8192xf32, #tpu.memory_space<vmem>>, vector<16xf32>,
      tpu.vector_store %arg12[%swap3A_1456], %get3A_1452 {strides = array<i32>} : memref<8192xf32, #tpu.memory_space<vmem>>, vector<16xf32>,
      %multiple_of3A_1458 = arith.constant 48 : i32
      %multiple_of3A_1459 = tpu.assume_multiple %multiple_of3A_1458, 16 : i32
      %get3A_1460 = arith.index_cast %scan3A_1427 : i32 to index
      %get3A_1461 = arith.index_cast %multiple_of3A_1459 : i32 to index
      %get3A_1462 = tpu.vector_load %arg15[%get3A_1460, %get3A_1461] {strides = array<i32>} : memref<128x128xf32, #tpu.memory_space<vmem>>, vector<16xf32>,
      %mul3A_1463 = arith.constant 64 : i32
      %mul3A_1464 = arith.muli %scan3A_1427, %mul3A_1463 : i32
      %add3A_1465 = arith.addi %mul3A_1464, %multiple_of3A_1459 : i32
      %swap3A_1466 = arith.index_cast %add3A_1465 : i32 to index
      %swap3A_1467 = tpu.vector_load %arg12[%swap3A_1466] {strides = array<i32>} : memref<8192xf32, #tpu.memory_space<vmem>>, vector<16xf32>,
      tpu.vector_store %arg12[%swap3A_1466], %get3A_1462 {strides = array<i32>} : memref<8192xf32, #tpu.memory_space<vmem>>, vector<16xf32>,
    }
    %scan3A_1066 = arith.constant 128 : i32
    %add3A_1067 = arith.constant 256 : i32
    %add3A_1068 = arith.addi %mul3A_2, %add3A_1067 : i32
    %mul3A_1069 = arith.constant 64 : i32
    %mul3A_1070 = arith.muli %add3A_1068, %mul3A_1069 : i32
    "tpu.region"() ({
      %run_scoped3A = tpu.sem_alloc : memref<!tpu.dma_semaphore, #tpu.memory_space<semaphore_mem>>
      %dma_start3A_1427 = tpu.memref_slice %arg6[%mul3A_1070] : memref<1048576xf32, #tpu.memory_space<hbm>> -> memref<8192xf32, #tpu.memory_space<hbm>>
      %dma_start3A_1428 = tpu.memref_slice %arg6[%mul3A_1070] : memref<1048576xf32, #tpu.memory_space<hbm>> -> memref<8192xf32, #tpu.memory_space<hbm>>
      tpu.enqueue_dma source(%arg12 : memref<8192xf32, #tpu.memory_space<vmem>>) target(%dma_start3A_1428 : memref<8192xf32, #tpu.memory_space<hbm>>) target_semaphore(%run_scoped3A : memref<!tpu.dma_semaphore, #tpu.memory_space<semaphore_mem>>)
      %dma_wait3A = tpu.memref_slice %arg6[%mul3A_1070] : memref<1048576xf32, #tpu.memory_space<hbm>> -> memref<8192xf32, #tpu.memory_space<hbm>>
      %dma_wait3A_1429 = tpu.memref_slice %arg6[%mul3A_1070] : memref<1048576xf32, #tpu.memory_space<hbm>> -> memref<8192xf32, #tpu.memory_space<hbm>>
      tpu.wait_dma2 semaphore(%run_scoped3A : memref<!tpu.dma_semaphore, #tpu.memory_space<semaphore_mem>>) src(%arg12 : memref<8192xf32, #tpu.memory_space<vmem>>) dst(%dma_wait3A_1429 : memref<8192xf32, #tpu.memory_space<hbm>>)
      tpu.yield
    }) : () -> ()
    %scan3A_1071 = arith.constant 0 : i32
    %scan3A_1072 = arith.constant 0 : i32
    %scan3A_1073 = arith.constant 1024 : i32
    %scan3A_1074 = arith.addi %scan3A_1072, %scan3A_1073 : i32
    %scan3A_1075 = arith.constant 1 : i32
    scf.for %scan3A_1427 = %scan3A_1072 to %scan3A_1074 step %scan3A_1075  : i32 {
      %shift_right_logical3A = arith.constant 3 : i32
      %shift_right_logical3A_1428 = arith.shrui %scan3A_1427, %shift_right_logical3A : i32
      %and3A = arith.constant 7 : i32
      %and3A_1429 = arith.andi %scan3A_1427, %and3A : i32
      %mul3A_1430 = arith.constant 16 : i32
      %mul3A_1431 = arith.muli %and3A_1429, %mul3A_1430 : i32
      %multiple_of3A_1432 = tpu.assume_multiple %mul3A_1431, 16 : i32
      %broadcast_in_dim3A_1433 = arith.constant 0.000000e+00 : f32
      %broadcast_in_dim3A_1434 = vector.broadcast %broadcast_in_dim3A_1433 : f32 to vector<16xf32>
      %swap3A_1435 = arith.index_cast %shift_right_logical3A_1428 : i32 to index
      %swap3A_1436 = arith.index_cast %multiple_of3A_1432 : i32 to index
      %swap3A_1437 = tpu.vector_load %arg15[%swap3A_1435, %swap3A_1436] {strides = array<i32>} : memref<128x128xf32, #tpu.memory_space<vmem>>, vector<16xf32>,
      tpu.vector_store %arg15[%swap3A_1435, %swap3A_1436], %broadcast_in_dim3A_1434 {strides = array<i32>} : memref<128x128xf32, #tpu.memory_space<vmem>>, vector<16xf32>,
    }
    %scan3A_1076 = arith.constant 1024 : i32
    "tpu.region"() ({
      %run_scoped3A = tpu.sem_alloc : memref<!tpu.dma_semaphore, #tpu.memory_space<semaphore_mem>>
      %dma_start3A_1427 = arith.constant 0 : i32
      %dma_start3A_1428 = tpu.memref_slice %arg7[%mul3A_4, %dma_start3A_1427] : memref<2048x128xf32, #tpu.memory_space<vmem_shared>> -> memref<128x128xf32, #tpu.memory_space<vmem_shared>>
      %dma_start3A_1429 = arith.constant 0 : i32
      %dma_start3A_1430 = tpu.memref_slice %arg7[%mul3A_4, %dma_start3A_1429] : memref<2048x128xf32, #tpu.memory_space<vmem_shared>> -> memref<128x128xf32, #tpu.memory_space<vmem_shared>>
      tpu.enqueue_dma source(%arg15 : memref<128x128xf32, #tpu.memory_space<vmem>>) target(%dma_start3A_1430 : memref<128x128xf32, #tpu.memory_space<vmem_shared>>) target_semaphore(%run_scoped3A : memref<!tpu.dma_semaphore, #tpu.memory_space<semaphore_mem>>)
      %dma_wait3A = arith.constant 0 : i32
      %dma_wait3A_1431 = tpu.memref_slice %arg7[%mul3A_4, %dma_wait3A] : memref<2048x128xf32, #tpu.memory_space<vmem_shared>> -> memref<128x128xf32, #tpu.memory_space<vmem_shared>>
      %dma_wait3A_1432 = arith.constant 0 : i32
      %dma_wait3A_1433 = tpu.memref_slice %arg7[%mul3A_4, %dma_wait3A_1432] : memref<2048x128xf32, #tpu.memory_space<vmem_shared>> -> memref<128x128xf32, #tpu.memory_space<vmem_shared>>
      tpu.wait_dma2 semaphore(%run_scoped3A : memref<!tpu.dma_semaphore, #tpu.memory_space<semaphore_mem>>) src(%arg15 : memref<128x128xf32, #tpu.memory_space<vmem>>) dst(%dma_wait3A_1433 : memref<128x128xf32, #tpu.memory_space<vmem_shared>>)
      tpu.yield
    }) : () -> ()
    %get3A_1077 = arith.constant 384 : index
    %get3A_1078 = tpu.vector_load %arg9[%get3A_1077] {strides = array<i32>} : memref<512xi32, #tpu.memory_space<vmem>>, vector<16xi32>,
    %broadcast_in_dim3A_1079 = arith.constant 0 : i32
    %broadcast_in_dim3A_1080 = vector.broadcast %broadcast_in_dim3A_1079 : i32 to vector<16xi32>
    %add3A_1081 = arith.addi %iota3A, %broadcast_in_dim3A_1080 : vector<16xi32>
    %add3A_1082 = arith.addi %add3A_1081, %broadcast_in_dim3A_7 : vector<16xi32>
    %multiple_of3A_1083 = arith.constant 0 : i32
    %multiple_of3A_1084 = tpu.assume_multiple %multiple_of3A_1083, 16 : i32
    %swap3A_1085 = arith.constant 0 : i32
    %swap3A_1086 = arith.index_cast %swap3A_1085 : i32 to index
    %swap3A_1087 = arith.index_cast %multiple_of3A_1084 : i32 to index
    %swap3A_1088 = tpu.vector_load %arg13[%swap3A_1086, %swap3A_1087] {strides = array<i32>} : memref<2x128xi32, #tpu.memory_space<vmem>>, vector<16xi32>,
    tpu.vector_store %arg13[%swap3A_1086, %swap3A_1087], %get3A_1078 {strides = array<i32>} : memref<2x128xi32, #tpu.memory_space<vmem>>, vector<16xi32>,
    %broadcast_in_dim3A_1089 = vector.broadcast %mul3A_4 : i32 to vector<16xi32>
    %add3A_1090 = arith.addi %add3A_1082, %broadcast_in_dim3A_1089 : vector<16xi32>
    %swap3A_1091 = arith.constant 0 : i32
    %swap3A_1092 = arith.index_cast %swap3A_1091 : i32 to index
    %swap3A_1093 = arith.index_cast %multiple_of3A_1084 : i32 to index
    %swap3A_1094 = tpu.vector_load %arg14[%swap3A_1092, %swap3A_1093] {strides = array<i32>} : memref<2x128xi32, #tpu.memory_space<vmem>>, vector<16xi32>,
    tpu.vector_store %arg14[%swap3A_1092, %swap3A_1093], %add3A_1090 {strides = array<i32>} : memref<2x128xi32, #tpu.memory_space<vmem>>, vector<16xi32>,
    %get3A_1095 = arith.constant 400 : index
    %get3A_1096 = tpu.vector_load %arg9[%get3A_1095] {strides = array<i32>} : memref<512xi32, #tpu.memory_space<vmem>>, vector<16xi32>,
    %broadcast_in_dim3A_1097 = arith.constant 16 : i32
    %broadcast_in_dim3A_1098 = vector.broadcast %broadcast_in_dim3A_1097 : i32 to vector<16xi32>
    %add3A_1099 = arith.addi %iota3A, %broadcast_in_dim3A_1098 : vector<16xi32>
    %add3A_1100 = arith.addi %add3A_1099, %broadcast_in_dim3A_7 : vector<16xi32>
    %multiple_of3A_1101 = arith.constant 16 : i32
    %multiple_of3A_1102 = tpu.assume_multiple %multiple_of3A_1101, 16 : i32
    %swap3A_1103 = arith.constant 0 : i32
    %swap3A_1104 = arith.index_cast %swap3A_1103 : i32 to index
    %swap3A_1105 = arith.index_cast %multiple_of3A_1102 : i32 to index
    %swap3A_1106 = tpu.vector_load %arg13[%swap3A_1104, %swap3A_1105] {strides = array<i32>} : memref<2x128xi32, #tpu.memory_space<vmem>>, vector<16xi32>,
    tpu.vector_store %arg13[%swap3A_1104, %swap3A_1105], %get3A_1096 {strides = array<i32>} : memref<2x128xi32, #tpu.memory_space<vmem>>, vector<16xi32>,
    %broadcast_in_dim3A_1107 = vector.broadcast %mul3A_4 : i32 to vector<16xi32>
    %add3A_1108 = arith.addi %add3A_1100, %broadcast_in_dim3A_1107 : vector<16xi32>
    %swap3A_1109 = arith.constant 0 : i32
    %swap3A_1110 = arith.index_cast %swap3A_1109 : i32 to index
    %swap3A_1111 = arith.index_cast %multiple_of3A_1102 : i32 to index
    %swap3A_1112 = tpu.vector_load %arg14[%swap3A_1110, %swap3A_1111] {strides = array<i32>} : memref<2x128xi32, #tpu.memory_space<vmem>>, vector<16xi32>,
    tpu.vector_store %arg14[%swap3A_1110, %swap3A_1111], %add3A_1108 {strides = array<i32>} : memref<2x128xi32, #tpu.memory_space<vmem>>, vector<16xi32>,
    %get3A_1113 = arith.constant 416 : index
    %get3A_1114 = tpu.vector_load %arg9[%get3A_1113] {strides = array<i32>} : memref<512xi32, #tpu.memory_space<vmem>>, vector<16xi32>,
    %broadcast_in_dim3A_1115 = arith.constant 32 : i32
    %broadcast_in_dim3A_1116 = vector.broadcast %broadcast_in_dim3A_1115 : i32 to vector<16xi32>
    %add3A_1117 = arith.addi %iota3A, %broadcast_in_dim3A_1116 : vector<16xi32>
    %add3A_1118 = arith.addi %add3A_1117, %broadcast_in_dim3A_7 : vector<16xi32>
    %multiple_of3A_1119 = arith.constant 32 : i32
    %multiple_of3A_1120 = tpu.assume_multiple %multiple_of3A_1119, 16 : i32
    %swap3A_1121 = arith.constant 0 : i32
    %swap3A_1122 = arith.index_cast %swap3A_1121 : i32 to index
    %swap3A_1123 = arith.index_cast %multiple_of3A_1120 : i32 to index
    %swap3A_1124 = tpu.vector_load %arg13[%swap3A_1122, %swap3A_1123] {strides = array<i32>} : memref<2x128xi32, #tpu.memory_space<vmem>>, vector<16xi32>,
    tpu.vector_store %arg13[%swap3A_1122, %swap3A_1123], %get3A_1114 {strides = array<i32>} : memref<2x128xi32, #tpu.memory_space<vmem>>, vector<16xi32>,
    %broadcast_in_dim3A_1125 = vector.broadcast %mul3A_4 : i32 to vector<16xi32>
    %add3A_1126 = arith.addi %add3A_1118, %broadcast_in_dim3A_1125 : vector<16xi32>
    %swap3A_1127 = arith.constant 0 : i32
    %swap3A_1128 = arith.index_cast %swap3A_1127 : i32 to index
    %swap3A_1129 = arith.index_cast %multiple_of3A_1120 : i32 to index
    %swap3A_1130 = tpu.vector_load %arg14[%swap3A_1128, %swap3A_1129] {strides = array<i32>} : memref<2x128xi32, #tpu.memory_space<vmem>>, vector<16xi32>,
    tpu.vector_store %arg14[%swap3A_1128, %swap3A_1129], %add3A_1126 {strides = array<i32>} : memref<2x128xi32, #tpu.memory_space<vmem>>, vector<16xi32>,
    %get3A_1131 = arith.constant 432 : index
    %get3A_1132 = tpu.vector_load %arg9[%get3A_1131] {strides = array<i32>} : memref<512xi32, #tpu.memory_space<vmem>>, vector<16xi32>,
    %broadcast_in_dim3A_1133 = arith.constant 48 : i32
    %broadcast_in_dim3A_1134 = vector.broadcast %broadcast_in_dim3A_1133 : i32 to vector<16xi32>
    %add3A_1135 = arith.addi %iota3A, %broadcast_in_dim3A_1134 : vector<16xi32>
    %add3A_1136 = arith.addi %add3A_1135, %broadcast_in_dim3A_7 : vector<16xi32>
    %multiple_of3A_1137 = arith.constant 48 : i32
    %multiple_of3A_1138 = tpu.assume_multiple %multiple_of3A_1137, 16 : i32
    %swap3A_1139 = arith.constant 0 : i32
    %swap3A_1140 = arith.index_cast %swap3A_1139 : i32 to index
    %swap3A_1141 = arith.index_cast %multiple_of3A_1138 : i32 to index
    %swap3A_1142 = tpu.vector_load %arg13[%swap3A_1140, %swap3A_1141] {strides = array<i32>} : memref<2x128xi32, #tpu.memory_space<vmem>>, vector<16xi32>,
    tpu.vector_store %arg13[%swap3A_1140, %swap3A_1141], %get3A_1132 {strides = array<i32>} : memref<2x128xi32, #tpu.memory_space<vmem>>, vector<16xi32>,
    %broadcast_in_dim3A_1143 = vector.broadcast %mul3A_4 : i32 to vector<16xi32>
    %add3A_1144 = arith.addi %add3A_1136, %broadcast_in_dim3A_1143 : vector<16xi32>
    %swap3A_1145 = arith.constant 0 : i32
    %swap3A_1146 = arith.index_cast %swap3A_1145 : i32 to index
    %swap3A_1147 = arith.index_cast %multiple_of3A_1138 : i32 to index
    %swap3A_1148 = tpu.vector_load %arg14[%swap3A_1146, %swap3A_1147] {strides = array<i32>} : memref<2x128xi32, #tpu.memory_space<vmem>>, vector<16xi32>,
    tpu.vector_store %arg14[%swap3A_1146, %swap3A_1147], %add3A_1144 {strides = array<i32>} : memref<2x128xi32, #tpu.memory_space<vmem>>, vector<16xi32>,
    %get3A_1149 = arith.constant 448 : index
    %get3A_1150 = tpu.vector_load %arg9[%get3A_1149] {strides = array<i32>} : memref<512xi32, #tpu.memory_space<vmem>>, vector<16xi32>,
    %broadcast_in_dim3A_1151 = arith.constant 64 : i32
    %broadcast_in_dim3A_1152 = vector.broadcast %broadcast_in_dim3A_1151 : i32 to vector<16xi32>
    %add3A_1153 = arith.addi %iota3A, %broadcast_in_dim3A_1152 : vector<16xi32>
    %add3A_1154 = arith.addi %add3A_1153, %broadcast_in_dim3A_7 : vector<16xi32>
    %multiple_of3A_1155 = arith.constant 64 : i32
    %multiple_of3A_1156 = tpu.assume_multiple %multiple_of3A_1155, 16 : i32
    %swap3A_1157 = arith.constant 0 : i32
    %swap3A_1158 = arith.index_cast %swap3A_1157 : i32 to index
    %swap3A_1159 = arith.index_cast %multiple_of3A_1156 : i32 to index
    %swap3A_1160 = tpu.vector_load %arg13[%swap3A_1158, %swap3A_1159] {strides = array<i32>} : memref<2x128xi32, #tpu.memory_space<vmem>>, vector<16xi32>,
    tpu.vector_store %arg13[%swap3A_1158, %swap3A_1159], %get3A_1150 {strides = array<i32>} : memref<2x128xi32, #tpu.memory_space<vmem>>, vector<16xi32>,
    %broadcast_in_dim3A_1161 = vector.broadcast %mul3A_4 : i32 to vector<16xi32>
    %add3A_1162 = arith.addi %add3A_1154, %broadcast_in_dim3A_1161 : vector<16xi32>
    %swap3A_1163 = arith.constant 0 : i32
    %swap3A_1164 = arith.index_cast %swap3A_1163 : i32 to index
    %swap3A_1165 = arith.index_cast %multiple_of3A_1156 : i32 to index
    %swap3A_1166 = tpu.vector_load %arg14[%swap3A_1164, %swap3A_1165] {strides = array<i32>} : memref<2x128xi32, #tpu.memory_space<vmem>>, vector<16xi32>,
    tpu.vector_store %arg14[%swap3A_1164, %swap3A_1165], %add3A_1162 {strides = array<i32>} : memref<2x128xi32, #tpu.memory_space<vmem>>, vector<16xi32>,
    %get3A_1167 = arith.constant 464 : index
    %get3A_1168 = tpu.vector_load %arg9[%get3A_1167] {strides = array<i32>} : memref<512xi32, #tpu.memory_space<vmem>>, vector<16xi32>,
    %broadcast_in_dim3A_1169 = arith.constant 80 : i32
    %broadcast_in_dim3A_1170 = vector.broadcast %broadcast_in_dim3A_1169 : i32 to vector<16xi32>
    %add3A_1171 = arith.addi %iota3A, %broadcast_in_dim3A_1170 : vector<16xi32>
    %add3A_1172 = arith.addi %add3A_1171, %broadcast_in_dim3A_7 : vector<16xi32>
    %multiple_of3A_1173 = arith.constant 80 : i32
    %multiple_of3A_1174 = tpu.assume_multiple %multiple_of3A_1173, 16 : i32
    %swap3A_1175 = arith.constant 0 : i32
    %swap3A_1176 = arith.index_cast %swap3A_1175 : i32 to index
    %swap3A_1177 = arith.index_cast %multiple_of3A_1174 : i32 to index
    %swap3A_1178 = tpu.vector_load %arg13[%swap3A_1176, %swap3A_1177] {strides = array<i32>} : memref<2x128xi32, #tpu.memory_space<vmem>>, vector<16xi32>,
    tpu.vector_store %arg13[%swap3A_1176, %swap3A_1177], %get3A_1168 {strides = array<i32>} : memref<2x128xi32, #tpu.memory_space<vmem>>, vector<16xi32>,
    %broadcast_in_dim3A_1179 = vector.broadcast %mul3A_4 : i32 to vector<16xi32>
    %add3A_1180 = arith.addi %add3A_1172, %broadcast_in_dim3A_1179 : vector<16xi32>
    %swap3A_1181 = arith.constant 0 : i32
    %swap3A_1182 = arith.index_cast %swap3A_1181 : i32 to index
    %swap3A_1183 = arith.index_cast %multiple_of3A_1174 : i32 to index
    %swap3A_1184 = tpu.vector_load %arg14[%swap3A_1182, %swap3A_1183] {strides = array<i32>} : memref<2x128xi32, #tpu.memory_space<vmem>>, vector<16xi32>,
    tpu.vector_store %arg14[%swap3A_1182, %swap3A_1183], %add3A_1180 {strides = array<i32>} : memref<2x128xi32, #tpu.memory_space<vmem>>, vector<16xi32>,
    %get3A_1185 = arith.constant 480 : index
    %get3A_1186 = tpu.vector_load %arg9[%get3A_1185] {strides = array<i32>} : memref<512xi32, #tpu.memory_space<vmem>>, vector<16xi32>,
    %broadcast_in_dim3A_1187 = arith.constant 96 : i32
    %broadcast_in_dim3A_1188 = vector.broadcast %broadcast_in_dim3A_1187 : i32 to vector<16xi32>
    %add3A_1189 = arith.addi %iota3A, %broadcast_in_dim3A_1188 : vector<16xi32>
    %add3A_1190 = arith.addi %add3A_1189, %broadcast_in_dim3A_7 : vector<16xi32>
    %multiple_of3A_1191 = arith.constant 96 : i32
    %multiple_of3A_1192 = tpu.assume_multiple %multiple_of3A_1191, 16 : i32
    %swap3A_1193 = arith.constant 0 : i32
    %swap3A_1194 = arith.index_cast %swap3A_1193 : i32 to index
    %swap3A_1195 = arith.index_cast %multiple_of3A_1192 : i32 to index
    %swap3A_1196 = tpu.vector_load %arg13[%swap3A_1194, %swap3A_1195] {strides = array<i32>} : memref<2x128xi32, #tpu.memory_space<vmem>>, vector<16xi32>,
    tpu.vector_store %arg13[%swap3A_1194, %swap3A_1195], %get3A_1186 {strides = array<i32>} : memref<2x128xi32, #tpu.memory_space<vmem>>, vector<16xi32>,
    %broadcast_in_dim3A_1197 = vector.broadcast %mul3A_4 : i32 to vector<16xi32>
    %add3A_1198 = arith.addi %add3A_1190, %broadcast_in_dim3A_1197 : vector<16xi32>
    %swap3A_1199 = arith.constant 0 : i32
    %swap3A_1200 = arith.index_cast %swap3A_1199 : i32 to index
    %swap3A_1201 = arith.index_cast %multiple_of3A_1192 : i32 to index
    %swap3A_1202 = tpu.vector_load %arg14[%swap3A_1200, %swap3A_1201] {strides = array<i32>} : memref<2x128xi32, #tpu.memory_space<vmem>>, vector<16xi32>,
    tpu.vector_store %arg14[%swap3A_1200, %swap3A_1201], %add3A_1198 {strides = array<i32>} : memref<2x128xi32, #tpu.memory_space<vmem>>, vector<16xi32>,
    %get3A_1203 = arith.constant 496 : index
    %get3A_1204 = tpu.vector_load %arg9[%get3A_1203] {strides = array<i32>} : memref<512xi32, #tpu.memory_space<vmem>>, vector<16xi32>,
    %broadcast_in_dim3A_1205 = arith.constant 112 : i32
    %broadcast_in_dim3A_1206 = vector.broadcast %broadcast_in_dim3A_1205 : i32 to vector<16xi32>
    %add3A_1207 = arith.addi %iota3A, %broadcast_in_dim3A_1206 : vector<16xi32>
    %add3A_1208 = arith.addi %add3A_1207, %broadcast_in_dim3A_7 : vector<16xi32>
    %multiple_of3A_1209 = arith.constant 112 : i32
    %multiple_of3A_1210 = tpu.assume_multiple %multiple_of3A_1209, 16 : i32
    %swap3A_1211 = arith.constant 0 : i32
    %swap3A_1212 = arith.index_cast %swap3A_1211 : i32 to index
    %swap3A_1213 = arith.index_cast %multiple_of3A_1210 : i32 to index
    %swap3A_1214 = tpu.vector_load %arg13[%swap3A_1212, %swap3A_1213] {strides = array<i32>} : memref<2x128xi32, #tpu.memory_space<vmem>>, vector<16xi32>,
    tpu.vector_store %arg13[%swap3A_1212, %swap3A_1213], %get3A_1204 {strides = array<i32>} : memref<2x128xi32, #tpu.memory_space<vmem>>, vector<16xi32>,
    %broadcast_in_dim3A_1215 = vector.broadcast %mul3A_4 : i32 to vector<16xi32>
    %add3A_1216 = arith.addi %add3A_1208, %broadcast_in_dim3A_1215 : vector<16xi32>
    %swap3A_1217 = arith.constant 0 : i32
    %swap3A_1218 = arith.index_cast %swap3A_1217 : i32 to index
    %swap3A_1219 = arith.index_cast %multiple_of3A_1210 : i32 to index
    %swap3A_1220 = tpu.vector_load %arg14[%swap3A_1218, %swap3A_1219] {strides = array<i32>} : memref<2x128xi32, #tpu.memory_space<vmem>>, vector<16xi32>,
    tpu.vector_store %arg14[%swap3A_1218, %swap3A_1219], %add3A_1216 {strides = array<i32>} : memref<2x128xi32, #tpu.memory_space<vmem>>, vector<16xi32>,
    %dma_start3A_1221 = arith.constant 0 : i32
    %dma_start3A_1222 = arith.constant 0 : i32
    %dma_start3A_1223 = arith.constant 0 : i32
    %dma_start3A_1224 = arith.constant 0 : i32
    %dma_start3A_1225 = arith.constant 0 : i32
    %dma_start3A_1226 = tpu.memref_slice %arg8[%dma_start3A_1222, %dma_start3A_1224, %dma_start3A_1225] : memref<2x128x128xf32, #tpu.memory_space<vmem>> -> memref<1x128x128xf32, #tpu.memory_space<vmem>>
    %dma_start3A_1227 = tpu.memref_squeeze %dma_start3A_1226 : memref<1x128x128xf32, #tpu.memory_space<vmem>> -> memref<128x128xf32, #tpu.memory_space<vmem>>
    %dma_start3A_1228 = arith.constant 0 : i32
    %dma_start3A_1229 = tpu.memref_slice %arg13[%dma_start3A_1221, %dma_start3A_1228] : memref<2x128xi32, #tpu.memory_space<vmem>> -> memref<1x128xi32, #tpu.memory_space<vmem>>
    %dma_start3A_1230 = tpu.memref_squeeze %dma_start3A_1229 : memref<1x128xi32, #tpu.memory_space<vmem>> -> memref<128xi32, #tpu.memory_space<vmem>>
    %dma_start3A_1231 = arith.constant 0 : i32
    %dma_start3A_1232 = arith.constant 0 : i32
    %dma_start3A_1233 = tpu.memref_slice %arg4[%dma_start3A_1231, %dma_start3A_1232] : memref<1000000x128xf32, #tpu.memory_space<hbm>> -> memref<1000000x128xf32, #tpu.memory_space<hbm>>
    %dma_start3A_1234 = tpu.memref_slice %arg10[%dma_start3A_1223] : memref<2x!tpu.dma_semaphore, #tpu.memory_space<semaphore_mem>> -> memref<1x!tpu.dma_semaphore, #tpu.memory_space<semaphore_mem>>
    %dma_start3A_1235 = tpu.memref_squeeze %dma_start3A_1234 : memref<1x!tpu.dma_semaphore, #tpu.memory_space<semaphore_mem>> -> memref<!tpu.dma_semaphore, #tpu.memory_space<semaphore_mem>>
    tpu.enqueue_indirect_dma source(%dma_start3A_1233 : memref<1000000x128xf32, #tpu.memory_space<hbm>>) target(%dma_start3A_1227 : memref<128x128xf32, #tpu.memory_space<vmem>>) offsets(%dma_start3A_1230 : memref<128xi32, #tpu.memory_space<vmem>>) semaphore(%dma_start3A_1235 : memref<!tpu.dma_semaphore, #tpu.memory_space<semaphore_mem>>)
    %get3A_1236 = arith.constant 0 : i32
    %get3A_1237 = arith.index_cast %get3A_1236 : i32 to index
    %get3A_1238 = arith.constant 384 : index
    %get3A_1239 = tpu.vector_load %arg11[%get3A_1237, %get3A_1238] {strides = array<i32>} : memref<20x512xi32, #tpu.memory_space<vmem>>, vector<16xi32>,
    %broadcast_in_dim3A_1240 = arith.constant 0 : i32
    %broadcast_in_dim3A_1241 = vector.broadcast %broadcast_in_dim3A_1240 : i32 to vector<16xi32>
    %add3A_1242 = arith.addi %iota3A, %broadcast_in_dim3A_1241 : vector<16xi32>
    %add3A_1243 = arith.addi %add3A_1242, %broadcast_in_dim3A_7 : vector<16xi32>
    %multiple_of3A_1244 = arith.constant 0 : i32
    %multiple_of3A_1245 = tpu.assume_multiple %multiple_of3A_1244, 16 : i32
    %swap3A_1246 = arith.constant 1 : i32
    %swap3A_1247 = arith.index_cast %swap3A_1246 : i32 to index
    %swap3A_1248 = arith.index_cast %multiple_of3A_1245 : i32 to index
    %swap3A_1249 = tpu.vector_load %arg13[%swap3A_1247, %swap3A_1248] {strides = array<i32>} : memref<2x128xi32, #tpu.memory_space<vmem>>, vector<16xi32>,
    tpu.vector_store %arg13[%swap3A_1247, %swap3A_1248], %get3A_1239 {strides = array<i32>} : memref<2x128xi32, #tpu.memory_space<vmem>>, vector<16xi32>,
    %broadcast_in_dim3A_1250 = vector.broadcast %mul3A_4 : i32 to vector<16xi32>
    %add3A_1251 = arith.addi %add3A_1243, %broadcast_in_dim3A_1250 : vector<16xi32>
    %swap3A_1252 = arith.constant 1 : i32
    %swap3A_1253 = arith.index_cast %swap3A_1252 : i32 to index
    %swap3A_1254 = arith.index_cast %multiple_of3A_1245 : i32 to index
    %swap3A_1255 = tpu.vector_load %arg14[%swap3A_1253, %swap3A_1254] {strides = array<i32>} : memref<2x128xi32, #tpu.memory_space<vmem>>, vector<16xi32>,
    tpu.vector_store %arg14[%swap3A_1253, %swap3A_1254], %add3A_1251 {strides = array<i32>} : memref<2x128xi32, #tpu.memory_space<vmem>>, vector<16xi32>,
    %get3A_1256 = arith.constant 0 : i32
    %get3A_1257 = arith.index_cast %get3A_1256 : i32 to index
    %get3A_1258 = arith.constant 400 : index
    %get3A_1259 = tpu.vector_load %arg11[%get3A_1257, %get3A_1258] {strides = array<i32>} : memref<20x512xi32, #tpu.memory_space<vmem>>, vector<16xi32>,
    %broadcast_in_dim3A_1260 = arith.constant 16 : i32
    %broadcast_in_dim3A_1261 = vector.broadcast %broadcast_in_dim3A_1260 : i32 to vector<16xi32>
    %add3A_1262 = arith.addi %iota3A, %broadcast_in_dim3A_1261 : vector<16xi32>
    %add3A_1263 = arith.addi %add3A_1262, %broadcast_in_dim3A_7 : vector<16xi32>
    %multiple_of3A_1264 = arith.constant 16 : i32
    %multiple_of3A_1265 = tpu.assume_multiple %multiple_of3A_1264, 16 : i32
    %swap3A_1266 = arith.constant 1 : i32
    %swap3A_1267 = arith.index_cast %swap3A_1266 : i32 to index
    %swap3A_1268 = arith.index_cast %multiple_of3A_1265 : i32 to index
    %swap3A_1269 = tpu.vector_load %arg13[%swap3A_1267, %swap3A_1268] {strides = array<i32>} : memref<2x128xi32, #tpu.memory_space<vmem>>, vector<16xi32>,
    tpu.vector_store %arg13[%swap3A_1267, %swap3A_1268], %get3A_1259 {strides = array<i32>} : memref<2x128xi32, #tpu.memory_space<vmem>>, vector<16xi32>,
    %broadcast_in_dim3A_1270 = vector.broadcast %mul3A_4 : i32 to vector<16xi32>
    %add3A_1271 = arith.addi %add3A_1263, %broadcast_in_dim3A_1270 : vector<16xi32>
    %swap3A_1272 = arith.constant 1 : i32
    %swap3A_1273 = arith.index_cast %swap3A_1272 : i32 to index
    %swap3A_1274 = arith.index_cast %multiple_of3A_1265 : i32 to index
    %swap3A_1275 = tpu.vector_load %arg14[%swap3A_1273, %swap3A_1274] {strides = array<i32>} : memref<2x128xi32, #tpu.memory_space<vmem>>, vector<16xi32>,
    tpu.vector_store %arg14[%swap3A_1273, %swap3A_1274], %add3A_1271 {strides = array<i32>} : memref<2x128xi32, #tpu.memory_space<vmem>>, vector<16xi32>,
    %get3A_1276 = arith.constant 0 : i32
    %get3A_1277 = arith.index_cast %get3A_1276 : i32 to index
    %get3A_1278 = arith.constant 416 : index
    %get3A_1279 = tpu.vector_load %arg11[%get3A_1277, %get3A_1278] {strides = array<i32>} : memref<20x512xi32, #tpu.memory_space<vmem>>, vector<16xi32>,
    %broadcast_in_dim3A_1280 = arith.constant 32 : i32
    %broadcast_in_dim3A_1281 = vector.broadcast %broadcast_in_dim3A_1280 : i32 to vector<16xi32>
    %add3A_1282 = arith.addi %iota3A, %broadcast_in_dim3A_1281 : vector<16xi32>
    %add3A_1283 = arith.addi %add3A_1282, %broadcast_in_dim3A_7 : vector<16xi32>
    %multiple_of3A_1284 = arith.constant 32 : i32
    %multiple_of3A_1285 = tpu.assume_multiple %multiple_of3A_1284, 16 : i32
    %swap3A_1286 = arith.constant 1 : i32
    %swap3A_1287 = arith.index_cast %swap3A_1286 : i32 to index
    %swap3A_1288 = arith.index_cast %multiple_of3A_1285 : i32 to index
    %swap3A_1289 = tpu.vector_load %arg13[%swap3A_1287, %swap3A_1288] {strides = array<i32>} : memref<2x128xi32, #tpu.memory_space<vmem>>, vector<16xi32>,
    tpu.vector_store %arg13[%swap3A_1287, %swap3A_1288], %get3A_1279 {strides = array<i32>} : memref<2x128xi32, #tpu.memory_space<vmem>>, vector<16xi32>,
    %broadcast_in_dim3A_1290 = vector.broadcast %mul3A_4 : i32 to vector<16xi32>
    %add3A_1291 = arith.addi %add3A_1283, %broadcast_in_dim3A_1290 : vector<16xi32>
    %swap3A_1292 = arith.constant 1 : i32
    %swap3A_1293 = arith.index_cast %swap3A_1292 : i32 to index
    %swap3A_1294 = arith.index_cast %multiple_of3A_1285 : i32 to index
    %swap3A_1295 = tpu.vector_load %arg14[%swap3A_1293, %swap3A_1294] {strides = array<i32>} : memref<2x128xi32, #tpu.memory_space<vmem>>, vector<16xi32>,
    tpu.vector_store %arg14[%swap3A_1293, %swap3A_1294], %add3A_1291 {strides = array<i32>} : memref<2x128xi32, #tpu.memory_space<vmem>>, vector<16xi32>,
    %get3A_1296 = arith.constant 0 : i32
    %get3A_1297 = arith.index_cast %get3A_1296 : i32 to index
    %get3A_1298 = arith.constant 432 : index
    %get3A_1299 = tpu.vector_load %arg11[%get3A_1297, %get3A_1298] {strides = array<i32>} : memref<20x512xi32, #tpu.memory_space<vmem>>, vector<16xi32>,
    %broadcast_in_dim3A_1300 = arith.constant 48 : i32
    %broadcast_in_dim3A_1301 = vector.broadcast %broadcast_in_dim3A_1300 : i32 to vector<16xi32>
    %add3A_1302 = arith.addi %iota3A, %broadcast_in_dim3A_1301 : vector<16xi32>
    %add3A_1303 = arith.addi %add3A_1302, %broadcast_in_dim3A_7 : vector<16xi32>
    %multiple_of3A_1304 = arith.constant 48 : i32
    %multiple_of3A_1305 = tpu.assume_multiple %multiple_of3A_1304, 16 : i32
    %swap3A_1306 = arith.constant 1 : i32
    %swap3A_1307 = arith.index_cast %swap3A_1306 : i32 to index
    %swap3A_1308 = arith.index_cast %multiple_of3A_1305 : i32 to index
    %swap3A_1309 = tpu.vector_load %arg13[%swap3A_1307, %swap3A_1308] {strides = array<i32>} : memref<2x128xi32, #tpu.memory_space<vmem>>, vector<16xi32>,
    tpu.vector_store %arg13[%swap3A_1307, %swap3A_1308], %get3A_1299 {strides = array<i32>} : memref<2x128xi32, #tpu.memory_space<vmem>>, vector<16xi32>,
    %broadcast_in_dim3A_1310 = vector.broadcast %mul3A_4 : i32 to vector<16xi32>
    %add3A_1311 = arith.addi %add3A_1303, %broadcast_in_dim3A_1310 : vector<16xi32>
    %swap3A_1312 = arith.constant 1 : i32
    %swap3A_1313 = arith.index_cast %swap3A_1312 : i32 to index
    %swap3A_1314 = arith.index_cast %multiple_of3A_1305 : i32 to index
    %swap3A_1315 = tpu.vector_load %arg14[%swap3A_1313, %swap3A_1314] {strides = array<i32>} : memref<2x128xi32, #tpu.memory_space<vmem>>, vector<16xi32>,
    tpu.vector_store %arg14[%swap3A_1313, %swap3A_1314], %add3A_1311 {strides = array<i32>} : memref<2x128xi32, #tpu.memory_space<vmem>>, vector<16xi32>,
    %get3A_1316 = arith.constant 0 : i32
    %get3A_1317 = arith.index_cast %get3A_1316 : i32 to index
    %get3A_1318 = arith.constant 448 : index
    %get3A_1319 = tpu.vector_load %arg11[%get3A_1317, %get3A_1318] {strides = array<i32>} : memref<20x512xi32, #tpu.memory_space<vmem>>, vector<16xi32>,
    %broadcast_in_dim3A_1320 = arith.constant 64 : i32
    %broadcast_in_dim3A_1321 = vector.broadcast %broadcast_in_dim3A_1320 : i32 to vector<16xi32>
    %add3A_1322 = arith.addi %iota3A, %broadcast_in_dim3A_1321 : vector<16xi32>
    %add3A_1323 = arith.addi %add3A_1322, %broadcast_in_dim3A_7 : vector<16xi32>
    %multiple_of3A_1324 = arith.constant 64 : i32
    %multiple_of3A_1325 = tpu.assume_multiple %multiple_of3A_1324, 16 : i32
    %swap3A_1326 = arith.constant 1 : i32
    %swap3A_1327 = arith.index_cast %swap3A_1326 : i32 to index
    %swap3A_1328 = arith.index_cast %multiple_of3A_1325 : i32 to index
    %swap3A_1329 = tpu.vector_load %arg13[%swap3A_1327, %swap3A_1328] {strides = array<i32>} : memref<2x128xi32, #tpu.memory_space<vmem>>, vector<16xi32>,
    tpu.vector_store %arg13[%swap3A_1327, %swap3A_1328], %get3A_1319 {strides = array<i32>} : memref<2x128xi32, #tpu.memory_space<vmem>>, vector<16xi32>,
    %broadcast_in_dim3A_1330 = vector.broadcast %mul3A_4 : i32 to vector<16xi32>
    %add3A_1331 = arith.addi %add3A_1323, %broadcast_in_dim3A_1330 : vector<16xi32>
    %swap3A_1332 = arith.constant 1 : i32
    %swap3A_1333 = arith.index_cast %swap3A_1332 : i32 to index
    %swap3A_1334 = arith.index_cast %multiple_of3A_1325 : i32 to index
    %swap3A_1335 = tpu.vector_load %arg14[%swap3A_1333, %swap3A_1334] {strides = array<i32>} : memref<2x128xi32, #tpu.memory_space<vmem>>, vector<16xi32>,
    tpu.vector_store %arg14[%swap3A_1333, %swap3A_1334], %add3A_1331 {strides = array<i32>} : memref<2x128xi32, #tpu.memory_space<vmem>>, vector<16xi32>,
    %get3A_1336 = arith.constant 0 : i32
    %get3A_1337 = arith.index_cast %get3A_1336 : i32 to index
    %get3A_1338 = arith.constant 464 : index
    %get3A_1339 = tpu.vector_load %arg11[%get3A_1337, %get3A_1338] {strides = array<i32>} : memref<20x512xi32, #tpu.memory_space<vmem>>, vector<16xi32>,
    %broadcast_in_dim3A_1340 = arith.constant 80 : i32
    %broadcast_in_dim3A_1341 = vector.broadcast %broadcast_in_dim3A_1340 : i32 to vector<16xi32>
    %add3A_1342 = arith.addi %iota3A, %broadcast_in_dim3A_1341 : vector<16xi32>
    %add3A_1343 = arith.addi %add3A_1342, %broadcast_in_dim3A_7 : vector<16xi32>
    %multiple_of3A_1344 = arith.constant 80 : i32
    %multiple_of3A_1345 = tpu.assume_multiple %multiple_of3A_1344, 16 : i32
    %swap3A_1346 = arith.constant 1 : i32
    %swap3A_1347 = arith.index_cast %swap3A_1346 : i32 to index
    %swap3A_1348 = arith.index_cast %multiple_of3A_1345 : i32 to index
    %swap3A_1349 = tpu.vector_load %arg13[%swap3A_1347, %swap3A_1348] {strides = array<i32>} : memref<2x128xi32, #tpu.memory_space<vmem>>, vector<16xi32>,
    tpu.vector_store %arg13[%swap3A_1347, %swap3A_1348], %get3A_1339 {strides = array<i32>} : memref<2x128xi32, #tpu.memory_space<vmem>>, vector<16xi32>,
    %broadcast_in_dim3A_1350 = vector.broadcast %mul3A_4 : i32 to vector<16xi32>
    %add3A_1351 = arith.addi %add3A_1343, %broadcast_in_dim3A_1350 : vector<16xi32>
    %swap3A_1352 = arith.constant 1 : i32
    %swap3A_1353 = arith.index_cast %swap3A_1352 : i32 to index
    %swap3A_1354 = arith.index_cast %multiple_of3A_1345 : i32 to index
    %swap3A_1355 = tpu.vector_load %arg14[%swap3A_1353, %swap3A_1354] {strides = array<i32>} : memref<2x128xi32, #tpu.memory_space<vmem>>, vector<16xi32>,
    tpu.vector_store %arg14[%swap3A_1353, %swap3A_1354], %add3A_1351 {strides = array<i32>} : memref<2x128xi32, #tpu.memory_space<vmem>>, vector<16xi32>,
    %get3A_1356 = arith.constant 0 : i32
    %get3A_1357 = arith.index_cast %get3A_1356 : i32 to index
    %get3A_1358 = arith.constant 480 : index
    %get3A_1359 = tpu.vector_load %arg11[%get3A_1357, %get3A_1358] {strides = array<i32>} : memref<20x512xi32, #tpu.memory_space<vmem>>, vector<16xi32>,
    %broadcast_in_dim3A_1360 = arith.constant 96 : i32
    %broadcast_in_dim3A_1361 = vector.broadcast %broadcast_in_dim3A_1360 : i32 to vector<16xi32>
    %add3A_1362 = arith.addi %iota3A, %broadcast_in_dim3A_1361 : vector<16xi32>
    %add3A_1363 = arith.addi %add3A_1362, %broadcast_in_dim3A_7 : vector<16xi32>
    %multiple_of3A_1364 = arith.constant 96 : i32
    %multiple_of3A_1365 = tpu.assume_multiple %multiple_of3A_1364, 16 : i32
    %swap3A_1366 = arith.constant 1 : i32
    %swap3A_1367 = arith.index_cast %swap3A_1366 : i32 to index
    %swap3A_1368 = arith.index_cast %multiple_of3A_1365 : i32 to index
    %swap3A_1369 = tpu.vector_load %arg13[%swap3A_1367, %swap3A_1368] {strides = array<i32>} : memref<2x128xi32, #tpu.memory_space<vmem>>, vector<16xi32>,
    tpu.vector_store %arg13[%swap3A_1367, %swap3A_1368], %get3A_1359 {strides = array<i32>} : memref<2x128xi32, #tpu.memory_space<vmem>>, vector<16xi32>,
    %broadcast_in_dim3A_1370 = vector.broadcast %mul3A_4 : i32 to vector<16xi32>
    %add3A_1371 = arith.addi %add3A_1363, %broadcast_in_dim3A_1370 : vector<16xi32>
    %swap3A_1372 = arith.constant 1 : i32
    %swap3A_1373 = arith.index_cast %swap3A_1372 : i32 to index
    %swap3A_1374 = arith.index_cast %multiple_of3A_1365 : i32 to index
    %swap3A_1375 = tpu.vector_load %arg14[%swap3A_1373, %swap3A_1374] {strides = array<i32>} : memref<2x128xi32, #tpu.memory_space<vmem>>, vector<16xi32>,
    tpu.vector_store %arg14[%swap3A_1373, %swap3A_1374], %add3A_1371 {strides = array<i32>} : memref<2x128xi32, #tpu.memory_space<vmem>>, vector<16xi32>,
    %get3A_1376 = arith.constant 0 : i32
    %get3A_1377 = arith.index_cast %get3A_1376 : i32 to index
    %get3A_1378 = arith.constant 496 : index
    %get3A_1379 = tpu.vector_load %arg11[%get3A_1377, %get3A_1378] {strides = array<i32>} : memref<20x512xi32, #tpu.memory_space<vmem>>, vector<16xi32>,
    %broadcast_in_dim3A_1380 = arith.constant 112 : i32
    %broadcast_in_dim3A_1381 = vector.broadcast %broadcast_in_dim3A_1380 : i32 to vector<16xi32>
    %add3A_1382 = arith.addi %iota3A, %broadcast_in_dim3A_1381 : vector<16xi32>
    %add3A_1383 = arith.addi %add3A_1382, %broadcast_in_dim3A_7 : vector<16xi32>
    %multiple_of3A_1384 = arith.constant 112 : i32
    %multiple_of3A_1385 = tpu.assume_multiple %multiple_of3A_1384, 16 : i32
    %swap3A_1386 = arith.constant 1 : i32
    %swap3A_1387 = arith.index_cast %swap3A_1386 : i32 to index
    %swap3A_1388 = arith.index_cast %multiple_of3A_1385 : i32 to index
    %swap3A_1389 = tpu.vector_load %arg13[%swap3A_1387, %swap3A_1388] {strides = array<i32>} : memref<2x128xi32, #tpu.memory_space<vmem>>, vector<16xi32>,
    tpu.vector_store %arg13[%swap3A_1387, %swap3A_1388], %get3A_1379 {strides = array<i32>} : memref<2x128xi32, #tpu.memory_space<vmem>>, vector<16xi32>,
    %broadcast_in_dim3A_1390 = vector.broadcast %mul3A_4 : i32 to vector<16xi32>
    %add3A_1391 = arith.addi %add3A_1383, %broadcast_in_dim3A_1390 : vector<16xi32>
    %swap3A_1392 = arith.constant 1 : i32
    %swap3A_1393 = arith.index_cast %swap3A_1392 : i32 to index
    %swap3A_1394 = arith.index_cast %multiple_of3A_1385 : i32 to index
    %swap3A_1395 = tpu.vector_load %arg14[%swap3A_1393, %swap3A_1394] {strides = array<i32>} : memref<2x128xi32, #tpu.memory_space<vmem>>, vector<16xi32>,
    tpu.vector_store %arg14[%swap3A_1393, %swap3A_1394], %add3A_1391 {strides = array<i32>} : memref<2x128xi32, #tpu.memory_space<vmem>>, vector<16xi32>,
    %dma_start3A_1396 = arith.constant 1 : i32
    %dma_start3A_1397 = arith.constant 1 : i32
    %dma_start3A_1398 = arith.constant 1 : i32
    %dma_start3A_1399 = arith.constant 0 : i32
    %dma_start3A_1400 = arith.constant 0 : i32
    %dma_start3A_1401 = tpu.memref_slice %arg8[%dma_start3A_1397, %dma_start3A_1399, %dma_start3A_1400] : memref<2x128x128xf32, #tpu.memory_space<vmem>> -> memref<1x128x128xf32, #tpu.memory_space<vmem>>
    %dma_start3A_1402 = tpu.memref_squeeze %dma_start3A_1401 : memref<1x128x128xf32, #tpu.memory_space<vmem>> -> memref<128x128xf32, #tpu.memory_space<vmem>>
    %dma_start3A_1403 = arith.constant 0 : i32
    %dma_start3A_1404 = tpu.memref_slice %arg13[%dma_start3A_1396, %dma_start3A_1403] : memref<2x128xi32, #tpu.memory_space<vmem>> -> memref<1x128xi32, #tpu.memory_space<vmem>>
    %dma_start3A_1405 = tpu.memref_squeeze %dma_start3A_1404 : memref<1x128xi32, #tpu.memory_space<vmem>> -> memref<128xi32, #tpu.memory_space<vmem>>
    %dma_start3A_1406 = arith.constant 0 : i32
    %dma_start3A_1407 = arith.constant 0 : i32
    %dma_start3A_1408 = tpu.memref_slice %arg5[%dma_start3A_1406, %dma_start3A_1407] : memref<2000000x128xf32, #tpu.memory_space<hbm>> -> memref<2000000x128xf32, #tpu.memory_space<hbm>>
    %dma_start3A_1409 = tpu.memref_slice %arg10[%dma_start3A_1398] : memref<2x!tpu.dma_semaphore, #tpu.memory_space<semaphore_mem>> -> memref<1x!tpu.dma_semaphore, #tpu.memory_space<semaphore_mem>>
    %dma_start3A_1410 = tpu.memref_squeeze %dma_start3A_1409 : memref<1x!tpu.dma_semaphore, #tpu.memory_space<semaphore_mem>> -> memref<!tpu.dma_semaphore, #tpu.memory_space<semaphore_mem>>
    tpu.enqueue_indirect_dma source(%dma_start3A_1408 : memref<2000000x128xf32, #tpu.memory_space<hbm>>) target(%dma_start3A_1402 : memref<128x128xf32, #tpu.memory_space<vmem>>) offsets(%dma_start3A_1405 : memref<128xi32, #tpu.memory_space<vmem>>) semaphore(%dma_start3A_1410 : memref<!tpu.dma_semaphore, #tpu.memory_space<semaphore_mem>>)
    %scan3A_1411 = arith.constant 0 : i32
    %scan3A_1412 = arith.constant 0 : i32
    %scan3A_1413 = arith.constant 21 : i32
    %scan3A_1414 = arith.addi %scan3A_1412, %scan3A_1413 : i32
    %scan3A_1415 = arith.constant 1 : i32
    scf.for %scan3A_1427 = %scan3A_1412 to %scan3A_1414 step %scan3A_1415  : i32 {
      %rem3A = arith.constant 2 : i32
      %rem3A_1428 = arith.remsi %scan3A_1427, %rem3A : i32
      %eq3A = arith.constant 0 : i32
      %eq3A_1429 = arith.cmpi eq, %rem3A_1428, %eq3A : i32
      %convert_element_type3A = arith.extui %eq3A_1429 : i1 to i32
      %cond3A = arith.constant 0 : i32
      %cond3A_1430 = arith.cmpi ne, %convert_element_type3A, %cond3A : i32
      scf.if %cond3A_1430 {
        %dma_wait3A = arith.constant 0 : i32
        %dma_wait3A_1436 = arith.constant 0 : i32
        %dma_wait3A_1437 = arith.constant 0 : i32
        %dma_wait3A_1438 = arith.constant 0 : i32
        %dma_wait3A_1439 = arith.constant 0 : i32
        %dma_wait3A_1440 = tpu.memref_slice %arg8[%dma_wait3A_1436, %dma_wait3A_1438, %dma_wait3A_1439] : memref<2x128x128xf32, #tpu.memory_space<vmem>> -> memref<1x128x128xf32, #tpu.memory_space<vmem>>
        %dma_wait3A_1441 = tpu.memref_squeeze %dma_wait3A_1440 : memref<1x128x128xf32, #tpu.memory_space<vmem>> -> memref<128x128xf32, #tpu.memory_space<vmem>>
        %dma_wait3A_1442 = arith.constant 0 : i32
        %dma_wait3A_1443 = tpu.memref_slice %arg13[%dma_wait3A, %dma_wait3A_1442] : memref<2x128xi32, #tpu.memory_space<vmem>> -> memref<1x128xi32, #tpu.memory_space<vmem>>
        %dma_wait3A_1444 = tpu.memref_squeeze %dma_wait3A_1443 : memref<1x128xi32, #tpu.memory_space<vmem>> -> memref<128xi32, #tpu.memory_space<vmem>>
        %dma_wait3A_1445 = arith.constant 0 : i32
        %dma_wait3A_1446 = arith.constant 0 : i32
        %dma_wait3A_1447 = tpu.memref_slice %arg5[%dma_wait3A_1445, %dma_wait3A_1446] : memref<2000000x128xf32, #tpu.memory_space<hbm>> -> memref<2000000x128xf32, #tpu.memory_space<hbm>>
        %dma_wait3A_1448 = tpu.memref_slice %arg10[%dma_wait3A_1437] : memref<2x!tpu.dma_semaphore, #tpu.memory_space<semaphore_mem>> -> memref<1x!tpu.dma_semaphore, #tpu.memory_space<semaphore_mem>>
        %dma_wait3A_1449 = tpu.memref_squeeze %dma_wait3A_1448 : memref<1x!tpu.dma_semaphore, #tpu.memory_space<semaphore_mem>> -> memref<!tpu.dma_semaphore, #tpu.memory_space<semaphore_mem>>
        tpu.wait_indirect_dma semaphore(%dma_wait3A_1449 : memref<!tpu.dma_semaphore, #tpu.memory_space<semaphore_mem>>) src(%dma_wait3A_1447 : memref<2000000x128xf32, #tpu.memory_space<hbm>>) dst(%dma_wait3A_1441 : memref<128x128xf32, #tpu.memory_space<vmem>>)
        %run_scoped3A = arith.constant 0 : i32
        %run_scoped3A_1450 = arith.constant 0 : i32
        "tpu.region"() ({
          %run_scoped3A_1457 = tpu.sem_alloc : memref<!tpu.dma_semaphore, #tpu.memory_space<semaphore_mem>>
          %dma_start3A_1458 = arith.constant 0 : i32
          %dma_start3A_1459 = arith.constant 0 : i32
          %dma_start3A_1460 = tpu.memref_slice %arg8[%run_scoped3A, %dma_start3A_1458, %dma_start3A_1459] : memref<2x128x128xf32, #tpu.memory_space<vmem>> -> memref<1x128x128xf32, #tpu.memory_space<vmem>>
          %dma_start3A_1461 = tpu.memref_squeeze %dma_start3A_1460 : memref<1x128x128xf32, #tpu.memory_space<vmem>> -> memref<128x128xf32, #tpu.memory_space<vmem>>
          %dma_start3A_1462 = arith.constant 0 : i32
          %dma_start3A_1463 = tpu.memref_slice %arg14[%run_scoped3A_1450, %dma_start3A_1462] : memref<2x128xi32, #tpu.memory_space<vmem>> -> memref<1x128xi32, #tpu.memory_space<vmem>>
          %dma_start3A_1464 = tpu.memref_squeeze %dma_start3A_1463 : memref<1x128xi32, #tpu.memory_space<vmem>> -> memref<128xi32, #tpu.memory_space<vmem>>
          %dma_start3A_1465 = arith.constant 0 : i32
          %dma_start3A_1466 = arith.constant 0 : i32
          %dma_start3A_1467 = tpu.memref_slice %arg7[%dma_start3A_1465, %dma_start3A_1466] : memref<2048x128xf32, #tpu.memory_space<vmem_shared>> -> memref<2048x128xf32, #tpu.memory_space<vmem_shared>>
          tpu.enqueue_indirect_dma source(%dma_start3A_1461 : memref<128x128xf32, #tpu.memory_space<vmem>>) target(%dma_start3A_1467 : memref<2048x128xf32, #tpu.memory_space<vmem_shared>>) offsets(%dma_start3A_1464 : memref<128xi32, #tpu.memory_space<vmem>>) semaphore(%run_scoped3A_1457 : memref<!tpu.dma_semaphore, #tpu.memory_space<semaphore_mem>>) {add = true}
          %dma_wait3A_1468 = arith.constant 0 : i32
          %dma_wait3A_1469 = arith.constant 0 : i32
          %dma_wait3A_1470 = tpu.memref_slice %arg8[%run_scoped3A, %dma_wait3A_1468, %dma_wait3A_1469] : memref<2x128x128xf32, #tpu.memory_space<vmem>> -> memref<1x128x128xf32, #tpu.memory_space<vmem>>
          %dma_wait3A_1471 = tpu.memref_squeeze %dma_wait3A_1470 : memref<1x128x128xf32, #tpu.memory_space<vmem>> -> memref<128x128xf32, #tpu.memory_space<vmem>>
          %dma_wait3A_1472 = arith.constant 0 : i32
          %dma_wait3A_1473 = tpu.memref_slice %arg14[%run_scoped3A_1450, %dma_wait3A_1472] : memref<2x128xi32, #tpu.memory_space<vmem>> -> memref<1x128xi32, #tpu.memory_space<vmem>>
          %dma_wait3A_1474 = tpu.memref_squeeze %dma_wait3A_1473 : memref<1x128xi32, #tpu.memory_space<vmem>> -> memref<128xi32, #tpu.memory_space<vmem>>
          %dma_wait3A_1475 = arith.constant 0 : i32
          %dma_wait3A_1476 = arith.constant 0 : i32
          %dma_wait3A_1477 = tpu.memref_slice %arg7[%dma_wait3A_1475, %dma_wait3A_1476] : memref<2048x128xf32, #tpu.memory_space<vmem_shared>> -> memref<2048x128xf32, #tpu.memory_space<vmem_shared>>
          tpu.wait_indirect_dma semaphore(%run_scoped3A_1457 : memref<!tpu.dma_semaphore, #tpu.memory_space<semaphore_mem>>) src(%dma_wait3A_1471 : memref<128x128xf32, #tpu.memory_space<vmem>>) dst(%dma_wait3A_1477 : memref<2048x128xf32, #tpu.memory_space<vmem_shared>>)
          tpu.yield
        }) : () -> ()
        %add3A_1451 = arith.constant 2 : i32
        %add3A_1452 = arith.addi %scan3A_1427, %add3A_1451 : i32
        %lt3A = arith.constant 21 : i32
        %lt3A_1453 = arith.cmpi slt, %add3A_1452, %lt3A : i32
        %convert_element_type3A_1454 = arith.extui %lt3A_1453 : i1 to i32
        %cond3A_1455 = arith.constant 0 : i32
        %cond3A_1456 = arith.cmpi ne, %convert_element_type3A_1454, %cond3A_1455 : i32
        scf.if %cond3A_1456 {
          %add3A_1457 = arith.constant 2 : i32
          %add3A_1458 = arith.addi %scan3A_1427, %add3A_1457 : i32
          %sub3A = arith.constant 1 : i32
          %sub3A_1459 = arith.subi %add3A_1458, %sub3A : i32
          %multiple_of3A_1460 = arith.constant 384 : i32
          %multiple_of3A_1461 = tpu.assume_multiple %multiple_of3A_1460, 16 : i32
          %get3A_1462 = arith.index_cast %sub3A_1459 : i32 to index
          %get3A_1463 = arith.index_cast %multiple_of3A_1461 : i32 to index
          %get3A_1464 = tpu.vector_load %arg11[%get3A_1462, %get3A_1463] {strides = array<i32>} : memref<20x512xi32, #tpu.memory_space<vmem>>, vector<16xi32>,
          %broadcast_in_dim3A_1465 = arith.constant 0 : i32
          %broadcast_in_dim3A_1466 = vector.broadcast %broadcast_in_dim3A_1465 : i32 to vector<16xi32>
          %add3A_1467 = arith.addi %iota3A, %broadcast_in_dim3A_1466 : vector<16xi32>
          %add3A_1468 = arith.addi %add3A_1467, %broadcast_in_dim3A_7 : vector<16xi32>
          %multiple_of3A_1469 = arith.constant 0 : i32
          %multiple_of3A_1470 = tpu.assume_multiple %multiple_of3A_1469, 16 : i32
          %swap3A_1471 = arith.constant 0 : i32
          %swap3A_1472 = arith.index_cast %swap3A_1471 : i32 to index
          %swap3A_1473 = arith.index_cast %multiple_of3A_1470 : i32 to index
          %swap3A_1474 = tpu.vector_load %arg13[%swap3A_1472, %swap3A_1473] {strides = array<i32>} : memref<2x128xi32, #tpu.memory_space<vmem>>, vector<16xi32>,
          tpu.vector_store %arg13[%swap3A_1472, %swap3A_1473], %get3A_1464 {strides = array<i32>} : memref<2x128xi32, #tpu.memory_space<vmem>>, vector<16xi32>,
          %broadcast_in_dim3A_1475 = vector.broadcast %mul3A_4 : i32 to vector<16xi32>
          %add3A_1476 = arith.addi %add3A_1468, %broadcast_in_dim3A_1475 : vector<16xi32>
          %swap3A_1477 = arith.constant 0 : i32
          %swap3A_1478 = arith.index_cast %swap3A_1477 : i32 to index
          %swap3A_1479 = arith.index_cast %multiple_of3A_1470 : i32 to index
          %swap3A_1480 = tpu.vector_load %arg14[%swap3A_1478, %swap3A_1479] {strides = array<i32>} : memref<2x128xi32, #tpu.memory_space<vmem>>, vector<16xi32>,
          tpu.vector_store %arg14[%swap3A_1478, %swap3A_1479], %add3A_1476 {strides = array<i32>} : memref<2x128xi32, #tpu.memory_space<vmem>>, vector<16xi32>,
          %multiple_of3A_1481 = arith.constant 400 : i32
          %multiple_of3A_1482 = tpu.assume_multiple %multiple_of3A_1481, 16 : i32
          %get3A_1483 = arith.index_cast %sub3A_1459 : i32 to index
          %get3A_1484 = arith.index_cast %multiple_of3A_1482 : i32 to index
          %get3A_1485 = tpu.vector_load %arg11[%get3A_1483, %get3A_1484] {strides = array<i32>} : memref<20x512xi32, #tpu.memory_space<vmem>>, vector<16xi32>,
          %broadcast_in_dim3A_1486 = arith.constant 16 : i32
          %broadcast_in_dim3A_1487 = vector.broadcast %broadcast_in_dim3A_1486 : i32 to vector<16xi32>
          %add3A_1488 = arith.addi %iota3A, %broadcast_in_dim3A_1487 : vector<16xi32>
          %add3A_1489 = arith.addi %add3A_1488, %broadcast_in_dim3A_7 : vector<16xi32>
          %multiple_of3A_1490 = arith.constant 16 : i32
          %multiple_of3A_1491 = tpu.assume_multiple %multiple_of3A_1490, 16 : i32
          %swap3A_1492 = arith.constant 0 : i32
          %swap3A_1493 = arith.index_cast %swap3A_1492 : i32 to index
          %swap3A_1494 = arith.index_cast %multiple_of3A_1491 : i32 to index
          %swap3A_1495 = tpu.vector_load %arg13[%swap3A_1493, %swap3A_1494] {strides = array<i32>} : memref<2x128xi32, #tpu.memory_space<vmem>>, vector<16xi32>,
          tpu.vector_store %arg13[%swap3A_1493, %swap3A_1494], %get3A_1485 {strides = array<i32>} : memref<2x128xi32, #tpu.memory_space<vmem>>, vector<16xi32>,
          %broadcast_in_dim3A_1496 = vector.broadcast %mul3A_4 : i32 to vector<16xi32>
          %add3A_1497 = arith.addi %add3A_1489, %broadcast_in_dim3A_1496 : vector<16xi32>
          %swap3A_1498 = arith.constant 0 : i32
          %swap3A_1499 = arith.index_cast %swap3A_1498 : i32 to index
          %swap3A_1500 = arith.index_cast %multiple_of3A_1491 : i32 to index
          %swap3A_1501 = tpu.vector_load %arg14[%swap3A_1499, %swap3A_1500] {strides = array<i32>} : memref<2x128xi32, #tpu.memory_space<vmem>>, vector<16xi32>,
          tpu.vector_store %arg14[%swap3A_1499, %swap3A_1500], %add3A_1497 {strides = array<i32>} : memref<2x128xi32, #tpu.memory_space<vmem>>, vector<16xi32>,
          %multiple_of3A_1502 = arith.constant 416 : i32
          %multiple_of3A_1503 = tpu.assume_multiple %multiple_of3A_1502, 16 : i32
          %get3A_1504 = arith.index_cast %sub3A_1459 : i32 to index
          %get3A_1505 = arith.index_cast %multiple_of3A_1503 : i32 to index
          %get3A_1506 = tpu.vector_load %arg11[%get3A_1504, %get3A_1505] {strides = array<i32>} : memref<20x512xi32, #tpu.memory_space<vmem>>, vector<16xi32>,
          %broadcast_in_dim3A_1507 = arith.constant 32 : i32
          %broadcast_in_dim3A_1508 = vector.broadcast %broadcast_in_dim3A_1507 : i32 to vector<16xi32>
          %add3A_1509 = arith.addi %iota3A, %broadcast_in_dim3A_1508 : vector<16xi32>
          %add3A_1510 = arith.addi %add3A_1509, %broadcast_in_dim3A_7 : vector<16xi32>
          %multiple_of3A_1511 = arith.constant 32 : i32
          %multiple_of3A_1512 = tpu.assume_multiple %multiple_of3A_1511, 16 : i32
          %swap3A_1513 = arith.constant 0 : i32
          %swap3A_1514 = arith.index_cast %swap3A_1513 : i32 to index
          %swap3A_1515 = arith.index_cast %multiple_of3A_1512 : i32 to index
          %swap3A_1516 = tpu.vector_load %arg13[%swap3A_1514, %swap3A_1515] {strides = array<i32>} : memref<2x128xi32, #tpu.memory_space<vmem>>, vector<16xi32>,
          tpu.vector_store %arg13[%swap3A_1514, %swap3A_1515], %get3A_1506 {strides = array<i32>} : memref<2x128xi32, #tpu.memory_space<vmem>>, vector<16xi32>,
          %broadcast_in_dim3A_1517 = vector.broadcast %mul3A_4 : i32 to vector<16xi32>
          %add3A_1518 = arith.addi %add3A_1510, %broadcast_in_dim3A_1517 : vector<16xi32>
          %swap3A_1519 = arith.constant 0 : i32
          %swap3A_1520 = arith.index_cast %swap3A_1519 : i32 to index
          %swap3A_1521 = arith.index_cast %multiple_of3A_1512 : i32 to index
          %swap3A_1522 = tpu.vector_load %arg14[%swap3A_1520, %swap3A_1521] {strides = array<i32>} : memref<2x128xi32, #tpu.memory_space<vmem>>, vector<16xi32>,
          tpu.vector_store %arg14[%swap3A_1520, %swap3A_1521], %add3A_1518 {strides = array<i32>} : memref<2x128xi32, #tpu.memory_space<vmem>>, vector<16xi32>,
          %multiple_of3A_1523 = arith.constant 432 : i32
          %multiple_of3A_1524 = tpu.assume_multiple %multiple_of3A_1523, 16 : i32
          %get3A_1525 = arith.index_cast %sub3A_1459 : i32 to index
          %get3A_1526 = arith.index_cast %multiple_of3A_1524 : i32 to index
          %get3A_1527 = tpu.vector_load %arg11[%get3A_1525, %get3A_1526] {strides = array<i32>} : memref<20x512xi32, #tpu.memory_space<vmem>>, vector<16xi32>,
          %broadcast_in_dim3A_1528 = arith.constant 48 : i32
          %broadcast_in_dim3A_1529 = vector.broadcast %broadcast_in_dim3A_1528 : i32 to vector<16xi32>
          %add3A_1530 = arith.addi %iota3A, %broadcast_in_dim3A_1529 : vector<16xi32>
          %add3A_1531 = arith.addi %add3A_1530, %broadcast_in_dim3A_7 : vector<16xi32>
          %multiple_of3A_1532 = arith.constant 48 : i32
          %multiple_of3A_1533 = tpu.assume_multiple %multiple_of3A_1532, 16 : i32
          %swap3A_1534 = arith.constant 0 : i32
          %swap3A_1535 = arith.index_cast %swap3A_1534 : i32 to index
          %swap3A_1536 = arith.index_cast %multiple_of3A_1533 : i32 to index
          %swap3A_1537 = tpu.vector_load %arg13[%swap3A_1535, %swap3A_1536] {strides = array<i32>} : memref<2x128xi32, #tpu.memory_space<vmem>>, vector<16xi32>,
          tpu.vector_store %arg13[%swap3A_1535, %swap3A_1536], %get3A_1527 {strides = array<i32>} : memref<2x128xi32, #tpu.memory_space<vmem>>, vector<16xi32>,
          %broadcast_in_dim3A_1538 = vector.broadcast %mul3A_4 : i32 to vector<16xi32>
          %add3A_1539 = arith.addi %add3A_1531, %broadcast_in_dim3A_1538 : vector<16xi32>
          %swap3A_1540 = arith.constant 0 : i32
          %swap3A_1541 = arith.index_cast %swap3A_1540 : i32 to index
          %swap3A_1542 = arith.index_cast %multiple_of3A_1533 : i32 to index
          %swap3A_1543 = tpu.vector_load %arg14[%swap3A_1541, %swap3A_1542] {strides = array<i32>} : memref<2x128xi32, #tpu.memory_space<vmem>>, vector<16xi32>,
          tpu.vector_store %arg14[%swap3A_1541, %swap3A_1542], %add3A_1539 {strides = array<i32>} : memref<2x128xi32, #tpu.memory_space<vmem>>, vector<16xi32>,
          %multiple_of3A_1544 = arith.constant 448 : i32
          %multiple_of3A_1545 = tpu.assume_multiple %multiple_of3A_1544, 16 : i32
          %get3A_1546 = arith.index_cast %sub3A_1459 : i32 to index
          %get3A_1547 = arith.index_cast %multiple_of3A_1545 : i32 to index
          %get3A_1548 = tpu.vector_load %arg11[%get3A_1546, %get3A_1547] {strides = array<i32>} : memref<20x512xi32, #tpu.memory_space<vmem>>, vector<16xi32>,
          %broadcast_in_dim3A_1549 = arith.constant 64 : i32
          %broadcast_in_dim3A_1550 = vector.broadcast %broadcast_in_dim3A_1549 : i32 to vector<16xi32>
          %add3A_1551 = arith.addi %iota3A, %broadcast_in_dim3A_1550 : vector<16xi32>
          %add3A_1552 = arith.addi %add3A_1551, %broadcast_in_dim3A_7 : vector<16xi32>
          %multiple_of3A_1553 = arith.constant 64 : i32
          %multiple_of3A_1554 = tpu.assume_multiple %multiple_of3A_1553, 16 : i32
          %swap3A_1555 = arith.constant 0 : i32
          %swap3A_1556 = arith.index_cast %swap3A_1555 : i32 to index
          %swap3A_1557 = arith.index_cast %multiple_of3A_1554 : i32 to index
          %swap3A_1558 = tpu.vector_load %arg13[%swap3A_1556, %swap3A_1557] {strides = array<i32>} : memref<2x128xi32, #tpu.memory_space<vmem>>, vector<16xi32>,
          tpu.vector_store %arg13[%swap3A_1556, %swap3A_1557], %get3A_1548 {strides = array<i32>} : memref<2x128xi32, #tpu.memory_space<vmem>>, vector<16xi32>,
          %broadcast_in_dim3A_1559 = vector.broadcast %mul3A_4 : i32 to vector<16xi32>
          %add3A_1560 = arith.addi %add3A_1552, %broadcast_in_dim3A_1559 : vector<16xi32>
          %swap3A_1561 = arith.constant 0 : i32
          %swap3A_1562 = arith.index_cast %swap3A_1561 : i32 to index
          %swap3A_1563 = arith.index_cast %multiple_of3A_1554 : i32 to index
          %swap3A_1564 = tpu.vector_load %arg14[%swap3A_1562, %swap3A_1563] {strides = array<i32>} : memref<2x128xi32, #tpu.memory_space<vmem>>, vector<16xi32>,
          tpu.vector_store %arg14[%swap3A_1562, %swap3A_1563], %add3A_1560 {strides = array<i32>} : memref<2x128xi32, #tpu.memory_space<vmem>>, vector<16xi32>,
          %multiple_of3A_1565 = arith.constant 464 : i32
          %multiple_of3A_1566 = tpu.assume_multiple %multiple_of3A_1565, 16 : i32
          %get3A_1567 = arith.index_cast %sub3A_1459 : i32 to index
          %get3A_1568 = arith.index_cast %multiple_of3A_1566 : i32 to index
          %get3A_1569 = tpu.vector_load %arg11[%get3A_1567, %get3A_1568] {strides = array<i32>} : memref<20x512xi32, #tpu.memory_space<vmem>>, vector<16xi32>,
          %broadcast_in_dim3A_1570 = arith.constant 80 : i32
          %broadcast_in_dim3A_1571 = vector.broadcast %broadcast_in_dim3A_1570 : i32 to vector<16xi32>
          %add3A_1572 = arith.addi %iota3A, %broadcast_in_dim3A_1571 : vector<16xi32>
          %add3A_1573 = arith.addi %add3A_1572, %broadcast_in_dim3A_7 : vector<16xi32>
          %multiple_of3A_1574 = arith.constant 80 : i32
          %multiple_of3A_1575 = tpu.assume_multiple %multiple_of3A_1574, 16 : i32
          %swap3A_1576 = arith.constant 0 : i32
          %swap3A_1577 = arith.index_cast %swap3A_1576 : i32 to index
          %swap3A_1578 = arith.index_cast %multiple_of3A_1575 : i32 to index
          %swap3A_1579 = tpu.vector_load %arg13[%swap3A_1577, %swap3A_1578] {strides = array<i32>} : memref<2x128xi32, #tpu.memory_space<vmem>>, vector<16xi32>,
          tpu.vector_store %arg13[%swap3A_1577, %swap3A_1578], %get3A_1569 {strides = array<i32>} : memref<2x128xi32, #tpu.memory_space<vmem>>, vector<16xi32>,
          %broadcast_in_dim3A_1580 = vector.broadcast %mul3A_4 : i32 to vector<16xi32>
          %add3A_1581 = arith.addi %add3A_1573, %broadcast_in_dim3A_1580 : vector<16xi32>
          %swap3A_1582 = arith.constant 0 : i32
          %swap3A_1583 = arith.index_cast %swap3A_1582 : i32 to index
          %swap3A_1584 = arith.index_cast %multiple_of3A_1575 : i32 to index
          %swap3A_1585 = tpu.vector_load %arg14[%swap3A_1583, %swap3A_1584] {strides = array<i32>} : memref<2x128xi32, #tpu.memory_space<vmem>>, vector<16xi32>,
          tpu.vector_store %arg14[%swap3A_1583, %swap3A_1584], %add3A_1581 {strides = array<i32>} : memref<2x128xi32, #tpu.memory_space<vmem>>, vector<16xi32>,
          %multiple_of3A_1586 = arith.constant 480 : i32
          %multiple_of3A_1587 = tpu.assume_multiple %multiple_of3A_1586, 16 : i32
          %get3A_1588 = arith.index_cast %sub3A_1459 : i32 to index
          %get3A_1589 = arith.index_cast %multiple_of3A_1587 : i32 to index
          %get3A_1590 = tpu.vector_load %arg11[%get3A_1588, %get3A_1589] {strides = array<i32>} : memref<20x512xi32, #tpu.memory_space<vmem>>, vector<16xi32>,
          %broadcast_in_dim3A_1591 = arith.constant 96 : i32
          %broadcast_in_dim3A_1592 = vector.broadcast %broadcast_in_dim3A_1591 : i32 to vector<16xi32>
          %add3A_1593 = arith.addi %iota3A, %broadcast_in_dim3A_1592 : vector<16xi32>
          %add3A_1594 = arith.addi %add3A_1593, %broadcast_in_dim3A_7 : vector<16xi32>
          %multiple_of3A_1595 = arith.constant 96 : i32
          %multiple_of3A_1596 = tpu.assume_multiple %multiple_of3A_1595, 16 : i32
          %swap3A_1597 = arith.constant 0 : i32
          %swap3A_1598 = arith.index_cast %swap3A_1597 : i32 to index
          %swap3A_1599 = arith.index_cast %multiple_of3A_1596 : i32 to index
          %swap3A_1600 = tpu.vector_load %arg13[%swap3A_1598, %swap3A_1599] {strides = array<i32>} : memref<2x128xi32, #tpu.memory_space<vmem>>, vector<16xi32>,
          tpu.vector_store %arg13[%swap3A_1598, %swap3A_1599], %get3A_1590 {strides = array<i32>} : memref<2x128xi32, #tpu.memory_space<vmem>>, vector<16xi32>,
          %broadcast_in_dim3A_1601 = vector.broadcast %mul3A_4 : i32 to vector<16xi32>
          %add3A_1602 = arith.addi %add3A_1594, %broadcast_in_dim3A_1601 : vector<16xi32>
          %swap3A_1603 = arith.constant 0 : i32
          %swap3A_1604 = arith.index_cast %swap3A_1603 : i32 to index
          %swap3A_1605 = arith.index_cast %multiple_of3A_1596 : i32 to index
          %swap3A_1606 = tpu.vector_load %arg14[%swap3A_1604, %swap3A_1605] {strides = array<i32>} : memref<2x128xi32, #tpu.memory_space<vmem>>, vector<16xi32>,
          tpu.vector_store %arg14[%swap3A_1604, %swap3A_1605], %add3A_1602 {strides = array<i32>} : memref<2x128xi32, #tpu.memory_space<vmem>>, vector<16xi32>,
          %multiple_of3A_1607 = arith.constant 496 : i32
          %multiple_of3A_1608 = tpu.assume_multiple %multiple_of3A_1607, 16 : i32
          %get3A_1609 = arith.index_cast %sub3A_1459 : i32 to index
          %get3A_1610 = arith.index_cast %multiple_of3A_1608 : i32 to index
          %get3A_1611 = tpu.vector_load %arg11[%get3A_1609, %get3A_1610] {strides = array<i32>} : memref<20x512xi32, #tpu.memory_space<vmem>>, vector<16xi32>,
          %broadcast_in_dim3A_1612 = arith.constant 112 : i32
          %broadcast_in_dim3A_1613 = vector.broadcast %broadcast_in_dim3A_1612 : i32 to vector<16xi32>
          %add3A_1614 = arith.addi %iota3A, %broadcast_in_dim3A_1613 : vector<16xi32>
          %add3A_1615 = arith.addi %add3A_1614, %broadcast_in_dim3A_7 : vector<16xi32>
          %multiple_of3A_1616 = arith.constant 112 : i32
          %multiple_of3A_1617 = tpu.assume_multiple %multiple_of3A_1616, 16 : i32
          %swap3A_1618 = arith.constant 0 : i32
          %swap3A_1619 = arith.index_cast %swap3A_1618 : i32 to index
          %swap3A_1620 = arith.index_cast %multiple_of3A_1617 : i32 to index
          %swap3A_1621 = tpu.vector_load %arg13[%swap3A_1619, %swap3A_1620] {strides = array<i32>} : memref<2x128xi32, #tpu.memory_space<vmem>>, vector<16xi32>,
          tpu.vector_store %arg13[%swap3A_1619, %swap3A_1620], %get3A_1611 {strides = array<i32>} : memref<2x128xi32, #tpu.memory_space<vmem>>, vector<16xi32>,
          %broadcast_in_dim3A_1622 = vector.broadcast %mul3A_4 : i32 to vector<16xi32>
          %add3A_1623 = arith.addi %add3A_1615, %broadcast_in_dim3A_1622 : vector<16xi32>
          %swap3A_1624 = arith.constant 0 : i32
          %swap3A_1625 = arith.index_cast %swap3A_1624 : i32 to index
          %swap3A_1626 = arith.index_cast %multiple_of3A_1617 : i32 to index
          %swap3A_1627 = tpu.vector_load %arg14[%swap3A_1625, %swap3A_1626] {strides = array<i32>} : memref<2x128xi32, #tpu.memory_space<vmem>>, vector<16xi32>,
          tpu.vector_store %arg14[%swap3A_1625, %swap3A_1626], %add3A_1623 {strides = array<i32>} : memref<2x128xi32, #tpu.memory_space<vmem>>, vector<16xi32>,
          %dma_start3A_1628 = arith.constant 0 : i32
          %dma_start3A_1629 = arith.constant 0 : i32
          %dma_start3A_1630 = arith.constant 0 : i32
          %dma_start3A_1631 = arith.constant 0 : i32
          %dma_start3A_1632 = arith.constant 0 : i32
          %dma_start3A_1633 = tpu.memref_slice %arg8[%dma_start3A_1629, %dma_start3A_1631, %dma_start3A_1632] : memref<2x128x128xf32, #tpu.memory_space<vmem>> -> memref<1x128x128xf32, #tpu.memory_space<vmem>>
          %dma_start3A_1634 = tpu.memref_squeeze %dma_start3A_1633 : memref<1x128x128xf32, #tpu.memory_space<vmem>> -> memref<128x128xf32, #tpu.memory_space<vmem>>
          %dma_start3A_1635 = arith.constant 0 : i32
          %dma_start3A_1636 = tpu.memref_slice %arg13[%dma_start3A_1628, %dma_start3A_1635] : memref<2x128xi32, #tpu.memory_space<vmem>> -> memref<1x128xi32, #tpu.memory_space<vmem>>
          %dma_start3A_1637 = tpu.memref_squeeze %dma_start3A_1636 : memref<1x128xi32, #tpu.memory_space<vmem>> -> memref<128xi32, #tpu.memory_space<vmem>>
          %dma_start3A_1638 = arith.constant 0 : i32
          %dma_start3A_1639 = arith.constant 0 : i32
          %dma_start3A_1640 = tpu.memref_slice %arg5[%dma_start3A_1638, %dma_start3A_1639] : memref<2000000x128xf32, #tpu.memory_space<hbm>> -> memref<2000000x128xf32, #tpu.memory_space<hbm>>
          %dma_start3A_1641 = tpu.memref_slice %arg10[%dma_start3A_1630] : memref<2x!tpu.dma_semaphore, #tpu.memory_space<semaphore_mem>> -> memref<1x!tpu.dma_semaphore, #tpu.memory_space<semaphore_mem>>
          %dma_start3A_1642 = tpu.memref_squeeze %dma_start3A_1641 : memref<1x!tpu.dma_semaphore, #tpu.memory_space<semaphore_mem>> -> memref<!tpu.dma_semaphore, #tpu.memory_space<semaphore_mem>>
          tpu.enqueue_indirect_dma source(%dma_start3A_1640 : memref<2000000x128xf32, #tpu.memory_space<hbm>>) target(%dma_start3A_1634 : memref<128x128xf32, #tpu.memory_space<vmem>>) offsets(%dma_start3A_1637 : memref<128xi32, #tpu.memory_space<vmem>>) semaphore(%dma_start3A_1642 : memref<!tpu.dma_semaphore, #tpu.memory_space<semaphore_mem>>)
        } else {
        }
      } else {
      }
      %eq3A_1431 = arith.constant 1 : i32
      %eq3A_1432 = arith.cmpi eq, %rem3A_1428, %eq3A_1431 : i32
      %convert_element_type3A_1433 = arith.extui %eq3A_1432 : i1 to i32
      %cond3A_1434 = arith.constant 0 : i32
      %cond3A_1435 = arith.cmpi ne, %convert_element_type3A_1433, %cond3A_1434 : i32
      scf.if %cond3A_1435 {
        %dma_wait3A = arith.constant 1 : i32
        %dma_wait3A_1436 = arith.constant 1 : i32
        %dma_wait3A_1437 = arith.constant 1 : i32
        %dma_wait3A_1438 = arith.constant 0 : i32
        %dma_wait3A_1439 = arith.constant 0 : i32
        %dma_wait3A_1440 = tpu.memref_slice %arg8[%dma_wait3A_1436, %dma_wait3A_1438, %dma_wait3A_1439] : memref<2x128x128xf32, #tpu.memory_space<vmem>> -> memref<1x128x128xf32, #tpu.memory_space<vmem>>
        %dma_wait3A_1441 = tpu.memref_squeeze %dma_wait3A_1440 : memref<1x128x128xf32, #tpu.memory_space<vmem>> -> memref<128x128xf32, #tpu.memory_space<vmem>>
        %dma_wait3A_1442 = arith.constant 0 : i32
        %dma_wait3A_1443 = tpu.memref_slice %arg13[%dma_wait3A, %dma_wait3A_1442] : memref<2x128xi32, #tpu.memory_space<vmem>> -> memref<1x128xi32, #tpu.memory_space<vmem>>
        %dma_wait3A_1444 = tpu.memref_squeeze %dma_wait3A_1443 : memref<1x128xi32, #tpu.memory_space<vmem>> -> memref<128xi32, #tpu.memory_space<vmem>>
        %dma_wait3A_1445 = arith.constant 0 : i32
        %dma_wait3A_1446 = arith.constant 0 : i32
        %dma_wait3A_1447 = tpu.memref_slice %arg5[%dma_wait3A_1445, %dma_wait3A_1446] : memref<2000000x128xf32, #tpu.memory_space<hbm>> -> memref<2000000x128xf32, #tpu.memory_space<hbm>>
        %dma_wait3A_1448 = tpu.memref_slice %arg10[%dma_wait3A_1437] : memref<2x!tpu.dma_semaphore, #tpu.memory_space<semaphore_mem>> -> memref<1x!tpu.dma_semaphore, #tpu.memory_space<semaphore_mem>>
        %dma_wait3A_1449 = tpu.memref_squeeze %dma_wait3A_1448 : memref<1x!tpu.dma_semaphore, #tpu.memory_space<semaphore_mem>> -> memref<!tpu.dma_semaphore, #tpu.memory_space<semaphore_mem>>
        tpu.wait_indirect_dma semaphore(%dma_wait3A_1449 : memref<!tpu.dma_semaphore, #tpu.memory_space<semaphore_mem>>) src(%dma_wait3A_1447 : memref<2000000x128xf32, #tpu.memory_space<hbm>>) dst(%dma_wait3A_1441 : memref<128x128xf32, #tpu.memory_space<vmem>>)
        %run_scoped3A = arith.constant 1 : i32
        %run_scoped3A_1450 = arith.constant 1 : i32
        "tpu.region"() ({
          %run_scoped3A_1457 = tpu.sem_alloc : memref<!tpu.dma_semaphore, #tpu.memory_space<semaphore_mem>>
          %dma_start3A_1458 = arith.constant 0 : i32
          %dma_start3A_1459 = arith.constant 0 : i32
          %dma_start3A_1460 = tpu.memref_slice %arg8[%run_scoped3A, %dma_start3A_1458, %dma_start3A_1459] : memref<2x128x128xf32, #tpu.memory_space<vmem>> -> memref<1x128x128xf32, #tpu.memory_space<vmem>>
          %dma_start3A_1461 = tpu.memref_squeeze %dma_start3A_1460 : memref<1x128x128xf32, #tpu.memory_space<vmem>> -> memref<128x128xf32, #tpu.memory_space<vmem>>
          %dma_start3A_1462 = arith.constant 0 : i32
          %dma_start3A_1463 = tpu.memref_slice %arg14[%run_scoped3A_1450, %dma_start3A_1462] : memref<2x128xi32, #tpu.memory_space<vmem>> -> memref<1x128xi32, #tpu.memory_space<vmem>>
          %dma_start3A_1464 = tpu.memref_squeeze %dma_start3A_1463 : memref<1x128xi32, #tpu.memory_space<vmem>> -> memref<128xi32, #tpu.memory_space<vmem>>
          %dma_start3A_1465 = arith.constant 0 : i32
          %dma_start3A_1466 = arith.constant 0 : i32
          %dma_start3A_1467 = tpu.memref_slice %arg7[%dma_start3A_1465, %dma_start3A_1466] : memref<2048x128xf32, #tpu.memory_space<vmem_shared>> -> memref<2048x128xf32, #tpu.memory_space<vmem_shared>>
          tpu.enqueue_indirect_dma source(%dma_start3A_1461 : memref<128x128xf32, #tpu.memory_space<vmem>>) target(%dma_start3A_1467 : memref<2048x128xf32, #tpu.memory_space<vmem_shared>>) offsets(%dma_start3A_1464 : memref<128xi32, #tpu.memory_space<vmem>>) semaphore(%run_scoped3A_1457 : memref<!tpu.dma_semaphore, #tpu.memory_space<semaphore_mem>>) {add = true}
          %dma_wait3A_1468 = arith.constant 0 : i32
          %dma_wait3A_1469 = arith.constant 0 : i32
          %dma_wait3A_1470 = tpu.memref_slice %arg8[%run_scoped3A, %dma_wait3A_1468, %dma_wait3A_1469] : memref<2x128x128xf32, #tpu.memory_space<vmem>> -> memref<1x128x128xf32, #tpu.memory_space<vmem>>
          %dma_wait3A_1471 = tpu.memref_squeeze %dma_wait3A_1470 : memref<1x128x128xf32, #tpu.memory_space<vmem>> -> memref<128x128xf32, #tpu.memory_space<vmem>>
          %dma_wait3A_1472 = arith.constant 0 : i32
          %dma_wait3A_1473 = tpu.memref_slice %arg14[%run_scoped3A_1450, %dma_wait3A_1472] : memref<2x128xi32, #tpu.memory_space<vmem>> -> memref<1x128xi32, #tpu.memory_space<vmem>>
          %dma_wait3A_1474 = tpu.memref_squeeze %dma_wait3A_1473 : memref<1x128xi32, #tpu.memory_space<vmem>> -> memref<128xi32, #tpu.memory_space<vmem>>
          %dma_wait3A_1475 = arith.constant 0 : i32
          %dma_wait3A_1476 = arith.constant 0 : i32
          %dma_wait3A_1477 = tpu.memref_slice %arg7[%dma_wait3A_1475, %dma_wait3A_1476] : memref<2048x128xf32, #tpu.memory_space<vmem_shared>> -> memref<2048x128xf32, #tpu.memory_space<vmem_shared>>
          tpu.wait_indirect_dma semaphore(%run_scoped3A_1457 : memref<!tpu.dma_semaphore, #tpu.memory_space<semaphore_mem>>) src(%dma_wait3A_1471 : memref<128x128xf32, #tpu.memory_space<vmem>>) dst(%dma_wait3A_1477 : memref<2048x128xf32, #tpu.memory_space<vmem_shared>>)
          tpu.yield
        }) : () -> ()
        %add3A_1451 = arith.constant 2 : i32
        %add3A_1452 = arith.addi %scan3A_1427, %add3A_1451 : i32
        %lt3A = arith.constant 21 : i32
        %lt3A_1453 = arith.cmpi slt, %add3A_1452, %lt3A : i32
        %convert_element_type3A_1454 = arith.extui %lt3A_1453 : i1 to i32
        %cond3A_1455 = arith.constant 0 : i32
        %cond3A_1456 = arith.cmpi ne, %convert_element_type3A_1454, %cond3A_1455 : i32
        scf.if %cond3A_1456 {
          %add3A_1457 = arith.constant 2 : i32
          %add3A_1458 = arith.addi %scan3A_1427, %add3A_1457 : i32
          %sub3A = arith.constant 1 : i32
          %sub3A_1459 = arith.subi %add3A_1458, %sub3A : i32
          %multiple_of3A_1460 = arith.constant 384 : i32
          %multiple_of3A_1461 = tpu.assume_multiple %multiple_of3A_1460, 16 : i32
          %get3A_1462 = arith.index_cast %sub3A_1459 : i32 to index
          %get3A_1463 = arith.index_cast %multiple_of3A_1461 : i32 to index
          %get3A_1464 = tpu.vector_load %arg11[%get3A_1462, %get3A_1463] {strides = array<i32>} : memref<20x512xi32, #tpu.memory_space<vmem>>, vector<16xi32>,
          %broadcast_in_dim3A_1465 = arith.constant 0 : i32
          %broadcast_in_dim3A_1466 = vector.broadcast %broadcast_in_dim3A_1465 : i32 to vector<16xi32>
          %add3A_1467 = arith.addi %iota3A, %broadcast_in_dim3A_1466 : vector<16xi32>
          %add3A_1468 = arith.addi %add3A_1467, %broadcast_in_dim3A_7 : vector<16xi32>
          %multiple_of3A_1469 = arith.constant 0 : i32
          %multiple_of3A_1470 = tpu.assume_multiple %multiple_of3A_1469, 16 : i32
          %swap3A_1471 = arith.constant 1 : i32
          %swap3A_1472 = arith.index_cast %swap3A_1471 : i32 to index
          %swap3A_1473 = arith.index_cast %multiple_of3A_1470 : i32 to index
          %swap3A_1474 = tpu.vector_load %arg13[%swap3A_1472, %swap3A_1473] {strides = array<i32>} : memref<2x128xi32, #tpu.memory_space<vmem>>, vector<16xi32>,
          tpu.vector_store %arg13[%swap3A_1472, %swap3A_1473], %get3A_1464 {strides = array<i32>} : memref<2x128xi32, #tpu.memory_space<vmem>>, vector<16xi32>,
          %broadcast_in_dim3A_1475 = vector.broadcast %mul3A_4 : i32 to vector<16xi32>
          %add3A_1476 = arith.addi %add3A_1468, %broadcast_in_dim3A_1475 : vector<16xi32>
          %swap3A_1477 = arith.constant 1 : i32
          %swap3A_1478 = arith.index_cast %swap3A_1477 : i32 to index
          %swap3A_1479 = arith.index_cast %multiple_of3A_1470 : i32 to index
          %swap3A_1480 = tpu.vector_load %arg14[%swap3A_1478, %swap3A_1479] {strides = array<i32>} : memref<2x128xi32, #tpu.memory_space<vmem>>, vector<16xi32>,
          tpu.vector_store %arg14[%swap3A_1478, %swap3A_1479], %add3A_1476 {strides = array<i32>} : memref<2x128xi32, #tpu.memory_space<vmem>>, vector<16xi32>,
          %multiple_of3A_1481 = arith.constant 400 : i32
          %multiple_of3A_1482 = tpu.assume_multiple %multiple_of3A_1481, 16 : i32
          %get3A_1483 = arith.index_cast %sub3A_1459 : i32 to index
          %get3A_1484 = arith.index_cast %multiple_of3A_1482 : i32 to index
          %get3A_1485 = tpu.vector_load %arg11[%get3A_1483, %get3A_1484] {strides = array<i32>} : memref<20x512xi32, #tpu.memory_space<vmem>>, vector<16xi32>,
          %broadcast_in_dim3A_1486 = arith.constant 16 : i32
          %broadcast_in_dim3A_1487 = vector.broadcast %broadcast_in_dim3A_1486 : i32 to vector<16xi32>
          %add3A_1488 = arith.addi %iota3A, %broadcast_in_dim3A_1487 : vector<16xi32>
          %add3A_1489 = arith.addi %add3A_1488, %broadcast_in_dim3A_7 : vector<16xi32>
          %multiple_of3A_1490 = arith.constant 16 : i32
          %multiple_of3A_1491 = tpu.assume_multiple %multiple_of3A_1490, 16 : i32
          %swap3A_1492 = arith.constant 1 : i32
          %swap3A_1493 = arith.index_cast %swap3A_1492 : i32 to index
          %swap3A_1494 = arith.index_cast %multiple_of3A_1491 : i32 to index
          %swap3A_1495 = tpu.vector_load %arg13[%swap3A_1493, %swap3A_1494] {strides = array<i32>} : memref<2x128xi32, #tpu.memory_space<vmem>>, vector<16xi32>,
          tpu.vector_store %arg13[%swap3A_1493, %swap3A_1494], %get3A_1485 {strides = array<i32>} : memref<2x128xi32, #tpu.memory_space<vmem>>, vector<16xi32>,
          %broadcast_in_dim3A_1496 = vector.broadcast %mul3A_4 : i32 to vector<16xi32>
          %add3A_1497 = arith.addi %add3A_1489, %broadcast_in_dim3A_1496 : vector<16xi32>
          %swap3A_1498 = arith.constant 1 : i32
          %swap3A_1499 = arith.index_cast %swap3A_1498 : i32 to index
          %swap3A_1500 = arith.index_cast %multiple_of3A_1491 : i32 to index
          %swap3A_1501 = tpu.vector_load %arg14[%swap3A_1499, %swap3A_1500] {strides = array<i32>} : memref<2x128xi32, #tpu.memory_space<vmem>>, vector<16xi32>,
          tpu.vector_store %arg14[%swap3A_1499, %swap3A_1500], %add3A_1497 {strides = array<i32>} : memref<2x128xi32, #tpu.memory_space<vmem>>, vector<16xi32>,
          %multiple_of3A_1502 = arith.constant 416 : i32
          %multiple_of3A_1503 = tpu.assume_multiple %multiple_of3A_1502, 16 : i32
          %get3A_1504 = arith.index_cast %sub3A_1459 : i32 to index
          %get3A_1505 = arith.index_cast %multiple_of3A_1503 : i32 to index
          %get3A_1506 = tpu.vector_load %arg11[%get3A_1504, %get3A_1505] {strides = array<i32>} : memref<20x512xi32, #tpu.memory_space<vmem>>, vector<16xi32>,
          %broadcast_in_dim3A_1507 = arith.constant 32 : i32
          %broadcast_in_dim3A_1508 = vector.broadcast %broadcast_in_dim3A_1507 : i32 to vector<16xi32>
          %add3A_1509 = arith.addi %iota3A, %broadcast_in_dim3A_1508 : vector<16xi32>
          %add3A_1510 = arith.addi %add3A_1509, %broadcast_in_dim3A_7 : vector<16xi32>
          %multiple_of3A_1511 = arith.constant 32 : i32
          %multiple_of3A_1512 = tpu.assume_multiple %multiple_of3A_1511, 16 : i32
          %swap3A_1513 = arith.constant 1 : i32
          %swap3A_1514 = arith.index_cast %swap3A_1513 : i32 to index
          %swap3A_1515 = arith.index_cast %multiple_of3A_1512 : i32 to index
          %swap3A_1516 = tpu.vector_load %arg13[%swap3A_1514, %swap3A_1515] {strides = array<i32>} : memref<2x128xi32, #tpu.memory_space<vmem>>, vector<16xi32>,
          tpu.vector_store %arg13[%swap3A_1514, %swap3A_1515], %get3A_1506 {strides = array<i32>} : memref<2x128xi32, #tpu.memory_space<vmem>>, vector<16xi32>,
          %broadcast_in_dim3A_1517 = vector.broadcast %mul3A_4 : i32 to vector<16xi32>
          %add3A_1518 = arith.addi %add3A_1510, %broadcast_in_dim3A_1517 : vector<16xi32>
          %swap3A_1519 = arith.constant 1 : i32
          %swap3A_1520 = arith.index_cast %swap3A_1519 : i32 to index
          %swap3A_1521 = arith.index_cast %multiple_of3A_1512 : i32 to index
          %swap3A_1522 = tpu.vector_load %arg14[%swap3A_1520, %swap3A_1521] {strides = array<i32>} : memref<2x128xi32, #tpu.memory_space<vmem>>, vector<16xi32>,
          tpu.vector_store %arg14[%swap3A_1520, %swap3A_1521], %add3A_1518 {strides = array<i32>} : memref<2x128xi32, #tpu.memory_space<vmem>>, vector<16xi32>,
          %multiple_of3A_1523 = arith.constant 432 : i32
          %multiple_of3A_1524 = tpu.assume_multiple %multiple_of3A_1523, 16 : i32
          %get3A_1525 = arith.index_cast %sub3A_1459 : i32 to index
          %get3A_1526 = arith.index_cast %multiple_of3A_1524 : i32 to index
          %get3A_1527 = tpu.vector_load %arg11[%get3A_1525, %get3A_1526] {strides = array<i32>} : memref<20x512xi32, #tpu.memory_space<vmem>>, vector<16xi32>,
          %broadcast_in_dim3A_1528 = arith.constant 48 : i32
          %broadcast_in_dim3A_1529 = vector.broadcast %broadcast_in_dim3A_1528 : i32 to vector<16xi32>
          %add3A_1530 = arith.addi %iota3A, %broadcast_in_dim3A_1529 : vector<16xi32>
          %add3A_1531 = arith.addi %add3A_1530, %broadcast_in_dim3A_7 : vector<16xi32>
          %multiple_of3A_1532 = arith.constant 48 : i32
          %multiple_of3A_1533 = tpu.assume_multiple %multiple_of3A_1532, 16 : i32
          %swap3A_1534 = arith.constant 1 : i32
          %swap3A_1535 = arith.index_cast %swap3A_1534 : i32 to index
          %swap3A_1536 = arith.index_cast %multiple_of3A_1533 : i32 to index
          %swap3A_1537 = tpu.vector_load %arg13[%swap3A_1535, %swap3A_1536] {strides = array<i32>} : memref<2x128xi32, #tpu.memory_space<vmem>>, vector<16xi32>,
          tpu.vector_store %arg13[%swap3A_1535, %swap3A_1536], %get3A_1527 {strides = array<i32>} : memref<2x128xi32, #tpu.memory_space<vmem>>, vector<16xi32>,
          %broadcast_in_dim3A_1538 = vector.broadcast %mul3A_4 : i32 to vector<16xi32>
          %add3A_1539 = arith.addi %add3A_1531, %broadcast_in_dim3A_1538 : vector<16xi32>
          %swap3A_1540 = arith.constant 1 : i32
          %swap3A_1541 = arith.index_cast %swap3A_1540 : i32 to index
          %swap3A_1542 = arith.index_cast %multiple_of3A_1533 : i32 to index
          %swap3A_1543 = tpu.vector_load %arg14[%swap3A_1541, %swap3A_1542] {strides = array<i32>} : memref<2x128xi32, #tpu.memory_space<vmem>>, vector<16xi32>,
          tpu.vector_store %arg14[%swap3A_1541, %swap3A_1542], %add3A_1539 {strides = array<i32>} : memref<2x128xi32, #tpu.memory_space<vmem>>, vector<16xi32>,
          %multiple_of3A_1544 = arith.constant 448 : i32
          %multiple_of3A_1545 = tpu.assume_multiple %multiple_of3A_1544, 16 : i32
          %get3A_1546 = arith.index_cast %sub3A_1459 : i32 to index
          %get3A_1547 = arith.index_cast %multiple_of3A_1545 : i32 to index
          %get3A_1548 = tpu.vector_load %arg11[%get3A_1546, %get3A_1547] {strides = array<i32>} : memref<20x512xi32, #tpu.memory_space<vmem>>, vector<16xi32>,
          %broadcast_in_dim3A_1549 = arith.constant 64 : i32
          %broadcast_in_dim3A_1550 = vector.broadcast %broadcast_in_dim3A_1549 : i32 to vector<16xi32>
          %add3A_1551 = arith.addi %iota3A, %broadcast_in_dim3A_1550 : vector<16xi32>
          %add3A_1552 = arith.addi %add3A_1551, %broadcast_in_dim3A_7 : vector<16xi32>
          %multiple_of3A_1553 = arith.constant 64 : i32
          %multiple_of3A_1554 = tpu.assume_multiple %multiple_of3A_1553, 16 : i32
          %swap3A_1555 = arith.constant 1 : i32
          %swap3A_1556 = arith.index_cast %swap3A_1555 : i32 to index
          %swap3A_1557 = arith.index_cast %multiple_of3A_1554 : i32 to index
          %swap3A_1558 = tpu.vector_load %arg13[%swap3A_1556, %swap3A_1557] {strides = array<i32>} : memref<2x128xi32, #tpu.memory_space<vmem>>, vector<16xi32>,
          tpu.vector_store %arg13[%swap3A_1556, %swap3A_1557], %get3A_1548 {strides = array<i32>} : memref<2x128xi32, #tpu.memory_space<vmem>>, vector<16xi32>,
          %broadcast_in_dim3A_1559 = vector.broadcast %mul3A_4 : i32 to vector<16xi32>
          %add3A_1560 = arith.addi %add3A_1552, %broadcast_in_dim3A_1559 : vector<16xi32>
          %swap3A_1561 = arith.constant 1 : i32
          %swap3A_1562 = arith.index_cast %swap3A_1561 : i32 to index
          %swap3A_1563 = arith.index_cast %multiple_of3A_1554 : i32 to index
          %swap3A_1564 = tpu.vector_load %arg14[%swap3A_1562, %swap3A_1563] {strides = array<i32>} : memref<2x128xi32, #tpu.memory_space<vmem>>, vector<16xi32>,
          tpu.vector_store %arg14[%swap3A_1562, %swap3A_1563], %add3A_1560 {strides = array<i32>} : memref<2x128xi32, #tpu.memory_space<vmem>>, vector<16xi32>,
          %multiple_of3A_1565 = arith.constant 464 : i32
          %multiple_of3A_1566 = tpu.assume_multiple %multiple_of3A_1565, 16 : i32
          %get3A_1567 = arith.index_cast %sub3A_1459 : i32 to index
          %get3A_1568 = arith.index_cast %multiple_of3A_1566 : i32 to index
          %get3A_1569 = tpu.vector_load %arg11[%get3A_1567, %get3A_1568] {strides = array<i32>} : memref<20x512xi32, #tpu.memory_space<vmem>>, vector<16xi32>,
          %broadcast_in_dim3A_1570 = arith.constant 80 : i32
          %broadcast_in_dim3A_1571 = vector.broadcast %broadcast_in_dim3A_1570 : i32 to vector<16xi32>
          %add3A_1572 = arith.addi %iota3A, %broadcast_in_dim3A_1571 : vector<16xi32>
          %add3A_1573 = arith.addi %add3A_1572, %broadcast_in_dim3A_7 : vector<16xi32>
          %multiple_of3A_1574 = arith.constant 80 : i32
          %multiple_of3A_1575 = tpu.assume_multiple %multiple_of3A_1574, 16 : i32
          %swap3A_1576 = arith.constant 1 : i32
          %swap3A_1577 = arith.index_cast %swap3A_1576 : i32 to index
          %swap3A_1578 = arith.index_cast %multiple_of3A_1575 : i32 to index
          %swap3A_1579 = tpu.vector_load %arg13[%swap3A_1577, %swap3A_1578] {strides = array<i32>} : memref<2x128xi32, #tpu.memory_space<vmem>>, vector<16xi32>,
          tpu.vector_store %arg13[%swap3A_1577, %swap3A_1578], %get3A_1569 {strides = array<i32>} : memref<2x128xi32, #tpu.memory_space<vmem>>, vector<16xi32>,
          %broadcast_in_dim3A_1580 = vector.broadcast %mul3A_4 : i32 to vector<16xi32>
          %add3A_1581 = arith.addi %add3A_1573, %broadcast_in_dim3A_1580 : vector<16xi32>
          %swap3A_1582 = arith.constant 1 : i32
          %swap3A_1583 = arith.index_cast %swap3A_1582 : i32 to index
          %swap3A_1584 = arith.index_cast %multiple_of3A_1575 : i32 to index
          %swap3A_1585 = tpu.vector_load %arg14[%swap3A_1583, %swap3A_1584] {strides = array<i32>} : memref<2x128xi32, #tpu.memory_space<vmem>>, vector<16xi32>,
          tpu.vector_store %arg14[%swap3A_1583, %swap3A_1584], %add3A_1581 {strides = array<i32>} : memref<2x128xi32, #tpu.memory_space<vmem>>, vector<16xi32>,
          %multiple_of3A_1586 = arith.constant 480 : i32
          %multiple_of3A_1587 = tpu.assume_multiple %multiple_of3A_1586, 16 : i32
          %get3A_1588 = arith.index_cast %sub3A_1459 : i32 to index
          %get3A_1589 = arith.index_cast %multiple_of3A_1587 : i32 to index
          %get3A_1590 = tpu.vector_load %arg11[%get3A_1588, %get3A_1589] {strides = array<i32>} : memref<20x512xi32, #tpu.memory_space<vmem>>, vector<16xi32>,
          %broadcast_in_dim3A_1591 = arith.constant 96 : i32
          %broadcast_in_dim3A_1592 = vector.broadcast %broadcast_in_dim3A_1591 : i32 to vector<16xi32>
          %add3A_1593 = arith.addi %iota3A, %broadcast_in_dim3A_1592 : vector<16xi32>
          %add3A_1594 = arith.addi %add3A_1593, %broadcast_in_dim3A_7 : vector<16xi32>
          %multiple_of3A_1595 = arith.constant 96 : i32
          %multiple_of3A_1596 = tpu.assume_multiple %multiple_of3A_1595, 16 : i32
          %swap3A_1597 = arith.constant 1 : i32
          %swap3A_1598 = arith.index_cast %swap3A_1597 : i32 to index
          %swap3A_1599 = arith.index_cast %multiple_of3A_1596 : i32 to index
          %swap3A_1600 = tpu.vector_load %arg13[%swap3A_1598, %swap3A_1599] {strides = array<i32>} : memref<2x128xi32, #tpu.memory_space<vmem>>, vector<16xi32>,
          tpu.vector_store %arg13[%swap3A_1598, %swap3A_1599], %get3A_1590 {strides = array<i32>} : memref<2x128xi32, #tpu.memory_space<vmem>>, vector<16xi32>,
          %broadcast_in_dim3A_1601 = vector.broadcast %mul3A_4 : i32 to vector<16xi32>
          %add3A_1602 = arith.addi %add3A_1594, %broadcast_in_dim3A_1601 : vector<16xi32>
          %swap3A_1603 = arith.constant 1 : i32
          %swap3A_1604 = arith.index_cast %swap3A_1603 : i32 to index
          %swap3A_1605 = arith.index_cast %multiple_of3A_1596 : i32 to index
          %swap3A_1606 = tpu.vector_load %arg14[%swap3A_1604, %swap3A_1605] {strides = array<i32>} : memref<2x128xi32, #tpu.memory_space<vmem>>, vector<16xi32>,
          tpu.vector_store %arg14[%swap3A_1604, %swap3A_1605], %add3A_1602 {strides = array<i32>} : memref<2x128xi32, #tpu.memory_space<vmem>>, vector<16xi32>,
          %multiple_of3A_1607 = arith.constant 496 : i32
          %multiple_of3A_1608 = tpu.assume_multiple %multiple_of3A_1607, 16 : i32
          %get3A_1609 = arith.index_cast %sub3A_1459 : i32 to index
          %get3A_1610 = arith.index_cast %multiple_of3A_1608 : i32 to index
          %get3A_1611 = tpu.vector_load %arg11[%get3A_1609, %get3A_1610] {strides = array<i32>} : memref<20x512xi32, #tpu.memory_space<vmem>>, vector<16xi32>,
          %broadcast_in_dim3A_1612 = arith.constant 112 : i32
          %broadcast_in_dim3A_1613 = vector.broadcast %broadcast_in_dim3A_1612 : i32 to vector<16xi32>
          %add3A_1614 = arith.addi %iota3A, %broadcast_in_dim3A_1613 : vector<16xi32>
          %add3A_1615 = arith.addi %add3A_1614, %broadcast_in_dim3A_7 : vector<16xi32>
          %multiple_of3A_1616 = arith.constant 112 : i32
          %multiple_of3A_1617 = tpu.assume_multiple %multiple_of3A_1616, 16 : i32
          %swap3A_1618 = arith.constant 1 : i32
          %swap3A_1619 = arith.index_cast %swap3A_1618 : i32 to index
          %swap3A_1620 = arith.index_cast %multiple_of3A_1617 : i32 to index
          %swap3A_1621 = tpu.vector_load %arg13[%swap3A_1619, %swap3A_1620] {strides = array<i32>} : memref<2x128xi32, #tpu.memory_space<vmem>>, vector<16xi32>,
          tpu.vector_store %arg13[%swap3A_1619, %swap3A_1620], %get3A_1611 {strides = array<i32>} : memref<2x128xi32, #tpu.memory_space<vmem>>, vector<16xi32>,
          %broadcast_in_dim3A_1622 = vector.broadcast %mul3A_4 : i32 to vector<16xi32>
          %add3A_1623 = arith.addi %add3A_1615, %broadcast_in_dim3A_1622 : vector<16xi32>
          %swap3A_1624 = arith.constant 1 : i32
          %swap3A_1625 = arith.index_cast %swap3A_1624 : i32 to index
          %swap3A_1626 = arith.index_cast %multiple_of3A_1617 : i32 to index
          %swap3A_1627 = tpu.vector_load %arg14[%swap3A_1625, %swap3A_1626] {strides = array<i32>} : memref<2x128xi32, #tpu.memory_space<vmem>>, vector<16xi32>,
          tpu.vector_store %arg14[%swap3A_1625, %swap3A_1626], %add3A_1623 {strides = array<i32>} : memref<2x128xi32, #tpu.memory_space<vmem>>, vector<16xi32>,
          %dma_start3A_1628 = arith.constant 1 : i32
          %dma_start3A_1629 = arith.constant 1 : i32
          %dma_start3A_1630 = arith.constant 1 : i32
          %dma_start3A_1631 = arith.constant 0 : i32
          %dma_start3A_1632 = arith.constant 0 : i32
          %dma_start3A_1633 = tpu.memref_slice %arg8[%dma_start3A_1629, %dma_start3A_1631, %dma_start3A_1632] : memref<2x128x128xf32, #tpu.memory_space<vmem>> -> memref<1x128x128xf32, #tpu.memory_space<vmem>>
          %dma_start3A_1634 = tpu.memref_squeeze %dma_start3A_1633 : memref<1x128x128xf32, #tpu.memory_space<vmem>> -> memref<128x128xf32, #tpu.memory_space<vmem>>
          %dma_start3A_1635 = arith.constant 0 : i32
          %dma_start3A_1636 = tpu.memref_slice %arg13[%dma_start3A_1628, %dma_start3A_1635] : memref<2x128xi32, #tpu.memory_space<vmem>> -> memref<1x128xi32, #tpu.memory_space<vmem>>
          %dma_start3A_1637 = tpu.memref_squeeze %dma_start3A_1636 : memref<1x128xi32, #tpu.memory_space<vmem>> -> memref<128xi32, #tpu.memory_space<vmem>>
          %dma_start3A_1638 = arith.constant 0 : i32
          %dma_start3A_1639 = arith.constant 0 : i32
          %dma_start3A_1640 = tpu.memref_slice %arg5[%dma_start3A_1638, %dma_start3A_1639] : memref<2000000x128xf32, #tpu.memory_space<hbm>> -> memref<2000000x128xf32, #tpu.memory_space<hbm>>
          %dma_start3A_1641 = tpu.memref_slice %arg10[%dma_start3A_1630] : memref<2x!tpu.dma_semaphore, #tpu.memory_space<semaphore_mem>> -> memref<1x!tpu.dma_semaphore, #tpu.memory_space<semaphore_mem>>
          %dma_start3A_1642 = tpu.memref_squeeze %dma_start3A_1641 : memref<1x!tpu.dma_semaphore, #tpu.memory_space<semaphore_mem>> -> memref<!tpu.dma_semaphore, #tpu.memory_space<semaphore_mem>>
          tpu.enqueue_indirect_dma source(%dma_start3A_1640 : memref<2000000x128xf32, #tpu.memory_space<hbm>>) target(%dma_start3A_1634 : memref<128x128xf32, #tpu.memory_space<vmem>>) offsets(%dma_start3A_1637 : memref<128xi32, #tpu.memory_space<vmem>>) semaphore(%dma_start3A_1642 : memref<!tpu.dma_semaphore, #tpu.memory_space<semaphore_mem>>)
        } else {
        }
      } else {
      }
    }
    %scan3A_1416 = arith.constant 21 : i32
    "tpu.region"() ({
      %run_scoped3A = tpu.sem_alloc : memref<!tpu.dma_semaphore, #tpu.memory_space<semaphore_mem>>
      %dma_start3A_1427 = arith.constant 0 : i32
      %dma_start3A_1428 = tpu.memref_slice %arg7[%mul3A_4, %dma_start3A_1427] : memref<2048x128xf32, #tpu.memory_space<vmem_shared>> -> memref<128x128xf32, #tpu.memory_space<vmem_shared>>
      %dma_start3A_1429 = arith.constant 0 : i32
      %dma_start3A_1430 = tpu.memref_slice %arg7[%mul3A_4, %dma_start3A_1429] : memref<2048x128xf32, #tpu.memory_space<vmem_shared>> -> memref<128x128xf32, #tpu.memory_space<vmem_shared>>
      tpu.enqueue_dma source(%dma_start3A_1430 : memref<128x128xf32, #tpu.memory_space<vmem_shared>>) target(%arg15 : memref<128x128xf32, #tpu.memory_space<vmem>>) target_semaphore(%run_scoped3A : memref<!tpu.dma_semaphore, #tpu.memory_space<semaphore_mem>>)
      %dma_wait3A = arith.constant 0 : i32
      %dma_wait3A_1431 = tpu.memref_slice %arg7[%mul3A_4, %dma_wait3A] : memref<2048x128xf32, #tpu.memory_space<vmem_shared>> -> memref<128x128xf32, #tpu.memory_space<vmem_shared>>
      %dma_wait3A_1432 = arith.constant 0 : i32
      %dma_wait3A_1433 = tpu.memref_slice %arg7[%mul3A_4, %dma_wait3A_1432] : memref<2048x128xf32, #tpu.memory_space<vmem_shared>> -> memref<128x128xf32, #tpu.memory_space<vmem_shared>>
      tpu.wait_dma2 semaphore(%run_scoped3A : memref<!tpu.dma_semaphore, #tpu.memory_space<semaphore_mem>>) src(%dma_wait3A_1433 : memref<128x128xf32, #tpu.memory_space<vmem_shared>>) dst(%arg15 : memref<128x128xf32, #tpu.memory_space<vmem>>)
      tpu.yield
    }) : () -> ()
    %scan3A_1417 = arith.constant 0 : i32
    %scan3A_1418 = arith.constant 0 : i32
    %scan3A_1419 = arith.constant 128 : i32
    %scan3A_1420 = arith.addi %scan3A_1418, %scan3A_1419 : i32
    %scan3A_1421 = arith.constant 1 : i32
    scf.for %scan3A_1427 = %scan3A_1418 to %scan3A_1420 step %scan3A_1421  : i32 {
      %multiple_of3A_1428 = arith.constant 0 : i32
      %multiple_of3A_1429 = tpu.assume_multiple %multiple_of3A_1428, 16 : i32
      %get3A_1430 = arith.index_cast %scan3A_1427 : i32 to index
      %get3A_1431 = arith.index_cast %multiple_of3A_1429 : i32 to index
      %get3A_1432 = tpu.vector_load %arg15[%get3A_1430, %get3A_1431] {strides = array<i32>} : memref<128x128xf32, #tpu.memory_space<vmem>>, vector<16xf32>,
      %mul3A_1433 = arith.constant 64 : i32
      %mul3A_1434 = arith.muli %scan3A_1427, %mul3A_1433 : i32
      %add3A_1435 = arith.addi %mul3A_1434, %multiple_of3A_1429 : i32
      %swap3A_1436 = arith.index_cast %add3A_1435 : i32 to index
      %swap3A_1437 = tpu.vector_load %arg12[%swap3A_1436] {strides = array<i32>} : memref<8192xf32, #tpu.memory_space<vmem>>, vector<16xf32>,
      tpu.vector_store %arg12[%swap3A_1436], %get3A_1432 {strides = array<i32>} : memref<8192xf32, #tpu.memory_space<vmem>>, vector<16xf32>,
      %multiple_of3A_1438 = arith.constant 16 : i32
      %multiple_of3A_1439 = tpu.assume_multiple %multiple_of3A_1438, 16 : i32
      %get3A_1440 = arith.index_cast %scan3A_1427 : i32 to index
      %get3A_1441 = arith.index_cast %multiple_of3A_1439 : i32 to index
      %get3A_1442 = tpu.vector_load %arg15[%get3A_1440, %get3A_1441] {strides = array<i32>} : memref<128x128xf32, #tpu.memory_space<vmem>>, vector<16xf32>,
      %mul3A_1443 = arith.constant 64 : i32
      %mul3A_1444 = arith.muli %scan3A_1427, %mul3A_1443 : i32
      %add3A_1445 = arith.addi %mul3A_1444, %multiple_of3A_1439 : i32
      %swap3A_1446 = arith.index_cast %add3A_1445 : i32 to index
      %swap3A_1447 = tpu.vector_load %arg12[%swap3A_1446] {strides = array<i32>} : memref<8192xf32, #tpu.memory_space<vmem>>, vector<16xf32>,
      tpu.vector_store %arg12[%swap3A_1446], %get3A_1442 {strides = array<i32>} : memref<8192xf32, #tpu.memory_space<vmem>>, vector<16xf32>,
      %multiple_of3A_1448 = arith.constant 32 : i32
      %multiple_of3A_1449 = tpu.assume_multiple %multiple_of3A_1448, 16 : i32
      %get3A_1450 = arith.index_cast %scan3A_1427 : i32 to index
      %get3A_1451 = arith.index_cast %multiple_of3A_1449 : i32 to index
      %get3A_1452 = tpu.vector_load %arg15[%get3A_1450, %get3A_1451] {strides = array<i32>} : memref<128x128xf32, #tpu.memory_space<vmem>>, vector<16xf32>,
      %mul3A_1453 = arith.constant 64 : i32
      %mul3A_1454 = arith.muli %scan3A_1427, %mul3A_1453 : i32
      %add3A_1455 = arith.addi %mul3A_1454, %multiple_of3A_1449 : i32
      %swap3A_1456 = arith.index_cast %add3A_1455 : i32 to index
      %swap3A_1457 = tpu.vector_load %arg12[%swap3A_1456] {strides = array<i32>} : memref<8192xf32, #tpu.memory_space<vmem>>, vector<16xf32>,
      tpu.vector_store %arg12[%swap3A_1456], %get3A_1452 {strides = array<i32>} : memref<8192xf32, #tpu.memory_space<vmem>>, vector<16xf32>,
      %multiple_of3A_1458 = arith.constant 48 : i32
      %multiple_of3A_1459 = tpu.assume_multiple %multiple_of3A_1458, 16 : i32
      %get3A_1460 = arith.index_cast %scan3A_1427 : i32 to index
      %get3A_1461 = arith.index_cast %multiple_of3A_1459 : i32 to index
      %get3A_1462 = tpu.vector_load %arg15[%get3A_1460, %get3A_1461] {strides = array<i32>} : memref<128x128xf32, #tpu.memory_space<vmem>>, vector<16xf32>,
      %mul3A_1463 = arith.constant 64 : i32
      %mul3A_1464 = arith.muli %scan3A_1427, %mul3A_1463 : i32
      %add3A_1465 = arith.addi %mul3A_1464, %multiple_of3A_1459 : i32
      %swap3A_1466 = arith.index_cast %add3A_1465 : i32 to index
      %swap3A_1467 = tpu.vector_load %arg12[%swap3A_1466] {strides = array<i32>} : memref<8192xf32, #tpu.memory_space<vmem>>, vector<16xf32>,
      tpu.vector_store %arg12[%swap3A_1466], %get3A_1462 {strides = array<i32>} : memref<8192xf32, #tpu.memory_space<vmem>>, vector<16xf32>,
    }
    %scan3A_1422 = arith.constant 128 : i32
    %add3A_1423 = arith.constant 384 : i32
    %add3A_1424 = arith.addi %mul3A_2, %add3A_1423 : i32
    %mul3A_1425 = arith.constant 64 : i32
    %mul3A_1426 = arith.muli %add3A_1424, %mul3A_1425 : i32
    "tpu.region"() ({
      %run_scoped3A = tpu.sem_alloc : memref<!tpu.dma_semaphore, #tpu.memory_space<semaphore_mem>>
      %dma_start3A_1427 = tpu.memref_slice %arg6[%mul3A_1426] : memref<1048576xf32, #tpu.memory_space<hbm>> -> memref<8192xf32, #tpu.memory_space<hbm>>
      %dma_start3A_1428 = tpu.memref_slice %arg6[%mul3A_1426] : memref<1048576xf32, #tpu.memory_space<hbm>> -> memref<8192xf32, #tpu.memory_space<hbm>>
      tpu.enqueue_dma source(%arg12 : memref<8192xf32, #tpu.memory_space<vmem>>) target(%dma_start3A_1428 : memref<8192xf32, #tpu.memory_space<hbm>>) target_semaphore(%run_scoped3A : memref<!tpu.dma_semaphore, #tpu.memory_space<semaphore_mem>>)
      %dma_wait3A = tpu.memref_slice %arg6[%mul3A_1426] : memref<1048576xf32, #tpu.memory_space<hbm>> -> memref<8192xf32, #tpu.memory_space<hbm>>
      %dma_wait3A_1429 = tpu.memref_slice %arg6[%mul3A_1426] : memref<1048576xf32, #tpu.memory_space<hbm>> -> memref<8192xf32, #tpu.memory_space<hbm>>
      tpu.wait_dma2 semaphore(%run_scoped3A : memref<!tpu.dma_semaphore, #tpu.memory_space<semaphore_mem>>) src(%arg12 : memref<8192xf32, #tpu.memory_space<vmem>>) dst(%dma_wait3A_1429 : memref<8192xf32, #tpu.memory_space<hbm>>)
      tpu.yield
    }) : () -> ()
    return
  }
}

</mosaic_0001>

<sc_bundles>
// kernel: kernel.3.cloned.1.call-start
scs
__scs_entry_jumppad:
0x0: {  	(pc) =	sbr.rel $0x88, $3  }
0x1: {  	(tag) =	ssettag $0x0;
	lr =	simm.s32 $0x1  }
0x2: {  	[smem:$0x3F9D] =	sst lr;
	_ =	strace $0xD0000000  }
0x3: {  	_ = 	snop  }
0x4: {  	_ = 	snop  }
0x5: {  	_ = 	snop  }
0x6: {  	_ = 	snop  }
0x7: {  	_ = 	snop  }
__scs_overlays_trampoline_lowered:
0x8: {  	[smem:$0x3FAC] =	sst s0  }
0x9: {  	[smem:$0x3FAD] =	sst s1  }
0xa: {  	[smem:$0x3FAE] =	sst s2  }
0xb: {  	[smem:$0x3FAF] =	sst s3  }
0xc: {  	[smem:$0x3FB0] =	sst s4  }
0xd: {  	[smem:$0x3FB1] =	sst s5  }
0xe: {  	[smem:$0x3FB2] =	sst s6  }
0xf: {  	[smem:$0x3FB3] =	sst s7  }
0x10: {  	[smem:$0x3FB4] =	sst s8  }
0x11: {  	[smem:$0x3FB5] =	sst s9;
	s0 =	simm.s32 @!p0 $0x0  }
0x12: {  	s1 =	sld [smem:$0x3F9B];
	s0 =	simm.s32 @p0 $0x1  }
0x13: {  	[smem:$0x3FB6] =	sst s0;
	s0 =	simm.s32 @!p1 $0x0  }
0x14: {  	s2 =	sld [smem:$0x3F9A];
	s0 =	simm.s32 @p1 $0x1  }
0x15: {  	[smem:$0x3FB7] =	sst s0;
	s0 =	simm.s32 @!p2 $0x0  }
0x16: {  	s3 =	sld [smem:$0x3FDB];
	s0 =	simm.s32 @p2 $0x1  }
0x17: {  	s4 =	simm.s32 $0x1BF5;
	[smem:$0x3FB9] =	sst s0  }
0x18: {  	s0 =	sld [smem:$0x3F9C];
	_ =	swait.ge [sflag:s4], $0x0  }
0x19: {  	s7 =	sld [smem:$0x3F9D]  }
0x1a: {  	s8 =	sadd.s32 $0xFFFFE003, lr  }
0x1b: {  	s9 =	sadd.s32 $0xFFFFFEF7, lr;
	s5 =	simm.s32 $0xFFFFFFFF;
	p2 =	slt.u32 s8, $0xFFFFF086  }
0x1c: {  	p1 =	slt.u32 s9, $0xF7A;
	s5 =	simm.s32 @!p2 $0x0  }
0x1d: {  	s5 =	simm.s32 @p1 $0x1;
	p0 =	seq.s32 s7, s2  }
0x1e: {  	s7 =	smul.u32 @!p0 $0xF7A, s2;
	p2 =	seq.s32 @!p0 s5, $0x0  }
0x1f: {  	s9 =	smul.u32 $0xF7A, s1;
	s8 =	simm.s32 @!p0 $0x1BF5;
	p2 =	por !p2, p0  }
0x20: {  	[sflag:s8] =	ssyncset.s32 @!p0 $0xFFFFF086;
	s6 =	sadd.s32 @!p0 s3, s7;
	s7 =	simm.s32 @!p0 $0x108  }
0x21: {  	s3 =	sadd.s32 s3, s9;
	s6 =	sadd.s32 @!p0 $0x88, s6;
	s7 =	simm.s32 @p2 $0x1082  }
0x22: {  	[simem:s7], [sflag:s8] =	dma.local @!p0 [hbm:s6], $0xF7A  }
0x23: {  	s9 =	sor.u32 $0xD0000000, s2;
	s6 =	simm.s32 $0x108;
	_ =	swait.ge @!p0 [sflag:s8], $0x0  }
0x24: {  	s3 =	sadd.s32 $0x88, s3;
	s6 =	simm.s32 @!p1 $0x1082;
	[sflag:s4] =	ssyncset.s32 $0xFFFFF086  }
0x25: {  	[simem:s6], [sflag:s4] =	dma.local [hbm:s3], $0xF7A  }
0x26: {  	[smem:$0x3F9D] =	sst s1;
	(tag) =	ssettag s2;
	_ =	strace s9  }
0x27: {  	s1 =	sld [smem:$0x3FAD]  }
0x28: {  	s2 =	sld [smem:$0x3FAE]  }
0x29: {  	s4 =	sld [smem:$0x3FB0]  }
0x2a: {  	p0 =	seq.s32 s5, $0x0;
	s5 =	sld [smem:$0x3FB1]  }
0x2b: {  	s6 =	sld [smem:$0x3FB2]  }
0x2c: {  	s7 =	sld [smem:$0x3FB3]  }
0x2d: {  	s3 =	simm.s32 $0x108;
	s8 =	sld [smem:$0x3FB4]  }
0x2e: {  	s3 =	simm.s32 @!p0 $0x1082;
	s9 =	sld [smem:$0x3FB5]  }
0x2f: {  	lr =	sadd.s32 s0, s3;
	s0 =	sld [smem:$0x3FAC]  }
0x30: {  	s3 =	sld [smem:$0x3FAF]  }
0x31: {  	[smem:$0x3FB8] =	sst s10  }
0x32: {  	s10 =	sld [smem:$0x3FB6];
	_ =	sdelay $0x3  }
0x33: {  	p0 =	seq.s32 s10, $0x1;
	s10 =	sld [smem:$0x3FB8];
	_ =	sdelay $0x3  }
0x34: {  	[smem:$0x3FB8] =	sst s10  }
0x35: {  	s10 =	sld [smem:$0x3FB7];
	_ =	sdelay $0x3  }
0x36: {  	p1 =	seq.s32 s10, $0x1;
	s10 =	sld [smem:$0x3FB8];
	_ =	sdelay $0x3  }
0x37: {  	[smem:$0x3FB8] =	sst s10  }
0x38: {  	s10 =	sld [smem:$0x3FB9]  }
0x39: {  	_ = 	snop;
	(pc) =	sbr.ind lr, $3  }
0x3a: {  	_ = 	snop  }
0x3b: {  	_ = 	snop  }
0x3c: {  	p2 =	seq.s32 s10, $0x1;
	s10 =	sld [smem:$0x3FB8]  }
0x3d: {  	_ =	shalt  }
0x3e: {  	_ =	shalt  }
0x3f: {  	_ =	shalt  }
0x40: {  	_ =	shalt  }
0x41: {  	_ =	shalt  }
0x42: {  	_ =	shalt  }
0x43: {  	_ =	shalt  }
0x44: {  	_ =	shalt  }
0x45: {  	_ =	shalt  }
0x46: {  	_ =	shalt  }
0x47: {  	_ =	shalt  }
0x48: {  	_ =	shalt  }
0x49: {  	_ =	shalt  }
0x4a: {  	_ =	shalt  }
0x4b: {  	_ =	shalt  }
0x4c: {  	_ =	shalt  }
0x4d: {  	_ =	shalt  }
0x4e: {  	_ =	shalt  }
0x4f: {  	_ =	shalt  }
0x50: {  	_ =	shalt  }
0x51: {  	_ =	shalt  }
0x52: {  	_ =	shalt  }
0x53: {  	_ =	shalt  }
0x54: {  	_ =	shalt  }
0x55: {  	_ =	shalt  }
0x56: {  	_ =	shalt  }
0x57: {  	_ =	shalt  }
0x58: {  	_ =	shalt  }
0x59: {  	_ =	shalt  }
0x5a: {  	_ =	shalt  }
0x5b: {  	_ =	shalt  }
0x5c: {  	_ =	shalt  }
0x5d: {  	_ =	shalt  }
0x5e: {  	_ =	shalt  }
0x5f: {  	_ =	shalt  }
0x60: {  	_ =	shalt  }
0x61: {  	_ =	shalt  }
0x62: {  	_ =	shalt  }
0x63: {  	_ =	shalt  }
0x64: {  	_ =	shalt  }
0x65: {  	_ =	shalt  }
0x66: {  	_ =	shalt  }
0x67: {  	_ =	shalt  }
0x68: {  	_ =	shalt  }
0x69: {  	_ =	shalt  }
0x6a: {  	_ =	shalt  }
0x6b: {  	_ =	shalt  }
0x6c: {  	_ =	shalt  }
0x6d: {  	_ =	shalt  }
0x6e: {  	_ =	shalt  }
0x6f: {  	_ =	shalt  }
0x70: {  	_ =	shalt  }
0x71: {  	_ =	shalt  }
0x72: {  	_ =	shalt  }
0x73: {  	_ =	shalt  }
0x74: {  	_ =	shalt  }
0x75: {  	_ =	shalt  }
0x76: {  	_ =	shalt  }
0x77: {  	_ =	shalt  }
0x78: {  	_ =	shalt  }
0x79: {  	_ =	shalt  }
0x7a: {  	_ =	shalt  }
0x7b: {  	_ =	shalt  }
0x7c: {  	_ =	shalt  }
0x7d: {  	_ =	shalt  }
0x7e: {  	_ =	shalt  }
0x7f: {  	_ =	shalt  }
0x80: {  	_ =	shalt  }
0x81: {  	_ =	shalt  }
0x82: {  	_ =	shalt  }
0x83: {  	_ =	shalt  }
0x84: {  	_ =	shalt  }
0x85: {  	_ =	shalt  }
0x86: {  	_ =	shalt  }
0x87: {  	_ =	shalt  }
.Lfunc_end0:
.L_simem_size_0:
called_computation_lowered:
.L_overlay_start_0:
0x88: {  	s2 =	sld [smem:$0x3FD9]  }
0x89: {  	s3 =	sld [smem:$0x3FFE];
	_ =	sdelay $0x1  }
0x8a: {  	s1 =	srdreg.scid  }
0x8b: {  	s0 =	sand.u32 $0x1, s1  }
0x8c: {  	s17 =	sshll.u32 s0, $0xA;
	s2 =	sadd.s32 s3, s2  }
0x8d: {  	s2 =	sadd.s32 s2, s17  }
0x8e: {  	[smem:$0x3FC4] =	sst s2  }
0x8f: {  	_ = 	snop  }
0x90: {  	s2 =	sld [smem:$0x3FC9]  }
0x91: {  	s18 =	sld [smem:$0x3FC8]  }
0x92: {  	s4 =	sld [smem:$0x3FD0];
	(tm) =	ssettm $0x1  }
0x93: {  	s5 =	sld [smem:$0x3FFB];
	_ =	sdelay $0x3  }
0x94: {  	_ =	strace s5  }
0x95: {  	s5 =	sld [smem:$0x3FFC];
	_ =	sdelay $0x3  }
0x96: {  	_ =	strace s5  }
0x97: {  	s5 =	sld [smem:$0x3FFD];
	_ =	sdelay $0x3  }
0x98: {  	_ =	strace s5  }
0x99: {  	_ =	strace $0x8FFFFFFF  }
0x9a: {  	s19 =	sld [smem:$0x3FDB];
	_ =	sdelay $0x1  }
0x9b: {  	s6 =	simm.s32 $_scs_section_size  }
0x9c: {  	s7 =	simm.s32 $_size__tile_overlayer_lowered;
	s8 =	simm.s32 $_tile_overlayer_lowered  }
0x9d: {  	s22 =	simm.s32 $0x1BFF;
	s21 =	sshll.u32 s8, $0x1;
	s5 =	sadd.s32 s6, s19  }
0x9e: {  	s9 =	simm.s32 $0x0;
	s20 =	sshll.u32 s7, $0x1;
	s7 =	sadd.s32 s21, s5  }
0x9f: {  	[timem:s9], [sflag:s22] =	dma.local [hbm:s7], s20  }
0xa0: {  	_ =	swait.ge [sflag:s22], s20  }
0xa1: {  	s6 =	ssub.s32 $0x0, s20;
	[sflag:s22] =	ssyncset.done $0x0  }
0xa2: {  	[sflag:s22] =	ssyncadd.s32 s6;
	_ =	sdelay $0x1  }
0xa3: {  	s23 =	simm.s32 $0x1B8B  }
0xa4: {  	_ =	swait.ge [sflag:s23], $0x1  }
0xa5: {  	[sflag:s23] =	ssyncset.done $0x0  }
0xa6: {  	s25 =	simm.s32 $0x1B8E;
	s24 =	sld [smem:$0x3FFE];
	[sflag:s23] =	ssyncadd.s32 $0xFFFFFFFF  }
0xa7: {  	s26 =	simm.s32 $execute0_lowered;
	[smem:$0x3FD2] =	sst s25  }
0xa8: {  	s7 =	sshll.u32 s26, $0x1;
	_ =	strace $0x80000046;
	[dreg:$0x1] =	wrdreg $0xFFFFFFFF  }
0xa9: {  	s28 =	simm.s32 $_size_execute0_lowered;
	s5 =	sadd.s32 s5, s7;
	[dreg:$0x0] =	wrdreg $0x0  }
0xaa: {  	s7 =	sshll.u32 s28, $0x1;
	[dreg:$0x2] =	wrdreg s5  }
0xab: {  	[dreg:$0x3] =	wrdreg s7  }
0xac: {  	[dreg:$0x4] =	wrdreg $0xC0  }
0xad: {  	_ =	task [dreg:s9], $0x5FFFF  }
0xae: {  	[dreg:$0x1] =	wrdreg $0xFFFFFFFF  }
0xaf: {  	[dreg:$0x0] =	wrdreg $0x60  }
0xb0: {  	[dreg:$0x2] =	wrdreg s2  }
0xb1: {  	[dreg:$0x3] =	wrdreg s18  }
0xb2: {  	[dreg:$0x4] =	wrdreg s24  }
0xb3: {  	[dreg:$0x5] =	wrdreg s4  }
0xb4: {  	[dreg:$0x6] =	wrdreg $0x0  }
0xb5: {  	[dreg:$0x7] =	wrdreg $0x9  }
0xb6: {  	_ =	task.clear_ibuf [dreg:s9], $0x8FFFF;
	_ =	strace $0x90000046  }
0xb7: {  	s29 =	simm.s32 $0x9;
	_ =	strace $0x80000048  }
0xb8: {  	_ =	swait.ge [sflag:s29], $0x1  }
0xb9: {  	[sflag:s29] =	ssyncadd.s32 $0xFFFFFFFF  }
0xba: {  	_ =	strace $0x90000048  }
0xbb: {  	_ =	sfence  }
0xbc: {  	s30 =	sld [smem:$0x0];
	_ =	sdelay $0x2  }
0xbd: {  	s31 =	sshll.u32 s1, $0xD;
	s1 =	sshrl.u32 s1, $0x2  }
0xbe: {  	s3 =	sand.u32 $0x4000, s31;
	s1 =	sadd.s32 s1, s30  }
0xbf: {  	s0 =	sor.u32 s3, s0;
	s1 =	sshll.u32 s1, $0x11  }
0xc0: {  	s0 =	sor.u32 s1, s0  }
0xc1: {  	s0 =	sadd.s32 $0x8F2B, s0  }
0xc2: {  	[sflag:s0] =	ssyncadd.remote.s32 $0x1  }
0xc3: {  	_ =	sfence.sel $0xFFFF  }
0xc4: {  	[dreg:$0x0] =	wrdreg $0xFFFFFFFF;
	(pc) =	sbr.abs _section_cstart, $3  }
0xc5: {  	[dreg:$0x1] =	wrdreg $0xFFFFFFFF  }
0xc6: {  	_ =	task.clear_ibuf [dreg:s9], $0x2FFFF;
	_ =	strace $0x9FFFFFFF  }
0xc7: {  	(tm) =	ssettm $0x7FFFFFFF  }
tec
execute0_lowered:
.L_overlay_start_1:
0x0: {  	(tag) =	ssettag $0x1  }
0x1: {  	s0 =	rddreg [dreg:$0x0]  }
0x2: {  	s2 =	rddreg [dreg:$0x1]  }
0x3: {  	s5 =	rddreg [dreg:$0x2]  }
0x4: {  	s7 =	rddreg [dreg:$0x3]  }
0x5: {  	s1 =	rddreg [dreg:$0x4]  }
0x6: {  	s3 =	simm.s32 $0x0;
	s4 =	srdreg.scid;
	s11 =	stileid.u32  }
0x7: {  	s15 =	simm.s32 $0x3;
	s17 =	simm.s32 $0x20000;
	s18 =	simm.s32 $0xC200  }
0x8: {  	s19 =	simm.s32 $0x11400;
	s20 =	simm.s32 $0x11200;
	s21 =	simm.s32 $0x4000  }
0x9: {  	s22 =	simm.s32 $0x11280;
	s23 =	simm.s32 $0x8000;
	s24 =	simm.s32 $0xF200  }
0xa: {  	s25 =	simm.s32 $0x0;
	[smem:$0x7FF] =	sst s3;
	s6 =	sand.u32 $0x1, s4  }
0xb: {  	v6 =	vlaneseq.u32;
	s9 =	sshll.u32 s11, $0x1;
	s4 =	sadd.s32 $0x400, s5;
	s5 =	sadd.s32 $0x2DC7000, s5  }
0xc: {  	s14 =	sshll.u32 s11, $0x7;
	s31 =	sshll.u32 s11, $0xE;
	v1 =	vor.u32 $0x10, v6;
	s8 =	ssub.s32 $0x2, s6  }
0xd: {  	v2 =	vor.u32 $0x20, v6;
	v3 =	vor.u32 $0x30, v6;
	v4 =	vor.u32 $0x40, v6;
	_ =	strace $0x80000047;
	s9 =	sor.u32 s6, s9;
	s10 =	sshrl.u32 s8, $0x1  }
0xe: {  	v5 =	vor.u32 $0x50, v6;
	v7 =	vor.u32 $0x60, v6;
	v8 =	vor.u32 $0x70, v6;
	s6 =	sshll.u32 s9, $0x6;
	s29 =	sshll.u32 s9, $0xC;
	s30 =	sshll.u32 s9, $0x9  }
0xf: {  	v0 =	vor.u32 s14, v6;
	v1 =	vor.u32 s14, v1;
	v2 =	vor.u32 s14, v2;
	s9 =	sadd.s32 s31, s1;
	s13 =	ssub.s32 s8, s10;
	s7 =	sadd.s32 s7, s29  }
0x10: {  	v3 =	vor.u32 s14, v3;
	v4 =	vor.u32 s14, v4;
	v5 =	vor.u32 s14, v5;
	s6 =	sadd.s32 s0, s6;
	s8 =	sadd.s32 s2, s30;
	s10 =	sadd.s32 $0x400, s7  }
0x11: {  	v6 =	vor.u32 s14, v7;
	v7 =	vor.u32 s14, v8;
	v8 =	vimm.f32 $0.0e+00;
	s11 =	sadd.s32 $0x800, s7;
	s12 =	sadd.s32 $0xC00, s7;
	s13 =	smax.u32 s13, $0x1  }
.LBB2_1:
0x12: {  	s0 =	simm.s32 $0xC000  }
0x13: {  	[tilespmem:s0], [sflag:$0x3] =	stream.linear.gather [hbm4b:s6+s3], $0x200, $0x38;
	[tilespmem:$0x15400] =	vst v63  }
0x14: {  	_ =	swait.ge [sflag:s15], $0x200  }
0x15: {  	[sflag:s15] =	ssyncset.done $0x0  }
0x16: {  	s31 =	simm.s32 $0x1000;
	[sflag:s15] =	ssyncadd.s32 $0xFFFFFE00  }
0x17: {  	[tilespmem:s18], [sflag:$0x3] =	stream.strided.gather [hbm4b:s8+s31], $0x3000, s17, s31, $0x38;
	[tilespmem:$0x15400] =	vst v63  }
0x18: {  	_ =	swait.ge [sflag:s15], $0x3000  }
0x19: {  	[sflag:s15] =	ssyncset.done $0x0  }
0x1a: {  	s2 =	sand.u32 $0x3FF0, s3;
	s0 =	simm.s32 $0x10;
	[sflag:s15] =	ssyncadd.s32 $0xFFFFD000  }
.LBB2_2:
0x1b: {  	p0 =	sne.s32 s0, $0x3FF0;
	[tilespmem:s2+$0x11400] =	vst v8;
	s2 =	smov.u32 s0;
	s0 =	sadd.s32 $0x10, s0  }
.Ltmp0:
0x1c: {  	(pc) =	sbr.rel @p0 .LBB2_2-.Ltmp0, $2  }
0x1d: {  	_ =	sdelay $0x2  }
0x1e: {  	s2 =	sand.u32 $0x3FF0, s2  }
0x1f: {  	[tilespmem:s2+$0x11400] =	vst v8  }
0x20: {  	[spmem:s9] =	stream.linear.scatter [tilespmem:s19], [sflag:$0x3], $0x4000, $0x38;
	[tilespmem:$0x15400] =	vst v63  }
0x21: {  	_ =	swait.ge [sflag:s15], $0x4000  }
0x22: {  	[sflag:s15] =	ssyncset.done $0x0  }
0x23: {  	[sflag:s15] =	ssyncadd.s32 $0xFFFFC000  }
0x24: {  	v9 =	vld [tilespmem:$0xC000]  }
0x25: {  	v10 =	vld [tilespmem:$0xC010];
	[tilespmem:$0x11300] =	vst v0  }
0x26: {  	[tilespmem:$0x11310] =	vst v1  }
0x27: {  	[tilespmem:$0x11320] =	vst v2  }
0x28: {  	v11 =	vld [tilespmem:$0xC020];
	[tilespmem:$0x11330] =	vst v3  }
0x29: {  	[tilespmem:$0x11200] =	vst v9;
	v9 =	vld [tilespmem:$0xC030]  }
0x2a: {  	[tilespmem:$0x11210] =	vst v10;
	v10 =	vld [tilespmem:$0xC040]  }
0x2b: {  	[tilespmem:$0x11340] =	vst v4  }
0x2c: {  	[tilespmem:$0x11350] =	vst v5  }
0x2d: {  	[tilespmem:$0x11220] =	vst v11;
	v11 =	vld [tilespmem:$0xC050]  }
0x2e: {  	[tilespmem:$0x11230] =	vst v9;
	v9 =	vld [tilespmem:$0xC060]  }
0x2f: {  	[tilespmem:$0x11240] =	vst v10;
	v10 =	vld [tilespmem:$0xC070]  }
0x30: {  	[tilespmem:$0x11360] =	vst v6  }
0x31: {  	[tilespmem:$0x11370] =	vst v7  }
0x32: {  	[tilespmem:$0x11250] =	vst v11  }
0x33: {  	[tilespmem:$0x11260] =	vst v9  }
0x34: {  	s26 =	simm.s32 $0x80;
	[tilespmem:$0x11270] =	vst v10  }
0x35: {  	[tilespmem:s21], [sflag:$0x1] =	stream.indirect.gather [hbm4b:s4+s26], $0x80, s20, s26, $0xb8;
	[tilespmem:$0x15400] =	vst v63  }
0x36: {  	v9 =	vld [tilespmem:$0xC200];
	[tilespmem:$0x11380] =	vst v0  }
0x37: {  	[tilespmem:$0x11390] =	vst v1  }
0x38: {  	[tilespmem:$0x113A0] =	vst v2  }
0x39: {  	[tilespmem:$0x113B0] =	vst v3  }
0x3a: {  	v10 =	vld [tilespmem:$0xC210];
	[tilespmem:$0x113C0] =	vst v4  }
0x3b: {  	[tilespmem:$0x11280] =	vst v9;
	v9 =	vld [tilespmem:$0xC250]  }
0x3c: {  	v11 =	vld [tilespmem:$0xC220];
	[tilespmem:$0x113D0] =	vst v5  }
0x3d: {  	v12 =	vld [tilespmem:$0xC230];
	[tilespmem:$0x113E0] =	vst v6  }
0x3e: {  	v13 =	vld [tilespmem:$0xC240];
	[tilespmem:$0x113F0] =	vst v7  }
0x3f: {  	[tilespmem:$0x11290] =	vst v10;
	v10 =	vld [tilespmem:$0xC260]  }
0x40: {  	[tilespmem:$0x112D0] =	vst v9;
	v9 =	vld [tilespmem:$0xC270]  }
0x41: {  	[tilespmem:$0x112A0] =	vst v11  }
0x42: {  	s0 =	simm.s32 $0x0;
	[tilespmem:$0x112B0] =	vst v12  }
0x43: {  	s0 =	sand.u32 $0x1, s0;
	[tilespmem:$0x112C0] =	vst v13  }
0x44: {  	p0 =	seq.s32 s0, $0x1;
	[tilespmem:$0x112E0] =	vst v10  }
0x45: {  	s0 =	simm.s32 @p0 $0x2;
	[tilespmem:$0x112F0] =	vst v9  }
0x46: {  	[tilespmem:s23], [sflag:$0x2] =	stream.indirect.gather [hbm4b:s5+s26], $0x80, s22, s26, $0xb8;
	[tilespmem:$0x15400] =	vst v63  }
0x47: {  	p1 =	por @p0 $0x0, $0x0;
	_ =	swait.ge @p0 [sflag:s0], $0x4000  }
0x48: {  	s2 =	simm.s32 @p0 $0x8000;
	s14 =	simm.s32 @p0 $0x80;
	[sflag:s0] =	ssyncset.done @p0 $0x0  }
0x49: {  	s16 =	simm.s32 @p0 $0x11380;
	[sflag:s0] =	ssyncadd.s32 @p0 $0xFFFFC000;
	s0 =	simm.s32 @p0 $0x3  }
0x4a: {  	[spmem:s1] =	stream.indirect.scatter.add.f32 @p0 [tilespmem:s2], [sflag:$0x3], $0x80, s16, s14, $0xb8;
	[tilespmem:$0x15400] =	vst v63  }
0x4b: {  	p1 =	por p1, !p0;
	s2 =	simm.s32 $0x200;
	_ =	swait.ge @p0 [sflag:s0], $0x4000  }
0x4c: {  	s14 =	sand.u32 @!p1 $0x300, s26;
	s2 =	sand.u32 @!p1 $0x7000, s2;
	[sflag:s0] =	ssyncset.done @p0 $0x0  }
0x4d: {  	s2 =	sor.u32 @!p1 s14, s2;
	[sflag:s0] =	ssyncadd.s32 @p0 $0xFFFFC000  }
0x4e: {  	v9 =	vld @!p1 [tilespmem:s2+$0xC200];
	_ =	sdelay $0x3  }
0x4f: {  	[tilespmem:$0x11380] =	vst @!p1 v0  }
0x50: {  	[tilespmem:$0x11280] =	vst @!p1 v9  }
0x51: {  	v9 =	vld @!p1 [tilespmem:s2+$0xC210];
	_ =	sdelay $0x3  }
0x52: {  	[tilespmem:$0x11390] =	vst @!p1 v1  }
0x53: {  	[tilespmem:$0x11290] =	vst @!p1 v9  }
0x54: {  	v9 =	vld @!p1 [tilespmem:s2+$0xC220];
	_ =	sdelay $0x3  }
0x55: {  	[tilespmem:$0x113A0] =	vst @!p1 v2  }
0x56: {  	[tilespmem:$0x112A0] =	vst @!p1 v9  }
0x57: {  	v9 =	vld @!p1 [tilespmem:s2+$0xC230];
	_ =	sdelay $0x3  }
0x58: {  	[tilespmem:$0x113B0] =	vst @!p1 v3  }
0x59: {  	[tilespmem:$0x112B0] =	vst @!p1 v9  }
0x5a: {  	v9 =	vld @!p1 [tilespmem:s2+$0xC240];
	_ =	sdelay $0x3  }
0x5b: {  	[tilespmem:$0x113C0] =	vst @!p1 v4  }
0x5c: {  	[tilespmem:$0x112C0] =	vst @!p1 v9  }
0x5d: {  	v9 =	vld @!p1 [tilespmem:s2+$0xC250];
	_ =	sdelay $0x3  }
0x5e: {  	[tilespmem:$0x113D0] =	vst @!p1 v5  }
0x5f: {  	[tilespmem:$0x112D0] =	vst @!p1 v9  }
0x60: {  	v9 =	vld @!p1 [tilespmem:s2+$0xC260];
	_ =	sdelay $0x3  }
0x61: {  	[tilespmem:$0x113E0] =	vst @!p1 v6  }
0x62: {  	[tilespmem:$0x112E0] =	vst @!p1 v9  }
0x63: {  	v9 =	vld @!p1 [tilespmem:s2+$0xC270];
	_ =	sdelay $0x3  }
0x64: {  	s16 =	simm.s32 @!p1 $0x8000;
	[tilespmem:$0x113F0] =	vst @!p1 v7  }
0x65: {  	s14 =	simm.s32 @!p1 $0x11280;
	s0 =	simm.s32 @!p0 $0x1;
	s2 =	simm.s32 @!p1 $0x80;
	[tilespmem:$0x112F0] =	vst @!p1 v9  }
0x66: {  	[tilespmem:s16], [sflag:$0x2] =	stream.indirect.gather @!p1 [hbm4b:s5+s2], $0x80, s14, s2, $0xb8;
	[tilespmem:$0x15400] =	vst v63  }
0x67: {  	s2 =	simm.s32 @!p0 $0x11300;
	s14 =	simm.s32 @!p0 $0x4000;
	_ =	swait.ge @!p0 [sflag:s0], $0x4000  }
0x68: {  	p1 =	por @!p0 $0x0, $0x0;
	s16 =	simm.s32 @!p0 $0x80;
	[sflag:s0] =	ssyncset.done @!p0 $0x0  }
0x69: {  	p2 =	por p1, p0;
	[sflag:s0] =	ssyncadd.s32 @!p0 $0xFFFFC000;
	s0 =	simm.s32 @!p0 $0x3  }
0x6a: {  	[spmem:s1] =	stream.indirect.scatter.add.f32 @!p0 [tilespmem:s14], [sflag:$0x3], $0x80, s2, s16, $0xb8;
	[tilespmem:$0x15400] =	vst v63  }
0x6b: {  	s2 =	simm.s32 @!p2 $0x0;
	s14 =	simm.s32 @!p2 $0x0;
	_ =	swait.ge @!p0 [sflag:s0], $0x4000  }
0x6c: {  	s2 =	sand.u32 @!p2 $0x3000, s2;
	s14 =	sand.u32 @!p2 $0x300, s14;
	[sflag:s0] =	ssyncset.done @!p0 $0x0  }
0x6d: {  	s14 =	sor.u32 @!p2 s14, s2;
	[sflag:s0] =	ssyncadd.s32 @!p0 $0xFFFFC000  }
0x6e: {  	v9 =	vld @!p2 [tilespmem:s14+$0xC280];
	_ =	sdelay $0x3  }
0x6f: {  	[tilespmem:$0x11300] =	vst @!p2 v0  }
0x70: {  	[tilespmem:$0x11200] =	vst @!p2 v9  }
0x71: {  	v9 =	vld @!p2 [tilespmem:s14+$0xC290];
	_ =	sdelay $0x3  }
0x72: {  	[tilespmem:$0x11310] =	vst @!p2 v1  }
0x73: {  	[tilespmem:$0x11210] =	vst @!p2 v9  }
0x74: {  	v9 =	vld @!p2 [tilespmem:s14+$0xC2A0];
	_ =	sdelay $0x3  }
0x75: {  	[tilespmem:$0x11320] =	vst @!p2 v2  }
0x76: {  	[tilespmem:$0x11220] =	vst @!p2 v9  }
0x77: {  	v9 =	vld @!p2 [tilespmem:s14+$0xC2B0];
	_ =	sdelay $0x3  }
0x78: {  	[tilespmem:$0x11330] =	vst @!p2 v3  }
0x79: {  	[tilespmem:$0x11230] =	vst @!p2 v9  }
0x7a: {  	v9 =	vld @!p2 [tilespmem:s14+$0xC2C0];
	_ =	sdelay $0x3  }
0x7b: {  	[tilespmem:$0x11340] =	vst @!p2 v4  }
0x7c: {  	[tilespmem:$0x11240] =	vst @!p2 v9  }
0x7d: {  	v9 =	vld @!p2 [tilespmem:s14+$0xC2D0];
	_ =	sdelay $0x3  }
0x7e: {  	[tilespmem:$0x11350] =	vst @!p2 v5  }
0x7f: {  	[tilespmem:$0x11250] =	vst @!p2 v9  }
0x80: {  	v9 =	vld @!p2 [tilespmem:s14+$0xC2E0];
	_ =	sdelay $0x3  }
0x81: {  	[tilespmem:$0x11360] =	vst @!p2 v6  }
0x82: {  	[tilespmem:$0x11260] =	vst @!p2 v9  }
0x83: {  	s29 =	simm.s32 $0x1;
	s30 =	simm.s32 $0x2;
	v9 =	vld @!p2 [tilespmem:s14+$0xC2F0]  }
0x84: {  	s28 =	simm.s32 $0x400;
	s31 =	sand.u32 $0x1, s29;
	s2 =	simm.s32 @!p2 $0x11200  }
0x85: {  	s0 =	simm.s32 @!p2 $0x80;
	p0 =	seq.s32 s31, $0x1;
	s14 =	simm.s32 @!p2 $0x4000;
	[tilespmem:$0x11370] =	vst @!p2 v7  }
.LBB2_4:
0x86: {  	s16 =	simm.s32 @p0 $0x2  }
0x87: {  	s26 =	sadd.s32 $0x80, s26;
	s31 =	smov.u32 s30;
	s30 =	sadd.s32 $0x1, s30  }
0x88: {  	p1 =	sne.s32 s30, $0x15;
	[tilespmem:$0x11270] =	vst @!p2 v9  }
0x89: {  	[tilespmem:s14], [sflag:$0x1] =	stream.indirect.gather @!p2 [hbm4b:s5+s0], $0x80, s2, s0, $0xb8;
	[tilespmem:$0x15400] =	vst v63  }
0x8a: {  	p2 =	sgt.u32 @p0 s29, $0x12;
	s0 =	simm.s32 @p0 $0x8000;
	_ =	swait.ge @p0 [sflag:s16], $0x4000  }
0x8b: {  	s2 =	simm.s32 @p0 $0x80;
	s14 =	simm.s32 @p0 $0x11380;
	[sflag:s16] =	ssyncset.done @p0 $0x0  }
0x8c: {  	p2 =	por p2, !p0;
	[sflag:s16] =	ssyncadd.s32 @p0 $0xFFFFC000;
	s16 =	simm.s32 @p0 $0x3  }
0x8d: {  	[spmem:s1] =	stream.indirect.scatter.add.f32 @p0 [tilespmem:s0], [sflag:$0x3], $0x80, s14, s2, $0xb8;
	[tilespmem:$0x15400] =	vst v63  }
0x8e: {  	s0 =	sand.u32 @!p2 $0x7000, s28;
	s2 =	sand.u32 @!p2 $0x300, s26;
	_ =	swait.ge @p0 [sflag:s16], $0x4000  }
0x8f: {  	s0 =	sor.u32 @!p2 s2, s0;
	[sflag:s16] =	ssyncset.done @p0 $0x0  }
0x90: {  	[sflag:s16] =	ssyncadd.s32 @p0 $0xFFFFC000  }
0x91: {  	v9 =	vld @!p2 [tilespmem:s0+$0xC200];
	_ =	sdelay $0x2  }
0x92: {  	[tilespmem:$0x11380] =	vst @!p2 v0;
	_ =	sdelay $0x1  }
0x93: {  	[tilespmem:$0x11280] =	vst @!p2 v9  }
0x94: {  	v9 =	vld @!p2 [tilespmem:s0+$0xC210];
	_ =	sdelay $0x2  }
0x95: {  	[tilespmem:$0x11390] =	vst @!p2 v1;
	_ =	sdelay $0x1  }
0x96: {  	[tilespmem:$0x11290] =	vst @!p2 v9  }
0x97: {  	v9 =	vld @!p2 [tilespmem:s0+$0xC220];
	_ =	sdelay $0x2  }
0x98: {  	[tilespmem:$0x113A0] =	vst @!p2 v2;
	_ =	sdelay $0x1  }
0x99: {  	[tilespmem:$0x112A0] =	vst @!p2 v9  }
0x9a: {  	v9 =	vld @!p2 [tilespmem:s0+$0xC230]  }
0x9b: {  	[tilespmem:$0x113B0] =	vst @!p2 v3;
	_ =	sdelay $0x3  }
0x9c: {  	[tilespmem:$0x112B0] =	vst @!p2 v9  }
0x9d: {  	v9 =	vld @!p2 [tilespmem:s0+$0xC240]  }
0x9e: {  	[tilespmem:$0x113C0] =	vst @!p2 v4;
	_ =	sdelay $0x3  }
0x9f: {  	[tilespmem:$0x112C0] =	vst @!p2 v9  }
0xa0: {  	v9 =	vld @!p2 [tilespmem:s0+$0xC250]  }
0xa1: {  	[tilespmem:$0x113D0] =	vst @!p2 v5;
	_ =	sdelay $0x3  }
0xa2: {  	[tilespmem:$0x112D0] =	vst @!p2 v9  }
0xa3: {  	v9 =	vld @!p2 [tilespmem:s0+$0xC260]  }
0xa4: {  	[tilespmem:$0x113E0] =	vst @!p2 v6;
	_ =	sdelay $0x3  }
0xa5: {  	[tilespmem:$0x112E0] =	vst @!p2 v9  }
0xa6: {  	v9 =	vld @!p2 [tilespmem:s0+$0xC270]  }
0xa7: {  	[tilespmem:$0x113F0] =	vst @!p2 v7;
	_ =	sdelay $0x1  }
0xa8: {  	s0 =	simm.s32 @!p0 $0x1  }
0xa9: {  	s14 =	simm.s32 @!p2 $0x11280;
	s2 =	simm.s32 @!p2 $0x80;
	s16 =	simm.s32 @!p2 $0x8000  }
0xaa: {  	[tilespmem:$0x112F0] =	vst @!p2 v9  }
0xab: {  	[tilespmem:s16], [sflag:$0x2] =	stream.indirect.gather @!p2 [hbm4b:s5+s2], $0x80, s14, s2, $0xb8;
	[tilespmem:$0x15400] =	vst v63  }
0xac: {  	s2 =	simm.s32 @!p0 $0x11300;
	s14 =	simm.s32 @!p0 $0x4000;
	_ =	swait.ge @!p0 [sflag:s0], $0x4000  }
0xad: {  	p2 =	sgt.u32 @!p0 s29, $0x12;
	s16 =	simm.s32 @!p0 $0x80;
	[sflag:s0] =	ssyncset.done @!p0 $0x0  }
0xae: {  	p2 =	por p2, p0;
	[sflag:s0] =	ssyncadd.s32 @!p0 $0xFFFFC000;
	s0 =	simm.s32 @!p0 $0x3  }
0xaf: {  	[spmem:s1] =	stream.indirect.scatter.add.f32 @!p0 [tilespmem:s14], [sflag:$0x3], $0x80, s2, s16, $0xb8;
	[tilespmem:$0x15400] =	vst v63  }
0xb0: {  	s2 =	sadd.s32 @!p2 $0xFFFFFE00, s28;
	s14 =	sadd.s32 @!p2 $0xFFFFFF80, s26;
	_ =	swait.ge @!p0 [sflag:s0], $0x4000  }
0xb1: {  	s2 =	sand.u32 @!p2 $0x3000, s2;
	s14 =	sand.u32 @!p2 $0x300, s14;
	[sflag:s0] =	ssyncset.done @!p0 $0x0  }
0xb2: {  	s16 =	sor.u32 @!p2 s14, s2;
	[sflag:s0] =	ssyncadd.s32 @!p0 $0xFFFFC000;
	s0 =	simm.s32 @!p2 $0x80  }
0xb3: {  	s29 =	smov.u32 s31;
	s2 =	simm.s32 @!p2 $0x11200;
	s14 =	simm.s32 @!p2 $0x4000;
	v9 =	vld @!p2 [tilespmem:s16+$0xC280]  }
0xb4: {  	_ =	sdelay $0x2  }
0xb5: {  	[tilespmem:$0x11300] =	vst @!p2 v0  }
0xb6: {  	[tilespmem:$0x11200] =	vst @!p2 v9  }
0xb7: {  	v9 =	vld @!p2 [tilespmem:s16+$0xC290];
	_ =	sdelay $0x3  }
0xb8: {  	[tilespmem:$0x11310] =	vst @!p2 v1  }
0xb9: {  	[tilespmem:$0x11210] =	vst @!p2 v9  }
0xba: {  	v9 =	vld @!p2 [tilespmem:s16+$0xC2A0]  }
0xbb: {  	[tilespmem:$0x11320] =	vst @!p2 v2;
	_ =	sdelay $0x3  }
0xbc: {  	[tilespmem:$0x11220] =	vst @!p2 v9  }
0xbd: {  	v9 =	vld @!p2 [tilespmem:s16+$0xC2B0]  }
0xbe: {  	[tilespmem:$0x11330] =	vst @!p2 v3;
	_ =	sdelay $0x3  }
0xbf: {  	[tilespmem:$0x11230] =	vst @!p2 v9  }
0xc0: {  	v9 =	vld @!p2 [tilespmem:s16+$0xC2C0]  }
0xc1: {  	[tilespmem:$0x11340] =	vst @!p2 v4;
	_ =	sdelay $0x3  }
0xc2: {  	[tilespmem:$0x11240] =	vst @!p2 v9  }
0xc3: {  	v9 =	vld @!p2 [tilespmem:s16+$0xC2D0]  }
0xc4: {  	[tilespmem:$0x11350] =	vst @!p2 v5;
	_ =	sdelay $0x3  }
0xc5: {  	[tilespmem:$0x11250] =	vst @!p2 v9  }
0xc6: {  	v9 =	vld @!p2 [tilespmem:s16+$0xC2E0]  }
0xc7: {  	[tilespmem:$0x11360] =	vst @!p2 v6;
	_ =	sdelay $0x3  }
.Ltmp1:
0xc8: {  	[tilespmem:$0x11260] =	vst @!p2 v9;
	(pc) =	sbr.rel @p1 .LBB2_4-.Ltmp1, $4  }
0xc9: {  	v9 =	vld @!p2 [tilespmem:s16+$0xC2F0]  }
0xca: {  	[tilespmem:$0x11370] =	vst @!p2 v7  }
0xcb: {  	s16 =	sand.u32 $0x1, s29  }
0xcc: {  	s28 =	sadd.s32 $0x200, s28;
	p0 =	seq.s32 s16, $0x1  }
0xcd: {  	_ = 	snop  }
0xce: {  	s16 =	simm.s32 @p0 $0x2;
	[tilespmem:$0x11270] =	vst @!p2 v9  }
0xcf: {  	[tilespmem:s14], [sflag:$0x1] =	stream.indirect.gather @!p2 [hbm4b:s5+s0], $0x80, s2, s0, $0xb8;
	[tilespmem:$0x15400] =	vst v63  }
0xd0: {  	p1 =	sgt.u32 @p0 s29, $0x12;
	_ =	swait.ge @p0 [sflag:s16], $0x4000  }
0xd1: {  	s0 =	simm.s32 @p0 $0x8000;
	s2 =	simm.s32 @p0 $0x80;
	[sflag:s16] =	ssyncset.done @p0 $0x0  }
0xd2: {  	s14 =	simm.s32 @p0 $0x11380;
	[sflag:s16] =	ssyncadd.s32 @p0 $0xFFFFC000;
	s16 =	simm.s32 @p0 $0x3  }
0xd3: {  	[spmem:s1] =	stream.indirect.scatter.add.f32 @p0 [tilespmem:s0], [sflag:$0x3], $0x80, s14, s2, $0xb8;
	[tilespmem:$0x15400] =	vst v63  }
0xd4: {  	p1 =	por p1, !p0;
	s0 =	sadd.s32 $0x80, s26;
	_ =	swait.ge @p0 [sflag:s16], $0x4000  }
0xd5: {  	s2 =	sand.u32 @!p1 $0x7000, s28;
	s14 =	sand.u32 @!p1 $0x300, s0;
	[sflag:s16] =	ssyncset.done @p0 $0x0  }
0xd6: {  	s2 =	sor.u32 @!p1 s14, s2;
	[sflag:s16] =	ssyncadd.s32 @p0 $0xFFFFC000  }
0xd7: {  	v9 =	vld @!p1 [tilespmem:s2+$0xC200];
	_ =	sdelay $0x3  }
0xd8: {  	[tilespmem:$0x11380] =	vst @!p1 v0  }
0xd9: {  	[tilespmem:$0x11280] =	vst @!p1 v9  }
0xda: {  	v9 =	vld @!p1 [tilespmem:s2+$0xC210];
	_ =	sdelay $0x3  }
0xdb: {  	[tilespmem:$0x11390] =	vst @!p1 v1  }
0xdc: {  	[tilespmem:$0x11290] =	vst @!p1 v9  }
0xdd: {  	v9 =	vld @!p1 [tilespmem:s2+$0xC220];
	_ =	sdelay $0x3  }
0xde: {  	[tilespmem:$0x113A0] =	vst @!p1 v2  }
0xdf: {  	[tilespmem:$0x112A0] =	vst @!p1 v9  }
0xe0: {  	v9 =	vld @!p1 [tilespmem:s2+$0xC230];
	_ =	sdelay $0x3  }
0xe1: {  	[tilespmem:$0x113B0] =	vst @!p1 v3  }
0xe2: {  	[tilespmem:$0x112B0] =	vst @!p1 v9  }
0xe3: {  	v9 =	vld @!p1 [tilespmem:s2+$0xC240];
	_ =	sdelay $0x3  }
0xe4: {  	[tilespmem:$0x113C0] =	vst @!p1 v4  }
0xe5: {  	[tilespmem:$0x112C0] =	vst @!p1 v9  }
0xe6: {  	v9 =	vld @!p1 [tilespmem:s2+$0xC250];
	_ =	sdelay $0x3  }
0xe7: {  	[tilespmem:$0x113D0] =	vst @!p1 v5  }
0xe8: {  	[tilespmem:$0x112D0] =	vst @!p1 v9  }
0xe9: {  	v9 =	vld @!p1 [tilespmem:s2+$0xC260];
	_ =	sdelay $0x3  }
0xea: {  	[tilespmem:$0x113E0] =	vst @!p1 v6  }
0xeb: {  	[tilespmem:$0x112E0] =	vst @!p1 v9  }
0xec: {  	v9 =	vld @!p1 [tilespmem:s2+$0xC270];
	_ =	sdelay $0x3  }
0xed: {  	s26 =	simm.s32 @!p1 $0x8000;
	[tilespmem:$0x113F0] =	vst @!p1 v7  }
0xee: {  	s14 =	simm.s32 @!p1 $0x80;
	s16 =	simm.s32 @!p1 $0x11280;
	s2 =	simm.s32 @!p0 $0x1;
	[tilespmem:$0x112F0] =	vst @!p1 v9  }
0xef: {  	[tilespmem:s26], [sflag:$0x2] =	stream.indirect.gather @!p1 [hbm4b:s5+s14], $0x80, s16, s14, $0xb8;
	[tilespmem:$0x15400] =	vst v63  }
0xf0: {  	s14 =	simm.s32 @!p0 $0x11300;
	s16 =	simm.s32 @!p0 $0x4000;
	_ =	swait.ge @!p0 [sflag:s2], $0x4000  }
0xf1: {  	p1 =	sgt.u32 @!p0 s29, $0x12;
	s26 =	simm.s32 @!p0 $0x80;
	[sflag:s2] =	ssyncset.done @!p0 $0x0  }
0xf2: {  	p1 =	por p1, p0;
	[sflag:s2] =	ssyncadd.s32 @!p0 $0xFFFFC000;
	s2 =	simm.s32 @!p0 $0x3  }
0xf3: {  	[spmem:s1] =	stream.indirect.scatter.add.f32 @!p0 [tilespmem:s16], [sflag:$0x3], $0x80, s14, s26, $0xb8;
	[tilespmem:$0x15400] =	vst v63  }
0xf4: {  	s0 =	sadd.s32 @!p1 $0xFFFFFF80, s0;
	s14 =	sadd.s32 @!p1 $0xFFFFFE00, s28;
	_ =	swait.ge @!p0 [sflag:s2], $0x4000  }
0xf5: {  	s0 =	sand.u32 @!p1 $0x300, s0;
	s14 =	sand.u32 @!p1 $0x3000, s14;
	[sflag:s2] =	ssyncset.done @!p0 $0x0  }
0xf6: {  	s0 =	sor.u32 @!p1 s0, s14;
	[sflag:s2] =	ssyncadd.s32 @!p0 $0xFFFFC000  }
0xf7: {  	v9 =	vld @!p1 [tilespmem:s0+$0xC280];
	_ =	sdelay $0x3  }
0xf8: {  	[tilespmem:$0x11300] =	vst @!p1 v0  }
0xf9: {  	[tilespmem:$0x11200] =	vst @!p1 v9  }
0xfa: {  	v9 =	vld @!p1 [tilespmem:s0+$0xC290];
	_ =	sdelay $0x3  }
0xfb: {  	[tilespmem:$0x11310] =	vst @!p1 v1  }
0xfc: {  	[tilespmem:$0x11210] =	vst @!p1 v9  }
0xfd: {  	v9 =	vld @!p1 [tilespmem:s0+$0xC2A0];
	_ =	sdelay $0x3  }
0xfe: {  	[tilespmem:$0x11320] =	vst @!p1 v2  }
0xff: {  	[tilespmem:$0x11220] =	vst @!p1 v9  }
0x100: {  	v9 =	vld @!p1 [tilespmem:s0+$0xC2B0];
	_ =	sdelay $0x3  }
0x101: {  	[tilespmem:$0x11330] =	vst @!p1 v3  }
0x102: {  	[tilespmem:$0x11230] =	vst @!p1 v9  }
0x103: {  	v9 =	vld @!p1 [tilespmem:s0+$0xC2C0];
	_ =	sdelay $0x3  }
0x104: {  	[tilespmem:$0x11340] =	vst @!p1 v4  }
0x105: {  	[tilespmem:$0x11240] =	vst @!p1 v9  }
0x106: {  	v9 =	vld @!p1 [tilespmem:s0+$0xC2D0];
	_ =	sdelay $0x3  }
0x107: {  	[tilespmem:$0x11350] =	vst @!p1 v5  }
0x108: {  	[tilespmem:$0x11250] =	vst @!p1 v9  }
0x109: {  	v9 =	vld @!p1 [tilespmem:s0+$0xC2E0];
	_ =	sdelay $0x3  }
0x10a: {  	[tilespmem:$0x11360] =	vst @!p1 v6  }
0x10b: {  	[tilespmem:$0x11260] =	vst @!p1 v9  }
0x10c: {  	v9 =	vld @!p1 [tilespmem:s0+$0xC2F0];
	_ =	sdelay $0x3  }
0x10d: {  	[tilespmem:$0x11370] =	vst @!p1 v7  }
0x10e: {  	s14 =	simm.s32 @!p1 $0x4000;
	s2 =	simm.s32 @!p1 $0x11200;
	s0 =	simm.s32 @!p1 $0x80;
	[tilespmem:$0x11270] =	vst @!p1 v9  }
0x10f: {  	[tilespmem:s14], [sflag:$0x1] =	stream.indirect.gather @!p1 [hbm4b:s5+s0], $0x80, s2, s0, $0xb8;
	[tilespmem:$0x15400] =	vst v63  }
0x110: {  	_ = 	snop  }
0x111: {  	[tilespmem:s19], [sflag:$0x3] =	stream.linear.gather [spmem:s9], $0x4000, $0x38;
	[tilespmem:$0x15400] =	vst v63  }
0x112: {  	_ =	swait.ge [sflag:s15], $0x4000  }
0x113: {  	[sflag:s15] =	ssyncset.done $0x0  }
0x114: {  	s31 =	simm.s32 $0x0;
	[sflag:s15] =	ssyncadd.s32 $0xFFFFC000  }
0x115: {  	v9 =	vld [tilespmem:s31+$0x11400];
	_ =	sdelay $0x3  }
0x116: {  	s0 =	simm.s32 $0xF220  }
0x117: {  	[tilespmem:s0+$0xFFFFFFE0] =	vst v9  }
0x118: {  	v9 =	vld [tilespmem:s31+$0x11410];
	_ =	sdelay $0x4  }
0x119: {  	[tilespmem:s0+$0xFFFFFFF0] =	vst v9  }
0x11a: {  	v9 =	vld [tilespmem:s31+$0x11420];
	_ =	sdelay $0x4  }
0x11b: {  	[tilespmem:s0+$0x0] =	vst v9  }
0x11c: {  	v9 =	vld [tilespmem:s31+$0x11430];
	_ =	sdelay $0x4  }
0x11d: {  	s2 =	simm.s32 $0x80;
	s14 =	simm.s32 $0x400;
	[tilespmem:s0+$0x10] =	vst v9  }
.LBB2_6:
0x11e: {  	p0 =	sne.s32 s14, $0xFE00;
	v9 =	vld [tilespmem:s2+$0x11400];
	_ =	sdelay $0x3  }
0x11f: {  	s0 =	sadd.s32 $0x40, s0  }
0x120: {  	[tilespmem:s0+$0xFFFFFFE0] =	vst v9  }
0x121: {  	v9 =	vld [tilespmem:s2+$0x11410];
	_ =	sdelay $0x4  }
0x122: {  	[tilespmem:s0+$0xFFFFFFF0] =	vst v9  }
0x123: {  	v9 =	vld [tilespmem:s2+$0x11420];
	_ =	sdelay $0x4  }
0x124: {  	[tilespmem:s0+$0x0] =	vst v9  }
0x125: {  	v9 =	vld [tilespmem:s2+$0x11430]  }
.Ltmp2:
0x126: {  	(pc) =	sbr.rel @p0 .LBB2_6-.Ltmp2, $2  }
0x127: {  	_ =	sdelay $0x2  }
0x128: {  	s2 =	sshra.s32 s14, $0x2;
	s14 =	sadd.s32 $0x200, s14;
	[tilespmem:s0+$0x10] =	vst v9  }
0x129: {  	v9 =	vld [tilespmem:s2+$0x11400];
	_ =	sdelay $0x3  }
0x12a: {  	s0 =	sadd.s32 $0x40, s0  }
0x12b: {  	[tilespmem:s0+$0xFFFFFFE0] =	vst v9  }
0x12c: {  	v9 =	vld [tilespmem:s2+$0x11410];
	_ =	sdelay $0x4  }
0x12d: {  	[tilespmem:s0+$0xFFFFFFF0] =	vst v9  }
0x12e: {  	v9 =	vld [tilespmem:s2+$0x11420];
	_ =	sdelay $0x4  }
0x12f: {  	[tilespmem:s0+$0x0] =	vst v9  }
0x130: {  	v9 =	vld [tilespmem:s2+$0x11430];
	_ =	sdelay $0x4  }
0x131: {  	s31 =	simm.s32 $0x0;
	[tilespmem:s0+$0x10] =	vst v9  }
0x132: {  	[hbm4b:s7+s31] =	stream.linear.scatter [tilespmem:s24], [sflag:$0x3], $0x2000, $0x38;
	[tilespmem:$0x15400] =	vst v63  }
0x133: {  	_ =	swait.ge [sflag:s15], $0x2000  }
0x134: {  	[sflag:s15] =	ssyncset.done $0x0  }
0x135: {  	s2 =	sand.u32 $0x3FF0, s31;
	s0 =	simm.s32 $0x10;
	[sflag:s15] =	ssyncadd.s32 $0xFFFFE000  }
.LBB2_8:
0x136: {  	p0 =	sne.s32 s0, $0x3FF0;
	[tilespmem:s2+$0x11400] =	vst v8;
	s2 =	smov.u32 s0;
	s0 =	sadd.s32 $0x10, s0  }
.Ltmp3:
0x137: {  	(pc) =	sbr.rel @p0 .LBB2_8-.Ltmp3, $2  }
0x138: {  	_ =	sdelay $0x2  }
0x139: {  	s2 =	sand.u32 $0x3FF0, s2  }
0x13a: {  	[tilespmem:s2+$0x11400] =	vst v8  }
0x13b: {  	[spmem:s9] =	stream.linear.scatter [tilespmem:s19], [sflag:$0x3], $0x4000, $0x38;
	[tilespmem:$0x15400] =	vst v63  }
0x13c: {  	_ =	swait.ge [sflag:s15], $0x4000  }
0x13d: {  	[sflag:s15] =	ssyncset.done $0x0  }
0x13e: {  	[sflag:s15] =	ssyncadd.s32 $0xFFFFC000  }
0x13f: {  	v9 =	vld [tilespmem:$0xC080]  }
0x140: {  	v10 =	vld [tilespmem:$0xC090];
	[tilespmem:$0x11300] =	vst v0  }
0x141: {  	[tilespmem:$0x11310] =	vst v1  }
0x142: {  	[tilespmem:$0x11320] =	vst v2  }
0x143: {  	v11 =	vld [tilespmem:$0xC0A0];
	[tilespmem:$0x11330] =	vst v3  }
0x144: {  	[tilespmem:$0x11200] =	vst v9;
	v9 =	vld [tilespmem:$0xC0B0]  }
0x145: {  	[tilespmem:$0x11210] =	vst v10;
	v10 =	vld [tilespmem:$0xC0C0]  }
0x146: {  	[tilespmem:$0x11340] =	vst v4  }
0x147: {  	[tilespmem:$0x11350] =	vst v5  }
0x148: {  	[tilespmem:$0x11220] =	vst v11;
	v11 =	vld [tilespmem:$0xC0D0]  }
0x149: {  	[tilespmem:$0x11230] =	vst v9;
	v9 =	vld [tilespmem:$0xC0E0]  }
0x14a: {  	[tilespmem:$0x11240] =	vst v10;
	v10 =	vld [tilespmem:$0xC0F0]  }
0x14b: {  	[tilespmem:$0x11360] =	vst v6  }
0x14c: {  	[tilespmem:$0x11370] =	vst v7  }
0x14d: {  	[tilespmem:$0x11250] =	vst v11  }
0x14e: {  	[tilespmem:$0x11260] =	vst v9  }
0x14f: {  	s26 =	simm.s32 $0x80;
	[tilespmem:$0x11270] =	vst v10  }
0x150: {  	[tilespmem:s21], [sflag:$0x1] =	stream.indirect.gather [hbm4b:s4+s26], $0x80, s20, s26, $0xb8;
	[tilespmem:$0x15400] =	vst v63  }
0x151: {  	v9 =	vld [tilespmem:$0xC600];
	[tilespmem:$0x11380] =	vst v0  }
0x152: {  	[tilespmem:$0x11390] =	vst v1  }
0x153: {  	[tilespmem:$0x113A0] =	vst v2  }
0x154: {  	[tilespmem:$0x113B0] =	vst v3  }
0x155: {  	v10 =	vld [tilespmem:$0xC610];
	[tilespmem:$0x113C0] =	vst v4  }
0x156: {  	[tilespmem:$0x11280] =	vst v9;
	v9 =	vld [tilespmem:$0xC650]  }
0x157: {  	v11 =	vld [tilespmem:$0xC620];
	[tilespmem:$0x113D0] =	vst v5  }
0x158: {  	v12 =	vld [tilespmem:$0xC630];
	[tilespmem:$0x113E0] =	vst v6  }
0x159: {  	v13 =	vld [tilespmem:$0xC640];
	[tilespmem:$0x113F0] =	vst v7  }
0x15a: {  	[tilespmem:$0x11290] =	vst v10;
	v10 =	vld [tilespmem:$0xC660]  }
0x15b: {  	[tilespmem:$0x112D0] =	vst v9;
	v9 =	vld [tilespmem:$0xC670]  }
0x15c: {  	[tilespmem:$0x112A0] =	vst v11  }
0x15d: {  	s0 =	simm.s32 $0x0;
	[tilespmem:$0x112B0] =	vst v12  }
0x15e: {  	s0 =	sand.u32 $0x1, s0;
	[tilespmem:$0x112C0] =	vst v13  }
0x15f: {  	p0 =	seq.s32 s0, $0x1;
	[tilespmem:$0x112E0] =	vst v10  }
0x160: {  	s0 =	simm.s32 @p0 $0x2;
	[tilespmem:$0x112F0] =	vst v9  }
0x161: {  	[tilespmem:s23], [sflag:$0x2] =	stream.indirect.gather [hbm4b:s5+s26], $0x80, s22, s26, $0xb8;
	[tilespmem:$0x15400] =	vst v63  }
0x162: {  	p1 =	por @p0 $0x0, $0x0;
	_ =	swait.ge @p0 [sflag:s0], $0x4000  }
0x163: {  	s2 =	simm.s32 @p0 $0x8000;
	s14 =	simm.s32 @p0 $0x80;
	[sflag:s0] =	ssyncset.done @p0 $0x0  }
0x164: {  	s16 =	simm.s32 @p0 $0x11380;
	[sflag:s0] =	ssyncadd.s32 @p0 $0xFFFFC000;
	s0 =	simm.s32 @p0 $0x3  }
0x165: {  	[spmem:s1] =	stream.indirect.scatter.add.f32 @p0 [tilespmem:s2], [sflag:$0x3], $0x80, s16, s14, $0xb8;
	[tilespmem:$0x15400] =	vst v63  }
0x166: {  	p1 =	por p1, !p0;
	s2 =	simm.s32 $0x200;
	_ =	swait.ge @p0 [sflag:s0], $0x4000  }
0x167: {  	s14 =	sand.u32 @!p1 $0x300, s26;
	s2 =	sand.u32 @!p1 $0x7000, s2;
	[sflag:s0] =	ssyncset.done @p0 $0x0  }
0x168: {  	s2 =	sor.u32 @!p1 s14, s2;
	[sflag:s0] =	ssyncadd.s32 @p0 $0xFFFFC000  }
0x169: {  	v9 =	vld @!p1 [tilespmem:s2+$0xC600];
	_ =	sdelay $0x3  }
0x16a: {  	[tilespmem:$0x11380] =	vst @!p1 v0  }
0x16b: {  	[tilespmem:$0x11280] =	vst @!p1 v9  }
0x16c: {  	v9 =	vld @!p1 [tilespmem:s2+$0xC610];
	_ =	sdelay $0x3  }
0x16d: {  	[tilespmem:$0x11390] =	vst @!p1 v1  }
0x16e: {  	[tilespmem:$0x11290] =	vst @!p1 v9  }
0x16f: {  	v9 =	vld @!p1 [tilespmem:s2+$0xC620];
	_ =	sdelay $0x3  }
0x170: {  	[tilespmem:$0x113A0] =	vst @!p1 v2  }
0x171: {  	[tilespmem:$0x112A0] =	vst @!p1 v9  }
0x172: {  	v9 =	vld @!p1 [tilespmem:s2+$0xC630];
	_ =	sdelay $0x3  }
0x173: {  	[tilespmem:$0x113B0] =	vst @!p1 v3  }
0x174: {  	[tilespmem:$0x112B0] =	vst @!p1 v9  }
0x175: {  	v9 =	vld @!p1 [tilespmem:s2+$0xC640];
	_ =	sdelay $0x3  }
0x176: {  	[tilespmem:$0x113C0] =	vst @!p1 v4  }
0x177: {  	[tilespmem:$0x112C0] =	vst @!p1 v9  }
0x178: {  	v9 =	vld @!p1 [tilespmem:s2+$0xC650];
	_ =	sdelay $0x3  }
0x179: {  	[tilespmem:$0x113D0] =	vst @!p1 v5  }
0x17a: {  	[tilespmem:$0x112D0] =	vst @!p1 v9  }
0x17b: {  	v9 =	vld @!p1 [tilespmem:s2+$0xC660];
	_ =	sdelay $0x3  }
0x17c: {  	[tilespmem:$0x113E0] =	vst @!p1 v6  }
0x17d: {  	[tilespmem:$0x112E0] =	vst @!p1 v9  }
0x17e: {  	v9 =	vld @!p1 [tilespmem:s2+$0xC670];
	_ =	sdelay $0x3  }
0x17f: {  	s16 =	simm.s32 @!p1 $0x8000;
	[tilespmem:$0x113F0] =	vst @!p1 v7  }
0x180: {  	s14 =	simm.s32 @!p1 $0x11280;
	s0 =	simm.s32 @!p0 $0x1;
	s2 =	simm.s32 @!p1 $0x80;
	[tilespmem:$0x112F0] =	vst @!p1 v9  }
0x181: {  	[tilespmem:s16], [sflag:$0x2] =	stream.indirect.gather @!p1 [hbm4b:s5+s2], $0x80, s14, s2, $0xb8;
	[tilespmem:$0x15400] =	vst v63  }
0x182: {  	s2 =	simm.s32 @!p0 $0x11300;
	s14 =	simm.s32 @!p0 $0x4000;
	_ =	swait.ge @!p0 [sflag:s0], $0x4000  }
0x183: {  	p1 =	por @!p0 $0x0, $0x0;
	s16 =	simm.s32 @!p0 $0x80;
	[sflag:s0] =	ssyncset.done @!p0 $0x0  }
0x184: {  	p2 =	por p1, p0;
	[sflag:s0] =	ssyncadd.s32 @!p0 $0xFFFFC000;
	s0 =	simm.s32 @!p0 $0x3  }
0x185: {  	[spmem:s1] =	stream.indirect.scatter.add.f32 @!p0 [tilespmem:s14], [sflag:$0x3], $0x80, s2, s16, $0xb8;
	[tilespmem:$0x15400] =	vst v63  }
0x186: {  	s2 =	simm.s32 @!p2 $0x0;
	s14 =	simm.s32 @!p2 $0x0;
	_ =	swait.ge @!p0 [sflag:s0], $0x4000  }
0x187: {  	s2 =	sand.u32 @!p2 $0x3000, s2;
	s14 =	sand.u32 @!p2 $0x300, s14;
	[sflag:s0] =	ssyncset.done @!p0 $0x0  }
0x188: {  	s14 =	sor.u32 @!p2 s14, s2;
	[sflag:s0] =	ssyncadd.s32 @!p0 $0xFFFFC000  }
0x189: {  	v9 =	vld @!p2 [tilespmem:s14+$0xC680];
	_ =	sdelay $0x3  }
0x18a: {  	[tilespmem:$0x11300] =	vst @!p2 v0  }
0x18b: {  	[tilespmem:$0x11200] =	vst @!p2 v9  }
0x18c: {  	v9 =	vld @!p2 [tilespmem:s14+$0xC690];
	_ =	sdelay $0x3  }
0x18d: {  	[tilespmem:$0x11310] =	vst @!p2 v1  }
0x18e: {  	[tilespmem:$0x11210] =	vst @!p2 v9  }
0x18f: {  	v9 =	vld @!p2 [tilespmem:s14+$0xC6A0];
	_ =	sdelay $0x3  }
0x190: {  	[tilespmem:$0x11320] =	vst @!p2 v2  }
0x191: {  	[tilespmem:$0x11220] =	vst @!p2 v9  }
0x192: {  	v9 =	vld @!p2 [tilespmem:s14+$0xC6B0];
	_ =	sdelay $0x3  }
0x193: {  	[tilespmem:$0x11330] =	vst @!p2 v3  }
0x194: {  	[tilespmem:$0x11230] =	vst @!p2 v9  }
0x195: {  	v9 =	vld @!p2 [tilespmem:s14+$0xC6C0];
	_ =	sdelay $0x3  }
0x196: {  	[tilespmem:$0x11340] =	vst @!p2 v4  }
0x197: {  	[tilespmem:$0x11240] =	vst @!p2 v9  }
0x198: {  	v9 =	vld @!p2 [tilespmem:s14+$0xC6D0];
	_ =	sdelay $0x3  }
0x199: {  	[tilespmem:$0x11350] =	vst @!p2 v5  }
0x19a: {  	[tilespmem:$0x11250] =	vst @!p2 v9  }
0x19b: {  	v9 =	vld @!p2 [tilespmem:s14+$0xC6E0];
	_ =	sdelay $0x3  }
0x19c: {  	[tilespmem:$0x11360] =	vst @!p2 v6  }
0x19d: {  	[tilespmem:$0x11260] =	vst @!p2 v9  }
0x19e: {  	s29 =	simm.s32 $0x1;
	s30 =	simm.s32 $0x2;
	v9 =	vld @!p2 [tilespmem:s14+$0xC6F0]  }
0x19f: {  	s28 =	simm.s32 $0x400;
	s31 =	sand.u32 $0x1, s29;
	s2 =	simm.s32 @!p2 $0x11200  }
0x1a0: {  	s0 =	simm.s32 @!p2 $0x80;
	p0 =	seq.s32 s31, $0x1;
	s14 =	simm.s32 @!p2 $0x4000;
	[tilespmem:$0x11370] =	vst @!p2 v7  }
.LBB2_10:
0x1a1: {  	s16 =	simm.s32 @p0 $0x2  }
0x1a2: {  	s26 =	sadd.s32 $0x80, s26;
	s31 =	smov.u32 s30;
	s30 =	sadd.s32 $0x1, s30  }
0x1a3: {  	p1 =	sne.s32 s30, $0x15;
	[tilespmem:$0x11270] =	vst @!p2 v9  }
0x1a4: {  	[tilespmem:s14], [sflag:$0x1] =	stream.indirect.gather @!p2 [hbm4b:s5+s0], $0x80, s2, s0, $0xb8;
	[tilespmem:$0x15400] =	vst v63  }
0x1a5: {  	p2 =	sgt.u32 @p0 s29, $0x12;
	s0 =	simm.s32 @p0 $0x8000;
	_ =	swait.ge @p0 [sflag:s16], $0x4000  }
0x1a6: {  	s2 =	simm.s32 @p0 $0x80;
	s14 =	simm.s32 @p0 $0x11380;
	[sflag:s16] =	ssyncset.done @p0 $0x0  }
0x1a7: {  	p2 =	por p2, !p0;
	[sflag:s16] =	ssyncadd.s32 @p0 $0xFFFFC000;
	s16 =	simm.s32 @p0 $0x3  }
0x1a8: {  	[spmem:s1] =	stream.indirect.scatter.add.f32 @p0 [tilespmem:s0], [sflag:$0x3], $0x80, s14, s2, $0xb8;
	[tilespmem:$0x15400] =	vst v63  }
0x1a9: {  	s0 =	sand.u32 @!p2 $0x7000, s28;
	s2 =	sand.u32 @!p2 $0x300, s26;
	_ =	swait.ge @p0 [sflag:s16], $0x4000  }
0x1aa: {  	s0 =	sor.u32 @!p2 s2, s0;
	[sflag:s16] =	ssyncset.done @p0 $0x0  }
0x1ab: {  	[sflag:s16] =	ssyncadd.s32 @p0 $0xFFFFC000  }
0x1ac: {  	v9 =	vld @!p2 [tilespmem:s0+$0xC600];
	_ =	sdelay $0x2  }
0x1ad: {  	[tilespmem:$0x11380] =	vst @!p2 v0;
	_ =	sdelay $0x1  }
0x1ae: {  	[tilespmem:$0x11280] =	vst @!p2 v9  }
0x1af: {  	v9 =	vld @!p2 [tilespmem:s0+$0xC610];
	_ =	sdelay $0x2  }
0x1b0: {  	[tilespmem:$0x11390] =	vst @!p2 v1;
	_ =	sdelay $0x1  }
0x1b1: {  	[tilespmem:$0x11290] =	vst @!p2 v9  }
0x1b2: {  	v9 =	vld @!p2 [tilespmem:s0+$0xC620];
	_ =	sdelay $0x2  }
0x1b3: {  	[tilespmem:$0x113A0] =	vst @!p2 v2;
	_ =	sdelay $0x1  }
0x1b4: {  	[tilespmem:$0x112A0] =	vst @!p2 v9  }
0x1b5: {  	v9 =	vld @!p2 [tilespmem:s0+$0xC630]  }
0x1b6: {  	[tilespmem:$0x113B0] =	vst @!p2 v3;
	_ =	sdelay $0x3  }
0x1b7: {  	[tilespmem:$0x112B0] =	vst @!p2 v9  }
0x1b8: {  	v9 =	vld @!p2 [tilespmem:s0+$0xC640]  }
0x1b9: {  	[tilespmem:$0x113C0] =	vst @!p2 v4;
	_ =	sdelay $0x3  }
0x1ba: {  	[tilespmem:$0x112C0] =	vst @!p2 v9  }
0x1bb: {  	v9 =	vld @!p2 [tilespmem:s0+$0xC650]  }
0x1bc: {  	[tilespmem:$0x113D0] =	vst @!p2 v5;
	_ =	sdelay $0x3  }
0x1bd: {  	[tilespmem:$0x112D0] =	vst @!p2 v9  }
0x1be: {  	v9 =	vld @!p2 [tilespmem:s0+$0xC660]  }
0x1bf: {  	[tilespmem:$0x113E0] =	vst @!p2 v6;
	_ =	sdelay $0x3  }
0x1c0: {  	[tilespmem:$0x112E0] =	vst @!p2 v9  }
0x1c1: {  	v9 =	vld @!p2 [tilespmem:s0+$0xC670]  }
0x1c2: {  	[tilespmem:$0x113F0] =	vst @!p2 v7;
	_ =	sdelay $0x1  }
0x1c3: {  	s0 =	simm.s32 @!p0 $0x1  }
0x1c4: {  	s14 =	simm.s32 @!p2 $0x11280;
	s2 =	simm.s32 @!p2 $0x80;
	s16 =	simm.s32 @!p2 $0x8000  }
0x1c5: {  	[tilespmem:$0x112F0] =	vst @!p2 v9  }
0x1c6: {  	[tilespmem:s16], [sflag:$0x2] =	stream.indirect.gather @!p2 [hbm4b:s5+s2], $0x80, s14, s2, $0xb8;
	[tilespmem:$0x15400] =	vst v63  }
0x1c7: {  	s2 =	simm.s32 @!p0 $0x11300;
	s14 =	simm.s32 @!p0 $0x4000;
	_ =	swait.ge @!p0 [sflag:s0], $0x4000  }
0x1c8: {  	p2 =	sgt.u32 @!p0 s29, $0x12;
	s16 =	simm.s32 @!p0 $0x80;
	[sflag:s0] =	ssyncset.done @!p0 $0x0  }
0x1c9: {  	p2 =	por p2, p0;
	[sflag:s0] =	ssyncadd.s32 @!p0 $0xFFFFC000;
	s0 =	simm.s32 @!p0 $0x3  }
0x1ca: {  	[spmem:s1] =	stream.indirect.scatter.add.f32 @!p0 [tilespmem:s14], [sflag:$0x3], $0x80, s2, s16, $0xb8;
	[tilespmem:$0x15400] =	vst v63  }
0x1cb: {  	s2 =	sadd.s32 @!p2 $0xFFFFFE00, s28;
	s14 =	sadd.s32 @!p2 $0xFFFFFF80, s26;
	_ =	swait.ge @!p0 [sflag:s0], $0x4000  }
0x1cc: {  	s2 =	sand.u32 @!p2 $0x3000, s2;
	s14 =	sand.u32 @!p2 $0x300, s14;
	[sflag:s0] =	ssyncset.done @!p0 $0x0  }
0x1cd: {  	s16 =	sor.u32 @!p2 s14, s2;
	[sflag:s0] =	ssyncadd.s32 @!p0 $0xFFFFC000;
	s0 =	simm.s32 @!p2 $0x80  }
0x1ce: {  	s29 =	smov.u32 s31;
	s2 =	simm.s32 @!p2 $0x11200;
	s14 =	simm.s32 @!p2 $0x4000;
	v9 =	vld @!p2 [tilespmem:s16+$0xC680]  }
0x1cf: {  	_ =	sdelay $0x2  }
0x1d0: {  	[tilespmem:$0x11300] =	vst @!p2 v0  }
0x1d1: {  	[tilespmem:$0x11200] =	vst @!p2 v9  }
0x1d2: {  	v9 =	vld @!p2 [tilespmem:s16+$0xC690];
	_ =	sdelay $0x3  }
0x1d3: {  	[tilespmem:$0x11310] =	vst @!p2 v1  }
0x1d4: {  	[tilespmem:$0x11210] =	vst @!p2 v9  }
0x1d5: {  	v9 =	vld @!p2 [tilespmem:s16+$0xC6A0]  }
0x1d6: {  	[tilespmem:$0x11320] =	vst @!p2 v2;
	_ =	sdelay $0x3  }
0x1d7: {  	[tilespmem:$0x11220] =	vst @!p2 v9  }
0x1d8: {  	v9 =	vld @!p2 [tilespmem:s16+$0xC6B0]  }
0x1d9: {  	[tilespmem:$0x11330] =	vst @!p2 v3;
	_ =	sdelay $0x3  }
0x1da: {  	[tilespmem:$0x11230] =	vst @!p2 v9  }
0x1db: {  	v9 =	vld @!p2 [tilespmem:s16+$0xC6C0]  }
0x1dc: {  	[tilespmem:$0x11340] =	vst @!p2 v4;
	_ =	sdelay $0x3  }
0x1dd: {  	[tilespmem:$0x11240] =	vst @!p2 v9  }
0x1de: {  	v9 =	vld @!p2 [tilespmem:s16+$0xC6D0]  }
0x1df: {  	[tilespmem:$0x11350] =	vst @!p2 v5;
	_ =	sdelay $0x3  }
0x1e0: {  	[tilespmem:$0x11250] =	vst @!p2 v9  }
0x1e1: {  	v9 =	vld @!p2 [tilespmem:s16+$0xC6E0]  }
0x1e2: {  	[tilespmem:$0x11360] =	vst @!p2 v6;
	_ =	sdelay $0x3  }
.Ltmp4:
0x1e3: {  	[tilespmem:$0x11260] =	vst @!p2 v9;
	(pc) =	sbr.rel @p1 .LBB2_10-.Ltmp4, $4  }
0x1e4: {  	v9 =	vld @!p2 [tilespmem:s16+$0xC6F0]  }
0x1e5: {  	[tilespmem:$0x11370] =	vst @!p2 v7  }
0x1e6: {  	s16 =	sand.u32 $0x1, s29  }
0x1e7: {  	s28 =	sadd.s32 $0x200, s28;
	p0 =	seq.s32 s16, $0x1  }
0x1e8: {  	_ = 	snop  }
0x1e9: {  	s16 =	simm.s32 @p0 $0x2;
	[tilespmem:$0x11270] =	vst @!p2 v9  }
0x1ea: {  	[tilespmem:s14], [sflag:$0x1] =	stream.indirect.gather @!p2 [hbm4b:s5+s0], $0x80, s2, s0, $0xb8;
	[tilespmem:$0x15400] =	vst v63  }
0x1eb: {  	p1 =	sgt.u32 @p0 s29, $0x12;
	_ =	swait.ge @p0 [sflag:s16], $0x4000  }
0x1ec: {  	s0 =	simm.s32 @p0 $0x8000;
	s2 =	simm.s32 @p0 $0x80;
	[sflag:s16] =	ssyncset.done @p0 $0x0  }
0x1ed: {  	s14 =	simm.s32 @p0 $0x11380;
	[sflag:s16] =	ssyncadd.s32 @p0 $0xFFFFC000;
	s16 =	simm.s32 @p0 $0x3  }
0x1ee: {  	[spmem:s1] =	stream.indirect.scatter.add.f32 @p0 [tilespmem:s0], [sflag:$0x3], $0x80, s14, s2, $0xb8;
	[tilespmem:$0x15400] =	vst v63  }
0x1ef: {  	p1 =	por p1, !p0;
	s0 =	sadd.s32 $0x80, s26;
	_ =	swait.ge @p0 [sflag:s16], $0x4000  }
0x1f0: {  	s2 =	sand.u32 @!p1 $0x7000, s28;
	s14 =	sand.u32 @!p1 $0x300, s0;
	[sflag:s16] =	ssyncset.done @p0 $0x0  }
0x1f1: {  	s2 =	sor.u32 @!p1 s14, s2;
	[sflag:s16] =	ssyncadd.s32 @p0 $0xFFFFC000  }
0x1f2: {  	v9 =	vld @!p1 [tilespmem:s2+$0xC600];
	_ =	sdelay $0x3  }
0x1f3: {  	[tilespmem:$0x11380] =	vst @!p1 v0  }
0x1f4: {  	[tilespmem:$0x11280] =	vst @!p1 v9  }
0x1f5: {  	v9 =	vld @!p1 [tilespmem:s2+$0xC610];
	_ =	sdelay $0x3  }
0x1f6: {  	[tilespmem:$0x11390] =	vst @!p1 v1  }
0x1f7: {  	[tilespmem:$0x11290] =	vst @!p1 v9  }
0x1f8: {  	v9 =	vld @!p1 [tilespmem:s2+$0xC620];
	_ =	sdelay $0x3  }
0x1f9: {  	[tilespmem:$0x113A0] =	vst @!p1 v2  }
0x1fa: {  	[tilespmem:$0x112A0] =	vst @!p1 v9  }
0x1fb: {  	v9 =	vld @!p1 [tilespmem:s2+$0xC630];
	_ =	sdelay $0x3  }
0x1fc: {  	[tilespmem:$0x113B0] =	vst @!p1 v3  }
0x1fd: {  	[tilespmem:$0x112B0] =	vst @!p1 v9  }
0x1fe: {  	v9 =	vld @!p1 [tilespmem:s2+$0xC640];
	_ =	sdelay $0x3  }
0x1ff: {  	[tilespmem:$0x113C0] =	vst @!p1 v4  }
0x200: {  	[tilespmem:$0x112C0] =	vst @!p1 v9  }
0x201: {  	v9 =	vld @!p1 [tilespmem:s2+$0xC650];
	_ =	sdelay $0x3  }
0x202: {  	[tilespmem:$0x113D0] =	vst @!p1 v5  }
0x203: {  	[tilespmem:$0x112D0] =	vst @!p1 v9  }
0x204: {  	v9 =	vld @!p1 [tilespmem:s2+$0xC660];
	_ =	sdelay $0x3  }
0x205: {  	[tilespmem:$0x113E0] =	vst @!p1 v6  }
0x206: {  	[tilespmem:$0x112E0] =	vst @!p1 v9  }
0x207: {  	v9 =	vld @!p1 [tilespmem:s2+$0xC670];
	_ =	sdelay $0x3  }
0x208: {  	s26 =	simm.s32 @!p1 $0x8000;
	[tilespmem:$0x113F0] =	vst @!p1 v7  }
0x209: {  	s14 =	simm.s32 @!p1 $0x80;
	s16 =	simm.s32 @!p1 $0x11280;
	s2 =	simm.s32 @!p0 $0x1;
	[tilespmem:$0x112F0] =	vst @!p1 v9  }
0x20a: {  	[tilespmem:s26], [sflag:$0x2] =	stream.indirect.gather @!p1 [hbm4b:s5+s14], $0x80, s16, s14, $0xb8;
	[tilespmem:$0x15400] =	vst v63  }
0x20b: {  	s14 =	simm.s32 @!p0 $0x11300;
	s16 =	simm.s32 @!p0 $0x4000;
	_ =	swait.ge @!p0 [sflag:s2], $0x4000  }
0x20c: {  	p1 =	sgt.u32 @!p0 s29, $0x12;
	s26 =	simm.s32 @!p0 $0x80;
	[sflag:s2] =	ssyncset.done @!p0 $0x0  }
0x20d: {  	p1 =	por p1, p0;
	[sflag:s2] =	ssyncadd.s32 @!p0 $0xFFFFC000;
	s2 =	simm.s32 @!p0 $0x3  }
0x20e: {  	[spmem:s1] =	stream.indirect.scatter.add.f32 @!p0 [tilespmem:s16], [sflag:$0x3], $0x80, s14, s26, $0xb8;
	[tilespmem:$0x15400] =	vst v63  }
0x20f: {  	s0 =	sadd.s32 @!p1 $0xFFFFFF80, s0;
	s14 =	sadd.s32 @!p1 $0xFFFFFE00, s28;
	_ =	swait.ge @!p0 [sflag:s2], $0x4000  }
0x210: {  	s0 =	sand.u32 @!p1 $0x300, s0;
	s14 =	sand.u32 @!p1 $0x3000, s14;
	[sflag:s2] =	ssyncset.done @!p0 $0x0  }
0x211: {  	s0 =	sor.u32 @!p1 s0, s14;
	[sflag:s2] =	ssyncadd.s32 @!p0 $0xFFFFC000  }
0x212: {  	v9 =	vld @!p1 [tilespmem:s0+$0xC680];
	_ =	sdelay $0x3  }
0x213: {  	[tilespmem:$0x11300] =	vst @!p1 v0  }
0x214: {  	[tilespmem:$0x11200] =	vst @!p1 v9  }
0x215: {  	v9 =	vld @!p1 [tilespmem:s0+$0xC690];
	_ =	sdelay $0x3  }
0x216: {  	[tilespmem:$0x11310] =	vst @!p1 v1  }
0x217: {  	[tilespmem:$0x11210] =	vst @!p1 v9  }
0x218: {  	v9 =	vld @!p1 [tilespmem:s0+$0xC6A0];
	_ =	sdelay $0x3  }
0x219: {  	[tilespmem:$0x11320] =	vst @!p1 v2  }
0x21a: {  	[tilespmem:$0x11220] =	vst @!p1 v9  }
0x21b: {  	v9 =	vld @!p1 [tilespmem:s0+$0xC6B0];
	_ =	sdelay $0x3  }
0x21c: {  	[tilespmem:$0x11330] =	vst @!p1 v3  }
0x21d: {  	[tilespmem:$0x11230] =	vst @!p1 v9  }
0x21e: {  	v9 =	vld @!p1 [tilespmem:s0+$0xC6C0];
	_ =	sdelay $0x3  }
0x21f: {  	[tilespmem:$0x11340] =	vst @!p1 v4  }
0x220: {  	[tilespmem:$0x11240] =	vst @!p1 v9  }
0x221: {  	v9 =	vld @!p1 [tilespmem:s0+$0xC6D0];
	_ =	sdelay $0x3  }
0x222: {  	[tilespmem:$0x11350] =	vst @!p1 v5  }
0x223: {  	[tilespmem:$0x11250] =	vst @!p1 v9  }
0x224: {  	v9 =	vld @!p1 [tilespmem:s0+$0xC6E0];
	_ =	sdelay $0x3  }
0x225: {  	[tilespmem:$0x11360] =	vst @!p1 v6  }
0x226: {  	[tilespmem:$0x11260] =	vst @!p1 v9  }
0x227: {  	v9 =	vld @!p1 [tilespmem:s0+$0xC6F0];
	_ =	sdelay $0x3  }
0x228: {  	[tilespmem:$0x11370] =	vst @!p1 v7  }
0x229: {  	s14 =	simm.s32 @!p1 $0x4000;
	s2 =	simm.s32 @!p1 $0x11200;
	s0 =	simm.s32 @!p1 $0x80;
	[tilespmem:$0x11270] =	vst @!p1 v9  }
0x22a: {  	[tilespmem:s14], [sflag:$0x1] =	stream.indirect.gather @!p1 [hbm4b:s5+s0], $0x80, s2, s0, $0xb8;
	[tilespmem:$0x15400] =	vst v63  }
0x22b: {  	_ = 	snop  }
0x22c: {  	[tilespmem:s19], [sflag:$0x3] =	stream.linear.gather [spmem:s9], $0x4000, $0x38;
	[tilespmem:$0x15400] =	vst v63  }
0x22d: {  	_ =	swait.ge [sflag:s15], $0x4000  }
0x22e: {  	[sflag:s15] =	ssyncset.done $0x0  }
0x22f: {  	s31 =	simm.s32 $0x0;
	[sflag:s15] =	ssyncadd.s32 $0xFFFFC000  }
0x230: {  	v9 =	vld [tilespmem:s31+$0x11400];
	_ =	sdelay $0x3  }
0x231: {  	s0 =	simm.s32 $0xF220  }
0x232: {  	[tilespmem:s0+$0xFFFFFFE0] =	vst v9  }
0x233: {  	v9 =	vld [tilespmem:s31+$0x11410];
	_ =	sdelay $0x4  }
0x234: {  	[tilespmem:s0+$0xFFFFFFF0] =	vst v9  }
0x235: {  	v9 =	vld [tilespmem:s31+$0x11420];
	_ =	sdelay $0x4  }
0x236: {  	[tilespmem:s0+$0x0] =	vst v9  }
0x237: {  	v9 =	vld [tilespmem:s31+$0x11430];
	_ =	sdelay $0x4  }
0x238: {  	s2 =	simm.s32 $0x80;
	s14 =	simm.s32 $0x400;
	[tilespmem:s0+$0x10] =	vst v9  }
.LBB2_12:
0x239: {  	p0 =	sne.s32 s14, $0xFE00;
	v9 =	vld [tilespmem:s2+$0x11400];
	_ =	sdelay $0x3  }
0x23a: {  	s0 =	sadd.s32 $0x40, s0  }
0x23b: {  	[tilespmem:s0+$0xFFFFFFE0] =	vst v9  }
0x23c: {  	v9 =	vld [tilespmem:s2+$0x11410];
	_ =	sdelay $0x4  }
0x23d: {  	[tilespmem:s0+$0xFFFFFFF0] =	vst v9  }
0x23e: {  	v9 =	vld [tilespmem:s2+$0x11420];
	_ =	sdelay $0x4  }
0x23f: {  	[tilespmem:s0+$0x0] =	vst v9  }
0x240: {  	v9 =	vld [tilespmem:s2+$0x11430]  }
.Ltmp5:
0x241: {  	(pc) =	sbr.rel @p0 .LBB2_12-.Ltmp5, $2  }
0x242: {  	_ =	sdelay $0x2  }
0x243: {  	s2 =	sshra.s32 s14, $0x2;
	s14 =	sadd.s32 $0x200, s14;
	[tilespmem:s0+$0x10] =	vst v9  }
0x244: {  	v9 =	vld [tilespmem:s2+$0x11400];
	_ =	sdelay $0x3  }
0x245: {  	s0 =	sadd.s32 $0x40, s0  }
0x246: {  	[tilespmem:s0+$0xFFFFFFE0] =	vst v9  }
0x247: {  	v9 =	vld [tilespmem:s2+$0x11410];
	_ =	sdelay $0x4  }
0x248: {  	[tilespmem:s0+$0xFFFFFFF0] =	vst v9  }
0x249: {  	v9 =	vld [tilespmem:s2+$0x11420];
	_ =	sdelay $0x4  }
0x24a: {  	[tilespmem:s0+$0x0] =	vst v9  }
0x24b: {  	v9 =	vld [tilespmem:s2+$0x11430];
	_ =	sdelay $0x4  }
0x24c: {  	s31 =	simm.s32 $0x0;
	[tilespmem:s0+$0x10] =	vst v9  }
0x24d: {  	[hbm4b:s10+s31] =	stream.linear.scatter [tilespmem:s24], [sflag:$0x3], $0x2000, $0x38;
	[tilespmem:$0x15400] =	vst v63  }
0x24e: {  	_ =	swait.ge [sflag:s15], $0x2000  }
0x24f: {  	[sflag:s15] =	ssyncset.done $0x0  }
0x250: {  	s2 =	sand.u32 $0x3FF0, s31;
	s0 =	simm.s32 $0x10;
	[sflag:s15] =	ssyncadd.s32 $0xFFFFE000  }
.LBB2_14:
0x251: {  	p0 =	sne.s32 s0, $0x3FF0;
	[tilespmem:s2+$0x11400] =	vst v8;
	s2 =	smov.u32 s0;
	s0 =	sadd.s32 $0x10, s0  }
.Ltmp6:
0x252: {  	(pc) =	sbr.rel @p0 .LBB2_14-.Ltmp6, $2  }
0x253: {  	_ =	sdelay $0x2  }
0x254: {  	s2 =	sand.u32 $0x3FF0, s2  }
0x255: {  	[tilespmem:s2+$0x11400] =	vst v8  }
0x256: {  	[spmem:s9] =	stream.linear.scatter [tilespmem:s19], [sflag:$0x3], $0x4000, $0x38;
	[tilespmem:$0x15400] =	vst v63  }
0x257: {  	_ =	swait.ge [sflag:s15], $0x4000  }
0x258: {  	[sflag:s15] =	ssyncset.done $0x0  }
0x259: {  	[sflag:s15] =	ssyncadd.s32 $0xFFFFC000  }
0x25a: {  	v9 =	vld [tilespmem:$0xC100]  }
0x25b: {  	v10 =	vld [tilespmem:$0xC110];
	[tilespmem:$0x11300] =	vst v0  }
0x25c: {  	[tilespmem:$0x11310] =	vst v1  }
0x25d: {  	[tilespmem:$0x11320] =	vst v2  }
0x25e: {  	v11 =	vld [tilespmem:$0xC120];
	[tilespmem:$0x11330] =	vst v3  }
0x25f: {  	[tilespmem:$0x11200] =	vst v9;
	v9 =	vld [tilespmem:$0xC130]  }
0x260: {  	[tilespmem:$0x11210] =	vst v10;
	v10 =	vld [tilespmem:$0xC140]  }
0x261: {  	[tilespmem:$0x11340] =	vst v4  }
0x262: {  	[tilespmem:$0x11350] =	vst v5  }
0x263: {  	[tilespmem:$0x11220] =	vst v11;
	v11 =	vld [tilespmem:$0xC150]  }
0x264: {  	[tilespmem:$0x11230] =	vst v9;
	v9 =	vld [tilespmem:$0xC160]  }
0x265: {  	[tilespmem:$0x11240] =	vst v10;
	v10 =	vld [tilespmem:$0xC170]  }
0x266: {  	[tilespmem:$0x11360] =	vst v6  }
0x267: {  	[tilespmem:$0x11370] =	vst v7  }
0x268: {  	[tilespmem:$0x11250] =	vst v11  }
0x269: {  	[tilespmem:$0x11260] =	vst v9  }
0x26a: {  	s26 =	simm.s32 $0x80;
	[tilespmem:$0x11270] =	vst v10  }
0x26b: {  	[tilespmem:s21], [sflag:$0x1] =	stream.indirect.gather [hbm4b:s4+s26], $0x80, s20, s26, $0xb8;
	[tilespmem:$0x15400] =	vst v63  }
0x26c: {  	v9 =	vld [tilespmem:$0xCA00];
	[tilespmem:$0x11380] =	vst v0  }
0x26d: {  	[tilespmem:$0x11390] =	vst v1  }
0x26e: {  	[tilespmem:$0x113A0] =	vst v2  }
0x26f: {  	[tilespmem:$0x113B0] =	vst v3  }
0x270: {  	v10 =	vld [tilespmem:$0xCA10];
	[tilespmem:$0x113C0] =	vst v4  }
0x271: {  	[tilespmem:$0x11280] =	vst v9;
	v9 =	vld [tilespmem:$0xCA50]  }
0x272: {  	v11 =	vld [tilespmem:$0xCA20];
	[tilespmem:$0x113D0] =	vst v5  }
0x273: {  	v12 =	vld [tilespmem:$0xCA30];
	[tilespmem:$0x113E0] =	vst v6  }
0x274: {  	v13 =	vld [tilespmem:$0xCA40];
	[tilespmem:$0x113F0] =	vst v7  }
0x275: {  	[tilespmem:$0x11290] =	vst v10;
	v10 =	vld [tilespmem:$0xCA60]  }
0x276: {  	[tilespmem:$0x112D0] =	vst v9;
	v9 =	vld [tilespmem:$0xCA70]  }
0x277: {  	[tilespmem:$0x112A0] =	vst v11  }
0x278: {  	s0 =	simm.s32 $0x0;
	[tilespmem:$0x112B0] =	vst v12  }
0x279: {  	s0 =	sand.u32 $0x1, s0;
	[tilespmem:$0x112C0] =	vst v13  }
0x27a: {  	p0 =	seq.s32 s0, $0x1;
	[tilespmem:$0x112E0] =	vst v10  }
0x27b: {  	s0 =	simm.s32 @p0 $0x2;
	[tilespmem:$0x112F0] =	vst v9  }
0x27c: {  	[tilespmem:s23], [sflag:$0x2] =	stream.indirect.gather [hbm4b:s5+s26], $0x80, s22, s26, $0xb8;
	[tilespmem:$0x15400] =	vst v63  }
0x27d: {  	p1 =	por @p0 $0x0, $0x0;
	_ =	swait.ge @p0 [sflag:s0], $0x4000  }
0x27e: {  	s2 =	simm.s32 @p0 $0x8000;
	s14 =	simm.s32 @p0 $0x80;
	[sflag:s0] =	ssyncset.done @p0 $0x0  }
0x27f: {  	s16 =	simm.s32 @p0 $0x11380;
	[sflag:s0] =	ssyncadd.s32 @p0 $0xFFFFC000;
	s0 =	simm.s32 @p0 $0x3  }
0x280: {  	[spmem:s1] =	stream.indirect.scatter.add.f32 @p0 [tilespmem:s2], [sflag:$0x3], $0x80, s16, s14, $0xb8;
	[tilespmem:$0x15400] =	vst v63  }
0x281: {  	p1 =	por p1, !p0;
	s2 =	simm.s32 $0x200;
	_ =	swait.ge @p0 [sflag:s0], $0x4000  }
0x282: {  	s14 =	sand.u32 @!p1 $0x300, s26;
	s2 =	sand.u32 @!p1 $0x7000, s2;
	[sflag:s0] =	ssyncset.done @p0 $0x0  }
0x283: {  	s2 =	sor.u32 @!p1 s14, s2;
	[sflag:s0] =	ssyncadd.s32 @p0 $0xFFFFC000  }
0x284: {  	v9 =	vld @!p1 [tilespmem:s2+$0xCA00];
	_ =	sdelay $0x3  }
0x285: {  	[tilespmem:$0x11380] =	vst @!p1 v0  }
0x286: {  	[tilespmem:$0x11280] =	vst @!p1 v9  }
0x287: {  	v9 =	vld @!p1 [tilespmem:s2+$0xCA10];
	_ =	sdelay $0x3  }
0x288: {  	[tilespmem:$0x11390] =	vst @!p1 v1  }
0x289: {  	[tilespmem:$0x11290] =	vst @!p1 v9  }
0x28a: {  	v9 =	vld @!p1 [tilespmem:s2+$0xCA20];
	_ =	sdelay $0x3  }
0x28b: {  	[tilespmem:$0x113A0] =	vst @!p1 v2  }
0x28c: {  	[tilespmem:$0x112A0] =	vst @!p1 v9  }
0x28d: {  	v9 =	vld @!p1 [tilespmem:s2+$0xCA30];
	_ =	sdelay $0x3  }
0x28e: {  	[tilespmem:$0x113B0] =	vst @!p1 v3  }
0x28f: {  	[tilespmem:$0x112B0] =	vst @!p1 v9  }
0x290: {  	v9 =	vld @!p1 [tilespmem:s2+$0xCA40];
	_ =	sdelay $0x3  }
0x291: {  	[tilespmem:$0x113C0] =	vst @!p1 v4  }
0x292: {  	[tilespmem:$0x112C0] =	vst @!p1 v9  }
0x293: {  	v9 =	vld @!p1 [tilespmem:s2+$0xCA50];
	_ =	sdelay $0x3  }
0x294: {  	[tilespmem:$0x113D0] =	vst @!p1 v5  }
0x295: {  	[tilespmem:$0x112D0] =	vst @!p1 v9  }
0x296: {  	v9 =	vld @!p1 [tilespmem:s2+$0xCA60];
	_ =	sdelay $0x3  }
0x297: {  	[tilespmem:$0x113E0] =	vst @!p1 v6  }
0x298: {  	[tilespmem:$0x112E0] =	vst @!p1 v9  }
0x299: {  	v9 =	vld @!p1 [tilespmem:s2+$0xCA70];
	_ =	sdelay $0x3  }
0x29a: {  	s16 =	simm.s32 @!p1 $0x8000;
	[tilespmem:$0x113F0] =	vst @!p1 v7  }
0x29b: {  	s14 =	simm.s32 @!p1 $0x11280;
	s0 =	simm.s32 @!p0 $0x1;
	s2 =	simm.s32 @!p1 $0x80;
	[tilespmem:$0x112F0] =	vst @!p1 v9  }
0x29c: {  	[tilespmem:s16], [sflag:$0x2] =	stream.indirect.gather @!p1 [hbm4b:s5+s2], $0x80, s14, s2, $0xb8;
	[tilespmem:$0x15400] =	vst v63  }
0x29d: {  	s2 =	simm.s32 @!p0 $0x11300;
	s14 =	simm.s32 @!p0 $0x4000;
	_ =	swait.ge @!p0 [sflag:s0], $0x4000  }
0x29e: {  	p1 =	por @!p0 $0x0, $0x0;
	s16 =	simm.s32 @!p0 $0x80;
	[sflag:s0] =	ssyncset.done @!p0 $0x0  }
0x29f: {  	p2 =	por p1, p0;
	[sflag:s0] =	ssyncadd.s32 @!p0 $0xFFFFC000;
	s0 =	simm.s32 @!p0 $0x3  }
0x2a0: {  	[spmem:s1] =	stream.indirect.scatter.add.f32 @!p0 [tilespmem:s14], [sflag:$0x3], $0x80, s2, s16, $0xb8;
	[tilespmem:$0x15400] =	vst v63  }
0x2a1: {  	s2 =	simm.s32 @!p2 $0x0;
	s14 =	simm.s32 @!p2 $0x0;
	_ =	swait.ge @!p0 [sflag:s0], $0x4000  }
0x2a2: {  	s2 =	sand.u32 @!p2 $0x3000, s2;
	s14 =	sand.u32 @!p2 $0x300, s14;
	[sflag:s0] =	ssyncset.done @!p0 $0x0  }
0x2a3: {  	s14 =	sor.u32 @!p2 s14, s2;
	[sflag:s0] =	ssyncadd.s32 @!p0 $0xFFFFC000  }
0x2a4: {  	v9 =	vld @!p2 [tilespmem:s14+$0xCA80];
	_ =	sdelay $0x3  }
0x2a5: {  	[tilespmem:$0x11300] =	vst @!p2 v0  }
0x2a6: {  	[tilespmem:$0x11200] =	vst @!p2 v9  }
0x2a7: {  	v9 =	vld @!p2 [tilespmem:s14+$0xCA90];
	_ =	sdelay $0x3  }
0x2a8: {  	[tilespmem:$0x11310] =	vst @!p2 v1  }
0x2a9: {  	[tilespmem:$0x11210] =	vst @!p2 v9  }
0x2aa: {  	v9 =	vld @!p2 [tilespmem:s14+$0xCAA0];
	_ =	sdelay $0x3  }
0x2ab: {  	[tilespmem:$0x11320] =	vst @!p2 v2  }
0x2ac: {  	[tilespmem:$0x11220] =	vst @!p2 v9  }
0x2ad: {  	v9 =	vld @!p2 [tilespmem:s14+$0xCAB0];
	_ =	sdelay $0x3  }
0x2ae: {  	[tilespmem:$0x11330] =	vst @!p2 v3  }
0x2af: {  	[tilespmem:$0x11230] =	vst @!p2 v9  }
0x2b0: {  	v9 =	vld @!p2 [tilespmem:s14+$0xCAC0];
	_ =	sdelay $0x3  }
0x2b1: {  	[tilespmem:$0x11340] =	vst @!p2 v4  }
0x2b2: {  	[tilespmem:$0x11240] =	vst @!p2 v9  }
0x2b3: {  	v9 =	vld @!p2 [tilespmem:s14+$0xCAD0];
	_ =	sdelay $0x3  }
0x2b4: {  	[tilespmem:$0x11350] =	vst @!p2 v5  }
0x2b5: {  	[tilespmem:$0x11250] =	vst @!p2 v9  }
0x2b6: {  	v9 =	vld @!p2 [tilespmem:s14+$0xCAE0];
	_ =	sdelay $0x3  }
0x2b7: {  	[tilespmem:$0x11360] =	vst @!p2 v6  }
0x2b8: {  	[tilespmem:$0x11260] =	vst @!p2 v9  }
0x2b9: {  	s29 =	simm.s32 $0x1;
	s30 =	simm.s32 $0x2;
	v9 =	vld @!p2 [tilespmem:s14+$0xCAF0]  }
0x2ba: {  	s28 =	simm.s32 $0x400;
	s31 =	sand.u32 $0x1, s29;
	s2 =	simm.s32 @!p2 $0x11200  }
0x2bb: {  	s0 =	simm.s32 @!p2 $0x80;
	p0 =	seq.s32 s31, $0x1;
	s14 =	simm.s32 @!p2 $0x4000;
	[tilespmem:$0x11370] =	vst @!p2 v7  }
.LBB2_16:
0x2bc: {  	s16 =	simm.s32 @p0 $0x2  }
0x2bd: {  	s26 =	sadd.s32 $0x80, s26;
	s31 =	smov.u32 s30;
	s30 =	sadd.s32 $0x1, s30  }
0x2be: {  	p1 =	sne.s32 s30, $0x15;
	[tilespmem:$0x11270] =	vst @!p2 v9  }
0x2bf: {  	[tilespmem:s14], [sflag:$0x1] =	stream.indirect.gather @!p2 [hbm4b:s5+s0], $0x80, s2, s0, $0xb8;
	[tilespmem:$0x15400] =	vst v63  }
0x2c0: {  	p2 =	sgt.u32 @p0 s29, $0x12;
	s0 =	simm.s32 @p0 $0x8000;
	_ =	swait.ge @p0 [sflag:s16], $0x4000  }
0x2c1: {  	s2 =	simm.s32 @p0 $0x80;
	s14 =	simm.s32 @p0 $0x11380;
	[sflag:s16] =	ssyncset.done @p0 $0x0  }
0x2c2: {  	p2 =	por p2, !p0;
	[sflag:s16] =	ssyncadd.s32 @p0 $0xFFFFC000;
	s16 =	simm.s32 @p0 $0x3  }
0x2c3: {  	[spmem:s1] =	stream.indirect.scatter.add.f32 @p0 [tilespmem:s0], [sflag:$0x3], $0x80, s14, s2, $0xb8;
	[tilespmem:$0x15400] =	vst v63  }
0x2c4: {  	s0 =	sand.u32 @!p2 $0x7000, s28;
	s2 =	sand.u32 @!p2 $0x300, s26;
	_ =	swait.ge @p0 [sflag:s16], $0x4000  }
0x2c5: {  	s0 =	sor.u32 @!p2 s2, s0;
	[sflag:s16] =	ssyncset.done @p0 $0x0  }
0x2c6: {  	[sflag:s16] =	ssyncadd.s32 @p0 $0xFFFFC000  }
0x2c7: {  	v9 =	vld @!p2 [tilespmem:s0+$0xCA00];
	_ =	sdelay $0x2  }
0x2c8: {  	[tilespmem:$0x11380] =	vst @!p2 v0;
	_ =	sdelay $0x1  }
0x2c9: {  	[tilespmem:$0x11280] =	vst @!p2 v9  }
0x2ca: {  	v9 =	vld @!p2 [tilespmem:s0+$0xCA10];
	_ =	sdelay $0x2  }
0x2cb: {  	[tilespmem:$0x11390] =	vst @!p2 v1;
	_ =	sdelay $0x1  }
0x2cc: {  	[tilespmem:$0x11290] =	vst @!p2 v9  }
0x2cd: {  	v9 =	vld @!p2 [tilespmem:s0+$0xCA20];
	_ =	sdelay $0x2  }
0x2ce: {  	[tilespmem:$0x113A0] =	vst @!p2 v2;
	_ =	sdelay $0x1  }
0x2cf: {  	[tilespmem:$0x112A0] =	vst @!p2 v9  }
0x2d0: {  	v9 =	vld @!p2 [tilespmem:s0+$0xCA30]  }
0x2d1: {  	[tilespmem:$0x113B0] =	vst @!p2 v3;
	_ =	sdelay $0x3  }
0x2d2: {  	[tilespmem:$0x112B0] =	vst @!p2 v9  }
0x2d3: {  	v9 =	vld @!p2 [tilespmem:s0+$0xCA40]  }
0x2d4: {  	[tilespmem:$0x113C0] =	vst @!p2 v4;
	_ =	sdelay $0x3  }
0x2d5: {  	[tilespmem:$0x112C0] =	vst @!p2 v9  }
0x2d6: {  	v9 =	vld @!p2 [tilespmem:s0+$0xCA50]  }
0x2d7: {  	[tilespmem:$0x113D0] =	vst @!p2 v5;
	_ =	sdelay $0x3  }
0x2d8: {  	[tilespmem:$0x112D0] =	vst @!p2 v9  }
0x2d9: {  	v9 =	vld @!p2 [tilespmem:s0+$0xCA60]  }
0x2da: {  	[tilespmem:$0x113E0] =	vst @!p2 v6;
	_ =	sdelay $0x3  }
0x2db: {  	[tilespmem:$0x112E0] =	vst @!p2 v9  }
0x2dc: {  	v9 =	vld @!p2 [tilespmem:s0+$0xCA70]  }
0x2dd: {  	[tilespmem:$0x113F0] =	vst @!p2 v7;
	_ =	sdelay $0x1  }
0x2de: {  	s0 =	simm.s32 @!p0 $0x1  }
0x2df: {  	s14 =	simm.s32 @!p2 $0x11280;
	s2 =	simm.s32 @!p2 $0x80;
	s16 =	simm.s32 @!p2 $0x8000  }
0x2e0: {  	[tilespmem:$0x112F0] =	vst @!p2 v9  }
0x2e1: {  	[tilespmem:s16], [sflag:$0x2] =	stream.indirect.gather @!p2 [hbm4b:s5+s2], $0x80, s14, s2, $0xb8;
	[tilespmem:$0x15400] =	vst v63  }
0x2e2: {  	s2 =	simm.s32 @!p0 $0x11300;
	s14 =	simm.s32 @!p0 $0x4000;
	_ =	swait.ge @!p0 [sflag:s0], $0x4000  }
0x2e3: {  	p2 =	sgt.u32 @!p0 s29, $0x12;
	s16 =	simm.s32 @!p0 $0x80;
	[sflag:s0] =	ssyncset.done @!p0 $0x0  }
0x2e4: {  	p2 =	por p2, p0;
	[sflag:s0] =	ssyncadd.s32 @!p0 $0xFFFFC000;
	s0 =	simm.s32 @!p0 $0x3  }
0x2e5: {  	[spmem:s1] =	stream.indirect.scatter.add.f32 @!p0 [tilespmem:s14], [sflag:$0x3], $0x80, s2, s16, $0xb8;
	[tilespmem:$0x15400] =	vst v63  }
0x2e6: {  	s2 =	sadd.s32 @!p2 $0xFFFFFE00, s28;
	s14 =	sadd.s32 @!p2 $0xFFFFFF80, s26;
	_ =	swait.ge @!p0 [sflag:s0], $0x4000  }
0x2e7: {  	s2 =	sand.u32 @!p2 $0x3000, s2;
	s14 =	sand.u32 @!p2 $0x300, s14;
	[sflag:s0] =	ssyncset.done @!p0 $0x0  }
0x2e8: {  	s16 =	sor.u32 @!p2 s14, s2;
	[sflag:s0] =	ssyncadd.s32 @!p0 $0xFFFFC000;
	s0 =	simm.s32 @!p2 $0x80  }
0x2e9: {  	s29 =	smov.u32 s31;
	s2 =	simm.s32 @!p2 $0x11200;
	s14 =	simm.s32 @!p2 $0x4000;
	v9 =	vld @!p2 [tilespmem:s16+$0xCA80]  }
0x2ea: {  	_ =	sdelay $0x2  }
0x2eb: {  	[tilespmem:$0x11300] =	vst @!p2 v0  }
0x2ec: {  	[tilespmem:$0x11200] =	vst @!p2 v9  }
0x2ed: {  	v9 =	vld @!p2 [tilespmem:s16+$0xCA90];
	_ =	sdelay $0x3  }
0x2ee: {  	[tilespmem:$0x11310] =	vst @!p2 v1  }
0x2ef: {  	[tilespmem:$0x11210] =	vst @!p2 v9  }
0x2f0: {  	v9 =	vld @!p2 [tilespmem:s16+$0xCAA0]  }
0x2f1: {  	[tilespmem:$0x11320] =	vst @!p2 v2;
	_ =	sdelay $0x3  }
0x2f2: {  	[tilespmem:$0x11220] =	vst @!p2 v9  }
0x2f3: {  	v9 =	vld @!p2 [tilespmem:s16+$0xCAB0]  }
0x2f4: {  	[tilespmem:$0x11330] =	vst @!p2 v3;
	_ =	sdelay $0x3  }
0x2f5: {  	[tilespmem:$0x11230] =	vst @!p2 v9  }
0x2f6: {  	v9 =	vld @!p2 [tilespmem:s16+$0xCAC0]  }
0x2f7: {  	[tilespmem:$0x11340] =	vst @!p2 v4;
	_ =	sdelay $0x3  }
0x2f8: {  	[tilespmem:$0x11240] =	vst @!p2 v9  }
0x2f9: {  	v9 =	vld @!p2 [tilespmem:s16+$0xCAD0]  }
0x2fa: {  	[tilespmem:$0x11350] =	vst @!p2 v5;
	_ =	sdelay $0x3  }
0x2fb: {  	[tilespmem:$0x11250] =	vst @!p2 v9  }
0x2fc: {  	v9 =	vld @!p2 [tilespmem:s16+$0xCAE0]  }
0x2fd: {  	[tilespmem:$0x11360] =	vst @!p2 v6;
	_ =	sdelay $0x3  }
.Ltmp7:
0x2fe: {  	[tilespmem:$0x11260] =	vst @!p2 v9;
	(pc) =	sbr.rel @p1 .LBB2_16-.Ltmp7, $4  }
0x2ff: {  	v9 =	vld @!p2 [tilespmem:s16+$0xCAF0]  }
0x300: {  	[tilespmem:$0x11370] =	vst @!p2 v7  }
0x301: {  	s16 =	sand.u32 $0x1, s29  }
0x302: {  	s28 =	sadd.s32 $0x200, s28;
	p0 =	seq.s32 s16, $0x1  }
0x303: {  	_ = 	snop  }
0x304: {  	s16 =	simm.s32 @p0 $0x2;
	[tilespmem:$0x11270] =	vst @!p2 v9  }
0x305: {  	[tilespmem:s14], [sflag:$0x1] =	stream.indirect.gather @!p2 [hbm4b:s5+s0], $0x80, s2, s0, $0xb8;
	[tilespmem:$0x15400] =	vst v63  }
0x306: {  	p1 =	sgt.u32 @p0 s29, $0x12;
	_ =	swait.ge @p0 [sflag:s16], $0x4000  }
0x307: {  	s0 =	simm.s32 @p0 $0x8000;
	s2 =	simm.s32 @p0 $0x80;
	[sflag:s16] =	ssyncset.done @p0 $0x0  }
0x308: {  	s14 =	simm.s32 @p0 $0x11380;
	[sflag:s16] =	ssyncadd.s32 @p0 $0xFFFFC000;
	s16 =	simm.s32 @p0 $0x3  }
0x309: {  	[spmem:s1] =	stream.indirect.scatter.add.f32 @p0 [tilespmem:s0], [sflag:$0x3], $0x80, s14, s2, $0xb8;
	[tilespmem:$0x15400] =	vst v63  }
0x30a: {  	p1 =	por p1, !p0;
	s0 =	sadd.s32 $0x80, s26;
	_ =	swait.ge @p0 [sflag:s16], $0x4000  }
0x30b: {  	s2 =	sand.u32 @!p1 $0x7000, s28;
	s14 =	sand.u32 @!p1 $0x300, s0;
	[sflag:s16] =	ssyncset.done @p0 $0x0  }
0x30c: {  	s2 =	sor.u32 @!p1 s14, s2;
	[sflag:s16] =	ssyncadd.s32 @p0 $0xFFFFC000  }
0x30d: {  	v9 =	vld @!p1 [tilespmem:s2+$0xCA00];
	_ =	sdelay $0x3  }
0x30e: {  	[tilespmem:$0x11380] =	vst @!p1 v0  }
0x30f: {  	[tilespmem:$0x11280] =	vst @!p1 v9  }
0x310: {  	v9 =	vld @!p1 [tilespmem:s2+$0xCA10];
	_ =	sdelay $0x3  }
0x311: {  	[tilespmem:$0x11390] =	vst @!p1 v1  }
0x312: {  	[tilespmem:$0x11290] =	vst @!p1 v9  }
0x313: {  	v9 =	vld @!p1 [tilespmem:s2+$0xCA20];
	_ =	sdelay $0x3  }
0x314: {  	[tilespmem:$0x113A0] =	vst @!p1 v2  }
0x315: {  	[tilespmem:$0x112A0] =	vst @!p1 v9  }
0x316: {  	v9 =	vld @!p1 [tilespmem:s2+$0xCA30];
	_ =	sdelay $0x3  }
0x317: {  	[tilespmem:$0x113B0] =	vst @!p1 v3  }
0x318: {  	[tilespmem:$0x112B0] =	vst @!p1 v9  }
0x319: {  	v9 =	vld @!p1 [tilespmem:s2+$0xCA40];
	_ =	sdelay $0x3  }
0x31a: {  	[tilespmem:$0x113C0] =	vst @!p1 v4  }
0x31b: {  	[tilespmem:$0x112C0] =	vst @!p1 v9  }
0x31c: {  	v9 =	vld @!p1 [tilespmem:s2+$0xCA50];
	_ =	sdelay $0x3  }
0x31d: {  	[tilespmem:$0x113D0] =	vst @!p1 v5  }
0x31e: {  	[tilespmem:$0x112D0] =	vst @!p1 v9  }
0x31f: {  	v9 =	vld @!p1 [tilespmem:s2+$0xCA60];
	_ =	sdelay $0x3  }
0x320: {  	[tilespmem:$0x113E0] =	vst @!p1 v6  }
0x321: {  	[tilespmem:$0x112E0] =	vst @!p1 v9  }
0x322: {  	v9 =	vld @!p1 [tilespmem:s2+$0xCA70];
	_ =	sdelay $0x3  }
0x323: {  	s26 =	simm.s32 @!p1 $0x8000;
	[tilespmem:$0x113F0] =	vst @!p1 v7  }
0x324: {  	s14 =	simm.s32 @!p1 $0x80;
	s16 =	simm.s32 @!p1 $0x11280;
	s2 =	simm.s32 @!p0 $0x1;
	[tilespmem:$0x112F0] =	vst @!p1 v9  }
0x325: {  	[tilespmem:s26], [sflag:$0x2] =	stream.indirect.gather @!p1 [hbm4b:s5+s14], $0x80, s16, s14, $0xb8;
	[tilespmem:$0x15400] =	vst v63  }
0x326: {  	s14 =	simm.s32 @!p0 $0x11300;
	s16 =	simm.s32 @!p0 $0x4000;
	_ =	swait.ge @!p0 [sflag:s2], $0x4000  }
0x327: {  	p1 =	sgt.u32 @!p0 s29, $0x12;
	s26 =	simm.s32 @!p0 $0x80;
	[sflag:s2] =	ssyncset.done @!p0 $0x0  }
0x328: {  	p1 =	por p1, p0;
	[sflag:s2] =	ssyncadd.s32 @!p0 $0xFFFFC000;
	s2 =	simm.s32 @!p0 $0x3  }
0x329: {  	[spmem:s1] =	stream.indirect.scatter.add.f32 @!p0 [tilespmem:s16], [sflag:$0x3], $0x80, s14, s26, $0xb8;
	[tilespmem:$0x15400] =	vst v63  }
0x32a: {  	s0 =	sadd.s32 @!p1 $0xFFFFFF80, s0;
	s14 =	sadd.s32 @!p1 $0xFFFFFE00, s28;
	_ =	swait.ge @!p0 [sflag:s2], $0x4000  }
0x32b: {  	s0 =	sand.u32 @!p1 $0x300, s0;
	s14 =	sand.u32 @!p1 $0x3000, s14;
	[sflag:s2] =	ssyncset.done @!p0 $0x0  }
0x32c: {  	s0 =	sor.u32 @!p1 s0, s14;
	[sflag:s2] =	ssyncadd.s32 @!p0 $0xFFFFC000  }
0x32d: {  	v9 =	vld @!p1 [tilespmem:s0+$0xCA80];
	_ =	sdelay $0x3  }
0x32e: {  	[tilespmem:$0x11300] =	vst @!p1 v0  }
0x32f: {  	[tilespmem:$0x11200] =	vst @!p1 v9  }
0x330: {  	v9 =	vld @!p1 [tilespmem:s0+$0xCA90];
	_ =	sdelay $0x3  }
0x331: {  	[tilespmem:$0x11310] =	vst @!p1 v1  }
0x332: {  	[tilespmem:$0x11210] =	vst @!p1 v9  }
0x333: {  	v9 =	vld @!p1 [tilespmem:s0+$0xCAA0];
	_ =	sdelay $0x3  }
0x334: {  	[tilespmem:$0x11320] =	vst @!p1 v2  }
0x335: {  	[tilespmem:$0x11220] =	vst @!p1 v9  }
0x336: {  	v9 =	vld @!p1 [tilespmem:s0+$0xCAB0];
	_ =	sdelay $0x3  }
0x337: {  	[tilespmem:$0x11330] =	vst @!p1 v3  }
0x338: {  	[tilespmem:$0x11230] =	vst @!p1 v9  }
0x339: {  	v9 =	vld @!p1 [tilespmem:s0+$0xCAC0];
	_ =	sdelay $0x3  }
0x33a: {  	[tilespmem:$0x11340] =	vst @!p1 v4  }
0x33b: {  	[tilespmem:$0x11240] =	vst @!p1 v9  }
0x33c: {  	v9 =	vld @!p1 [tilespmem:s0+$0xCAD0];
	_ =	sdelay $0x3  }
0x33d: {  	[tilespmem:$0x11350] =	vst @!p1 v5  }
0x33e: {  	[tilespmem:$0x11250] =	vst @!p1 v9  }
0x33f: {  	v9 =	vld @!p1 [tilespmem:s0+$0xCAE0];
	_ =	sdelay $0x3  }
0x340: {  	[tilespmem:$0x11360] =	vst @!p1 v6  }
0x341: {  	[tilespmem:$0x11260] =	vst @!p1 v9  }
0x342: {  	v9 =	vld @!p1 [tilespmem:s0+$0xCAF0];
	_ =	sdelay $0x3  }
0x343: {  	[tilespmem:$0x11370] =	vst @!p1 v7  }
0x344: {  	s14 =	simm.s32 @!p1 $0x4000;
	s2 =	simm.s32 @!p1 $0x11200;
	s0 =	simm.s32 @!p1 $0x80;
	[tilespmem:$0x11270] =	vst @!p1 v9  }
0x345: {  	[tilespmem:s14], [sflag:$0x1] =	stream.indirect.gather @!p1 [hbm4b:s5+s0], $0x80, s2, s0, $0xb8;
	[tilespmem:$0x15400] =	vst v63  }
0x346: {  	_ = 	snop  }
0x347: {  	[tilespmem:s19], [sflag:$0x3] =	stream.linear.gather [spmem:s9], $0x4000, $0x38;
	[tilespmem:$0x15400] =	vst v63  }
0x348: {  	_ =	swait.ge [sflag:s15], $0x4000  }
0x349: {  	[sflag:s15] =	ssyncset.done $0x0  }
0x34a: {  	s31 =	simm.s32 $0x0;
	[sflag:s15] =	ssyncadd.s32 $0xFFFFC000  }
0x34b: {  	v9 =	vld [tilespmem:s31+$0x11400];
	_ =	sdelay $0x3  }
0x34c: {  	s0 =	simm.s32 $0xF220  }
0x34d: {  	[tilespmem:s0+$0xFFFFFFE0] =	vst v9  }
0x34e: {  	v9 =	vld [tilespmem:s31+$0x11410];
	_ =	sdelay $0x4  }
0x34f: {  	[tilespmem:s0+$0xFFFFFFF0] =	vst v9  }
0x350: {  	v9 =	vld [tilespmem:s31+$0x11420];
	_ =	sdelay $0x4  }
0x351: {  	[tilespmem:s0+$0x0] =	vst v9  }
0x352: {  	v9 =	vld [tilespmem:s31+$0x11430];
	_ =	sdelay $0x4  }
0x353: {  	s2 =	simm.s32 $0x80;
	s14 =	simm.s32 $0x400;
	[tilespmem:s0+$0x10] =	vst v9  }
.LBB2_18:
0x354: {  	p0 =	sne.s32 s14, $0xFE00;
	v9 =	vld [tilespmem:s2+$0x11400];
	_ =	sdelay $0x3  }
0x355: {  	s0 =	sadd.s32 $0x40, s0  }
0x356: {  	[tilespmem:s0+$0xFFFFFFE0] =	vst v9  }
0x357: {  	v9 =	vld [tilespmem:s2+$0x11410];
	_ =	sdelay $0x4  }
0x358: {  	[tilespmem:s0+$0xFFFFFFF0] =	vst v9  }
0x359: {  	v9 =	vld [tilespmem:s2+$0x11420];
	_ =	sdelay $0x4  }
0x35a: {  	[tilespmem:s0+$0x0] =	vst v9  }
0x35b: {  	v9 =	vld [tilespmem:s2+$0x11430]  }
.Ltmp8:
0x35c: {  	(pc) =	sbr.rel @p0 .LBB2_18-.Ltmp8, $2  }
0x35d: {  	_ =	sdelay $0x2  }
0x35e: {  	s2 =	sshra.s32 s14, $0x2;
	s14 =	sadd.s32 $0x200, s14;
	[tilespmem:s0+$0x10] =	vst v9  }
0x35f: {  	v9 =	vld [tilespmem:s2+$0x11400];
	_ =	sdelay $0x3  }
0x360: {  	s0 =	sadd.s32 $0x40, s0  }
0x361: {  	[tilespmem:s0+$0xFFFFFFE0] =	vst v9  }
0x362: {  	v9 =	vld [tilespmem:s2+$0x11410];
	_ =	sdelay $0x4  }
0x363: {  	[tilespmem:s0+$0xFFFFFFF0] =	vst v9  }
0x364: {  	v9 =	vld [tilespmem:s2+$0x11420];
	_ =	sdelay $0x4  }
0x365: {  	[tilespmem:s0+$0x0] =	vst v9  }
0x366: {  	v9 =	vld [tilespmem:s2+$0x11430];
	_ =	sdelay $0x4  }
0x367: {  	s31 =	simm.s32 $0x0;
	[tilespmem:s0+$0x10] =	vst v9  }
0x368: {  	[hbm4b:s11+s31] =	stream.linear.scatter [tilespmem:s24], [sflag:$0x3], $0x2000, $0x38;
	[tilespmem:$0x15400] =	vst v63  }
0x369: {  	_ =	swait.ge [sflag:s15], $0x2000  }
0x36a: {  	[sflag:s15] =	ssyncset.done $0x0  }
0x36b: {  	s2 =	sand.u32 $0x3FF0, s31;
	s0 =	simm.s32 $0x10;
	[sflag:s15] =	ssyncadd.s32 $0xFFFFE000  }
.LBB2_20:
0x36c: {  	p0 =	sne.s32 s0, $0x3FF0;
	[tilespmem:s2+$0x11400] =	vst v8;
	s2 =	smov.u32 s0;
	s0 =	sadd.s32 $0x10, s0  }
.Ltmp9:
0x36d: {  	(pc) =	sbr.rel @p0 .LBB2_20-.Ltmp9, $2  }
0x36e: {  	_ =	sdelay $0x2  }
0x36f: {  	s2 =	sand.u32 $0x3FF0, s2  }
0x370: {  	[tilespmem:s2+$0x11400] =	vst v8  }
0x371: {  	[spmem:s9] =	stream.linear.scatter [tilespmem:s19], [sflag:$0x3], $0x4000, $0x38;
	[tilespmem:$0x15400] =	vst v63  }
0x372: {  	_ =	swait.ge [sflag:s15], $0x4000  }
0x373: {  	[sflag:s15] =	ssyncset.done $0x0  }
0x374: {  	[sflag:s15] =	ssyncadd.s32 $0xFFFFC000  }
0x375: {  	v9 =	vld [tilespmem:$0xC180]  }
0x376: {  	v10 =	vld [tilespmem:$0xC190];
	[tilespmem:$0x11300] =	vst v0  }
0x377: {  	[tilespmem:$0x11310] =	vst v1  }
0x378: {  	[tilespmem:$0x11320] =	vst v2  }
0x379: {  	v11 =	vld [tilespmem:$0xC1A0];
	[tilespmem:$0x11330] =	vst v3  }
0x37a: {  	[tilespmem:$0x11200] =	vst v9;
	v9 =	vld [tilespmem:$0xC1B0]  }
0x37b: {  	[tilespmem:$0x11210] =	vst v10;
	v10 =	vld [tilespmem:$0xC1C0]  }
0x37c: {  	[tilespmem:$0x11340] =	vst v4  }
0x37d: {  	[tilespmem:$0x11350] =	vst v5  }
0x37e: {  	[tilespmem:$0x11220] =	vst v11;
	v11 =	vld [tilespmem:$0xC1D0]  }
0x37f: {  	[tilespmem:$0x11230] =	vst v9;
	v9 =	vld [tilespmem:$0xC1E0]  }
0x380: {  	[tilespmem:$0x11240] =	vst v10;
	v10 =	vld [tilespmem:$0xC1F0]  }
0x381: {  	[tilespmem:$0x11360] =	vst v6  }
0x382: {  	[tilespmem:$0x11370] =	vst v7  }
0x383: {  	[tilespmem:$0x11250] =	vst v11  }
0x384: {  	[tilespmem:$0x11260] =	vst v9  }
0x385: {  	s26 =	simm.s32 $0x80;
	[tilespmem:$0x11270] =	vst v10  }
0x386: {  	[tilespmem:s21], [sflag:$0x1] =	stream.indirect.gather [hbm4b:s4+s26], $0x80, s20, s26, $0xb8;
	[tilespmem:$0x15400] =	vst v63  }
0x387: {  	v9 =	vld [tilespmem:$0xCE00];
	[tilespmem:$0x11380] =	vst v0  }
0x388: {  	[tilespmem:$0x11390] =	vst v1  }
0x389: {  	[tilespmem:$0x113A0] =	vst v2  }
0x38a: {  	[tilespmem:$0x113B0] =	vst v3  }
0x38b: {  	v10 =	vld [tilespmem:$0xCE10];
	[tilespmem:$0x113C0] =	vst v4  }
0x38c: {  	[tilespmem:$0x11280] =	vst v9;
	v9 =	vld [tilespmem:$0xCE50]  }
0x38d: {  	v11 =	vld [tilespmem:$0xCE20];
	[tilespmem:$0x113D0] =	vst v5  }
0x38e: {  	v12 =	vld [tilespmem:$0xCE30];
	[tilespmem:$0x113E0] =	vst v6  }
0x38f: {  	v13 =	vld [tilespmem:$0xCE40];
	[tilespmem:$0x113F0] =	vst v7  }
0x390: {  	[tilespmem:$0x11290] =	vst v10;
	v10 =	vld [tilespmem:$0xCE60]  }
0x391: {  	[tilespmem:$0x112D0] =	vst v9;
	v9 =	vld [tilespmem:$0xCE70]  }
0x392: {  	[tilespmem:$0x112A0] =	vst v11  }
0x393: {  	s0 =	simm.s32 $0x0;
	[tilespmem:$0x112B0] =	vst v12  }
0x394: {  	s0 =	sand.u32 $0x1, s0;
	[tilespmem:$0x112C0] =	vst v13  }
0x395: {  	p0 =	seq.s32 s0, $0x1;
	[tilespmem:$0x112E0] =	vst v10  }
0x396: {  	s0 =	simm.s32 @p0 $0x2;
	[tilespmem:$0x112F0] =	vst v9  }
0x397: {  	[tilespmem:s23], [sflag:$0x2] =	stream.indirect.gather [hbm4b:s5+s26], $0x80, s22, s26, $0xb8;
	[tilespmem:$0x15400] =	vst v63  }
0x398: {  	p1 =	por @p0 $0x0, $0x0;
	_ =	swait.ge @p0 [sflag:s0], $0x4000  }
0x399: {  	s2 =	simm.s32 @p0 $0x8000;
	s14 =	simm.s32 @p0 $0x80;
	[sflag:s0] =	ssyncset.done @p0 $0x0  }
0x39a: {  	s16 =	simm.s32 @p0 $0x11380;
	[sflag:s0] =	ssyncadd.s32 @p0 $0xFFFFC000;
	s0 =	simm.s32 @p0 $0x3  }
0x39b: {  	[spmem:s1] =	stream.indirect.scatter.add.f32 @p0 [tilespmem:s2], [sflag:$0x3], $0x80, s16, s14, $0xb8;
	[tilespmem:$0x15400] =	vst v63  }
0x39c: {  	p1 =	por p1, !p0;
	s2 =	simm.s32 $0x200;
	_ =	swait.ge @p0 [sflag:s0], $0x4000  }
0x39d: {  	s14 =	sand.u32 @!p1 $0x300, s26;
	s2 =	sand.u32 @!p1 $0x7000, s2;
	[sflag:s0] =	ssyncset.done @p0 $0x0  }
0x39e: {  	s2 =	sor.u32 @!p1 s14, s2;
	[sflag:s0] =	ssyncadd.s32 @p0 $0xFFFFC000  }
0x39f: {  	v9 =	vld @!p1 [tilespmem:s2+$0xCE00];
	_ =	sdelay $0x3  }
0x3a0: {  	[tilespmem:$0x11380] =	vst @!p1 v0  }
0x3a1: {  	[tilespmem:$0x11280] =	vst @!p1 v9  }
0x3a2: {  	v9 =	vld @!p1 [tilespmem:s2+$0xCE10];
	_ =	sdelay $0x3  }
0x3a3: {  	[tilespmem:$0x11390] =	vst @!p1 v1  }
0x3a4: {  	[tilespmem:$0x11290] =	vst @!p1 v9  }
0x3a5: {  	v9 =	vld @!p1 [tilespmem:s2+$0xCE20];
	_ =	sdelay $0x3  }
0x3a6: {  	[tilespmem:$0x113A0] =	vst @!p1 v2  }
0x3a7: {  	[tilespmem:$0x112A0] =	vst @!p1 v9  }
0x3a8: {  	v9 =	vld @!p1 [tilespmem:s2+$0xCE30];
	_ =	sdelay $0x3  }
0x3a9: {  	[tilespmem:$0x113B0] =	vst @!p1 v3  }
0x3aa: {  	[tilespmem:$0x112B0] =	vst @!p1 v9  }
0x3ab: {  	v9 =	vld @!p1 [tilespmem:s2+$0xCE40];
	_ =	sdelay $0x3  }
0x3ac: {  	[tilespmem:$0x113C0] =	vst @!p1 v4  }
0x3ad: {  	[tilespmem:$0x112C0] =	vst @!p1 v9  }
0x3ae: {  	v9 =	vld @!p1 [tilespmem:s2+$0xCE50];
	_ =	sdelay $0x3  }
0x3af: {  	[tilespmem:$0x113D0] =	vst @!p1 v5  }
0x3b0: {  	[tilespmem:$0x112D0] =	vst @!p1 v9  }
0x3b1: {  	v9 =	vld @!p1 [tilespmem:s2+$0xCE60];
	_ =	sdelay $0x3  }
0x3b2: {  	[tilespmem:$0x113E0] =	vst @!p1 v6  }
0x3b3: {  	[tilespmem:$0x112E0] =	vst @!p1 v9  }
0x3b4: {  	v9 =	vld @!p1 [tilespmem:s2+$0xCE70];
	_ =	sdelay $0x3  }
0x3b5: {  	s16 =	simm.s32 @!p1 $0x8000;
	[tilespmem:$0x113F0] =	vst @!p1 v7  }
0x3b6: {  	s14 =	simm.s32 @!p1 $0x11280;
	s0 =	simm.s32 @!p0 $0x1;
	s2 =	simm.s32 @!p1 $0x80;
	[tilespmem:$0x112F0] =	vst @!p1 v9  }
0x3b7: {  	[tilespmem:s16], [sflag:$0x2] =	stream.indirect.gather @!p1 [hbm4b:s5+s2], $0x80, s14, s2, $0xb8;
	[tilespmem:$0x15400] =	vst v63  }
0x3b8: {  	s2 =	simm.s32 @!p0 $0x11300;
	s14 =	simm.s32 @!p0 $0x4000;
	_ =	swait.ge @!p0 [sflag:s0], $0x4000  }
0x3b9: {  	p1 =	por @!p0 $0x0, $0x0;
	s16 =	simm.s32 @!p0 $0x80;
	[sflag:s0] =	ssyncset.done @!p0 $0x0  }
0x3ba: {  	p2 =	por p1, p0;
	[sflag:s0] =	ssyncadd.s32 @!p0 $0xFFFFC000;
	s0 =	simm.s32 @!p0 $0x3  }
0x3bb: {  	[spmem:s1] =	stream.indirect.scatter.add.f32 @!p0 [tilespmem:s14], [sflag:$0x3], $0x80, s2, s16, $0xb8;
	[tilespmem:$0x15400] =	vst v63  }
0x3bc: {  	s2 =	simm.s32 @!p2 $0x0;
	s14 =	simm.s32 @!p2 $0x0;
	_ =	swait.ge @!p0 [sflag:s0], $0x4000  }
0x3bd: {  	s2 =	sand.u32 @!p2 $0x3000, s2;
	s14 =	sand.u32 @!p2 $0x300, s14;
	[sflag:s0] =	ssyncset.done @!p0 $0x0  }
0x3be: {  	s14 =	sor.u32 @!p2 s14, s2;
	[sflag:s0] =	ssyncadd.s32 @!p0 $0xFFFFC000  }
0x3bf: {  	v9 =	vld @!p2 [tilespmem:s14+$0xCE80];
	_ =	sdelay $0x3  }
0x3c0: {  	[tilespmem:$0x11300] =	vst @!p2 v0  }
0x3c1: {  	[tilespmem:$0x11200] =	vst @!p2 v9  }
0x3c2: {  	v9 =	vld @!p2 [tilespmem:s14+$0xCE90];
	_ =	sdelay $0x3  }
0x3c3: {  	[tilespmem:$0x11310] =	vst @!p2 v1  }
0x3c4: {  	[tilespmem:$0x11210] =	vst @!p2 v9  }
0x3c5: {  	v9 =	vld @!p2 [tilespmem:s14+$0xCEA0];
	_ =	sdelay $0x3  }
0x3c6: {  	[tilespmem:$0x11320] =	vst @!p2 v2  }
0x3c7: {  	[tilespmem:$0x11220] =	vst @!p2 v9  }
0x3c8: {  	v9 =	vld @!p2 [tilespmem:s14+$0xCEB0];
	_ =	sdelay $0x3  }
0x3c9: {  	[tilespmem:$0x11330] =	vst @!p2 v3  }
0x3ca: {  	[tilespmem:$0x11230] =	vst @!p2 v9  }
0x3cb: {  	v9 =	vld @!p2 [tilespmem:s14+$0xCEC0];
	_ =	sdelay $0x3  }
0x3cc: {  	[tilespmem:$0x11340] =	vst @!p2 v4  }
0x3cd: {  	[tilespmem:$0x11240] =	vst @!p2 v9  }
0x3ce: {  	v9 =	vld @!p2 [tilespmem:s14+$0xCED0];
	_ =	sdelay $0x3  }
0x3cf: {  	[tilespmem:$0x11350] =	vst @!p2 v5  }
0x3d0: {  	[tilespmem:$0x11250] =	vst @!p2 v9  }
0x3d1: {  	v9 =	vld @!p2 [tilespmem:s14+$0xCEE0];
	_ =	sdelay $0x3  }
0x3d2: {  	[tilespmem:$0x11360] =	vst @!p2 v6  }
0x3d3: {  	[tilespmem:$0x11260] =	vst @!p2 v9  }
0x3d4: {  	s29 =	simm.s32 $0x1;
	s30 =	simm.s32 $0x2;
	v9 =	vld @!p2 [tilespmem:s14+$0xCEF0]  }
0x3d5: {  	s28 =	simm.s32 $0x400;
	s31 =	sand.u32 $0x1, s29;
	s2 =	simm.s32 @!p2 $0x11200  }
0x3d6: {  	s0 =	simm.s32 @!p2 $0x80;
	p0 =	seq.s32 s31, $0x1;
	s14 =	simm.s32 @!p2 $0x4000;
	[tilespmem:$0x11370] =	vst @!p2 v7  }
.LBB2_22:
0x3d7: {  	s16 =	simm.s32 @p0 $0x2  }
0x3d8: {  	s26 =	sadd.s32 $0x80, s26;
	s31 =	smov.u32 s30;
	s30 =	sadd.s32 $0x1, s30  }
0x3d9: {  	p1 =	sne.s32 s30, $0x15;
	[tilespmem:$0x11270] =	vst @!p2 v9  }
0x3da: {  	[tilespmem:s14], [sflag:$0x1] =	stream.indirect.gather @!p2 [hbm4b:s5+s0], $0x80, s2, s0, $0xb8;
	[tilespmem:$0x15400] =	vst v63  }
0x3db: {  	p2 =	sgt.u32 @p0 s29, $0x12;
	s0 =	simm.s32 @p0 $0x8000;
	_ =	swait.ge @p0 [sflag:s16], $0x4000  }
0x3dc: {  	s2 =	simm.s32 @p0 $0x80;
	s14 =	simm.s32 @p0 $0x11380;
	[sflag:s16] =	ssyncset.done @p0 $0x0  }
0x3dd: {  	p2 =	por p2, !p0;
	[sflag:s16] =	ssyncadd.s32 @p0 $0xFFFFC000;
	s16 =	simm.s32 @p0 $0x3  }
0x3de: {  	[spmem:s1] =	stream.indirect.scatter.add.f32 @p0 [tilespmem:s0], [sflag:$0x3], $0x80, s14, s2, $0xb8;
	[tilespmem:$0x15400] =	vst v63  }
0x3df: {  	s0 =	sand.u32 @!p2 $0x7000, s28;
	s2 =	sand.u32 @!p2 $0x300, s26;
	_ =	swait.ge @p0 [sflag:s16], $0x4000  }
0x3e0: {  	s0 =	sor.u32 @!p2 s2, s0;
	[sflag:s16] =	ssyncset.done @p0 $0x0  }
0x3e1: {  	[sflag:s16] =	ssyncadd.s32 @p0 $0xFFFFC000  }
0x3e2: {  	v9 =	vld @!p2 [tilespmem:s0+$0xCE00];
	_ =	sdelay $0x2  }
0x3e3: {  	[tilespmem:$0x11380] =	vst @!p2 v0;
	_ =	sdelay $0x1  }
0x3e4: {  	[tilespmem:$0x11280] =	vst @!p2 v9  }
0x3e5: {  	v9 =	vld @!p2 [tilespmem:s0+$0xCE10];
	_ =	sdelay $0x2  }
0x3e6: {  	[tilespmem:$0x11390] =	vst @!p2 v1;
	_ =	sdelay $0x1  }
0x3e7: {  	[tilespmem:$0x11290] =	vst @!p2 v9  }
0x3e8: {  	v9 =	vld @!p2 [tilespmem:s0+$0xCE20];
	_ =	sdelay $0x2  }
0x3e9: {  	[tilespmem:$0x113A0] =	vst @!p2 v2;
	_ =	sdelay $0x1  }
0x3ea: {  	[tilespmem:$0x112A0] =	vst @!p2 v9  }
0x3eb: {  	v9 =	vld @!p2 [tilespmem:s0+$0xCE30]  }
0x3ec: {  	[tilespmem:$0x113B0] =	vst @!p2 v3;
	_ =	sdelay $0x3  }
0x3ed: {  	[tilespmem:$0x112B0] =	vst @!p2 v9  }
0x3ee: {  	v9 =	vld @!p2 [tilespmem:s0+$0xCE40]  }
0x3ef: {  	[tilespmem:$0x113C0] =	vst @!p2 v4;
	_ =	sdelay $0x3  }
0x3f0: {  	[tilespmem:$0x112C0] =	vst @!p2 v9  }
0x3f1: {  	v9 =	vld @!p2 [tilespmem:s0+$0xCE50]  }
0x3f2: {  	[tilespmem:$0x113D0] =	vst @!p2 v5;
	_ =	sdelay $0x3  }
0x3f3: {  	[tilespmem:$0x112D0] =	vst @!p2 v9  }
0x3f4: {  	v9 =	vld @!p2 [tilespmem:s0+$0xCE60]  }
0x3f5: {  	[tilespmem:$0x113E0] =	vst @!p2 v6;
	_ =	sdelay $0x3  }
0x3f6: {  	[tilespmem:$0x112E0] =	vst @!p2 v9  }
0x3f7: {  	v9 =	vld @!p2 [tilespmem:s0+$0xCE70]  }
0x3f8: {  	[tilespmem:$0x113F0] =	vst @!p2 v7;
	_ =	sdelay $0x1  }
0x3f9: {  	s0 =	simm.s32 @!p0 $0x1  }
0x3fa: {  	s14 =	simm.s32 @!p2 $0x11280;
	s2 =	simm.s32 @!p2 $0x80;
	s16 =	simm.s32 @!p2 $0x8000  }
0x3fb: {  	[tilespmem:$0x112F0] =	vst @!p2 v9  }
0x3fc: {  	[tilespmem:s16], [sflag:$0x2] =	stream.indirect.gather @!p2 [hbm4b:s5+s2], $0x80, s14, s2, $0xb8;
	[tilespmem:$0x15400] =	vst v63  }
0x3fd: {  	s2 =	simm.s32 @!p0 $0x11300;
	s14 =	simm.s32 @!p0 $0x4000;
	_ =	swait.ge @!p0 [sflag:s0], $0x4000  }
0x3fe: {  	p2 =	sgt.u32 @!p0 s29, $0x12;
	s16 =	simm.s32 @!p0 $0x80;
	[sflag:s0] =	ssyncset.done @!p0 $0x0  }
0x3ff: {  	p2 =	por p2, p0;
	[sflag:s0] =	ssyncadd.s32 @!p0 $0xFFFFC000;
	s0 =	simm.s32 @!p0 $0x3  }
0x400: {  	[spmem:s1] =	stream.indirect.scatter.add.f32 @!p0 [tilespmem:s14], [sflag:$0x3], $0x80, s2, s16, $0xb8;
	[tilespmem:$0x15400] =	vst v63  }
0x401: {  	s2 =	sadd.s32 @!p2 $0xFFFFFE00, s28;
	s14 =	sadd.s32 @!p2 $0xFFFFFF80, s26;
	_ =	swait.ge @!p0 [sflag:s0], $0x4000  }
0x402: {  	s2 =	sand.u32 @!p2 $0x3000, s2;
	s14 =	sand.u32 @!p2 $0x300, s14;
	[sflag:s0] =	ssyncset.done @!p0 $0x0  }
0x403: {  	s16 =	sor.u32 @!p2 s14, s2;
	[sflag:s0] =	ssyncadd.s32 @!p0 $0xFFFFC000;
	s0 =	simm.s32 @!p2 $0x80  }
0x404: {  	s29 =	smov.u32 s31;
	s2 =	simm.s32 @!p2 $0x11200;
	s14 =	simm.s32 @!p2 $0x4000;
	v9 =	vld @!p2 [tilespmem:s16+$0xCE80]  }
0x405: {  	_ =	sdelay $0x2  }
0x406: {  	[tilespmem:$0x11300] =	vst @!p2 v0  }
0x407: {  	[tilespmem:$0x11200] =	vst @!p2 v9  }
0x408: {  	v9 =	vld @!p2 [tilespmem:s16+$0xCE90];
	_ =	sdelay $0x3  }
0x409: {  	[tilespmem:$0x11310] =	vst @!p2 v1  }
0x40a: {  	[tilespmem:$0x11210] =	vst @!p2 v9  }
0x40b: {  	v9 =	vld @!p2 [tilespmem:s16+$0xCEA0]  }
0x40c: {  	[tilespmem:$0x11320] =	vst @!p2 v2;
	_ =	sdelay $0x3  }
0x40d: {  	[tilespmem:$0x11220] =	vst @!p2 v9  }
0x40e: {  	v9 =	vld @!p2 [tilespmem:s16+$0xCEB0]  }
0x40f: {  	[tilespmem:$0x11330] =	vst @!p2 v3;
	_ =	sdelay $0x3  }
0x410: {  	[tilespmem:$0x11230] =	vst @!p2 v9  }
0x411: {  	v9 =	vld @!p2 [tilespmem:s16+$0xCEC0]  }
0x412: {  	[tilespmem:$0x11340] =	vst @!p2 v4;
	_ =	sdelay $0x3  }
0x413: {  	[tilespmem:$0x11240] =	vst @!p2 v9  }
0x414: {  	v9 =	vld @!p2 [tilespmem:s16+$0xCED0]  }
0x415: {  	[tilespmem:$0x11350] =	vst @!p2 v5;
	_ =	sdelay $0x3  }
0x416: {  	[tilespmem:$0x11250] =	vst @!p2 v9  }
0x417: {  	v9 =	vld @!p2 [tilespmem:s16+$0xCEE0]  }
0x418: {  	[tilespmem:$0x11360] =	vst @!p2 v6;
	_ =	sdelay $0x3  }
.Ltmp10:
0x419: {  	[tilespmem:$0x11260] =	vst @!p2 v9;
	(pc) =	sbr.rel @p1 .LBB2_22-.Ltmp10, $4  }
0x41a: {  	v9 =	vld @!p2 [tilespmem:s16+$0xCEF0]  }
0x41b: {  	[tilespmem:$0x11370] =	vst @!p2 v7  }
0x41c: {  	s16 =	sand.u32 $0x1, s29  }
0x41d: {  	s28 =	sadd.s32 $0x200, s28;
	p0 =	seq.s32 s16, $0x1  }
0x41e: {  	_ = 	snop  }
0x41f: {  	s16 =	simm.s32 @p0 $0x2;
	[tilespmem:$0x11270] =	vst @!p2 v9  }
0x420: {  	[tilespmem:s14], [sflag:$0x1] =	stream.indirect.gather @!p2 [hbm4b:s5+s0], $0x80, s2, s0, $0xb8;
	[tilespmem:$0x15400] =	vst v63  }
0x421: {  	p1 =	sgt.u32 @p0 s29, $0x12;
	_ =	swait.ge @p0 [sflag:s16], $0x4000  }
0x422: {  	s0 =	simm.s32 @p0 $0x8000;
	s2 =	simm.s32 @p0 $0x80;
	[sflag:s16] =	ssyncset.done @p0 $0x0  }
0x423: {  	s14 =	simm.s32 @p0 $0x11380;
	[sflag:s16] =	ssyncadd.s32 @p0 $0xFFFFC000;
	s16 =	simm.s32 @p0 $0x3  }
0x424: {  	[spmem:s1] =	stream.indirect.scatter.add.f32 @p0 [tilespmem:s0], [sflag:$0x3], $0x80, s14, s2, $0xb8;
	[tilespmem:$0x15400] =	vst v63  }
0x425: {  	p1 =	por p1, !p0;
	s0 =	sadd.s32 $0x80, s26;
	_ =	swait.ge @p0 [sflag:s16], $0x4000  }
0x426: {  	s2 =	sand.u32 @!p1 $0x7000, s28;
	s14 =	sand.u32 @!p1 $0x300, s0;
	[sflag:s16] =	ssyncset.done @p0 $0x0  }
0x427: {  	s2 =	sor.u32 @!p1 s14, s2;
	[sflag:s16] =	ssyncadd.s32 @p0 $0xFFFFC000  }
0x428: {  	v9 =	vld @!p1 [tilespmem:s2+$0xCE00];
	_ =	sdelay $0x3  }
0x429: {  	[tilespmem:$0x11380] =	vst @!p1 v0  }
0x42a: {  	[tilespmem:$0x11280] =	vst @!p1 v9  }
0x42b: {  	v9 =	vld @!p1 [tilespmem:s2+$0xCE10];
	_ =	sdelay $0x3  }
0x42c: {  	[tilespmem:$0x11390] =	vst @!p1 v1  }
0x42d: {  	[tilespmem:$0x11290] =	vst @!p1 v9  }
0x42e: {  	v9 =	vld @!p1 [tilespmem:s2+$0xCE20];
	_ =	sdelay $0x3  }
0x42f: {  	[tilespmem:$0x113A0] =	vst @!p1 v2  }
0x430: {  	[tilespmem:$0x112A0] =	vst @!p1 v9  }
0x431: {  	v9 =	vld @!p1 [tilespmem:s2+$0xCE30];
	_ =	sdelay $0x3  }
0x432: {  	[tilespmem:$0x113B0] =	vst @!p1 v3  }
0x433: {  	[tilespmem:$0x112B0] =	vst @!p1 v9  }
0x434: {  	v9 =	vld @!p1 [tilespmem:s2+$0xCE40];
	_ =	sdelay $0x3  }
0x435: {  	[tilespmem:$0x113C0] =	vst @!p1 v4  }
0x436: {  	[tilespmem:$0x112C0] =	vst @!p1 v9  }
0x437: {  	v9 =	vld @!p1 [tilespmem:s2+$0xCE50];
	_ =	sdelay $0x3  }
0x438: {  	[tilespmem:$0x113D0] =	vst @!p1 v5  }
0x439: {  	[tilespmem:$0x112D0] =	vst @!p1 v9  }
0x43a: {  	v9 =	vld @!p1 [tilespmem:s2+$0xCE60];
	_ =	sdelay $0x3  }
0x43b: {  	[tilespmem:$0x113E0] =	vst @!p1 v6  }
0x43c: {  	[tilespmem:$0x112E0] =	vst @!p1 v9  }
0x43d: {  	v9 =	vld @!p1 [tilespmem:s2+$0xCE70];
	_ =	sdelay $0x3  }
0x43e: {  	s26 =	simm.s32 @!p1 $0x8000;
	[tilespmem:$0x113F0] =	vst @!p1 v7  }
0x43f: {  	s14 =	simm.s32 @!p1 $0x80;
	s16 =	simm.s32 @!p1 $0x11280;
	s2 =	simm.s32 @!p0 $0x1;
	[tilespmem:$0x112F0] =	vst @!p1 v9  }
0x440: {  	[tilespmem:s26], [sflag:$0x2] =	stream.indirect.gather @!p1 [hbm4b:s5+s14], $0x80, s16, s14, $0xb8;
	[tilespmem:$0x15400] =	vst v63  }
0x441: {  	s14 =	simm.s32 @!p0 $0x11300;
	s16 =	simm.s32 @!p0 $0x4000;
	_ =	swait.ge @!p0 [sflag:s2], $0x4000  }
0x442: {  	p1 =	sgt.u32 @!p0 s29, $0x12;
	s26 =	simm.s32 @!p0 $0x80;
	[sflag:s2] =	ssyncset.done @!p0 $0x0  }
0x443: {  	p1 =	por p1, p0;
	[sflag:s2] =	ssyncadd.s32 @!p0 $0xFFFFC000;
	s2 =	simm.s32 @!p0 $0x3  }
0x444: {  	[spmem:s1] =	stream.indirect.scatter.add.f32 @!p0 [tilespmem:s16], [sflag:$0x3], $0x80, s14, s26, $0xb8;
	[tilespmem:$0x15400] =	vst v63  }
0x445: {  	s0 =	sadd.s32 @!p1 $0xFFFFFF80, s0;
	s14 =	sadd.s32 @!p1 $0xFFFFFE00, s28;
	_ =	swait.ge @!p0 [sflag:s2], $0x4000  }
0x446: {  	s0 =	sand.u32 @!p1 $0x300, s0;
	s14 =	sand.u32 @!p1 $0x3000, s14;
	[sflag:s2] =	ssyncset.done @!p0 $0x0  }
0x447: {  	s0 =	sor.u32 @!p1 s0, s14;
	[sflag:s2] =	ssyncadd.s32 @!p0 $0xFFFFC000  }
0x448: {  	v9 =	vld @!p1 [tilespmem:s0+$0xCE80];
	_ =	sdelay $0x3  }
0x449: {  	[tilespmem:$0x11300] =	vst @!p1 v0  }
0x44a: {  	[tilespmem:$0x11200] =	vst @!p1 v9  }
0x44b: {  	v9 =	vld @!p1 [tilespmem:s0+$0xCE90];
	_ =	sdelay $0x3  }
0x44c: {  	[tilespmem:$0x11310] =	vst @!p1 v1  }
0x44d: {  	[tilespmem:$0x11210] =	vst @!p1 v9  }
0x44e: {  	v9 =	vld @!p1 [tilespmem:s0+$0xCEA0];
	_ =	sdelay $0x3  }
0x44f: {  	[tilespmem:$0x11320] =	vst @!p1 v2  }
0x450: {  	[tilespmem:$0x11220] =	vst @!p1 v9  }
0x451: {  	v9 =	vld @!p1 [tilespmem:s0+$0xCEB0];
	_ =	sdelay $0x3  }
0x452: {  	[tilespmem:$0x11330] =	vst @!p1 v3  }
0x453: {  	[tilespmem:$0x11230] =	vst @!p1 v9  }
0x454: {  	v9 =	vld @!p1 [tilespmem:s0+$0xCEC0];
	_ =	sdelay $0x3  }
0x455: {  	[tilespmem:$0x11340] =	vst @!p1 v4  }
0x456: {  	[tilespmem:$0x11240] =	vst @!p1 v9  }
0x457: {  	v9 =	vld @!p1 [tilespmem:s0+$0xCED0];
	_ =	sdelay $0x3  }
0x458: {  	[tilespmem:$0x11350] =	vst @!p1 v5  }
0x459: {  	[tilespmem:$0x11250] =	vst @!p1 v9  }
0x45a: {  	v9 =	vld @!p1 [tilespmem:s0+$0xCEE0];
	_ =	sdelay $0x3  }
0x45b: {  	[tilespmem:$0x11360] =	vst @!p1 v6  }
0x45c: {  	[tilespmem:$0x11260] =	vst @!p1 v9  }
0x45d: {  	v9 =	vld @!p1 [tilespmem:s0+$0xCEF0];
	_ =	sdelay $0x3  }
0x45e: {  	[tilespmem:$0x11370] =	vst @!p1 v7  }
0x45f: {  	s14 =	simm.s32 @!p1 $0x4000;
	s2 =	simm.s32 @!p1 $0x11200;
	s0 =	simm.s32 @!p1 $0x80;
	[tilespmem:$0x11270] =	vst @!p1 v9  }
0x460: {  	[tilespmem:s14], [sflag:$0x1] =	stream.indirect.gather @!p1 [hbm4b:s5+s0], $0x80, s2, s0, $0xb8;
	[tilespmem:$0x15400] =	vst v63  }
0x461: {  	_ = 	snop  }
0x462: {  	[tilespmem:s19], [sflag:$0x3] =	stream.linear.gather [spmem:s9], $0x4000, $0x38;
	[tilespmem:$0x15400] =	vst v63  }
0x463: {  	_ =	swait.ge [sflag:s15], $0x4000  }
0x464: {  	[sflag:s15] =	ssyncset.done $0x0  }
0x465: {  	s31 =	simm.s32 $0x0;
	[sflag:s15] =	ssyncadd.s32 $0xFFFFC000  }
0x466: {  	v9 =	vld [tilespmem:s31+$0x11400];
	_ =	sdelay $0x3  }
0x467: {  	s0 =	simm.s32 $0xF220  }
0x468: {  	[tilespmem:s0+$0xFFFFFFE0] =	vst v9  }
0x469: {  	v9 =	vld [tilespmem:s31+$0x11410];
	_ =	sdelay $0x4  }
0x46a: {  	[tilespmem:s0+$0xFFFFFFF0] =	vst v9  }
0x46b: {  	v9 =	vld [tilespmem:s31+$0x11420];
	_ =	sdelay $0x4  }
0x46c: {  	[tilespmem:s0+$0x0] =	vst v9  }
0x46d: {  	v9 =	vld [tilespmem:s31+$0x11430];
	_ =	sdelay $0x4  }
0x46e: {  	s2 =	simm.s32 $0x80;
	s14 =	simm.s32 $0x400;
	[tilespmem:s0+$0x10] =	vst v9  }
.LBB2_24:
0x46f: {  	p0 =	sne.s32 s14, $0xFE00;
	v9 =	vld [tilespmem:s2+$0x11400];
	_ =	sdelay $0x3  }
0x470: {  	s0 =	sadd.s32 $0x40, s0  }
0x471: {  	[tilespmem:s0+$0xFFFFFFE0] =	vst v9  }
0x472: {  	v9 =	vld [tilespmem:s2+$0x11410];
	_ =	sdelay $0x4  }
0x473: {  	[tilespmem:s0+$0xFFFFFFF0] =	vst v9  }
0x474: {  	v9 =	vld [tilespmem:s2+$0x11420];
	_ =	sdelay $0x4  }
0x475: {  	[tilespmem:s0+$0x0] =	vst v9  }
0x476: {  	v9 =	vld [tilespmem:s2+$0x11430]  }
.Ltmp11:
0x477: {  	(pc) =	sbr.rel @p0 .LBB2_24-.Ltmp11, $2  }
0x478: {  	_ =	sdelay $0x2  }
0x479: {  	s2 =	sshra.s32 s14, $0x2;
	s14 =	sadd.s32 $0x200, s14;
	[tilespmem:s0+$0x10] =	vst v9  }
0x47a: {  	v9 =	vld [tilespmem:s2+$0x11400];
	_ =	sdelay $0x3  }
0x47b: {  	s0 =	sadd.s32 $0x40, s0  }
0x47c: {  	[tilespmem:s0+$0xFFFFFFE0] =	vst v9  }
0x47d: {  	v9 =	vld [tilespmem:s2+$0x11410];
	_ =	sdelay $0x4  }
0x47e: {  	[tilespmem:s0+$0xFFFFFFF0] =	vst v9  }
0x47f: {  	v9 =	vld [tilespmem:s2+$0x11420];
	_ =	sdelay $0x4  }
0x480: {  	[tilespmem:s0+$0x0] =	vst v9  }
0x481: {  	v9 =	vld [tilespmem:s2+$0x11430];
	_ =	sdelay $0x2  }
0x482: {  	s25 =	sadd.s32 $0x1, s25  }
0x483: {  	p0 =	sne.s32 s25, s13  }
.Ltmp12:
0x484: {  	[tilespmem:s0+$0x10] =	vst v9;
	(pc) =	sbr.rel @p0 .LBB2_1-.Ltmp12, $4  }
0x485: {  	[hbm4b:s12+s3] =	stream.linear.scatter [tilespmem:s24], [sflag:$0x3], $0x2000, $0x38;
	[tilespmem:$0x15400] =	vst v63  }
0x486: {  	_ =	swait.ge [sflag:s15], $0x2000  }
0x487: {  	[sflag:s15] =	ssyncset.done $0x0  }
0x488: {  	[sflag:s15] =	ssyncadd.s32 $0xFFFFE000  }
0x489: {  	_ =	sfence.sel $0x180000  }
0x48a: {  	[bflag:$0x0] =	sbarrier.arrive $0xFFFF  }
0x48b: {  	_ =	strace $0x90000047  }
0x48c: {  	s0 =	stileid.u32;
	[bflag:$0x2] =	sbarrier.arrive $0xFFFF  }
0x48d: {  	p0 =	sne.s32 s0, $0x0;
	s0 =	rddreg [dreg:$0x5]  }
0x48e: {  	s0 =	sadd.s32 @!p0 $0x100000, s0  }
0x48f: {  	[sflag:s0] =	ssyncadd.tile.s32 @!p0 $0x1;
	_ =	shalt  }
.Lfunc_end2:
_tile_overlayer_lowered:
.L_overlay_start_2:
0x490: {  	(tag) =	ssettag $0x2  }
0x491: {  	s0 =	rddreg [dreg:$0x0];
	s2 =	stileid.u32  }
0x492: {  	s1 =	rddreg [dreg:$0x1];
	p0 =	sne.s32 s2, $0x0  }
0x493: {  	s3 =	rddreg [dreg:$0x2];
	[bflag:$0x3] =	sbarrier.arrive $0xFFFF;
	s2 =	simm.s32 @!p0 $0x1C03  }
0x494: {  	[timem:s3], [sflag:s2] =	dma.local @!p0 [hbm:s0], s1  }
0x495: {  	s0 =	simm.s32 @!p0 $0x3  }
0x496: {  	_ =	swait.ge @!p0 [sflag:s0], s1  }
0x497: {  	s1 =	ssub.s32 @!p0 $0x0, s1;
	[sflag:s0] =	ssyncset.done @!p0 $0x0  }
0x498: {  	[sflag:s0] =	ssyncadd.s32 @!p0 s1  }
0x499: {  	[bflag:$0x3] =	sbarrier.arrive $0xFFFF  }
0x49a: {  	_ =	shalt  }

</sc_bundles>
